<compile_context>
chip_gen: v7x
topology: tpu7x:2x2x1
jax: 0.10.2.dev20260603
libtpu: 0.0.44.dev20260713+nightly
codegen_flags: <defaults>
</compile_context>

<pallas_src>
import functools

import jax
import jax.numpy as jnp
from jax import lax
from jax.experimental import pallas as pl
from jax.experimental.pallas import tpu as pltpu
from jax.experimental.pallas import tpu_sc as plsc

N = 100000
E = 6400000
CH = 128
NCH = E // CH
NW = 32
ROWS_PER_TILE = 6272
N_PAD = 16 * ROWS_PER_TILE
QUOT, REM = divmod(NCH, NW)
BLK_CH = 64
NBLOCKS = (QUOT + 1 + BLK_CH - 1) // BLK_CH

_mesh = plsc.VectorSubcoreMesh(core_axis_name="c", subcore_axis_name="s")


def _pass_body(first, u_in, src2d, dst2d, zeros1, ones1, out,
               a0, a1, a2, a3, u0, u1, u2, u3, sblk, dblk, vals, onesb,
               gsem, ssem):
    c = lax.axis_index("c")
    s = lax.axis_index("s")
    r0 = s * ROWS_PER_TILE
    accs = (a0, a1, a2, a3)
    usp = (u0, u1, u2, u3)
    for a in accs:
        pltpu.sync_copy(zeros1.at[pl.ds(r0, ROWS_PER_TILE)],
                        a.at[pl.ds(r0, ROWS_PER_TILE)])
    nk = 3 if first else 4
    for k in range(nk):
        pltpu.sync_copy(u_in.at[k].at[pl.ds(r0, ROWS_PER_TILE)],
                        usp[k].at[pl.ds(r0, ROWS_PER_TILE)])
    if first:
        pltpu.sync_copy(ones1.at[pl.ds(0, CH)], onesb)
    plsc.subcore_barrier()

    gwid = c * 16 + s
    nchunks = QUOT + (gwid < REM).astype(jnp.int32)
    base = gwid * QUOT + jnp.minimum(gwid, REM)

    dummy = zeros1.at[pl.ds(0, CH)]

    def block_body(b, carry):
        row0 = base + b * BLK_CH
        cnt = jnp.minimum(nchunks - b * BLK_CH, BLK_CH)
        pltpu.sync_copy(src2d.at[pl.ds(row0, BLK_CH)], sblk)
        pltpu.sync_copy(dst2d.at[pl.ds(row0, BLK_CH)], dblk)

        def chunk_body(j, carry2):
            g = b * BLK_CH + j
            par = lax.rem(g, 2)

            @pl.when(g >= 2)
            def _():
                for k in range(nk):
                    pltpu.make_async_copy(dummy, vals.at[par].at[k],
                                          ssem).wait()
                if first:
                    pltpu.make_async_copy(dummy, onesb, ssem).wait()
            descs = [pltpu.async_copy(usp[k].at[sblk.at[j]],
                                      vals.at[par].at[k], gsem)
                     for k in range(nk)]
            for d in descs:
                d.wait()
            for k in range(nk):
                pltpu.async_copy(vals.at[par].at[k], accs[k].at[dblk.at[j]],
                                 ssem, add=True)
            if first:
                pltpu.async_copy(onesb, accs[3].at[dblk.at[j]],
                                 ssem, add=True)
            return carry2
        lax.fori_loop(0, cnt, chunk_body, 0)
        return carry
    lax.fori_loop(0, NBLOCKS, block_body, 0)
    for par in range(2):
        for k in range(nk):
            pltpu.make_async_copy(dummy, vals.at[par].at[k], ssem).wait()
        if first:
            pltpu.make_async_copy(dummy, onesb, ssem).wait()
    plsc.subcore_barrier()
    for k, a in enumerate(accs):
        pltpu.sync_copy(a.at[pl.ds(r0, ROWS_PER_TILE)],
                        out.at[c, k, pl.ds(r0, ROWS_PER_TILE)])


def _make_pass(first):
    return pl.kernel(
        functools.partial(_pass_body, first),
        out_type=jax.ShapeDtypeStruct((2, 4, N_PAD), jnp.float32),
        mesh=_mesh,
        scratch_types=[
            pltpu.VMEM_SHARED((N_PAD,), jnp.float32),
            pltpu.VMEM_SHARED((N_PAD,), jnp.float32),
            pltpu.VMEM_SHARED((N_PAD,), jnp.float32),
            pltpu.VMEM_SHARED((N_PAD,), jnp.float32),
            pltpu.VMEM_SHARED((N_PAD,), jnp.float32),
            pltpu.VMEM_SHARED((N_PAD,), jnp.float32),
            pltpu.VMEM_SHARED((N_PAD,), jnp.float32),
            pltpu.VMEM_SHARED((N_PAD,), jnp.float32),
            pltpu.VMEM((BLK_CH, CH), jnp.int32),
            pltpu.VMEM((BLK_CH, CH), jnp.int32),
            pltpu.VMEM((2, 4, CH), jnp.float32),
            pltpu.VMEM((CH,), jnp.float32),
            pltpu.SemaphoreType.DMA,
            pltpu.SemaphoreType.DMA,
        ],
        compiler_params=pltpu.CompilerParams(use_tc_tiling_on_sc=False),
    )


_pass_first = _make_pass(True)
_pass_next = _make_pass(False)


_PBLK = 3584


def _prologue_body(xT_ref, z_ref, m_ref):
    p = pl.program_id(0)
    i = pl.program_id(1)

    @pl.when((p == 0) & (i == 0))
    def _():
        m_ref[...] = jnp.zeros((3, 1), jnp.float32)

    @pl.when(p == 0)
    def _():
        m_ref[...] += jnp.sum(xT_ref[...], axis=1, keepdims=True) / N

    @pl.when(p == 1)
    def _():
        xc = xT_ref[...] - m_ref[...]
        z_ref[...] = jnp.concatenate(
            [xc, jnp.ones((1, _PBLK), jnp.float32)], axis=0)


def _prologue(xT):
    return pl.pallas_call(
        _prologue_body,
        grid=(2, N_PAD // _PBLK),
        in_specs=[pl.BlockSpec((3, _PBLK), lambda p, i: (0, i))],
        out_specs=[pl.BlockSpec((4, _PBLK), lambda p, i: (0, i)),
                   pl.BlockSpec((3, 1), lambda p, i: (0, 0))],
        out_shape=[jax.ShapeDtypeStruct((4, N_PAD), jnp.float32),
                   jax.ShapeDtypeStruct((3, 1), jnp.float32)],
    )(xT)


def _add_body(p_ref, o_ref):
    o_ref[...] = p_ref[0] + p_ref[1]


def _tc_add(p):
    return pl.pallas_call(
        _add_body,
        grid=(N_PAD // _PBLK,),
        in_specs=[pl.BlockSpec((2, 4, _PBLK), lambda i: (0, 0, i))],
        out_specs=pl.BlockSpec((4, _PBLK), lambda i: (0, i)),
        out_shape=jax.ShapeDtypeStruct((4, N_PAD), jnp.float32),
    )(p)


_BLK = 3584


def _combine_body(u1_ref, u2_ref, u3_ref, xT_ref, cst_ref, o_ref):
    pid = pl.program_id(0)
    u1 = u1_ref[...]
    u2 = u2_ref[...]
    u3 = u3_ref[...]
    cst = cst_ref[...]
    M2T, M1T, M0T = cst[:, 0:3], cst[:, 3:6], cst[:, 6:9]
    v2c, v1c, crc = cst[:, 9:10], cst[:, 10:11], cst[:, 11:12]
    x3 = (jnp.dot(M2T, u3[:3]) + jnp.dot(M1T, u2[:3])
          + jnp.dot(M0T, u1[:3])
          + v2c * u2[3:4] + v1c * u1[3:4] + crc)
    r = pid * _BLK + lax.broadcasted_iota(jnp.int32, (1, _BLK), 1)
    rm = r % 40
    fixed = (r < 1960) & ((rm <= 13) | ((rm >= 25) & (rm <= 38)))
    o_ref[...] = jnp.where(fixed, xT_ref[...], x3)


def _combine(u1, u2, u3, xT, cstT):
    return pl.pallas_call(
        _combine_body,
        grid=(N_PAD // _BLK,),
        in_specs=[
            pl.BlockSpec((4, _BLK), lambda i: (0, i)),
            pl.BlockSpec((4, _BLK), lambda i: (0, i)),
            pl.BlockSpec((4, _BLK), lambda i: (0, i)),
            pl.BlockSpec((3, _BLK), lambda i: (0, i)),
            pl.BlockSpec((3, 12), lambda i: (0, 0)),
        ],
        out_specs=pl.BlockSpec((3, _BLK), lambda i: (0, i)),
        out_shape=jax.ShapeDtypeStruct((3, N_PAD), jnp.float32),
    )(u1, u2, u3, xT, cstT)


def kernel(x, edge_index, edge_weight,
           W1a, b1a, W2a, b2a, W1b, b1b, W2b, b2b, W1c, b1c, W2c, b2c):
    pad = jnp.zeros((BLK_CH, CH), jnp.int32)
    src2d = jnp.concatenate([edge_index[0].reshape(NCH, CH), pad], axis=0)
    dst2d = jnp.concatenate([edge_index[1].reshape(NCH, CH), pad], axis=0)
    zeros1 = jnp.zeros((N_PAD,), jnp.float32)
    ones1 = jnp.ones((CH,), jnp.float32)

    xT = jnp.concatenate(
        [x.T, jnp.zeros((3, N_PAD - N), jnp.float32)], axis=1)
    z, mcol = _prologue(xT)

    u1 = _tc_add(_pass_first(z, src2d, dst2d, zeros1, ones1))
    u2 = _tc_add(_pass_next(u1, src2d, dst2d, zeros1, ones1))
    u3 = _tc_add(_pass_next(u2, src2d, dst2d, zeros1, ones1))

    W2b_top, W2b_bot = W2b[:50], W2b[50:]
    Wc1, Wc2, Wc3 = W2c[:50], W2c[50:100], W2c[100:]
    M2 = W2a @ W2b_top @ Wc1
    M1 = W2b_bot @ Wc1 + W2a @ Wc2
    M0 = Wc3
    v2 = (b2a @ W2b_top) @ Wc1
    v1 = b2b @ Wc1 + b2a @ Wc2
    cr = b2c + mcol[:, 0]
    cstT = jnp.concatenate(
        [M2.T, M1.T, M0.T, v2[:, None], v1[:, None], cr[:, None]], axis=1)

    outT = _combine(u1, u2, u3, xT, cstT)
    return outT[:, :N].T

# --- scband reference (transcript-rebuilt; emitter-appended) ---
"""Pipeline reference for scband-model-21689584844831 (READ-ONLY COPY).

The authoritative reference and input builder live on the scoring server;
editing this copy changes nothing except your own understanding.
"""

import jax, jax.numpy as jnp
import numpy as np

N = 100000
E = 6400000

def _glorot(key, shape):
    fan_in, fan_out = shape[0], shape[1]
    lim = np.sqrt(6.0 / (fan_in + fan_out))
    return jax.random.uniform(key, shape, dtype=jnp.float32, minval=-lim, maxval=lim)

def setup_inputs(seed: int = 0) -> dict:
    key = jax.random.key(seed)
    ks = jax.random.split(key, 16)
    x = jax.random.normal(ks[0], (N, 3), dtype=jnp.float32)
    edge_index = jax.random.randint(ks[1], (2, E), 0, N, dtype=jnp.int32)
    edge_weight = jax.random.uniform(ks[2], (E,), dtype=jnp.float32)
    # conv1: in=3 out=50; conv2: in=53 out=50; conv3: in=103 out=3
    W1a = _glorot(ks[3], (3, 50));  b1a = jnp.zeros((50,), jnp.float32)
    W2a = _glorot(ks[4], (3, 50));  b2a = jnp.zeros((50,), jnp.float32)
    W1b = _glorot(ks[5], (53, 50)); b1b = jnp.zeros((50,), jnp.float32)
    W2b = _glorot(ks[6], (53, 50)); b2b = jnp.zeros((50,), jnp.float32)
    W1c = _glorot(ks[7], (103, 3)); b1c = jnp.zeros((3,), jnp.float32)
    W2c = _glorot(ks[8], (103, 3)); b2c = jnp.zeros((3,), jnp.float32)
    return {"x": x, "edge_index": edge_index, "edge_weight": edge_weight,
            "W1a": W1a, "b1a": b1a, "W2a": W2a, "b2a": b2a,
            "W1b": W1b, "b1b": b1b, "W2b": W2b, "b2b": b2b,
            "W1c": W1c, "b1c": b1c, "W2c": W2c, "b2c": b2c}

def _gconv(x, edge_index, W1, b1, W2, b2):
    # wh_1 computed in original module but unused (dead code) -- kept for fidelity
    wh_1 = x @ W1 + b1
    x_j = x[edge_index[0]]
    agg = jax.ops.segment_sum(x_j, edge_index[1], num_segments=N)
    wh_2 = agg @ W2 + b2
    return wh_2

def _fixed_idx():
    fb = np.concatenate([np.arange(i * 40, i * 40 + 14) for i in range(49)])
    fa = np.concatenate([np.arange(i * 40 + 25, i * 40 + 39) for i in range(49)])
    return jnp.asarray(fb, jnp.int32), jnp.asarray(fa, jnp.int32)

def reference(x, edge_index, edge_weight, W1a, b1a, W2a, b2a, W1b, b1b, W2b, b2b, W1c, b1c, W2c, b2c):
    x_old = x
    x_mean = x_old.mean(axis=0)
    x0 = x_old - x_mean
    x1 = _gconv(x0, edge_index, W1a, b1a, W2a, b2a)
    x1 = jnp.concatenate((x1, x0), axis=1)
    x2 = _gconv(x1, edge_index, W1b, b1b, W2b, b2b)
    x2 = jnp.concatenate((x2, x1), axis=1)
    x3 = _gconv(x2, edge_index, W1c, b1c, W2c, b2c)
    x_new = x3 + x_mean
    fb, fa = _fixed_idx()
    x_new = x_new.at[fb].set(x_old[fb])
    x_new = x_new.at[fa].set(x_old[fa])
    return x_new

if __name__ == "__main__":
    import jax
    _d = setup_inputs()
    print(jax.jit(kernel)(*tuple(_d.values())))

</pallas_src>

<mosaic_0001>
#map = affine_map<(d0, d1) -> (0, 0)>
#map1 = affine_map<(d0, d1) -> (0)>
#map2 = affine_map<(d0, d1) -> (0, 0, 0)>
module attributes {stable_mosaic.version = 14 : i64} {
  func.func @_pass_body(%arg0: i32, %arg1: i32, %arg2: memref<4x100352xf32, #tpu.memory_space<hbm>>, %arg3: memref<50064x128xi32, #tpu.memory_space<hbm>>, %arg4: memref<50064x128xi32, #tpu.memory_space<hbm>>, %arg5: memref<100352xf32, #tpu.memory_space<hbm>>, %arg6: memref<128xf32, #tpu.memory_space<hbm>>, %arg7: memref<2x4x100352xf32, #tpu.memory_space<hbm>>, %arg8: memref<100352xf32, #tpu.memory_space<vmem_shared>>, %arg9: memref<100352xf32, #tpu.memory_space<vmem_shared>>, %arg10: memref<100352xf32, #tpu.memory_space<vmem_shared>>, %arg11: memref<100352xf32, #tpu.memory_space<vmem_shared>>, %arg12: memref<100352xf32, #tpu.memory_space<vmem_shared>>, %arg13: memref<100352xf32, #tpu.memory_space<vmem_shared>>, %arg14: memref<100352xf32, #tpu.memory_space<vmem_shared>>, %arg15: memref<100352xf32, #tpu.memory_space<vmem_shared>>, %arg16: memref<64x128xi32, #tpu.memory_space<vmem>>, %arg17: memref<64x128xi32, #tpu.memory_space<vmem>>, %arg18: memref<2x4x128xf32, #tpu.memory_space<vmem>>, %arg19: memref<128xf32, #tpu.memory_space<vmem>>, %arg20: memref<!tpu.dma_semaphore, #tpu.memory_space<semaphore_mem>>, %arg21: memref<!tpu.dma_semaphore, #tpu.memory_space<semaphore_mem>>) attributes {dimension_semantics = [#tpu.dimension_semantics<core_parallel>, #tpu.dimension_semantics<subcore_parallel>], iteration_bounds = array<i64: 2, 16>, scalar_prefetch = 0 : i64, scratch_operands = 14 : i64, tpu.core_type = #tpu.core_type<sc_vector_subcore>, window_params = [{transform_indices = #map}, {transform_indices = #map}, {transform_indices = #map}, {transform_indices = #map1}, {transform_indices = #map1}, {transform_indices = #map2}]} {
    %mul3A = arith.constant 6272 : i32
    %mul3A_0 = arith.muli %arg1, %mul3A : i32
    "tpu.region"() ({
      %run_scoped3A_149 = tpu.sem_alloc : memref<!tpu.dma_semaphore, #tpu.memory_space<semaphore_mem>>
      %dma_start3A = tpu.memref_slice %arg8[%mul3A_0] : memref<100352xf32, #tpu.memory_space<vmem_shared>> -> memref<6272xf32, #tpu.memory_space<vmem_shared>>
      %dma_start3A_150 = tpu.memref_slice %arg5[%mul3A_0] : memref<100352xf32, #tpu.memory_space<hbm>> -> memref<6272xf32, #tpu.memory_space<hbm>>
      tpu.enqueue_dma source(%dma_start3A_150 : memref<6272xf32, #tpu.memory_space<hbm>>) target(%dma_start3A : memref<6272xf32, #tpu.memory_space<vmem_shared>>) target_semaphore(%run_scoped3A_149 : memref<!tpu.dma_semaphore, #tpu.memory_space<semaphore_mem>>)
      %dma_wait3A_151 = tpu.memref_slice %arg8[%mul3A_0] : memref<100352xf32, #tpu.memory_space<vmem_shared>> -> memref<6272xf32, #tpu.memory_space<vmem_shared>>
      %dma_wait3A_152 = tpu.memref_slice %arg5[%mul3A_0] : memref<100352xf32, #tpu.memory_space<hbm>> -> memref<6272xf32, #tpu.memory_space<hbm>>
      tpu.wait_dma2 semaphore(%run_scoped3A_149 : memref<!tpu.dma_semaphore, #tpu.memory_space<semaphore_mem>>) src(%dma_wait3A_152 : memref<6272xf32, #tpu.memory_space<hbm>>) dst(%dma_wait3A_151 : memref<6272xf32, #tpu.memory_space<vmem_shared>>)
      tpu.yield
    }) : () -> ()
    "tpu.region"() ({
      %run_scoped3A_149 = tpu.sem_alloc : memref<!tpu.dma_semaphore, #tpu.memory_space<semaphore_mem>>
      %dma_start3A = tpu.memref_slice %arg9[%mul3A_0] : memref<100352xf32, #tpu.memory_space<vmem_shared>> -> memref<6272xf32, #tpu.memory_space<vmem_shared>>
      %dma_start3A_150 = tpu.memref_slice %arg5[%mul3A_0] : memref<100352xf32, #tpu.memory_space<hbm>> -> memref<6272xf32, #tpu.memory_space<hbm>>
      tpu.enqueue_dma source(%dma_start3A_150 : memref<6272xf32, #tpu.memory_space<hbm>>) target(%dma_start3A : memref<6272xf32, #tpu.memory_space<vmem_shared>>) target_semaphore(%run_scoped3A_149 : memref<!tpu.dma_semaphore, #tpu.memory_space<semaphore_mem>>)
      %dma_wait3A_151 = tpu.memref_slice %arg9[%mul3A_0] : memref<100352xf32, #tpu.memory_space<vmem_shared>> -> memref<6272xf32, #tpu.memory_space<vmem_shared>>
      %dma_wait3A_152 = tpu.memref_slice %arg5[%mul3A_0] : memref<100352xf32, #tpu.memory_space<hbm>> -> memref<6272xf32, #tpu.memory_space<hbm>>
      tpu.wait_dma2 semaphore(%run_scoped3A_149 : memref<!tpu.dma_semaphore, #tpu.memory_space<semaphore_mem>>) src(%dma_wait3A_152 : memref<6272xf32, #tpu.memory_space<hbm>>) dst(%dma_wait3A_151 : memref<6272xf32, #tpu.memory_space<vmem_shared>>)
      tpu.yield
    }) : () -> ()
    "tpu.region"() ({
      %run_scoped3A_149 = tpu.sem_alloc : memref<!tpu.dma_semaphore, #tpu.memory_space<semaphore_mem>>
      %dma_start3A = tpu.memref_slice %arg10[%mul3A_0] : memref<100352xf32, #tpu.memory_space<vmem_shared>> -> memref<6272xf32, #tpu.memory_space<vmem_shared>>
      %dma_start3A_150 = tpu.memref_slice %arg5[%mul3A_0] : memref<100352xf32, #tpu.memory_space<hbm>> -> memref<6272xf32, #tpu.memory_space<hbm>>
      tpu.enqueue_dma source(%dma_start3A_150 : memref<6272xf32, #tpu.memory_space<hbm>>) target(%dma_start3A : memref<6272xf32, #tpu.memory_space<vmem_shared>>) target_semaphore(%run_scoped3A_149 : memref<!tpu.dma_semaphore, #tpu.memory_space<semaphore_mem>>)
      %dma_wait3A_151 = tpu.memref_slice %arg10[%mul3A_0] : memref<100352xf32, #tpu.memory_space<vmem_shared>> -> memref<6272xf32, #tpu.memory_space<vmem_shared>>
      %dma_wait3A_152 = tpu.memref_slice %arg5[%mul3A_0] : memref<100352xf32, #tpu.memory_space<hbm>> -> memref<6272xf32, #tpu.memory_space<hbm>>
      tpu.wait_dma2 semaphore(%run_scoped3A_149 : memref<!tpu.dma_semaphore, #tpu.memory_space<semaphore_mem>>) src(%dma_wait3A_152 : memref<6272xf32, #tpu.memory_space<hbm>>) dst(%dma_wait3A_151 : memref<6272xf32, #tpu.memory_space<vmem_shared>>)
      tpu.yield
    }) : () -> ()
    "tpu.region"() ({
      %run_scoped3A_149 = tpu.sem_alloc : memref<!tpu.dma_semaphore, #tpu.memory_space<semaphore_mem>>
      %dma_start3A = tpu.memref_slice %arg11[%mul3A_0] : memref<100352xf32, #tpu.memory_space<vmem_shared>> -> memref<6272xf32, #tpu.memory_space<vmem_shared>>
      %dma_start3A_150 = tpu.memref_slice %arg5[%mul3A_0] : memref<100352xf32, #tpu.memory_space<hbm>> -> memref<6272xf32, #tpu.memory_space<hbm>>
      tpu.enqueue_dma source(%dma_start3A_150 : memref<6272xf32, #tpu.memory_space<hbm>>) target(%dma_start3A : memref<6272xf32, #tpu.memory_space<vmem_shared>>) target_semaphore(%run_scoped3A_149 : memref<!tpu.dma_semaphore, #tpu.memory_space<semaphore_mem>>)
      %dma_wait3A_151 = tpu.memref_slice %arg11[%mul3A_0] : memref<100352xf32, #tpu.memory_space<vmem_shared>> -> memref<6272xf32, #tpu.memory_space<vmem_shared>>
      %dma_wait3A_152 = tpu.memref_slice %arg5[%mul3A_0] : memref<100352xf32, #tpu.memory_space<hbm>> -> memref<6272xf32, #tpu.memory_space<hbm>>
      tpu.wait_dma2 semaphore(%run_scoped3A_149 : memref<!tpu.dma_semaphore, #tpu.memory_space<semaphore_mem>>) src(%dma_wait3A_152 : memref<6272xf32, #tpu.memory_space<hbm>>) dst(%dma_wait3A_151 : memref<6272xf32, #tpu.memory_space<vmem_shared>>)
      tpu.yield
    }) : () -> ()
    %run_scoped3A = arith.constant 0 : i32
    "tpu.region"() ({
      %run_scoped3A_149 = tpu.sem_alloc : memref<!tpu.dma_semaphore, #tpu.memory_space<semaphore_mem>>
      %dma_start3A = tpu.memref_slice %arg12[%mul3A_0] : memref<100352xf32, #tpu.memory_space<vmem_shared>> -> memref<6272xf32, #tpu.memory_space<vmem_shared>>
      %dma_start3A_150 = arith.constant 0 : i32
      %dma_start3A_151 = tpu.memref_slice %arg2[%run_scoped3A, %dma_start3A_150] : memref<4x100352xf32, #tpu.memory_space<hbm>> -> memref<1x100352xf32, #tpu.memory_space<hbm>>
      %dma_start3A_152 = tpu.memref_squeeze %dma_start3A_151 : memref<1x100352xf32, #tpu.memory_space<hbm>> -> memref<100352xf32, #tpu.memory_space<hbm>>
      %dma_start3A_153 = tpu.memref_slice %dma_start3A_152[%mul3A_0] : memref<100352xf32, #tpu.memory_space<hbm>> -> memref<6272xf32, #tpu.memory_space<hbm>>
      tpu.enqueue_dma source(%dma_start3A_153 : memref<6272xf32, #tpu.memory_space<hbm>>) target(%dma_start3A : memref<6272xf32, #tpu.memory_space<vmem_shared>>) target_semaphore(%run_scoped3A_149 : memref<!tpu.dma_semaphore, #tpu.memory_space<semaphore_mem>>)
      %dma_wait3A_154 = tpu.memref_slice %arg12[%mul3A_0] : memref<100352xf32, #tpu.memory_space<vmem_shared>> -> memref<6272xf32, #tpu.memory_space<vmem_shared>>
      %dma_wait3A_155 = arith.constant 0 : i32
      %dma_wait3A_156 = tpu.memref_slice %arg2[%run_scoped3A, %dma_wait3A_155] : memref<4x100352xf32, #tpu.memory_space<hbm>> -> memref<1x100352xf32, #tpu.memory_space<hbm>>
      %dma_wait3A_157 = tpu.memref_squeeze %dma_wait3A_156 : memref<1x100352xf32, #tpu.memory_space<hbm>> -> memref<100352xf32, #tpu.memory_space<hbm>>
      %dma_wait3A_158 = tpu.memref_slice %dma_wait3A_157[%mul3A_0] : memref<100352xf32, #tpu.memory_space<hbm>> -> memref<6272xf32, #tpu.memory_space<hbm>>
      tpu.wait_dma2 semaphore(%run_scoped3A_149 : memref<!tpu.dma_semaphore, #tpu.memory_space<semaphore_mem>>) src(%dma_wait3A_158 : memref<6272xf32, #tpu.memory_space<hbm>>) dst(%dma_wait3A_154 : memref<6272xf32, #tpu.memory_space<vmem_shared>>)
      tpu.yield
    }) : () -> ()
    %run_scoped3A_1 = arith.constant 1 : i32
    "tpu.region"() ({
      %run_scoped3A_149 = tpu.sem_alloc : memref<!tpu.dma_semaphore, #tpu.memory_space<semaphore_mem>>
      %dma_start3A = tpu.memref_slice %arg13[%mul3A_0] : memref<100352xf32, #tpu.memory_space<vmem_shared>> -> memref<6272xf32, #tpu.memory_space<vmem_shared>>
      %dma_start3A_150 = arith.constant 0 : i32
      %dma_start3A_151 = tpu.memref_slice %arg2[%run_scoped3A_1, %dma_start3A_150] : memref<4x100352xf32, #tpu.memory_space<hbm>> -> memref<1x100352xf32, #tpu.memory_space<hbm>>
      %dma_start3A_152 = tpu.memref_squeeze %dma_start3A_151 : memref<1x100352xf32, #tpu.memory_space<hbm>> -> memref<100352xf32, #tpu.memory_space<hbm>>
      %dma_start3A_153 = tpu.memref_slice %dma_start3A_152[%mul3A_0] : memref<100352xf32, #tpu.memory_space<hbm>> -> memref<6272xf32, #tpu.memory_space<hbm>>
      tpu.enqueue_dma source(%dma_start3A_153 : memref<6272xf32, #tpu.memory_space<hbm>>) target(%dma_start3A : memref<6272xf32, #tpu.memory_space<vmem_shared>>) target_semaphore(%run_scoped3A_149 : memref<!tpu.dma_semaphore, #tpu.memory_space<semaphore_mem>>)
      %dma_wait3A_154 = tpu.memref_slice %arg13[%mul3A_0] : memref<100352xf32, #tpu.memory_space<vmem_shared>> -> memref<6272xf32, #tpu.memory_space<vmem_shared>>
      %dma_wait3A_155 = arith.constant 0 : i32
      %dma_wait3A_156 = tpu.memref_slice %arg2[%run_scoped3A_1, %dma_wait3A_155] : memref<4x100352xf32, #tpu.memory_space<hbm>> -> memref<1x100352xf32, #tpu.memory_space<hbm>>
      %dma_wait3A_157 = tpu.memref_squeeze %dma_wait3A_156 : memref<1x100352xf32, #tpu.memory_space<hbm>> -> memref<100352xf32, #tpu.memory_space<hbm>>
      %dma_wait3A_158 = tpu.memref_slice %dma_wait3A_157[%mul3A_0] : memref<100352xf32, #tpu.memory_space<hbm>> -> memref<6272xf32, #tpu.memory_space<hbm>>
      tpu.wait_dma2 semaphore(%run_scoped3A_149 : memref<!tpu.dma_semaphore, #tpu.memory_space<semaphore_mem>>) src(%dma_wait3A_158 : memref<6272xf32, #tpu.memory_space<hbm>>) dst(%dma_wait3A_154 : memref<6272xf32, #tpu.memory_space<vmem_shared>>)
      tpu.yield
    }) : () -> ()
    %run_scoped3A_2 = arith.constant 2 : i32
    "tpu.region"() ({
      %run_scoped3A_149 = tpu.sem_alloc : memref<!tpu.dma_semaphore, #tpu.memory_space<semaphore_mem>>
      %dma_start3A = tpu.memref_slice %arg14[%mul3A_0] : memref<100352xf32, #tpu.memory_space<vmem_shared>> -> memref<6272xf32, #tpu.memory_space<vmem_shared>>
      %dma_start3A_150 = arith.constant 0 : i32
      %dma_start3A_151 = tpu.memref_slice %arg2[%run_scoped3A_2, %dma_start3A_150] : memref<4x100352xf32, #tpu.memory_space<hbm>> -> memref<1x100352xf32, #tpu.memory_space<hbm>>
      %dma_start3A_152 = tpu.memref_squeeze %dma_start3A_151 : memref<1x100352xf32, #tpu.memory_space<hbm>> -> memref<100352xf32, #tpu.memory_space<hbm>>
      %dma_start3A_153 = tpu.memref_slice %dma_start3A_152[%mul3A_0] : memref<100352xf32, #tpu.memory_space<hbm>> -> memref<6272xf32, #tpu.memory_space<hbm>>
      tpu.enqueue_dma source(%dma_start3A_153 : memref<6272xf32, #tpu.memory_space<hbm>>) target(%dma_start3A : memref<6272xf32, #tpu.memory_space<vmem_shared>>) target_semaphore(%run_scoped3A_149 : memref<!tpu.dma_semaphore, #tpu.memory_space<semaphore_mem>>)
      %dma_wait3A_154 = tpu.memref_slice %arg14[%mul3A_0] : memref<100352xf32, #tpu.memory_space<vmem_shared>> -> memref<6272xf32, #tpu.memory_space<vmem_shared>>
      %dma_wait3A_155 = arith.constant 0 : i32
      %dma_wait3A_156 = tpu.memref_slice %arg2[%run_scoped3A_2, %dma_wait3A_155] : memref<4x100352xf32, #tpu.memory_space<hbm>> -> memref<1x100352xf32, #tpu.memory_space<hbm>>
      %dma_wait3A_157 = tpu.memref_squeeze %dma_wait3A_156 : memref<1x100352xf32, #tpu.memory_space<hbm>> -> memref<100352xf32, #tpu.memory_space<hbm>>
      %dma_wait3A_158 = tpu.memref_slice %dma_wait3A_157[%mul3A_0] : memref<100352xf32, #tpu.memory_space<hbm>> -> memref<6272xf32, #tpu.memory_space<hbm>>
      tpu.wait_dma2 semaphore(%run_scoped3A_149 : memref<!tpu.dma_semaphore, #tpu.memory_space<semaphore_mem>>) src(%dma_wait3A_158 : memref<6272xf32, #tpu.memory_space<hbm>>) dst(%dma_wait3A_154 : memref<6272xf32, #tpu.memory_space<vmem_shared>>)
      tpu.yield
    }) : () -> ()
    "tpu.region"() ({
      %run_scoped3A_149 = tpu.sem_alloc : memref<!tpu.dma_semaphore, #tpu.memory_space<semaphore_mem>>
      %dma_start3A = arith.constant 0 : i32
      %dma_start3A_150 = tpu.memref_slice %arg6[%dma_start3A] : memref<128xf32, #tpu.memory_space<hbm>> -> memref<128xf32, #tpu.memory_space<hbm>>
      %dma_start3A_151 = arith.constant 0 : i32
      %dma_start3A_152 = tpu.memref_slice %arg6[%dma_start3A_151] : memref<128xf32, #tpu.memory_space<hbm>> -> memref<128xf32, #tpu.memory_space<hbm>>
      tpu.enqueue_dma source(%dma_start3A_152 : memref<128xf32, #tpu.memory_space<hbm>>) target(%arg19 : memref<128xf32, #tpu.memory_space<vmem>>) target_semaphore(%run_scoped3A_149 : memref<!tpu.dma_semaphore, #tpu.memory_space<semaphore_mem>>)
      %dma_wait3A_153 = arith.constant 0 : i32
      %dma_wait3A_154 = tpu.memref_slice %arg6[%dma_wait3A_153] : memref<128xf32, #tpu.memory_space<hbm>> -> memref<128xf32, #tpu.memory_space<hbm>>
      %dma_wait3A_155 = arith.constant 0 : i32
      %dma_wait3A_156 = tpu.memref_slice %arg6[%dma_wait3A_155] : memref<128xf32, #tpu.memory_space<hbm>> -> memref<128xf32, #tpu.memory_space<hbm>>
      tpu.wait_dma2 semaphore(%run_scoped3A_149 : memref<!tpu.dma_semaphore, #tpu.memory_space<semaphore_mem>>) src(%dma_wait3A_156 : memref<128xf32, #tpu.memory_space<hbm>>) dst(%arg19 : memref<128xf32, #tpu.memory_space<vmem>>)
      tpu.yield
    }) : () -> ()
    %barrier3A = arith.constant 0 : index
    tpu.barrier barrier_id(%barrier3A)
    %mul3A_3 = arith.constant 16 : i32
    %mul3A_4 = arith.muli %arg0, %mul3A_3 : i32
    %add3A = arith.addi %mul3A_4, %arg1 : i32
    %lt3A = arith.constant 16 : i32
    %lt3A_5 = arith.cmpi slt, %add3A, %lt3A : i32
    %convert_element_type3A = arith.extui %lt3A_5 : i1 to i32
    %add3A_6 = arith.constant 1562 : i32
    %add3A_7 = arith.addi %add3A_6, %convert_element_type3A : i32
    %mul3A_8 = arith.constant 1562 : i32
    %mul3A_9 = arith.muli %add3A, %mul3A_8 : i32
    %min3A = arith.constant 16 : i32
    %min3A_10 = arith.minsi %add3A, %min3A : i32
    %add3A_11 = arith.addi %mul3A_9, %min3A_10 : i32
    %scan3A = arith.constant 0 : i32
    %scan3A_12 = arith.constant 0 : i32
    %scan3A_13 = arith.constant 25 : i32
    %scan3A_14 = arith.addi %scan3A_12, %scan3A_13 : i32
    %scan3A_15 = arith.constant 1 : i32
    scf.for %scan3A_149 = %scan3A_12 to %scan3A_14 step %scan3A_15  : i32 {
      %mul3A_150 = arith.constant 64 : i32
      %mul3A_151 = arith.muli %scan3A_149, %mul3A_150 : i32
      %add3A_152 = arith.addi %add3A_11, %mul3A_151 : i32
      %mul3A_153 = arith.constant 64 : i32
      %mul3A_154 = arith.muli %scan3A_149, %mul3A_153 : i32
      %sub3A = arith.subi %add3A_7, %mul3A_154 : i32
      %min3A_155 = arith.constant 64 : i32
      %min3A_156 = arith.minsi %sub3A, %min3A_155 : i32
      "tpu.region"() ({
        %run_scoped3A_166 = tpu.sem_alloc : memref<!tpu.dma_semaphore, #tpu.memory_space<semaphore_mem>>
        %dma_start3A = arith.constant 0 : i32
        %dma_start3A_167 = tpu.memref_slice %arg3[%add3A_152, %dma_start3A] : memref<50064x128xi32, #tpu.memory_space<hbm>> -> memref<64x128xi32, #tpu.memory_space<hbm>>
        %dma_start3A_168 = arith.constant 0 : i32
        %dma_start3A_169 = tpu.memref_slice %arg3[%add3A_152, %dma_start3A_168] : memref<50064x128xi32, #tpu.memory_space<hbm>> -> memref<64x128xi32, #tpu.memory_space<hbm>>
        tpu.enqueue_dma source(%dma_start3A_169 : memref<64x128xi32, #tpu.memory_space<hbm>>) target(%arg16 : memref<64x128xi32, #tpu.memory_space<vmem>>) target_semaphore(%run_scoped3A_166 : memref<!tpu.dma_semaphore, #tpu.memory_space<semaphore_mem>>)
        %dma_wait3A_170 = arith.constant 0 : i32
        %dma_wait3A_171 = tpu.memref_slice %arg3[%add3A_152, %dma_wait3A_170] : memref<50064x128xi32, #tpu.memory_space<hbm>> -> memref<64x128xi32, #tpu.memory_space<hbm>>
        %dma_wait3A_172 = arith.constant 0 : i32
        %dma_wait3A_173 = tpu.memref_slice %arg3[%add3A_152, %dma_wait3A_172] : memref<50064x128xi32, #tpu.memory_space<hbm>> -> memref<64x128xi32, #tpu.memory_space<hbm>>
        tpu.wait_dma2 semaphore(%run_scoped3A_166 : memref<!tpu.dma_semaphore, #tpu.memory_space<semaphore_mem>>) src(%dma_wait3A_173 : memref<64x128xi32, #tpu.memory_space<hbm>>) dst(%arg16 : memref<64x128xi32, #tpu.memory_space<vmem>>)
        tpu.yield
      }) : () -> ()
      "tpu.region"() ({
        %run_scoped3A_166 = tpu.sem_alloc : memref<!tpu.dma_semaphore, #tpu.memory_space<semaphore_mem>>
        %dma_start3A = arith.constant 0 : i32
        %dma_start3A_167 = tpu.memref_slice %arg4[%add3A_152, %dma_start3A] : memref<50064x128xi32, #tpu.memory_space<hbm>> -> memref<64x128xi32, #tpu.memory_space<hbm>>
        %dma_start3A_168 = arith.constant 0 : i32
        %dma_start3A_169 = tpu.memref_slice %arg4[%add3A_152, %dma_start3A_168] : memref<50064x128xi32, #tpu.memory_space<hbm>> -> memref<64x128xi32, #tpu.memory_space<hbm>>
        tpu.enqueue_dma source(%dma_start3A_169 : memref<64x128xi32, #tpu.memory_space<hbm>>) target(%arg17 : memref<64x128xi32, #tpu.memory_space<vmem>>) target_semaphore(%run_scoped3A_166 : memref<!tpu.dma_semaphore, #tpu.memory_space<semaphore_mem>>)
        %dma_wait3A_170 = arith.constant 0 : i32
        %dma_wait3A_171 = tpu.memref_slice %arg4[%add3A_152, %dma_wait3A_170] : memref<50064x128xi32, #tpu.memory_space<hbm>> -> memref<64x128xi32, #tpu.memory_space<hbm>>
        %dma_wait3A_172 = arith.constant 0 : i32
        %dma_wait3A_173 = tpu.memref_slice %arg4[%add3A_152, %dma_wait3A_172] : memref<50064x128xi32, #tpu.memory_space<hbm>> -> memref<64x128xi32, #tpu.memory_space<hbm>>
        tpu.wait_dma2 semaphore(%run_scoped3A_166 : memref<!tpu.dma_semaphore, #tpu.memory_space<semaphore_mem>>) src(%dma_wait3A_173 : memref<64x128xi32, #tpu.memory_space<hbm>>) dst(%arg17 : memref<64x128xi32, #tpu.memory_space<vmem>>)
        tpu.yield
      }) : () -> ()
      %while3A = arith.constant 0 : i32
      %while3A_157 = arith.constant 0 : i32
      %while3A_158 = arith.subi %min3A_156, %while3A_157 : i32
      %while3A_159 = arith.addi %while3A_157, %while3A_158 : i32
      %while3A_160 = arith.constant 1 : i32
      %while3A_161 = arith.divsi %while3A_158, %while3A_160 : i32
      %while3A_162 = arith.muli %while3A_161, %while3A_160 : i32
      %while3A_163 = arith.addi %while3A_157, %while3A_162 : i32
      %while3A_164 = arith.constant 1 : i32
      scf.for %while3A_166 = %while3A_157 to %while3A_163 step %while3A_164  : i32 {
        %mul3A_167 = arith.constant 64 : i32
        %mul3A_168 = arith.muli %scan3A_149, %mul3A_167 : i32
        %add3A_169 = arith.addi %mul3A_168, %while3A_166 : i32
        %rem3A = arith.constant 2 : i32
        %rem3A_170 = arith.remsi %add3A_169, %rem3A : i32
        %ge3A = arith.constant 2 : i32
        %ge3A_171 = arith.cmpi sge, %add3A_169, %ge3A : i32
        %convert_element_type3A_172 = arith.extui %ge3A_171 : i1 to i32
        %cond3A = arith.constant 0 : i32
        %cond3A_173 = arith.cmpi ne, %convert_element_type3A_172, %cond3A : i32
        scf.if %cond3A_173 {
          %dma_wait3A_295 = arith.constant 0 : i32
          %dma_wait3A_296 = arith.constant 0 : i32
          %dma_wait3A_297 = arith.constant 0 : i32
          %dma_wait3A_298 = tpu.memref_slice %arg18[%rem3A_170, %dma_wait3A_296, %dma_wait3A_297] : memref<2x4x128xf32, #tpu.memory_space<vmem>> -> memref<1x4x128xf32, #tpu.memory_space<vmem>>
          %dma_wait3A_299 = tpu.memref_squeeze %dma_wait3A_298 : memref<1x4x128xf32, #tpu.memory_space<vmem>> -> memref<4x128xf32, #tpu.memory_space<vmem>>
          %dma_wait3A_300 = arith.constant 0 : i32
          %dma_wait3A_301 = tpu.memref_slice %dma_wait3A_299[%dma_wait3A_295, %dma_wait3A_300] : memref<4x128xf32, #tpu.memory_space<vmem>> -> memref<1x128xf32, #tpu.memory_space<vmem>>
          %dma_wait3A_302 = tpu.memref_squeeze %dma_wait3A_301 : memref<1x128xf32, #tpu.memory_space<vmem>> -> memref<128xf32, #tpu.memory_space<vmem>>
          %dma_wait3A_303 = arith.constant 0 : i32
          %dma_wait3A_304 = tpu.memref_slice %arg5[%dma_wait3A_303] : memref<100352xf32, #tpu.memory_space<hbm>> -> memref<128xf32, #tpu.memory_space<hbm>>
          %dma_wait3A_305 = arith.constant 0 : i32
          %dma_wait3A_306 = arith.constant 0 : i32
          %dma_wait3A_307 = tpu.memref_slice %arg18[%rem3A_170, %dma_wait3A_305, %dma_wait3A_306] : memref<2x4x128xf32, #tpu.memory_space<vmem>> -> memref<1x4x128xf32, #tpu.memory_space<vmem>>
          %dma_wait3A_308 = tpu.memref_squeeze %dma_wait3A_307 : memref<1x4x128xf32, #tpu.memory_space<vmem>> -> memref<4x128xf32, #tpu.memory_space<vmem>>
          %dma_wait3A_309 = arith.constant 0 : i32
          %dma_wait3A_310 = tpu.memref_slice %dma_wait3A_308[%dma_wait3A_295, %dma_wait3A_309] : memref<4x128xf32, #tpu.memory_space<vmem>> -> memref<1x128xf32, #tpu.memory_space<vmem>>
          %dma_wait3A_311 = tpu.memref_squeeze %dma_wait3A_310 : memref<1x128xf32, #tpu.memory_space<vmem>> -> memref<128xf32, #tpu.memory_space<vmem>>
          %dma_wait3A_312 = arith.constant 0 : i32
          %dma_wait3A_313 = tpu.memref_slice %arg5[%dma_wait3A_312] : memref<100352xf32, #tpu.memory_space<hbm>> -> memref<128xf32, #tpu.memory_space<hbm>>
          tpu.wait_dma2 semaphore(%arg21 : memref<!tpu.dma_semaphore, #tpu.memory_space<semaphore_mem>>) src(%dma_wait3A_313 : memref<128xf32, #tpu.memory_space<hbm>>) dst(%dma_wait3A_311 : memref<128xf32, #tpu.memory_space<vmem>>)
          %dma_wait3A_314 = arith.constant 1 : i32
          %dma_wait3A_315 = arith.constant 0 : i32
          %dma_wait3A_316 = arith.constant 0 : i32
          %dma_wait3A_317 = tpu.memref_slice %arg18[%rem3A_170, %dma_wait3A_315, %dma_wait3A_316] : memref<2x4x128xf32, #tpu.memory_space<vmem>> -> memref<1x4x128xf32, #tpu.memory_space<vmem>>
          %dma_wait3A_318 = tpu.memref_squeeze %dma_wait3A_317 : memref<1x4x128xf32, #tpu.memory_space<vmem>> -> memref<4x128xf32, #tpu.memory_space<vmem>>
          %dma_wait3A_319 = arith.constant 0 : i32
          %dma_wait3A_320 = tpu.memref_slice %dma_wait3A_318[%dma_wait3A_314, %dma_wait3A_319] : memref<4x128xf32, #tpu.memory_space<vmem>> -> memref<1x128xf32, #tpu.memory_space<vmem>>
          %dma_wait3A_321 = tpu.memref_squeeze %dma_wait3A_320 : memref<1x128xf32, #tpu.memory_space<vmem>> -> memref<128xf32, #tpu.memory_space<vmem>>
          %dma_wait3A_322 = arith.constant 0 : i32
          %dma_wait3A_323 = tpu.memref_slice %arg5[%dma_wait3A_322] : memref<100352xf32, #tpu.memory_space<hbm>> -> memref<128xf32, #tpu.memory_space<hbm>>
          %dma_wait3A_324 = arith.constant 0 : i32
          %dma_wait3A_325 = arith.constant 0 : i32
          %dma_wait3A_326 = tpu.memref_slice %arg18[%rem3A_170, %dma_wait3A_324, %dma_wait3A_325] : memref<2x4x128xf32, #tpu.memory_space<vmem>> -> memref<1x4x128xf32, #tpu.memory_space<vmem>>
          %dma_wait3A_327 = tpu.memref_squeeze %dma_wait3A_326 : memref<1x4x128xf32, #tpu.memory_space<vmem>> -> memref<4x128xf32, #tpu.memory_space<vmem>>
          %dma_wait3A_328 = arith.constant 0 : i32
          %dma_wait3A_329 = tpu.memref_slice %dma_wait3A_327[%dma_wait3A_314, %dma_wait3A_328] : memref<4x128xf32, #tpu.memory_space<vmem>> -> memref<1x128xf32, #tpu.memory_space<vmem>>
          %dma_wait3A_330 = tpu.memref_squeeze %dma_wait3A_329 : memref<1x128xf32, #tpu.memory_space<vmem>> -> memref<128xf32, #tpu.memory_space<vmem>>
          %dma_wait3A_331 = arith.constant 0 : i32
          %dma_wait3A_332 = tpu.memref_slice %arg5[%dma_wait3A_331] : memref<100352xf32, #tpu.memory_space<hbm>> -> memref<128xf32, #tpu.memory_space<hbm>>
          tpu.wait_dma2 semaphore(%arg21 : memref<!tpu.dma_semaphore, #tpu.memory_space<semaphore_mem>>) src(%dma_wait3A_332 : memref<128xf32, #tpu.memory_space<hbm>>) dst(%dma_wait3A_330 : memref<128xf32, #tpu.memory_space<vmem>>)
          %dma_wait3A_333 = arith.constant 2 : i32
          %dma_wait3A_334 = arith.constant 0 : i32
          %dma_wait3A_335 = arith.constant 0 : i32
          %dma_wait3A_336 = tpu.memref_slice %arg18[%rem3A_170, %dma_wait3A_334, %dma_wait3A_335] : memref<2x4x128xf32, #tpu.memory_space<vmem>> -> memref<1x4x128xf32, #tpu.memory_space<vmem>>
          %dma_wait3A_337 = tpu.memref_squeeze %dma_wait3A_336 : memref<1x4x128xf32, #tpu.memory_space<vmem>> -> memref<4x128xf32, #tpu.memory_space<vmem>>
          %dma_wait3A_338 = arith.constant 0 : i32
          %dma_wait3A_339 = tpu.memref_slice %dma_wait3A_337[%dma_wait3A_333, %dma_wait3A_338] : memref<4x128xf32, #tpu.memory_space<vmem>> -> memref<1x128xf32, #tpu.memory_space<vmem>>
          %dma_wait3A_340 = tpu.memref_squeeze %dma_wait3A_339 : memref<1x128xf32, #tpu.memory_space<vmem>> -> memref<128xf32, #tpu.memory_space<vmem>>
          %dma_wait3A_341 = arith.constant 0 : i32
          %dma_wait3A_342 = tpu.memref_slice %arg5[%dma_wait3A_341] : memref<100352xf32, #tpu.memory_space<hbm>> -> memref<128xf32, #tpu.memory_space<hbm>>
          %dma_wait3A_343 = arith.constant 0 : i32
          %dma_wait3A_344 = arith.constant 0 : i32
          %dma_wait3A_345 = tpu.memref_slice %arg18[%rem3A_170, %dma_wait3A_343, %dma_wait3A_344] : memref<2x4x128xf32, #tpu.memory_space<vmem>> -> memref<1x4x128xf32, #tpu.memory_space<vmem>>
          %dma_wait3A_346 = tpu.memref_squeeze %dma_wait3A_345 : memref<1x4x128xf32, #tpu.memory_space<vmem>> -> memref<4x128xf32, #tpu.memory_space<vmem>>
          %dma_wait3A_347 = arith.constant 0 : i32
          %dma_wait3A_348 = tpu.memref_slice %dma_wait3A_346[%dma_wait3A_333, %dma_wait3A_347] : memref<4x128xf32, #tpu.memory_space<vmem>> -> memref<1x128xf32, #tpu.memory_space<vmem>>
          %dma_wait3A_349 = tpu.memref_squeeze %dma_wait3A_348 : memref<1x128xf32, #tpu.memory_space<vmem>> -> memref<128xf32, #tpu.memory_space<vmem>>
          %dma_wait3A_350 = arith.constant 0 : i32
          %dma_wait3A_351 = tpu.memref_slice %arg5[%dma_wait3A_350] : memref<100352xf32, #tpu.memory_space<hbm>> -> memref<128xf32, #tpu.memory_space<hbm>>
          tpu.wait_dma2 semaphore(%arg21 : memref<!tpu.dma_semaphore, #tpu.memory_space<semaphore_mem>>) src(%dma_wait3A_351 : memref<128xf32, #tpu.memory_space<hbm>>) dst(%dma_wait3A_349 : memref<128xf32, #tpu.memory_space<vmem>>)
          %dma_wait3A_352 = arith.constant 0 : i32
          %dma_wait3A_353 = tpu.memref_slice %arg5[%dma_wait3A_352] : memref<100352xf32, #tpu.memory_space<hbm>> -> memref<128xf32, #tpu.memory_space<hbm>>
          %dma_wait3A_354 = arith.constant 0 : i32
          %dma_wait3A_355 = tpu.memref_slice %arg5[%dma_wait3A_354] : memref<100352xf32, #tpu.memory_space<hbm>> -> memref<128xf32, #tpu.memory_space<hbm>>
          tpu.wait_dma2 semaphore(%arg21 : memref<!tpu.dma_semaphore, #tpu.memory_space<semaphore_mem>>) src(%dma_wait3A_355 : memref<128xf32, #tpu.memory_space<hbm>>) dst(%arg19 : memref<128xf32, #tpu.memory_space<vmem>>)
        } else {
        }
        %dma_start3A = arith.constant 0 : i32
        %dma_start3A_174 = arith.constant 0 : i32
        %dma_start3A_175 = arith.constant 0 : i32
        %dma_start3A_176 = tpu.memref_slice %arg18[%rem3A_170, %dma_start3A_174, %dma_start3A_175] : memref<2x4x128xf32, #tpu.memory_space<vmem>> -> memref<1x4x128xf32, #tpu.memory_space<vmem>>
        %dma_start3A_177 = tpu.memref_squeeze %dma_start3A_176 : memref<1x4x128xf32, #tpu.memory_space<vmem>> -> memref<4x128xf32, #tpu.memory_space<vmem>>
        %dma_start3A_178 = arith.constant 0 : i32
        %dma_start3A_179 = tpu.memref_slice %dma_start3A_177[%dma_start3A, %dma_start3A_178] : memref<4x128xf32, #tpu.memory_space<vmem>> -> memref<1x128xf32, #tpu.memory_space<vmem>>
        %dma_start3A_180 = tpu.memref_squeeze %dma_start3A_179 : memref<1x128xf32, #tpu.memory_space<vmem>> -> memref<128xf32, #tpu.memory_space<vmem>>
        %dma_start3A_181 = arith.constant 0 : i32
        %dma_start3A_182 = tpu.memref_slice %arg16[%while3A_166, %dma_start3A_181] : memref<64x128xi32, #tpu.memory_space<vmem>> -> memref<1x128xi32, #tpu.memory_space<vmem>>
        %dma_start3A_183 = tpu.memref_squeeze %dma_start3A_182 : memref<1x128xi32, #tpu.memory_space<vmem>> -> memref<128xi32, #tpu.memory_space<vmem>>
        %dma_start3A_184 = arith.constant 0 : i32
        %dma_start3A_185 = tpu.memref_slice %arg12[%dma_start3A_184] : memref<100352xf32, #tpu.memory_space<vmem_shared>> -> memref<100352xf32, #tpu.memory_space<vmem_shared>>
        tpu.enqueue_indirect_dma source(%dma_start3A_185 : memref<100352xf32, #tpu.memory_space<vmem_shared>>) target(%dma_start3A_180 : memref<128xf32, #tpu.memory_space<vmem>>) offsets(%dma_start3A_183 : memref<128xi32, #tpu.memory_space<vmem>>) semaphore(%arg20 : memref<!tpu.dma_semaphore, #tpu.memory_space<semaphore_mem>>)
        %dma_start3A_186 = arith.constant 1 : i32
        %dma_start3A_187 = arith.constant 0 : i32
        %dma_start3A_188 = arith.constant 0 : i32
        %dma_start3A_189 = tpu.memref_slice %arg18[%rem3A_170, %dma_start3A_187, %dma_start3A_188] : memref<2x4x128xf32, #tpu.memory_space<vmem>> -> memref<1x4x128xf32, #tpu.memory_space<vmem>>
        %dma_start3A_190 = tpu.memref_squeeze %dma_start3A_189 : memref<1x4x128xf32, #tpu.memory_space<vmem>> -> memref<4x128xf32, #tpu.memory_space<vmem>>
        %dma_start3A_191 = arith.constant 0 : i32
        %dma_start3A_192 = tpu.memref_slice %dma_start3A_190[%dma_start3A_186, %dma_start3A_191] : memref<4x128xf32, #tpu.memory_space<vmem>> -> memref<1x128xf32, #tpu.memory_space<vmem>>
        %dma_start3A_193 = tpu.memref_squeeze %dma_start3A_192 : memref<1x128xf32, #tpu.memory_space<vmem>> -> memref<128xf32, #tpu.memory_space<vmem>>
        %dma_start3A_194 = arith.constant 0 : i32
        %dma_start3A_195 = tpu.memref_slice %arg16[%while3A_166, %dma_start3A_194] : memref<64x128xi32, #tpu.memory_space<vmem>> -> memref<1x128xi32, #tpu.memory_space<vmem>>
        %dma_start3A_196 = tpu.memref_squeeze %dma_start3A_195 : memref<1x128xi32, #tpu.memory_space<vmem>> -> memref<128xi32, #tpu.memory_space<vmem>>
        %dma_start3A_197 = arith.constant 0 : i32
        %dma_start3A_198 = tpu.memref_slice %arg13[%dma_start3A_197] : memref<100352xf32, #tpu.memory_space<vmem_shared>> -> memref<100352xf32, #tpu.memory_space<vmem_shared>>
        tpu.enqueue_indirect_dma source(%dma_start3A_198 : memref<100352xf32, #tpu.memory_space<vmem_shared>>) target(%dma_start3A_193 : memref<128xf32, #tpu.memory_space<vmem>>) offsets(%dma_start3A_196 : memref<128xi32, #tpu.memory_space<vmem>>) semaphore(%arg20 : memref<!tpu.dma_semaphore, #tpu.memory_space<semaphore_mem>>)
        %dma_start3A_199 = arith.constant 2 : i32
        %dma_start3A_200 = arith.constant 0 : i32
        %dma_start3A_201 = arith.constant 0 : i32
        %dma_start3A_202 = tpu.memref_slice %arg18[%rem3A_170, %dma_start3A_200, %dma_start3A_201] : memref<2x4x128xf32, #tpu.memory_space<vmem>> -> memref<1x4x128xf32, #tpu.memory_space<vmem>>
        %dma_start3A_203 = tpu.memref_squeeze %dma_start3A_202 : memref<1x4x128xf32, #tpu.memory_space<vmem>> -> memref<4x128xf32, #tpu.memory_space<vmem>>
        %dma_start3A_204 = arith.constant 0 : i32
        %dma_start3A_205 = tpu.memref_slice %dma_start3A_203[%dma_start3A_199, %dma_start3A_204] : memref<4x128xf32, #tpu.memory_space<vmem>> -> memref<1x128xf32, #tpu.memory_space<vmem>>
        %dma_start3A_206 = tpu.memref_squeeze %dma_start3A_205 : memref<1x128xf32, #tpu.memory_space<vmem>> -> memref<128xf32, #tpu.memory_space<vmem>>
        %dma_start3A_207 = arith.constant 0 : i32
        %dma_start3A_208 = tpu.memref_slice %arg16[%while3A_166, %dma_start3A_207] : memref<64x128xi32, #tpu.memory_space<vmem>> -> memref<1x128xi32, #tpu.memory_space<vmem>>
        %dma_start3A_209 = tpu.memref_squeeze %dma_start3A_208 : memref<1x128xi32, #tpu.memory_space<vmem>> -> memref<128xi32, #tpu.memory_space<vmem>>
        %dma_start3A_210 = arith.constant 0 : i32
        %dma_start3A_211 = tpu.memref_slice %arg14[%dma_start3A_210] : memref<100352xf32, #tpu.memory_space<vmem_shared>> -> memref<100352xf32, #tpu.memory_space<vmem_shared>>
        tpu.enqueue_indirect_dma source(%dma_start3A_211 : memref<100352xf32, #tpu.memory_space<vmem_shared>>) target(%dma_start3A_206 : memref<128xf32, #tpu.memory_space<vmem>>) offsets(%dma_start3A_209 : memref<128xi32, #tpu.memory_space<vmem>>) semaphore(%arg20 : memref<!tpu.dma_semaphore, #tpu.memory_space<semaphore_mem>>)
        %dma_wait3A_212 = arith.constant 0 : i32
        %dma_wait3A_213 = arith.constant 0 : i32
        %dma_wait3A_214 = arith.constant 0 : i32
        %dma_wait3A_215 = tpu.memref_slice %arg18[%rem3A_170, %dma_wait3A_213, %dma_wait3A_214] : memref<2x4x128xf32, #tpu.memory_space<vmem>> -> memref<1x4x128xf32, #tpu.memory_space<vmem>>
        %dma_wait3A_216 = tpu.memref_squeeze %dma_wait3A_215 : memref<1x4x128xf32, #tpu.memory_space<vmem>> -> memref<4x128xf32, #tpu.memory_space<vmem>>
        %dma_wait3A_217 = arith.constant 0 : i32
        %dma_wait3A_218 = tpu.memref_slice %dma_wait3A_216[%dma_wait3A_212, %dma_wait3A_217] : memref<4x128xf32, #tpu.memory_space<vmem>> -> memref<1x128xf32, #tpu.memory_space<vmem>>
        %dma_wait3A_219 = tpu.memref_squeeze %dma_wait3A_218 : memref<1x128xf32, #tpu.memory_space<vmem>> -> memref<128xf32, #tpu.memory_space<vmem>>
        %dma_wait3A_220 = arith.constant 0 : i32
        %dma_wait3A_221 = tpu.memref_slice %arg16[%while3A_166, %dma_wait3A_220] : memref<64x128xi32, #tpu.memory_space<vmem>> -> memref<1x128xi32, #tpu.memory_space<vmem>>
        %dma_wait3A_222 = tpu.memref_squeeze %dma_wait3A_221 : memref<1x128xi32, #tpu.memory_space<vmem>> -> memref<128xi32, #tpu.memory_space<vmem>>
        %dma_wait3A_223 = arith.constant 0 : i32
        %dma_wait3A_224 = tpu.memref_slice %arg12[%dma_wait3A_223] : memref<100352xf32, #tpu.memory_space<vmem_shared>> -> memref<100352xf32, #tpu.memory_space<vmem_shared>>
        tpu.wait_indirect_dma semaphore(%arg20 : memref<!tpu.dma_semaphore, #tpu.memory_space<semaphore_mem>>) src(%dma_wait3A_224 : memref<100352xf32, #tpu.memory_space<vmem_shared>>) dst(%dma_wait3A_219 : memref<128xf32, #tpu.memory_space<vmem>>)
        %dma_wait3A_225 = arith.constant 1 : i32
        %dma_wait3A_226 = arith.constant 0 : i32
        %dma_wait3A_227 = arith.constant 0 : i32
        %dma_wait3A_228 = tpu.memref_slice %arg18[%rem3A_170, %dma_wait3A_226, %dma_wait3A_227] : memref<2x4x128xf32, #tpu.memory_space<vmem>> -> memref<1x4x128xf32, #tpu.memory_space<vmem>>
        %dma_wait3A_229 = tpu.memref_squeeze %dma_wait3A_228 : memref<1x4x128xf32, #tpu.memory_space<vmem>> -> memref<4x128xf32, #tpu.memory_space<vmem>>
        %dma_wait3A_230 = arith.constant 0 : i32
        %dma_wait3A_231 = tpu.memref_slice %dma_wait3A_229[%dma_wait3A_225, %dma_wait3A_230] : memref<4x128xf32, #tpu.memory_space<vmem>> -> memref<1x128xf32, #tpu.memory_space<vmem>>
        %dma_wait3A_232 = tpu.memref_squeeze %dma_wait3A_231 : memref<1x128xf32, #tpu.memory_space<vmem>> -> memref<128xf32, #tpu.memory_space<vmem>>
        %dma_wait3A_233 = arith.constant 0 : i32
        %dma_wait3A_234 = tpu.memref_slice %arg16[%while3A_166, %dma_wait3A_233] : memref<64x128xi32, #tpu.memory_space<vmem>> -> memref<1x128xi32, #tpu.memory_space<vmem>>
        %dma_wait3A_235 = tpu.memref_squeeze %dma_wait3A_234 : memref<1x128xi32, #tpu.memory_space<vmem>> -> memref<128xi32, #tpu.memory_space<vmem>>
        %dma_wait3A_236 = arith.constant 0 : i32
        %dma_wait3A_237 = tpu.memref_slice %arg13[%dma_wait3A_236] : memref<100352xf32, #tpu.memory_space<vmem_shared>> -> memref<100352xf32, #tpu.memory_space<vmem_shared>>
        tpu.wait_indirect_dma semaphore(%arg20 : memref<!tpu.dma_semaphore, #tpu.memory_space<semaphore_mem>>) src(%dma_wait3A_237 : memref<100352xf32, #tpu.memory_space<vmem_shared>>) dst(%dma_wait3A_232 : memref<128xf32, #tpu.memory_space<vmem>>)
        %dma_wait3A_238 = arith.constant 2 : i32
        %dma_wait3A_239 = arith.constant 0 : i32
        %dma_wait3A_240 = arith.constant 0 : i32
        %dma_wait3A_241 = tpu.memref_slice %arg18[%rem3A_170, %dma_wait3A_239, %dma_wait3A_240] : memref<2x4x128xf32, #tpu.memory_space<vmem>> -> memref<1x4x128xf32, #tpu.memory_space<vmem>>
        %dma_wait3A_242 = tpu.memref_squeeze %dma_wait3A_241 : memref<1x4x128xf32, #tpu.memory_space<vmem>> -> memref<4x128xf32, #tpu.memory_space<vmem>>
        %dma_wait3A_243 = arith.constant 0 : i32
        %dma_wait3A_244 = tpu.memref_slice %dma_wait3A_242[%dma_wait3A_238, %dma_wait3A_243] : memref<4x128xf32, #tpu.memory_space<vmem>> -> memref<1x128xf32, #tpu.memory_space<vmem>>
        %dma_wait3A_245 = tpu.memref_squeeze %dma_wait3A_244 : memref<1x128xf32, #tpu.memory_space<vmem>> -> memref<128xf32, #tpu.memory_space<vmem>>
        %dma_wait3A_246 = arith.constant 0 : i32
        %dma_wait3A_247 = tpu.memref_slice %arg16[%while3A_166, %dma_wait3A_246] : memref<64x128xi32, #tpu.memory_space<vmem>> -> memref<1x128xi32, #tpu.memory_space<vmem>>
        %dma_wait3A_248 = tpu.memref_squeeze %dma_wait3A_247 : memref<1x128xi32, #tpu.memory_space<vmem>> -> memref<128xi32, #tpu.memory_space<vmem>>
        %dma_wait3A_249 = arith.constant 0 : i32
        %dma_wait3A_250 = tpu.memref_slice %arg14[%dma_wait3A_249] : memref<100352xf32, #tpu.memory_space<vmem_shared>> -> memref<100352xf32, #tpu.memory_space<vmem_shared>>
        tpu.wait_indirect_dma semaphore(%arg20 : memref<!tpu.dma_semaphore, #tpu.memory_space<semaphore_mem>>) src(%dma_wait3A_250 : memref<100352xf32, #tpu.memory_space<vmem_shared>>) dst(%dma_wait3A_245 : memref<128xf32, #tpu.memory_space<vmem>>)
        %dma_start3A_251 = arith.constant 0 : i32
        %dma_start3A_252 = arith.constant 0 : i32
        %dma_start3A_253 = arith.constant 0 : i32
        %dma_start3A_254 = tpu.memref_slice %arg18[%rem3A_170, %dma_start3A_252, %dma_start3A_253] : memref<2x4x128xf32, #tpu.memory_space<vmem>> -> memref<1x4x128xf32, #tpu.memory_space<vmem>>
        %dma_start3A_255 = tpu.memref_squeeze %dma_start3A_254 : memref<1x4x128xf32, #tpu.memory_space<vmem>> -> memref<4x128xf32, #tpu.memory_space<vmem>>
        %dma_start3A_256 = arith.constant 0 : i32
        %dma_start3A_257 = tpu.memref_slice %dma_start3A_255[%dma_start3A_251, %dma_start3A_256] : memref<4x128xf32, #tpu.memory_space<vmem>> -> memref<1x128xf32, #tpu.memory_space<vmem>>
        %dma_start3A_258 = tpu.memref_squeeze %dma_start3A_257 : memref<1x128xf32, #tpu.memory_space<vmem>> -> memref<128xf32, #tpu.memory_space<vmem>>
        %dma_start3A_259 = arith.constant 0 : i32
        %dma_start3A_260 = tpu.memref_slice %arg17[%while3A_166, %dma_start3A_259] : memref<64x128xi32, #tpu.memory_space<vmem>> -> memref<1x128xi32, #tpu.memory_space<vmem>>
        %dma_start3A_261 = tpu.memref_squeeze %dma_start3A_260 : memref<1x128xi32, #tpu.memory_space<vmem>> -> memref<128xi32, #tpu.memory_space<vmem>>
        %dma_start3A_262 = arith.constant 0 : i32
        %dma_start3A_263 = tpu.memref_slice %arg8[%dma_start3A_262] : memref<100352xf32, #tpu.memory_space<vmem_shared>> -> memref<100352xf32, #tpu.memory_space<vmem_shared>>
        tpu.enqueue_indirect_dma source(%dma_start3A_258 : memref<128xf32, #tpu.memory_space<vmem>>) target(%dma_start3A_263 : memref<100352xf32, #tpu.memory_space<vmem_shared>>) offsets(%dma_start3A_261 : memref<128xi32, #tpu.memory_space<vmem>>) semaphore(%arg21 : memref<!tpu.dma_semaphore, #tpu.memory_space<semaphore_mem>>) {add = true}
        %dma_start3A_264 = arith.constant 1 : i32
        %dma_start3A_265 = arith.constant 0 : i32
        %dma_start3A_266 = arith.constant 0 : i32
        %dma_start3A_267 = tpu.memref_slice %arg18[%rem3A_170, %dma_start3A_265, %dma_start3A_266] : memref<2x4x128xf32, #tpu.memory_space<vmem>> -> memref<1x4x128xf32, #tpu.memory_space<vmem>>
        %dma_start3A_268 = tpu.memref_squeeze %dma_start3A_267 : memref<1x4x128xf32, #tpu.memory_space<vmem>> -> memref<4x128xf32, #tpu.memory_space<vmem>>
        %dma_start3A_269 = arith.constant 0 : i32
        %dma_start3A_270 = tpu.memref_slice %dma_start3A_268[%dma_start3A_264, %dma_start3A_269] : memref<4x128xf32, #tpu.memory_space<vmem>> -> memref<1x128xf32, #tpu.memory_space<vmem>>
        %dma_start3A_271 = tpu.memref_squeeze %dma_start3A_270 : memref<1x128xf32, #tpu.memory_space<vmem>> -> memref<128xf32, #tpu.memory_space<vmem>>
        %dma_start3A_272 = arith.constant 0 : i32
        %dma_start3A_273 = tpu.memref_slice %arg17[%while3A_166, %dma_start3A_272] : memref<64x128xi32, #tpu.memory_space<vmem>> -> memref<1x128xi32, #tpu.memory_space<vmem>>
        %dma_start3A_274 = tpu.memref_squeeze %dma_start3A_273 : memref<1x128xi32, #tpu.memory_space<vmem>> -> memref<128xi32, #tpu.memory_space<vmem>>
        %dma_start3A_275 = arith.constant 0 : i32
        %dma_start3A_276 = tpu.memref_slice %arg9[%dma_start3A_275] : memref<100352xf32, #tpu.memory_space<vmem_shared>> -> memref<100352xf32, #tpu.memory_space<vmem_shared>>
        tpu.enqueue_indirect_dma source(%dma_start3A_271 : memref<128xf32, #tpu.memory_space<vmem>>) target(%dma_start3A_276 : memref<100352xf32, #tpu.memory_space<vmem_shared>>) offsets(%dma_start3A_274 : memref<128xi32, #tpu.memory_space<vmem>>) semaphore(%arg21 : memref<!tpu.dma_semaphore, #tpu.memory_space<semaphore_mem>>) {add = true}
        %dma_start3A_277 = arith.constant 2 : i32
        %dma_start3A_278 = arith.constant 0 : i32
        %dma_start3A_279 = arith.constant 0 : i32
        %dma_start3A_280 = tpu.memref_slice %arg18[%rem3A_170, %dma_start3A_278, %dma_start3A_279] : memref<2x4x128xf32, #tpu.memory_space<vmem>> -> memref<1x4x128xf32, #tpu.memory_space<vmem>>
        %dma_start3A_281 = tpu.memref_squeeze %dma_start3A_280 : memref<1x4x128xf32, #tpu.memory_space<vmem>> -> memref<4x128xf32, #tpu.memory_space<vmem>>
        %dma_start3A_282 = arith.constant 0 : i32
        %dma_start3A_283 = tpu.memref_slice %dma_start3A_281[%dma_start3A_277, %dma_start3A_282] : memref<4x128xf32, #tpu.memory_space<vmem>> -> memref<1x128xf32, #tpu.memory_space<vmem>>
        %dma_start3A_284 = tpu.memref_squeeze %dma_start3A_283 : memref<1x128xf32, #tpu.memory_space<vmem>> -> memref<128xf32, #tpu.memory_space<vmem>>
        %dma_start3A_285 = arith.constant 0 : i32
        %dma_start3A_286 = tpu.memref_slice %arg17[%while3A_166, %dma_start3A_285] : memref<64x128xi32, #tpu.memory_space<vmem>> -> memref<1x128xi32, #tpu.memory_space<vmem>>
        %dma_start3A_287 = tpu.memref_squeeze %dma_start3A_286 : memref<1x128xi32, #tpu.memory_space<vmem>> -> memref<128xi32, #tpu.memory_space<vmem>>
        %dma_start3A_288 = arith.constant 0 : i32
        %dma_start3A_289 = tpu.memref_slice %arg10[%dma_start3A_288] : memref<100352xf32, #tpu.memory_space<vmem_shared>> -> memref<100352xf32, #tpu.memory_space<vmem_shared>>
        tpu.enqueue_indirect_dma source(%dma_start3A_284 : memref<128xf32, #tpu.memory_space<vmem>>) target(%dma_start3A_289 : memref<100352xf32, #tpu.memory_space<vmem_shared>>) offsets(%dma_start3A_287 : memref<128xi32, #tpu.memory_space<vmem>>) semaphore(%arg21 : memref<!tpu.dma_semaphore, #tpu.memory_space<semaphore_mem>>) {add = true}
        %dma_start3A_290 = arith.constant 0 : i32
        %dma_start3A_291 = tpu.memref_slice %arg17[%while3A_166, %dma_start3A_290] : memref<64x128xi32, #tpu.memory_space<vmem>> -> memref<1x128xi32, #tpu.memory_space<vmem>>
        %dma_start3A_292 = tpu.memref_squeeze %dma_start3A_291 : memref<1x128xi32, #tpu.memory_space<vmem>> -> memref<128xi32, #tpu.memory_space<vmem>>
        %dma_start3A_293 = arith.constant 0 : i32
        %dma_start3A_294 = tpu.memref_slice %arg11[%dma_start3A_293] : memref<100352xf32, #tpu.memory_space<vmem_shared>> -> memref<100352xf32, #tpu.memory_space<vmem_shared>>
        tpu.enqueue_indirect_dma source(%arg19 : memref<128xf32, #tpu.memory_space<vmem>>) target(%dma_start3A_294 : memref<100352xf32, #tpu.memory_space<vmem_shared>>) offsets(%dma_start3A_292 : memref<128xi32, #tpu.memory_space<vmem>>) semaphore(%arg21 : memref<!tpu.dma_semaphore, #tpu.memory_space<semaphore_mem>>) {add = true}
      }
      %while3A_165 = arith.constant 1 : i32
      scf.for %while3A_166 = %while3A_163 to %while3A_159 step %while3A_165  : i32 {
        %mul3A_167 = arith.constant 64 : i32
        %mul3A_168 = arith.muli %scan3A_149, %mul3A_167 : i32
        %add3A_169 = arith.addi %mul3A_168, %while3A_166 : i32
        %rem3A = arith.constant 2 : i32
        %rem3A_170 = arith.remsi %add3A_169, %rem3A : i32
        %ge3A = arith.constant 2 : i32
        %ge3A_171 = arith.cmpi sge, %add3A_169, %ge3A : i32
        %convert_element_type3A_172 = arith.extui %ge3A_171 : i1 to i32
        %cond3A = arith.constant 0 : i32
        %cond3A_173 = arith.cmpi ne, %convert_element_type3A_172, %cond3A : i32
        scf.if %cond3A_173 {
          %dma_wait3A_295 = arith.constant 0 : i32
          %dma_wait3A_296 = arith.constant 0 : i32
          %dma_wait3A_297 = arith.constant 0 : i32
          %dma_wait3A_298 = tpu.memref_slice %arg18[%rem3A_170, %dma_wait3A_296, %dma_wait3A_297] : memref<2x4x128xf32, #tpu.memory_space<vmem>> -> memref<1x4x128xf32, #tpu.memory_space<vmem>>
          %dma_wait3A_299 = tpu.memref_squeeze %dma_wait3A_298 : memref<1x4x128xf32, #tpu.memory_space<vmem>> -> memref<4x128xf32, #tpu.memory_space<vmem>>
          %dma_wait3A_300 = arith.constant 0 : i32
          %dma_wait3A_301 = tpu.memref_slice %dma_wait3A_299[%dma_wait3A_295, %dma_wait3A_300] : memref<4x128xf32, #tpu.memory_space<vmem>> -> memref<1x128xf32, #tpu.memory_space<vmem>>
          %dma_wait3A_302 = tpu.memref_squeeze %dma_wait3A_301 : memref<1x128xf32, #tpu.memory_space<vmem>> -> memref<128xf32, #tpu.memory_space<vmem>>
          %dma_wait3A_303 = arith.constant 0 : i32
          %dma_wait3A_304 = tpu.memref_slice %arg5[%dma_wait3A_303] : memref<100352xf32, #tpu.memory_space<hbm>> -> memref<128xf32, #tpu.memory_space<hbm>>
          %dma_wait3A_305 = arith.constant 0 : i32
          %dma_wait3A_306 = arith.constant 0 : i32
          %dma_wait3A_307 = tpu.memref_slice %arg18[%rem3A_170, %dma_wait3A_305, %dma_wait3A_306] : memref<2x4x128xf32, #tpu.memory_space<vmem>> -> memref<1x4x128xf32, #tpu.memory_space<vmem>>
          %dma_wait3A_308 = tpu.memref_squeeze %dma_wait3A_307 : memref<1x4x128xf32, #tpu.memory_space<vmem>> -> memref<4x128xf32, #tpu.memory_space<vmem>>
          %dma_wait3A_309 = arith.constant 0 : i32
          %dma_wait3A_310 = tpu.memref_slice %dma_wait3A_308[%dma_wait3A_295, %dma_wait3A_309] : memref<4x128xf32, #tpu.memory_space<vmem>> -> memref<1x128xf32, #tpu.memory_space<vmem>>
          %dma_wait3A_311 = tpu.memref_squeeze %dma_wait3A_310 : memref<1x128xf32, #tpu.memory_space<vmem>> -> memref<128xf32, #tpu.memory_space<vmem>>
          %dma_wait3A_312 = arith.constant 0 : i32
          %dma_wait3A_313 = tpu.memref_slice %arg5[%dma_wait3A_312] : memref<100352xf32, #tpu.memory_space<hbm>> -> memref<128xf32, #tpu.memory_space<hbm>>
          tpu.wait_dma2 semaphore(%arg21 : memref<!tpu.dma_semaphore, #tpu.memory_space<semaphore_mem>>) src(%dma_wait3A_313 : memref<128xf32, #tpu.memory_space<hbm>>) dst(%dma_wait3A_311 : memref<128xf32, #tpu.memory_space<vmem>>)
          %dma_wait3A_314 = arith.constant 1 : i32
          %dma_wait3A_315 = arith.constant 0 : i32
          %dma_wait3A_316 = arith.constant 0 : i32
          %dma_wait3A_317 = tpu.memref_slice %arg18[%rem3A_170, %dma_wait3A_315, %dma_wait3A_316] : memref<2x4x128xf32, #tpu.memory_space<vmem>> -> memref<1x4x128xf32, #tpu.memory_space<vmem>>
          %dma_wait3A_318 = tpu.memref_squeeze %dma_wait3A_317 : memref<1x4x128xf32, #tpu.memory_space<vmem>> -> memref<4x128xf32, #tpu.memory_space<vmem>>
          %dma_wait3A_319 = arith.constant 0 : i32
          %dma_wait3A_320 = tpu.memref_slice %dma_wait3A_318[%dma_wait3A_314, %dma_wait3A_319] : memref<4x128xf32, #tpu.memory_space<vmem>> -> memref<1x128xf32, #tpu.memory_space<vmem>>
          %dma_wait3A_321 = tpu.memref_squeeze %dma_wait3A_320 : memref<1x128xf32, #tpu.memory_space<vmem>> -> memref<128xf32, #tpu.memory_space<vmem>>
          %dma_wait3A_322 = arith.constant 0 : i32
          %dma_wait3A_323 = tpu.memref_slice %arg5[%dma_wait3A_322] : memref<100352xf32, #tpu.memory_space<hbm>> -> memref<128xf32, #tpu.memory_space<hbm>>
          %dma_wait3A_324 = arith.constant 0 : i32
          %dma_wait3A_325 = arith.constant 0 : i32
          %dma_wait3A_326 = tpu.memref_slice %arg18[%rem3A_170, %dma_wait3A_324, %dma_wait3A_325] : memref<2x4x128xf32, #tpu.memory_space<vmem>> -> memref<1x4x128xf32, #tpu.memory_space<vmem>>
          %dma_wait3A_327 = tpu.memref_squeeze %dma_wait3A_326 : memref<1x4x128xf32, #tpu.memory_space<vmem>> -> memref<4x128xf32, #tpu.memory_space<vmem>>
          %dma_wait3A_328 = arith.constant 0 : i32
          %dma_wait3A_329 = tpu.memref_slice %dma_wait3A_327[%dma_wait3A_314, %dma_wait3A_328] : memref<4x128xf32, #tpu.memory_space<vmem>> -> memref<1x128xf32, #tpu.memory_space<vmem>>
          %dma_wait3A_330 = tpu.memref_squeeze %dma_wait3A_329 : memref<1x128xf32, #tpu.memory_space<vmem>> -> memref<128xf32, #tpu.memory_space<vmem>>
          %dma_wait3A_331 = arith.constant 0 : i32
          %dma_wait3A_332 = tpu.memref_slice %arg5[%dma_wait3A_331] : memref<100352xf32, #tpu.memory_space<hbm>> -> memref<128xf32, #tpu.memory_space<hbm>>
          tpu.wait_dma2 semaphore(%arg21 : memref<!tpu.dma_semaphore, #tpu.memory_space<semaphore_mem>>) src(%dma_wait3A_332 : memref<128xf32, #tpu.memory_space<hbm>>) dst(%dma_wait3A_330 : memref<128xf32, #tpu.memory_space<vmem>>)
          %dma_wait3A_333 = arith.constant 2 : i32
          %dma_wait3A_334 = arith.constant 0 : i32
          %dma_wait3A_335 = arith.constant 0 : i32
          %dma_wait3A_336 = tpu.memref_slice %arg18[%rem3A_170, %dma_wait3A_334, %dma_wait3A_335] : memref<2x4x128xf32, #tpu.memory_space<vmem>> -> memref<1x4x128xf32, #tpu.memory_space<vmem>>
          %dma_wait3A_337 = tpu.memref_squeeze %dma_wait3A_336 : memref<1x4x128xf32, #tpu.memory_space<vmem>> -> memref<4x128xf32, #tpu.memory_space<vmem>>
          %dma_wait3A_338 = arith.constant 0 : i32
          %dma_wait3A_339 = tpu.memref_slice %dma_wait3A_337[%dma_wait3A_333, %dma_wait3A_338] : memref<4x128xf32, #tpu.memory_space<vmem>> -> memref<1x128xf32, #tpu.memory_space<vmem>>
          %dma_wait3A_340 = tpu.memref_squeeze %dma_wait3A_339 : memref<1x128xf32, #tpu.memory_space<vmem>> -> memref<128xf32, #tpu.memory_space<vmem>>
          %dma_wait3A_341 = arith.constant 0 : i32
          %dma_wait3A_342 = tpu.memref_slice %arg5[%dma_wait3A_341] : memref<100352xf32, #tpu.memory_space<hbm>> -> memref<128xf32, #tpu.memory_space<hbm>>
          %dma_wait3A_343 = arith.constant 0 : i32
          %dma_wait3A_344 = arith.constant 0 : i32
          %dma_wait3A_345 = tpu.memref_slice %arg18[%rem3A_170, %dma_wait3A_343, %dma_wait3A_344] : memref<2x4x128xf32, #tpu.memory_space<vmem>> -> memref<1x4x128xf32, #tpu.memory_space<vmem>>
          %dma_wait3A_346 = tpu.memref_squeeze %dma_wait3A_345 : memref<1x4x128xf32, #tpu.memory_space<vmem>> -> memref<4x128xf32, #tpu.memory_space<vmem>>
          %dma_wait3A_347 = arith.constant 0 : i32
          %dma_wait3A_348 = tpu.memref_slice %dma_wait3A_346[%dma_wait3A_333, %dma_wait3A_347] : memref<4x128xf32, #tpu.memory_space<vmem>> -> memref<1x128xf32, #tpu.memory_space<vmem>>
          %dma_wait3A_349 = tpu.memref_squeeze %dma_wait3A_348 : memref<1x128xf32, #tpu.memory_space<vmem>> -> memref<128xf32, #tpu.memory_space<vmem>>
          %dma_wait3A_350 = arith.constant 0 : i32
          %dma_wait3A_351 = tpu.memref_slice %arg5[%dma_wait3A_350] : memref<100352xf32, #tpu.memory_space<hbm>> -> memref<128xf32, #tpu.memory_space<hbm>>
          tpu.wait_dma2 semaphore(%arg21 : memref<!tpu.dma_semaphore, #tpu.memory_space<semaphore_mem>>) src(%dma_wait3A_351 : memref<128xf32, #tpu.memory_space<hbm>>) dst(%dma_wait3A_349 : memref<128xf32, #tpu.memory_space<vmem>>)
          %dma_wait3A_352 = arith.constant 0 : i32
          %dma_wait3A_353 = tpu.memref_slice %arg5[%dma_wait3A_352] : memref<100352xf32, #tpu.memory_space<hbm>> -> memref<128xf32, #tpu.memory_space<hbm>>
          %dma_wait3A_354 = arith.constant 0 : i32
          %dma_wait3A_355 = tpu.memref_slice %arg5[%dma_wait3A_354] : memref<100352xf32, #tpu.memory_space<hbm>> -> memref<128xf32, #tpu.memory_space<hbm>>
          tpu.wait_dma2 semaphore(%arg21 : memref<!tpu.dma_semaphore, #tpu.memory_space<semaphore_mem>>) src(%dma_wait3A_355 : memref<128xf32, #tpu.memory_space<hbm>>) dst(%arg19 : memref<128xf32, #tpu.memory_space<vmem>>)
        } else {
        }
        %dma_start3A = arith.constant 0 : i32
        %dma_start3A_174 = arith.constant 0 : i32
        %dma_start3A_175 = arith.constant 0 : i32
        %dma_start3A_176 = tpu.memref_slice %arg18[%rem3A_170, %dma_start3A_174, %dma_start3A_175] : memref<2x4x128xf32, #tpu.memory_space<vmem>> -> memref<1x4x128xf32, #tpu.memory_space<vmem>>
        %dma_start3A_177 = tpu.memref_squeeze %dma_start3A_176 : memref<1x4x128xf32, #tpu.memory_space<vmem>> -> memref<4x128xf32, #tpu.memory_space<vmem>>
        %dma_start3A_178 = arith.constant 0 : i32
        %dma_start3A_179 = tpu.memref_slice %dma_start3A_177[%dma_start3A, %dma_start3A_178] : memref<4x128xf32, #tpu.memory_space<vmem>> -> memref<1x128xf32, #tpu.memory_space<vmem>>
        %dma_start3A_180 = tpu.memref_squeeze %dma_start3A_179 : memref<1x128xf32, #tpu.memory_space<vmem>> -> memref<128xf32, #tpu.memory_space<vmem>>
        %dma_start3A_181 = arith.constant 0 : i32
        %dma_start3A_182 = tpu.memref_slice %arg16[%while3A_166, %dma_start3A_181] : memref<64x128xi32, #tpu.memory_space<vmem>> -> memref<1x128xi32, #tpu.memory_space<vmem>>
        %dma_start3A_183 = tpu.memref_squeeze %dma_start3A_182 : memref<1x128xi32, #tpu.memory_space<vmem>> -> memref<128xi32, #tpu.memory_space<vmem>>
        %dma_start3A_184 = arith.constant 0 : i32
        %dma_start3A_185 = tpu.memref_slice %arg12[%dma_start3A_184] : memref<100352xf32, #tpu.memory_space<vmem_shared>> -> memref<100352xf32, #tpu.memory_space<vmem_shared>>
        tpu.enqueue_indirect_dma source(%dma_start3A_185 : memref<100352xf32, #tpu.memory_space<vmem_shared>>) target(%dma_start3A_180 : memref<128xf32, #tpu.memory_space<vmem>>) offsets(%dma_start3A_183 : memref<128xi32, #tpu.memory_space<vmem>>) semaphore(%arg20 : memref<!tpu.dma_semaphore, #tpu.memory_space<semaphore_mem>>)
        %dma_start3A_186 = arith.constant 1 : i32
        %dma_start3A_187 = arith.constant 0 : i32
        %dma_start3A_188 = arith.constant 0 : i32
        %dma_start3A_189 = tpu.memref_slice %arg18[%rem3A_170, %dma_start3A_187, %dma_start3A_188] : memref<2x4x128xf32, #tpu.memory_space<vmem>> -> memref<1x4x128xf32, #tpu.memory_space<vmem>>
        %dma_start3A_190 = tpu.memref_squeeze %dma_start3A_189 : memref<1x4x128xf32, #tpu.memory_space<vmem>> -> memref<4x128xf32, #tpu.memory_space<vmem>>
        %dma_start3A_191 = arith.constant 0 : i32
        %dma_start3A_192 = tpu.memref_slice %dma_start3A_190[%dma_start3A_186, %dma_start3A_191] : memref<4x128xf32, #tpu.memory_space<vmem>> -> memref<1x128xf32, #tpu.memory_space<vmem>>
        %dma_start3A_193 = tpu.memref_squeeze %dma_start3A_192 : memref<1x128xf32, #tpu.memory_space<vmem>> -> memref<128xf32, #tpu.memory_space<vmem>>
        %dma_start3A_194 = arith.constant 0 : i32
        %dma_start3A_195 = tpu.memref_slice %arg16[%while3A_166, %dma_start3A_194] : memref<64x128xi32, #tpu.memory_space<vmem>> -> memref<1x128xi32, #tpu.memory_space<vmem>>
        %dma_start3A_196 = tpu.memref_squeeze %dma_start3A_195 : memref<1x128xi32, #tpu.memory_space<vmem>> -> memref<128xi32, #tpu.memory_space<vmem>>
        %dma_start3A_197 = arith.constant 0 : i32
        %dma_start3A_198 = tpu.memref_slice %arg13[%dma_start3A_197] : memref<100352xf32, #tpu.memory_space<vmem_shared>> -> memref<100352xf32, #tpu.memory_space<vmem_shared>>
        tpu.enqueue_indirect_dma source(%dma_start3A_198 : memref<100352xf32, #tpu.memory_space<vmem_shared>>) target(%dma_start3A_193 : memref<128xf32, #tpu.memory_space<vmem>>) offsets(%dma_start3A_196 : memref<128xi32, #tpu.memory_space<vmem>>) semaphore(%arg20 : memref<!tpu.dma_semaphore, #tpu.memory_space<semaphore_mem>>)
        %dma_start3A_199 = arith.constant 2 : i32
        %dma_start3A_200 = arith.constant 0 : i32
        %dma_start3A_201 = arith.constant 0 : i32
        %dma_start3A_202 = tpu.memref_slice %arg18[%rem3A_170, %dma_start3A_200, %dma_start3A_201] : memref<2x4x128xf32, #tpu.memory_space<vmem>> -> memref<1x4x128xf32, #tpu.memory_space<vmem>>
        %dma_start3A_203 = tpu.memref_squeeze %dma_start3A_202 : memref<1x4x128xf32, #tpu.memory_space<vmem>> -> memref<4x128xf32, #tpu.memory_space<vmem>>
        %dma_start3A_204 = arith.constant 0 : i32
        %dma_start3A_205 = tpu.memref_slice %dma_start3A_203[%dma_start3A_199, %dma_start3A_204] : memref<4x128xf32, #tpu.memory_space<vmem>> -> memref<1x128xf32, #tpu.memory_space<vmem>>
        %dma_start3A_206 = tpu.memref_squeeze %dma_start3A_205 : memref<1x128xf32, #tpu.memory_space<vmem>> -> memref<128xf32, #tpu.memory_space<vmem>>
        %dma_start3A_207 = arith.constant 0 : i32
        %dma_start3A_208 = tpu.memref_slice %arg16[%while3A_166, %dma_start3A_207] : memref<64x128xi32, #tpu.memory_space<vmem>> -> memref<1x128xi32, #tpu.memory_space<vmem>>
        %dma_start3A_209 = tpu.memref_squeeze %dma_start3A_208 : memref<1x128xi32, #tpu.memory_space<vmem>> -> memref<128xi32, #tpu.memory_space<vmem>>
        %dma_start3A_210 = arith.constant 0 : i32
        %dma_start3A_211 = tpu.memref_slice %arg14[%dma_start3A_210] : memref<100352xf32, #tpu.memory_space<vmem_shared>> -> memref<100352xf32, #tpu.memory_space<vmem_shared>>
        tpu.enqueue_indirect_dma source(%dma_start3A_211 : memref<100352xf32, #tpu.memory_space<vmem_shared>>) target(%dma_start3A_206 : memref<128xf32, #tpu.memory_space<vmem>>) offsets(%dma_start3A_209 : memref<128xi32, #tpu.memory_space<vmem>>) semaphore(%arg20 : memref<!tpu.dma_semaphore, #tpu.memory_space<semaphore_mem>>)
        %dma_wait3A_212 = arith.constant 0 : i32
        %dma_wait3A_213 = arith.constant 0 : i32
        %dma_wait3A_214 = arith.constant 0 : i32
        %dma_wait3A_215 = tpu.memref_slice %arg18[%rem3A_170, %dma_wait3A_213, %dma_wait3A_214] : memref<2x4x128xf32, #tpu.memory_space<vmem>> -> memref<1x4x128xf32, #tpu.memory_space<vmem>>
        %dma_wait3A_216 = tpu.memref_squeeze %dma_wait3A_215 : memref<1x4x128xf32, #tpu.memory_space<vmem>> -> memref<4x128xf32, #tpu.memory_space<vmem>>
        %dma_wait3A_217 = arith.constant 0 : i32
        %dma_wait3A_218 = tpu.memref_slice %dma_wait3A_216[%dma_wait3A_212, %dma_wait3A_217] : memref<4x128xf32, #tpu.memory_space<vmem>> -> memref<1x128xf32, #tpu.memory_space<vmem>>
        %dma_wait3A_219 = tpu.memref_squeeze %dma_wait3A_218 : memref<1x128xf32, #tpu.memory_space<vmem>> -> memref<128xf32, #tpu.memory_space<vmem>>
        %dma_wait3A_220 = arith.constant 0 : i32
        %dma_wait3A_221 = tpu.memref_slice %arg16[%while3A_166, %dma_wait3A_220] : memref<64x128xi32, #tpu.memory_space<vmem>> -> memref<1x128xi32, #tpu.memory_space<vmem>>
        %dma_wait3A_222 = tpu.memref_squeeze %dma_wait3A_221 : memref<1x128xi32, #tpu.memory_space<vmem>> -> memref<128xi32, #tpu.memory_space<vmem>>
        %dma_wait3A_223 = arith.constant 0 : i32
        %dma_wait3A_224 = tpu.memref_slice %arg12[%dma_wait3A_223] : memref<100352xf32, #tpu.memory_space<vmem_shared>> -> memref<100352xf32, #tpu.memory_space<vmem_shared>>
        tpu.wait_indirect_dma semaphore(%arg20 : memref<!tpu.dma_semaphore, #tpu.memory_space<semaphore_mem>>) src(%dma_wait3A_224 : memref<100352xf32, #tpu.memory_space<vmem_shared>>) dst(%dma_wait3A_219 : memref<128xf32, #tpu.memory_space<vmem>>)
        %dma_wait3A_225 = arith.constant 1 : i32
        %dma_wait3A_226 = arith.constant 0 : i32
        %dma_wait3A_227 = arith.constant 0 : i32
        %dma_wait3A_228 = tpu.memref_slice %arg18[%rem3A_170, %dma_wait3A_226, %dma_wait3A_227] : memref<2x4x128xf32, #tpu.memory_space<vmem>> -> memref<1x4x128xf32, #tpu.memory_space<vmem>>
        %dma_wait3A_229 = tpu.memref_squeeze %dma_wait3A_228 : memref<1x4x128xf32, #tpu.memory_space<vmem>> -> memref<4x128xf32, #tpu.memory_space<vmem>>
        %dma_wait3A_230 = arith.constant 0 : i32
        %dma_wait3A_231 = tpu.memref_slice %dma_wait3A_229[%dma_wait3A_225, %dma_wait3A_230] : memref<4x128xf32, #tpu.memory_space<vmem>> -> memref<1x128xf32, #tpu.memory_space<vmem>>
        %dma_wait3A_232 = tpu.memref_squeeze %dma_wait3A_231 : memref<1x128xf32, #tpu.memory_space<vmem>> -> memref<128xf32, #tpu.memory_space<vmem>>
        %dma_wait3A_233 = arith.constant 0 : i32
        %dma_wait3A_234 = tpu.memref_slice %arg16[%while3A_166, %dma_wait3A_233] : memref<64x128xi32, #tpu.memory_space<vmem>> -> memref<1x128xi32, #tpu.memory_space<vmem>>
        %dma_wait3A_235 = tpu.memref_squeeze %dma_wait3A_234 : memref<1x128xi32, #tpu.memory_space<vmem>> -> memref<128xi32, #tpu.memory_space<vmem>>
        %dma_wait3A_236 = arith.constant 0 : i32
        %dma_wait3A_237 = tpu.memref_slice %arg13[%dma_wait3A_236] : memref<100352xf32, #tpu.memory_space<vmem_shared>> -> memref<100352xf32, #tpu.memory_space<vmem_shared>>
        tpu.wait_indirect_dma semaphore(%arg20 : memref<!tpu.dma_semaphore, #tpu.memory_space<semaphore_mem>>) src(%dma_wait3A_237 : memref<100352xf32, #tpu.memory_space<vmem_shared>>) dst(%dma_wait3A_232 : memref<128xf32, #tpu.memory_space<vmem>>)
        %dma_wait3A_238 = arith.constant 2 : i32
        %dma_wait3A_239 = arith.constant 0 : i32
        %dma_wait3A_240 = arith.constant 0 : i32
        %dma_wait3A_241 = tpu.memref_slice %arg18[%rem3A_170, %dma_wait3A_239, %dma_wait3A_240] : memref<2x4x128xf32, #tpu.memory_space<vmem>> -> memref<1x4x128xf32, #tpu.memory_space<vmem>>
        %dma_wait3A_242 = tpu.memref_squeeze %dma_wait3A_241 : memref<1x4x128xf32, #tpu.memory_space<vmem>> -> memref<4x128xf32, #tpu.memory_space<vmem>>
        %dma_wait3A_243 = arith.constant 0 : i32
        %dma_wait3A_244 = tpu.memref_slice %dma_wait3A_242[%dma_wait3A_238, %dma_wait3A_243] : memref<4x128xf32, #tpu.memory_space<vmem>> -> memref<1x128xf32, #tpu.memory_space<vmem>>
        %dma_wait3A_245 = tpu.memref_squeeze %dma_wait3A_244 : memref<1x128xf32, #tpu.memory_space<vmem>> -> memref<128xf32, #tpu.memory_space<vmem>>
        %dma_wait3A_246 = arith.constant 0 : i32
        %dma_wait3A_247 = tpu.memref_slice %arg16[%while3A_166, %dma_wait3A_246] : memref<64x128xi32, #tpu.memory_space<vmem>> -> memref<1x128xi32, #tpu.memory_space<vmem>>
        %dma_wait3A_248 = tpu.memref_squeeze %dma_wait3A_247 : memref<1x128xi32, #tpu.memory_space<vmem>> -> memref<128xi32, #tpu.memory_space<vmem>>
        %dma_wait3A_249 = arith.constant 0 : i32
        %dma_wait3A_250 = tpu.memref_slice %arg14[%dma_wait3A_249] : memref<100352xf32, #tpu.memory_space<vmem_shared>> -> memref<100352xf32, #tpu.memory_space<vmem_shared>>
        tpu.wait_indirect_dma semaphore(%arg20 : memref<!tpu.dma_semaphore, #tpu.memory_space<semaphore_mem>>) src(%dma_wait3A_250 : memref<100352xf32, #tpu.memory_space<vmem_shared>>) dst(%dma_wait3A_245 : memref<128xf32, #tpu.memory_space<vmem>>)
        %dma_start3A_251 = arith.constant 0 : i32
        %dma_start3A_252 = arith.constant 0 : i32
        %dma_start3A_253 = arith.constant 0 : i32
        %dma_start3A_254 = tpu.memref_slice %arg18[%rem3A_170, %dma_start3A_252, %dma_start3A_253] : memref<2x4x128xf32, #tpu.memory_space<vmem>> -> memref<1x4x128xf32, #tpu.memory_space<vmem>>
        %dma_start3A_255 = tpu.memref_squeeze %dma_start3A_254 : memref<1x4x128xf32, #tpu.memory_space<vmem>> -> memref<4x128xf32, #tpu.memory_space<vmem>>
        %dma_start3A_256 = arith.constant 0 : i32
        %dma_start3A_257 = tpu.memref_slice %dma_start3A_255[%dma_start3A_251, %dma_start3A_256] : memref<4x128xf32, #tpu.memory_space<vmem>> -> memref<1x128xf32, #tpu.memory_space<vmem>>
        %dma_start3A_258 = tpu.memref_squeeze %dma_start3A_257 : memref<1x128xf32, #tpu.memory_space<vmem>> -> memref<128xf32, #tpu.memory_space<vmem>>
        %dma_start3A_259 = arith.constant 0 : i32
        %dma_start3A_260 = tpu.memref_slice %arg17[%while3A_166, %dma_start3A_259] : memref<64x128xi32, #tpu.memory_space<vmem>> -> memref<1x128xi32, #tpu.memory_space<vmem>>
        %dma_start3A_261 = tpu.memref_squeeze %dma_start3A_260 : memref<1x128xi32, #tpu.memory_space<vmem>> -> memref<128xi32, #tpu.memory_space<vmem>>
        %dma_start3A_262 = arith.constant 0 : i32
        %dma_start3A_263 = tpu.memref_slice %arg8[%dma_start3A_262] : memref<100352xf32, #tpu.memory_space<vmem_shared>> -> memref<100352xf32, #tpu.memory_space<vmem_shared>>
        tpu.enqueue_indirect_dma source(%dma_start3A_258 : memref<128xf32, #tpu.memory_space<vmem>>) target(%dma_start3A_263 : memref<100352xf32, #tpu.memory_space<vmem_shared>>) offsets(%dma_start3A_261 : memref<128xi32, #tpu.memory_space<vmem>>) semaphore(%arg21 : memref<!tpu.dma_semaphore, #tpu.memory_space<semaphore_mem>>) {add = true}
        %dma_start3A_264 = arith.constant 1 : i32
        %dma_start3A_265 = arith.constant 0 : i32
        %dma_start3A_266 = arith.constant 0 : i32
        %dma_start3A_267 = tpu.memref_slice %arg18[%rem3A_170, %dma_start3A_265, %dma_start3A_266] : memref<2x4x128xf32, #tpu.memory_space<vmem>> -> memref<1x4x128xf32, #tpu.memory_space<vmem>>
        %dma_start3A_268 = tpu.memref_squeeze %dma_start3A_267 : memref<1x4x128xf32, #tpu.memory_space<vmem>> -> memref<4x128xf32, #tpu.memory_space<vmem>>
        %dma_start3A_269 = arith.constant 0 : i32
        %dma_start3A_270 = tpu.memref_slice %dma_start3A_268[%dma_start3A_264, %dma_start3A_269] : memref<4x128xf32, #tpu.memory_space<vmem>> -> memref<1x128xf32, #tpu.memory_space<vmem>>
        %dma_start3A_271 = tpu.memref_squeeze %dma_start3A_270 : memref<1x128xf32, #tpu.memory_space<vmem>> -> memref<128xf32, #tpu.memory_space<vmem>>
        %dma_start3A_272 = arith.constant 0 : i32
        %dma_start3A_273 = tpu.memref_slice %arg17[%while3A_166, %dma_start3A_272] : memref<64x128xi32, #tpu.memory_space<vmem>> -> memref<1x128xi32, #tpu.memory_space<vmem>>
        %dma_start3A_274 = tpu.memref_squeeze %dma_start3A_273 : memref<1x128xi32, #tpu.memory_space<vmem>> -> memref<128xi32, #tpu.memory_space<vmem>>
        %dma_start3A_275 = arith.constant 0 : i32
        %dma_start3A_276 = tpu.memref_slice %arg9[%dma_start3A_275] : memref<100352xf32, #tpu.memory_space<vmem_shared>> -> memref<100352xf32, #tpu.memory_space<vmem_shared>>
        tpu.enqueue_indirect_dma source(%dma_start3A_271 : memref<128xf32, #tpu.memory_space<vmem>>) target(%dma_start3A_276 : memref<100352xf32, #tpu.memory_space<vmem_shared>>) offsets(%dma_start3A_274 : memref<128xi32, #tpu.memory_space<vmem>>) semaphore(%arg21 : memref<!tpu.dma_semaphore, #tpu.memory_space<semaphore_mem>>) {add = true}
        %dma_start3A_277 = arith.constant 2 : i32
        %dma_start3A_278 = arith.constant 0 : i32
        %dma_start3A_279 = arith.constant 0 : i32
        %dma_start3A_280 = tpu.memref_slice %arg18[%rem3A_170, %dma_start3A_278, %dma_start3A_279] : memref<2x4x128xf32, #tpu.memory_space<vmem>> -> memref<1x4x128xf32, #tpu.memory_space<vmem>>
        %dma_start3A_281 = tpu.memref_squeeze %dma_start3A_280 : memref<1x4x128xf32, #tpu.memory_space<vmem>> -> memref<4x128xf32, #tpu.memory_space<vmem>>
        %dma_start3A_282 = arith.constant 0 : i32
        %dma_start3A_283 = tpu.memref_slice %dma_start3A_281[%dma_start3A_277, %dma_start3A_282] : memref<4x128xf32, #tpu.memory_space<vmem>> -> memref<1x128xf32, #tpu.memory_space<vmem>>
        %dma_start3A_284 = tpu.memref_squeeze %dma_start3A_283 : memref<1x128xf32, #tpu.memory_space<vmem>> -> memref<128xf32, #tpu.memory_space<vmem>>
        %dma_start3A_285 = arith.constant 0 : i32
        %dma_start3A_286 = tpu.memref_slice %arg17[%while3A_166, %dma_start3A_285] : memref<64x128xi32, #tpu.memory_space<vmem>> -> memref<1x128xi32, #tpu.memory_space<vmem>>
        %dma_start3A_287 = tpu.memref_squeeze %dma_start3A_286 : memref<1x128xi32, #tpu.memory_space<vmem>> -> memref<128xi32, #tpu.memory_space<vmem>>
        %dma_start3A_288 = arith.constant 0 : i32
        %dma_start3A_289 = tpu.memref_slice %arg10[%dma_start3A_288] : memref<100352xf32, #tpu.memory_space<vmem_shared>> -> memref<100352xf32, #tpu.memory_space<vmem_shared>>
        tpu.enqueue_indirect_dma source(%dma_start3A_284 : memref<128xf32, #tpu.memory_space<vmem>>) target(%dma_start3A_289 : memref<100352xf32, #tpu.memory_space<vmem_shared>>) offsets(%dma_start3A_287 : memref<128xi32, #tpu.memory_space<vmem>>) semaphore(%arg21 : memref<!tpu.dma_semaphore, #tpu.memory_space<semaphore_mem>>) {add = true}
        %dma_start3A_290 = arith.constant 0 : i32
        %dma_start3A_291 = tpu.memref_slice %arg17[%while3A_166, %dma_start3A_290] : memref<64x128xi32, #tpu.memory_space<vmem>> -> memref<1x128xi32, #tpu.memory_space<vmem>>
        %dma_start3A_292 = tpu.memref_squeeze %dma_start3A_291 : memref<1x128xi32, #tpu.memory_space<vmem>> -> memref<128xi32, #tpu.memory_space<vmem>>
        %dma_start3A_293 = arith.constant 0 : i32
        %dma_start3A_294 = tpu.memref_slice %arg11[%dma_start3A_293] : memref<100352xf32, #tpu.memory_space<vmem_shared>> -> memref<100352xf32, #tpu.memory_space<vmem_shared>>
        tpu.enqueue_indirect_dma source(%arg19 : memref<128xf32, #tpu.memory_space<vmem>>) target(%dma_start3A_294 : memref<100352xf32, #tpu.memory_space<vmem_shared>>) offsets(%dma_start3A_292 : memref<128xi32, #tpu.memory_space<vmem>>) semaphore(%arg21 : memref<!tpu.dma_semaphore, #tpu.memory_space<semaphore_mem>>) {add = true}
      }
    }
    %scan3A_16 = arith.constant 25 : i32
    %dma_wait3A = arith.constant 0 : i32
    %dma_wait3A_17 = arith.constant 0 : i32
    %dma_wait3A_18 = arith.constant 0 : i32
    %dma_wait3A_19 = arith.constant 0 : i32
    %dma_wait3A_20 = tpu.memref_slice %arg18[%dma_wait3A, %dma_wait3A_18, %dma_wait3A_19] : memref<2x4x128xf32, #tpu.memory_space<vmem>> -> memref<1x4x128xf32, #tpu.memory_space<vmem>>
    %dma_wait3A_21 = tpu.memref_squeeze %dma_wait3A_20 : memref<1x4x128xf32, #tpu.memory_space<vmem>> -> memref<4x128xf32, #tpu.memory_space<vmem>>
    %dma_wait3A_22 = arith.constant 0 : i32
    %dma_wait3A_23 = tpu.memref_slice %dma_wait3A_21[%dma_wait3A_17, %dma_wait3A_22] : memref<4x128xf32, #tpu.memory_space<vmem>> -> memref<1x128xf32, #tpu.memory_space<vmem>>
    %dma_wait3A_24 = tpu.memref_squeeze %dma_wait3A_23 : memref<1x128xf32, #tpu.memory_space<vmem>> -> memref<128xf32, #tpu.memory_space<vmem>>
    %dma_wait3A_25 = arith.constant 0 : i32
    %dma_wait3A_26 = tpu.memref_slice %arg5[%dma_wait3A_25] : memref<100352xf32, #tpu.memory_space<hbm>> -> memref<128xf32, #tpu.memory_space<hbm>>
    %dma_wait3A_27 = arith.constant 0 : i32
    %dma_wait3A_28 = arith.constant 0 : i32
    %dma_wait3A_29 = tpu.memref_slice %arg18[%dma_wait3A, %dma_wait3A_27, %dma_wait3A_28] : memref<2x4x128xf32, #tpu.memory_space<vmem>> -> memref<1x4x128xf32, #tpu.memory_space<vmem>>
    %dma_wait3A_30 = tpu.memref_squeeze %dma_wait3A_29 : memref<1x4x128xf32, #tpu.memory_space<vmem>> -> memref<4x128xf32, #tpu.memory_space<vmem>>
    %dma_wait3A_31 = arith.constant 0 : i32
    %dma_wait3A_32 = tpu.memref_slice %dma_wait3A_30[%dma_wait3A_17, %dma_wait3A_31] : memref<4x128xf32, #tpu.memory_space<vmem>> -> memref<1x128xf32, #tpu.memory_space<vmem>>
    %dma_wait3A_33 = tpu.memref_squeeze %dma_wait3A_32 : memref<1x128xf32, #tpu.memory_space<vmem>> -> memref<128xf32, #tpu.memory_space<vmem>>
    %dma_wait3A_34 = arith.constant 0 : i32
    %dma_wait3A_35 = tpu.memref_slice %arg5[%dma_wait3A_34] : memref<100352xf32, #tpu.memory_space<hbm>> -> memref<128xf32, #tpu.memory_space<hbm>>
    tpu.wait_dma2 semaphore(%arg21 : memref<!tpu.dma_semaphore, #tpu.memory_space<semaphore_mem>>) src(%dma_wait3A_35 : memref<128xf32, #tpu.memory_space<hbm>>) dst(%dma_wait3A_33 : memref<128xf32, #tpu.memory_space<vmem>>)
    %dma_wait3A_36 = arith.constant 0 : i32
    %dma_wait3A_37 = arith.constant 1 : i32
    %dma_wait3A_38 = arith.constant 0 : i32
    %dma_wait3A_39 = arith.constant 0 : i32
    %dma_wait3A_40 = tpu.memref_slice %arg18[%dma_wait3A_36, %dma_wait3A_38, %dma_wait3A_39] : memref<2x4x128xf32, #tpu.memory_space<vmem>> -> memref<1x4x128xf32, #tpu.memory_space<vmem>>
    %dma_wait3A_41 = tpu.memref_squeeze %dma_wait3A_40 : memref<1x4x128xf32, #tpu.memory_space<vmem>> -> memref<4x128xf32, #tpu.memory_space<vmem>>
    %dma_wait3A_42 = arith.constant 0 : i32
    %dma_wait3A_43 = tpu.memref_slice %dma_wait3A_41[%dma_wait3A_37, %dma_wait3A_42] : memref<4x128xf32, #tpu.memory_space<vmem>> -> memref<1x128xf32, #tpu.memory_space<vmem>>
    %dma_wait3A_44 = tpu.memref_squeeze %dma_wait3A_43 : memref<1x128xf32, #tpu.memory_space<vmem>> -> memref<128xf32, #tpu.memory_space<vmem>>
    %dma_wait3A_45 = arith.constant 0 : i32
    %dma_wait3A_46 = tpu.memref_slice %arg5[%dma_wait3A_45] : memref<100352xf32, #tpu.memory_space<hbm>> -> memref<128xf32, #tpu.memory_space<hbm>>
    %dma_wait3A_47 = arith.constant 0 : i32
    %dma_wait3A_48 = arith.constant 0 : i32
    %dma_wait3A_49 = tpu.memref_slice %arg18[%dma_wait3A_36, %dma_wait3A_47, %dma_wait3A_48] : memref<2x4x128xf32, #tpu.memory_space<vmem>> -> memref<1x4x128xf32, #tpu.memory_space<vmem>>
    %dma_wait3A_50 = tpu.memref_squeeze %dma_wait3A_49 : memref<1x4x128xf32, #tpu.memory_space<vmem>> -> memref<4x128xf32, #tpu.memory_space<vmem>>
    %dma_wait3A_51 = arith.constant 0 : i32
    %dma_wait3A_52 = tpu.memref_slice %dma_wait3A_50[%dma_wait3A_37, %dma_wait3A_51] : memref<4x128xf32, #tpu.memory_space<vmem>> -> memref<1x128xf32, #tpu.memory_space<vmem>>
    %dma_wait3A_53 = tpu.memref_squeeze %dma_wait3A_52 : memref<1x128xf32, #tpu.memory_space<vmem>> -> memref<128xf32, #tpu.memory_space<vmem>>
    %dma_wait3A_54 = arith.constant 0 : i32
    %dma_wait3A_55 = tpu.memref_slice %arg5[%dma_wait3A_54] : memref<100352xf32, #tpu.memory_space<hbm>> -> memref<128xf32, #tpu.memory_space<hbm>>
    tpu.wait_dma2 semaphore(%arg21 : memref<!tpu.dma_semaphore, #tpu.memory_space<semaphore_mem>>) src(%dma_wait3A_55 : memref<128xf32, #tpu.memory_space<hbm>>) dst(%dma_wait3A_53 : memref<128xf32, #tpu.memory_space<vmem>>)
    %dma_wait3A_56 = arith.constant 0 : i32
    %dma_wait3A_57 = arith.constant 2 : i32
    %dma_wait3A_58 = arith.constant 0 : i32
    %dma_wait3A_59 = arith.constant 0 : i32
    %dma_wait3A_60 = tpu.memref_slice %arg18[%dma_wait3A_56, %dma_wait3A_58, %dma_wait3A_59] : memref<2x4x128xf32, #tpu.memory_space<vmem>> -> memref<1x4x128xf32, #tpu.memory_space<vmem>>
    %dma_wait3A_61 = tpu.memref_squeeze %dma_wait3A_60 : memref<1x4x128xf32, #tpu.memory_space<vmem>> -> memref<4x128xf32, #tpu.memory_space<vmem>>
    %dma_wait3A_62 = arith.constant 0 : i32
    %dma_wait3A_63 = tpu.memref_slice %dma_wait3A_61[%dma_wait3A_57, %dma_wait3A_62] : memref<4x128xf32, #tpu.memory_space<vmem>> -> memref<1x128xf32, #tpu.memory_space<vmem>>
    %dma_wait3A_64 = tpu.memref_squeeze %dma_wait3A_63 : memref<1x128xf32, #tpu.memory_space<vmem>> -> memref<128xf32, #tpu.memory_space<vmem>>
    %dma_wait3A_65 = arith.constant 0 : i32
    %dma_wait3A_66 = tpu.memref_slice %arg5[%dma_wait3A_65] : memref<100352xf32, #tpu.memory_space<hbm>> -> memref<128xf32, #tpu.memory_space<hbm>>
    %dma_wait3A_67 = arith.constant 0 : i32
    %dma_wait3A_68 = arith.constant 0 : i32
    %dma_wait3A_69 = tpu.memref_slice %arg18[%dma_wait3A_56, %dma_wait3A_67, %dma_wait3A_68] : memref<2x4x128xf32, #tpu.memory_space<vmem>> -> memref<1x4x128xf32, #tpu.memory_space<vmem>>
    %dma_wait3A_70 = tpu.memref_squeeze %dma_wait3A_69 : memref<1x4x128xf32, #tpu.memory_space<vmem>> -> memref<4x128xf32, #tpu.memory_space<vmem>>
    %dma_wait3A_71 = arith.constant 0 : i32
    %dma_wait3A_72 = tpu.memref_slice %dma_wait3A_70[%dma_wait3A_57, %dma_wait3A_71] : memref<4x128xf32, #tpu.memory_space<vmem>> -> memref<1x128xf32, #tpu.memory_space<vmem>>
    %dma_wait3A_73 = tpu.memref_squeeze %dma_wait3A_72 : memref<1x128xf32, #tpu.memory_space<vmem>> -> memref<128xf32, #tpu.memory_space<vmem>>
    %dma_wait3A_74 = arith.constant 0 : i32
    %dma_wait3A_75 = tpu.memref_slice %arg5[%dma_wait3A_74] : memref<100352xf32, #tpu.memory_space<hbm>> -> memref<128xf32, #tpu.memory_space<hbm>>
    tpu.wait_dma2 semaphore(%arg21 : memref<!tpu.dma_semaphore, #tpu.memory_space<semaphore_mem>>) src(%dma_wait3A_75 : memref<128xf32, #tpu.memory_space<hbm>>) dst(%dma_wait3A_73 : memref<128xf32, #tpu.memory_space<vmem>>)
    %dma_wait3A_76 = arith.constant 0 : i32
    %dma_wait3A_77 = tpu.memref_slice %arg5[%dma_wait3A_76] : memref<100352xf32, #tpu.memory_space<hbm>> -> memref<128xf32, #tpu.memory_space<hbm>>
    %dma_wait3A_78 = arith.constant 0 : i32
    %dma_wait3A_79 = tpu.memref_slice %arg5[%dma_wait3A_78] : memref<100352xf32, #tpu.memory_space<hbm>> -> memref<128xf32, #tpu.memory_space<hbm>>
    tpu.wait_dma2 semaphore(%arg21 : memref<!tpu.dma_semaphore, #tpu.memory_space<semaphore_mem>>) src(%dma_wait3A_79 : memref<128xf32, #tpu.memory_space<hbm>>) dst(%arg19 : memref<128xf32, #tpu.memory_space<vmem>>)
    %dma_wait3A_80 = arith.constant 1 : i32
    %dma_wait3A_81 = arith.constant 0 : i32
    %dma_wait3A_82 = arith.constant 0 : i32
    %dma_wait3A_83 = arith.constant 0 : i32
    %dma_wait3A_84 = tpu.memref_slice %arg18[%dma_wait3A_80, %dma_wait3A_82, %dma_wait3A_83] : memref<2x4x128xf32, #tpu.memory_space<vmem>> -> memref<1x4x128xf32, #tpu.memory_space<vmem>>
    %dma_wait3A_85 = tpu.memref_squeeze %dma_wait3A_84 : memref<1x4x128xf32, #tpu.memory_space<vmem>> -> memref<4x128xf32, #tpu.memory_space<vmem>>
    %dma_wait3A_86 = arith.constant 0 : i32
    %dma_wait3A_87 = tpu.memref_slice %dma_wait3A_85[%dma_wait3A_81, %dma_wait3A_86] : memref<4x128xf32, #tpu.memory_space<vmem>> -> memref<1x128xf32, #tpu.memory_space<vmem>>
    %dma_wait3A_88 = tpu.memref_squeeze %dma_wait3A_87 : memref<1x128xf32, #tpu.memory_space<vmem>> -> memref<128xf32, #tpu.memory_space<vmem>>
    %dma_wait3A_89 = arith.constant 0 : i32
    %dma_wait3A_90 = tpu.memref_slice %arg5[%dma_wait3A_89] : memref<100352xf32, #tpu.memory_space<hbm>> -> memref<128xf32, #tpu.memory_space<hbm>>
    %dma_wait3A_91 = arith.constant 0 : i32
    %dma_wait3A_92 = arith.constant 0 : i32
    %dma_wait3A_93 = tpu.memref_slice %arg18[%dma_wait3A_80, %dma_wait3A_91, %dma_wait3A_92] : memref<2x4x128xf32, #tpu.memory_space<vmem>> -> memref<1x4x128xf32, #tpu.memory_space<vmem>>
    %dma_wait3A_94 = tpu.memref_squeeze %dma_wait3A_93 : memref<1x4x128xf32, #tpu.memory_space<vmem>> -> memref<4x128xf32, #tpu.memory_space<vmem>>
    %dma_wait3A_95 = arith.constant 0 : i32
    %dma_wait3A_96 = tpu.memref_slice %dma_wait3A_94[%dma_wait3A_81, %dma_wait3A_95] : memref<4x128xf32, #tpu.memory_space<vmem>> -> memref<1x128xf32, #tpu.memory_space<vmem>>
    %dma_wait3A_97 = tpu.memref_squeeze %dma_wait3A_96 : memref<1x128xf32, #tpu.memory_space<vmem>> -> memref<128xf32, #tpu.memory_space<vmem>>
    %dma_wait3A_98 = arith.constant 0 : i32
    %dma_wait3A_99 = tpu.memref_slice %arg5[%dma_wait3A_98] : memref<100352xf32, #tpu.memory_space<hbm>> -> memref<128xf32, #tpu.memory_space<hbm>>
    tpu.wait_dma2 semaphore(%arg21 : memref<!tpu.dma_semaphore, #tpu.memory_space<semaphore_mem>>) src(%dma_wait3A_99 : memref<128xf32, #tpu.memory_space<hbm>>) dst(%dma_wait3A_97 : memref<128xf32, #tpu.memory_space<vmem>>)
    %dma_wait3A_100 = arith.constant 1 : i32
    %dma_wait3A_101 = arith.constant 1 : i32
    %dma_wait3A_102 = arith.constant 0 : i32
    %dma_wait3A_103 = arith.constant 0 : i32
    %dma_wait3A_104 = tpu.memref_slice %arg18[%dma_wait3A_100, %dma_wait3A_102, %dma_wait3A_103] : memref<2x4x128xf32, #tpu.memory_space<vmem>> -> memref<1x4x128xf32, #tpu.memory_space<vmem>>
    %dma_wait3A_105 = tpu.memref_squeeze %dma_wait3A_104 : memref<1x4x128xf32, #tpu.memory_space<vmem>> -> memref<4x128xf32, #tpu.memory_space<vmem>>
    %dma_wait3A_106 = arith.constant 0 : i32
    %dma_wait3A_107 = tpu.memref_slice %dma_wait3A_105[%dma_wait3A_101, %dma_wait3A_106] : memref<4x128xf32, #tpu.memory_space<vmem>> -> memref<1x128xf32, #tpu.memory_space<vmem>>
    %dma_wait3A_108 = tpu.memref_squeeze %dma_wait3A_107 : memref<1x128xf32, #tpu.memory_space<vmem>> -> memref<128xf32, #tpu.memory_space<vmem>>
    %dma_wait3A_109 = arith.constant 0 : i32
    %dma_wait3A_110 = tpu.memref_slice %arg5[%dma_wait3A_109] : memref<100352xf32, #tpu.memory_space<hbm>> -> memref<128xf32, #tpu.memory_space<hbm>>
    %dma_wait3A_111 = arith.constant 0 : i32
    %dma_wait3A_112 = arith.constant 0 : i32
    %dma_wait3A_113 = tpu.memref_slice %arg18[%dma_wait3A_100, %dma_wait3A_111, %dma_wait3A_112] : memref<2x4x128xf32, #tpu.memory_space<vmem>> -> memref<1x4x128xf32, #tpu.memory_space<vmem>>
    %dma_wait3A_114 = tpu.memref_squeeze %dma_wait3A_113 : memref<1x4x128xf32, #tpu.memory_space<vmem>> -> memref<4x128xf32, #tpu.memory_space<vmem>>
    %dma_wait3A_115 = arith.constant 0 : i32
    %dma_wait3A_116 = tpu.memref_slice %dma_wait3A_114[%dma_wait3A_101, %dma_wait3A_115] : memref<4x128xf32, #tpu.memory_space<vmem>> -> memref<1x128xf32, #tpu.memory_space<vmem>>
    %dma_wait3A_117 = tpu.memref_squeeze %dma_wait3A_116 : memref<1x128xf32, #tpu.memory_space<vmem>> -> memref<128xf32, #tpu.memory_space<vmem>>
    %dma_wait3A_118 = arith.constant 0 : i32
    %dma_wait3A_119 = tpu.memref_slice %arg5[%dma_wait3A_118] : memref<100352xf32, #tpu.memory_space<hbm>> -> memref<128xf32, #tpu.memory_space<hbm>>
    tpu.wait_dma2 semaphore(%arg21 : memref<!tpu.dma_semaphore, #tpu.memory_space<semaphore_mem>>) src(%dma_wait3A_119 : memref<128xf32, #tpu.memory_space<hbm>>) dst(%dma_wait3A_117 : memref<128xf32, #tpu.memory_space<vmem>>)
    %dma_wait3A_120 = arith.constant 1 : i32
    %dma_wait3A_121 = arith.constant 2 : i32
    %dma_wait3A_122 = arith.constant 0 : i32
    %dma_wait3A_123 = arith.constant 0 : i32
    %dma_wait3A_124 = tpu.memref_slice %arg18[%dma_wait3A_120, %dma_wait3A_122, %dma_wait3A_123] : memref<2x4x128xf32, #tpu.memory_space<vmem>> -> memref<1x4x128xf32, #tpu.memory_space<vmem>>
    %dma_wait3A_125 = tpu.memref_squeeze %dma_wait3A_124 : memref<1x4x128xf32, #tpu.memory_space<vmem>> -> memref<4x128xf32, #tpu.memory_space<vmem>>
    %dma_wait3A_126 = arith.constant 0 : i32
    %dma_wait3A_127 = tpu.memref_slice %dma_wait3A_125[%dma_wait3A_121, %dma_wait3A_126] : memref<4x128xf32, #tpu.memory_space<vmem>> -> memref<1x128xf32, #tpu.memory_space<vmem>>
    %dma_wait3A_128 = tpu.memref_squeeze %dma_wait3A_127 : memref<1x128xf32, #tpu.memory_space<vmem>> -> memref<128xf32, #tpu.memory_space<vmem>>
    %dma_wait3A_129 = arith.constant 0 : i32
    %dma_wait3A_130 = tpu.memref_slice %arg5[%dma_wait3A_129] : memref<100352xf32, #tpu.memory_space<hbm>> -> memref<128xf32, #tpu.memory_space<hbm>>
    %dma_wait3A_131 = arith.constant 0 : i32
    %dma_wait3A_132 = arith.constant 0 : i32
    %dma_wait3A_133 = tpu.memref_slice %arg18[%dma_wait3A_120, %dma_wait3A_131, %dma_wait3A_132] : memref<2x4x128xf32, #tpu.memory_space<vmem>> -> memref<1x4x128xf32, #tpu.memory_space<vmem>>
    %dma_wait3A_134 = tpu.memref_squeeze %dma_wait3A_133 : memref<1x4x128xf32, #tpu.memory_space<vmem>> -> memref<4x128xf32, #tpu.memory_space<vmem>>
    %dma_wait3A_135 = arith.constant 0 : i32
    %dma_wait3A_136 = tpu.memref_slice %dma_wait3A_134[%dma_wait3A_121, %dma_wait3A_135] : memref<4x128xf32, #tpu.memory_space<vmem>> -> memref<1x128xf32, #tpu.memory_space<vmem>>
    %dma_wait3A_137 = tpu.memref_squeeze %dma_wait3A_136 : memref<1x128xf32, #tpu.memory_space<vmem>> -> memref<128xf32, #tpu.memory_space<vmem>>
    %dma_wait3A_138 = arith.constant 0 : i32
    %dma_wait3A_139 = tpu.memref_slice %arg5[%dma_wait3A_138] : memref<100352xf32, #tpu.memory_space<hbm>> -> memref<128xf32, #tpu.memory_space<hbm>>
    tpu.wait_dma2 semaphore(%arg21 : memref<!tpu.dma_semaphore, #tpu.memory_space<semaphore_mem>>) src(%dma_wait3A_139 : memref<128xf32, #tpu.memory_space<hbm>>) dst(%dma_wait3A_137 : memref<128xf32, #tpu.memory_space<vmem>>)
    %dma_wait3A_140 = arith.constant 0 : i32
    %dma_wait3A_141 = tpu.memref_slice %arg5[%dma_wait3A_140] : memref<100352xf32, #tpu.memory_space<hbm>> -> memref<128xf32, #tpu.memory_space<hbm>>
    %dma_wait3A_142 = arith.constant 0 : i32
    %dma_wait3A_143 = tpu.memref_slice %arg5[%dma_wait3A_142] : memref<100352xf32, #tpu.memory_space<hbm>> -> memref<128xf32, #tpu.memory_space<hbm>>
    tpu.wait_dma2 semaphore(%arg21 : memref<!tpu.dma_semaphore, #tpu.memory_space<semaphore_mem>>) src(%dma_wait3A_143 : memref<128xf32, #tpu.memory_space<hbm>>) dst(%arg19 : memref<128xf32, #tpu.memory_space<vmem>>)
    %barrier3A_144 = arith.constant 0 : index
    tpu.barrier barrier_id(%barrier3A_144)
    %run_scoped3A_145 = arith.constant 0 : i32
    "tpu.region"() ({
      %run_scoped3A_149 = tpu.sem_alloc : memref<!tpu.dma_semaphore, #tpu.memory_space<semaphore_mem>>
      %dma_start3A = tpu.memref_slice %arg7[%arg0, %run_scoped3A_145, %mul3A_0] : memref<2x4x100352xf32, #tpu.memory_space<hbm>> -> memref<1x1x6272xf32, #tpu.memory_space<hbm>>
      %dma_start3A_150 = tpu.memref_squeeze %dma_start3A : memref<1x1x6272xf32, #tpu.memory_space<hbm>> -> memref<6272xf32, #tpu.memory_space<hbm>>
      %dma_start3A_151 = tpu.memref_slice %arg8[%mul3A_0] : memref<100352xf32, #tpu.memory_space<vmem_shared>> -> memref<6272xf32, #tpu.memory_space<vmem_shared>>
      tpu.enqueue_dma source(%dma_start3A_151 : memref<6272xf32, #tpu.memory_space<vmem_shared>>) target(%dma_start3A_150 : memref<6272xf32, #tpu.memory_space<hbm>>) target_semaphore(%run_scoped3A_149 : memref<!tpu.dma_semaphore, #tpu.memory_space<semaphore_mem>>)
      %dma_wait3A_152 = tpu.memref_slice %arg7[%arg0, %run_scoped3A_145, %mul3A_0] : memref<2x4x100352xf32, #tpu.memory_space<hbm>> -> memref<1x1x6272xf32, #tpu.memory_space<hbm>>
      %dma_wait3A_153 = tpu.memref_squeeze %dma_wait3A_152 : memref<1x1x6272xf32, #tpu.memory_space<hbm>> -> memref<6272xf32, #tpu.memory_space<hbm>>
      %dma_wait3A_154 = tpu.memref_slice %arg8[%mul3A_0] : memref<100352xf32, #tpu.memory_space<vmem_shared>> -> memref<6272xf32, #tpu.memory_space<vmem_shared>>
      tpu.wait_dma2 semaphore(%run_scoped3A_149 : memref<!tpu.dma_semaphore, #tpu.memory_space<semaphore_mem>>) src(%dma_wait3A_154 : memref<6272xf32, #tpu.memory_space<vmem_shared>>) dst(%dma_wait3A_153 : memref<6272xf32, #tpu.memory_space<hbm>>)
      tpu.yield
    }) : () -> ()
    %run_scoped3A_146 = arith.constant 1 : i32
    "tpu.region"() ({
      %run_scoped3A_149 = tpu.sem_alloc : memref<!tpu.dma_semaphore, #tpu.memory_space<semaphore_mem>>
      %dma_start3A = tpu.memref_slice %arg7[%arg0, %run_scoped3A_146, %mul3A_0] : memref<2x4x100352xf32, #tpu.memory_space<hbm>> -> memref<1x1x6272xf32, #tpu.memory_space<hbm>>
      %dma_start3A_150 = tpu.memref_squeeze %dma_start3A : memref<1x1x6272xf32, #tpu.memory_space<hbm>> -> memref<6272xf32, #tpu.memory_space<hbm>>
      %dma_start3A_151 = tpu.memref_slice %arg9[%mul3A_0] : memref<100352xf32, #tpu.memory_space<vmem_shared>> -> memref<6272xf32, #tpu.memory_space<vmem_shared>>
      tpu.enqueue_dma source(%dma_start3A_151 : memref<6272xf32, #tpu.memory_space<vmem_shared>>) target(%dma_start3A_150 : memref<6272xf32, #tpu.memory_space<hbm>>) target_semaphore(%run_scoped3A_149 : memref<!tpu.dma_semaphore, #tpu.memory_space<semaphore_mem>>)
      %dma_wait3A_152 = tpu.memref_slice %arg7[%arg0, %run_scoped3A_146, %mul3A_0] : memref<2x4x100352xf32, #tpu.memory_space<hbm>> -> memref<1x1x6272xf32, #tpu.memory_space<hbm>>
      %dma_wait3A_153 = tpu.memref_squeeze %dma_wait3A_152 : memref<1x1x6272xf32, #tpu.memory_space<hbm>> -> memref<6272xf32, #tpu.memory_space<hbm>>
      %dma_wait3A_154 = tpu.memref_slice %arg9[%mul3A_0] : memref<100352xf32, #tpu.memory_space<vmem_shared>> -> memref<6272xf32, #tpu.memory_space<vmem_shared>>
      tpu.wait_dma2 semaphore(%run_scoped3A_149 : memref<!tpu.dma_semaphore, #tpu.memory_space<semaphore_mem>>) src(%dma_wait3A_154 : memref<6272xf32, #tpu.memory_space<vmem_shared>>) dst(%dma_wait3A_153 : memref<6272xf32, #tpu.memory_space<hbm>>)
      tpu.yield
    }) : () -> ()
    %run_scoped3A_147 = arith.constant 2 : i32
    "tpu.region"() ({
      %run_scoped3A_149 = tpu.sem_alloc : memref<!tpu.dma_semaphore, #tpu.memory_space<semaphore_mem>>
      %dma_start3A = tpu.memref_slice %arg7[%arg0, %run_scoped3A_147, %mul3A_0] : memref<2x4x100352xf32, #tpu.memory_space<hbm>> -> memref<1x1x6272xf32, #tpu.memory_space<hbm>>
      %dma_start3A_150 = tpu.memref_squeeze %dma_start3A : memref<1x1x6272xf32, #tpu.memory_space<hbm>> -> memref<6272xf32, #tpu.memory_space<hbm>>
      %dma_start3A_151 = tpu.memref_slice %arg10[%mul3A_0] : memref<100352xf32, #tpu.memory_space<vmem_shared>> -> memref<6272xf32, #tpu.memory_space<vmem_shared>>
      tpu.enqueue_dma source(%dma_start3A_151 : memref<6272xf32, #tpu.memory_space<vmem_shared>>) target(%dma_start3A_150 : memref<6272xf32, #tpu.memory_space<hbm>>) target_semaphore(%run_scoped3A_149 : memref<!tpu.dma_semaphore, #tpu.memory_space<semaphore_mem>>)
      %dma_wait3A_152 = tpu.memref_slice %arg7[%arg0, %run_scoped3A_147, %mul3A_0] : memref<2x4x100352xf32, #tpu.memory_space<hbm>> -> memref<1x1x6272xf32, #tpu.memory_space<hbm>>
      %dma_wait3A_153 = tpu.memref_squeeze %dma_wait3A_152 : memref<1x1x6272xf32, #tpu.memory_space<hbm>> -> memref<6272xf32, #tpu.memory_space<hbm>>
      %dma_wait3A_154 = tpu.memref_slice %arg10[%mul3A_0] : memref<100352xf32, #tpu.memory_space<vmem_shared>> -> memref<6272xf32, #tpu.memory_space<vmem_shared>>
      tpu.wait_dma2 semaphore(%run_scoped3A_149 : memref<!tpu.dma_semaphore, #tpu.memory_space<semaphore_mem>>) src(%dma_wait3A_154 : memref<6272xf32, #tpu.memory_space<vmem_shared>>) dst(%dma_wait3A_153 : memref<6272xf32, #tpu.memory_space<hbm>>)
      tpu.yield
    }) : () -> ()
    %run_scoped3A_148 = arith.constant 3 : i32
    "tpu.region"() ({
      %run_scoped3A_149 = tpu.sem_alloc : memref<!tpu.dma_semaphore, #tpu.memory_space<semaphore_mem>>
      %dma_start3A = tpu.memref_slice %arg7[%arg0, %run_scoped3A_148, %mul3A_0] : memref<2x4x100352xf32, #tpu.memory_space<hbm>> -> memref<1x1x6272xf32, #tpu.memory_space<hbm>>
      %dma_start3A_150 = tpu.memref_squeeze %dma_start3A : memref<1x1x6272xf32, #tpu.memory_space<hbm>> -> memref<6272xf32, #tpu.memory_space<hbm>>
      %dma_start3A_151 = tpu.memref_slice %arg11[%mul3A_0] : memref<100352xf32, #tpu.memory_space<vmem_shared>> -> memref<6272xf32, #tpu.memory_space<vmem_shared>>
      tpu.enqueue_dma source(%dma_start3A_151 : memref<6272xf32, #tpu.memory_space<vmem_shared>>) target(%dma_start3A_150 : memref<6272xf32, #tpu.memory_space<hbm>>) target_semaphore(%run_scoped3A_149 : memref<!tpu.dma_semaphore, #tpu.memory_space<semaphore_mem>>)
      %dma_wait3A_152 = tpu.memref_slice %arg7[%arg0, %run_scoped3A_148, %mul3A_0] : memref<2x4x100352xf32, #tpu.memory_space<hbm>> -> memref<1x1x6272xf32, #tpu.memory_space<hbm>>
      %dma_wait3A_153 = tpu.memref_squeeze %dma_wait3A_152 : memref<1x1x6272xf32, #tpu.memory_space<hbm>> -> memref<6272xf32, #tpu.memory_space<hbm>>
      %dma_wait3A_154 = tpu.memref_slice %arg11[%mul3A_0] : memref<100352xf32, #tpu.memory_space<vmem_shared>> -> memref<6272xf32, #tpu.memory_space<vmem_shared>>
      tpu.wait_dma2 semaphore(%run_scoped3A_149 : memref<!tpu.dma_semaphore, #tpu.memory_space<semaphore_mem>>) src(%dma_wait3A_154 : memref<6272xf32, #tpu.memory_space<vmem_shared>>) dst(%dma_wait3A_153 : memref<6272xf32, #tpu.memory_space<hbm>>)
      tpu.yield
    }) : () -> ()
    return
  }
}

#map = affine_map<(d0, d1) -> (0, 0)>
#map1 = affine_map<(d0, d1) -> (0)>
#map2 = affine_map<(d0, d1) -> (0, 0, 0)>
module attributes {stable_mosaic.version = 14 : i64} {
  func.func @_pass_body(%arg0: i32, %arg1: i32, %arg2: memref<4x100352xf32, #tpu.memory_space<hbm>>, %arg3: memref<50064x128xi32, #tpu.memory_space<hbm>>, %arg4: memref<50064x128xi32, #tpu.memory_space<hbm>>, %arg5: memref<100352xf32, #tpu.memory_space<hbm>>, %arg6: memref<128xf32, #tpu.memory_space<hbm>>, %arg7: memref<2x4x100352xf32, #tpu.memory_space<hbm>>, %arg8: memref<100352xf32, #tpu.memory_space<vmem_shared>>, %arg9: memref<100352xf32, #tpu.memory_space<vmem_shared>>, %arg10: memref<100352xf32, #tpu.memory_space<vmem_shared>>, %arg11: memref<100352xf32, #tpu.memory_space<vmem_shared>>, %arg12: memref<100352xf32, #tpu.memory_space<vmem_shared>>, %arg13: memref<100352xf32, #tpu.memory_space<vmem_shared>>, %arg14: memref<100352xf32, #tpu.memory_space<vmem_shared>>, %arg15: memref<100352xf32, #tpu.memory_space<vmem_shared>>, %arg16: memref<64x128xi32, #tpu.memory_space<vmem>>, %arg17: memref<64x128xi32, #tpu.memory_space<vmem>>, %arg18: memref<2x4x128xf32, #tpu.memory_space<vmem>>, %arg19: memref<128xf32, #tpu.memory_space<vmem>>, %arg20: memref<!tpu.dma_semaphore, #tpu.memory_space<semaphore_mem>>, %arg21: memref<!tpu.dma_semaphore, #tpu.memory_space<semaphore_mem>>) attributes {dimension_semantics = [#tpu.dimension_semantics<core_parallel>, #tpu.dimension_semantics<subcore_parallel>], iteration_bounds = array<i64: 2, 16>, scalar_prefetch = 0 : i64, scratch_operands = 14 : i64, tpu.core_type = #tpu.core_type<sc_vector_subcore>, window_params = [{transform_indices = #map}, {transform_indices = #map}, {transform_indices = #map}, {transform_indices = #map1}, {transform_indices = #map1}, {transform_indices = #map2}]} {
    %mul3A = arith.constant 6272 : i32
    %mul3A_0 = arith.muli %arg1, %mul3A : i32
    "tpu.region"() ({
      %run_scoped3A_182 = tpu.sem_alloc : memref<!tpu.dma_semaphore, #tpu.memory_space<semaphore_mem>>
      %dma_start3A = tpu.memref_slice %arg8[%mul3A_0] : memref<100352xf32, #tpu.memory_space<vmem_shared>> -> memref<6272xf32, #tpu.memory_space<vmem_shared>>
      %dma_start3A_183 = tpu.memref_slice %arg5[%mul3A_0] : memref<100352xf32, #tpu.memory_space<hbm>> -> memref<6272xf32, #tpu.memory_space<hbm>>
      tpu.enqueue_dma source(%dma_start3A_183 : memref<6272xf32, #tpu.memory_space<hbm>>) target(%dma_start3A : memref<6272xf32, #tpu.memory_space<vmem_shared>>) target_semaphore(%run_scoped3A_182 : memref<!tpu.dma_semaphore, #tpu.memory_space<semaphore_mem>>)
      %dma_wait3A_184 = tpu.memref_slice %arg8[%mul3A_0] : memref<100352xf32, #tpu.memory_space<vmem_shared>> -> memref<6272xf32, #tpu.memory_space<vmem_shared>>
      %dma_wait3A_185 = tpu.memref_slice %arg5[%mul3A_0] : memref<100352xf32, #tpu.memory_space<hbm>> -> memref<6272xf32, #tpu.memory_space<hbm>>
      tpu.wait_dma2 semaphore(%run_scoped3A_182 : memref<!tpu.dma_semaphore, #tpu.memory_space<semaphore_mem>>) src(%dma_wait3A_185 : memref<6272xf32, #tpu.memory_space<hbm>>) dst(%dma_wait3A_184 : memref<6272xf32, #tpu.memory_space<vmem_shared>>)
      tpu.yield
    }) : () -> ()
    "tpu.region"() ({
      %run_scoped3A_182 = tpu.sem_alloc : memref<!tpu.dma_semaphore, #tpu.memory_space<semaphore_mem>>
      %dma_start3A = tpu.memref_slice %arg9[%mul3A_0] : memref<100352xf32, #tpu.memory_space<vmem_shared>> -> memref<6272xf32, #tpu.memory_space<vmem_shared>>
      %dma_start3A_183 = tpu.memref_slice %arg5[%mul3A_0] : memref<100352xf32, #tpu.memory_space<hbm>> -> memref<6272xf32, #tpu.memory_space<hbm>>
      tpu.enqueue_dma source(%dma_start3A_183 : memref<6272xf32, #tpu.memory_space<hbm>>) target(%dma_start3A : memref<6272xf32, #tpu.memory_space<vmem_shared>>) target_semaphore(%run_scoped3A_182 : memref<!tpu.dma_semaphore, #tpu.memory_space<semaphore_mem>>)
      %dma_wait3A_184 = tpu.memref_slice %arg9[%mul3A_0] : memref<100352xf32, #tpu.memory_space<vmem_shared>> -> memref<6272xf32, #tpu.memory_space<vmem_shared>>
      %dma_wait3A_185 = tpu.memref_slice %arg5[%mul3A_0] : memref<100352xf32, #tpu.memory_space<hbm>> -> memref<6272xf32, #tpu.memory_space<hbm>>
      tpu.wait_dma2 semaphore(%run_scoped3A_182 : memref<!tpu.dma_semaphore, #tpu.memory_space<semaphore_mem>>) src(%dma_wait3A_185 : memref<6272xf32, #tpu.memory_space<hbm>>) dst(%dma_wait3A_184 : memref<6272xf32, #tpu.memory_space<vmem_shared>>)
      tpu.yield
    }) : () -> ()
    "tpu.region"() ({
      %run_scoped3A_182 = tpu.sem_alloc : memref<!tpu.dma_semaphore, #tpu.memory_space<semaphore_mem>>
      %dma_start3A = tpu.memref_slice %arg10[%mul3A_0] : memref<100352xf32, #tpu.memory_space<vmem_shared>> -> memref<6272xf32, #tpu.memory_space<vmem_shared>>
      %dma_start3A_183 = tpu.memref_slice %arg5[%mul3A_0] : memref<100352xf32, #tpu.memory_space<hbm>> -> memref<6272xf32, #tpu.memory_space<hbm>>
      tpu.enqueue_dma source(%dma_start3A_183 : memref<6272xf32, #tpu.memory_space<hbm>>) target(%dma_start3A : memref<6272xf32, #tpu.memory_space<vmem_shared>>) target_semaphore(%run_scoped3A_182 : memref<!tpu.dma_semaphore, #tpu.memory_space<semaphore_mem>>)
      %dma_wait3A_184 = tpu.memref_slice %arg10[%mul3A_0] : memref<100352xf32, #tpu.memory_space<vmem_shared>> -> memref<6272xf32, #tpu.memory_space<vmem_shared>>
      %dma_wait3A_185 = tpu.memref_slice %arg5[%mul3A_0] : memref<100352xf32, #tpu.memory_space<hbm>> -> memref<6272xf32, #tpu.memory_space<hbm>>
      tpu.wait_dma2 semaphore(%run_scoped3A_182 : memref<!tpu.dma_semaphore, #tpu.memory_space<semaphore_mem>>) src(%dma_wait3A_185 : memref<6272xf32, #tpu.memory_space<hbm>>) dst(%dma_wait3A_184 : memref<6272xf32, #tpu.memory_space<vmem_shared>>)
      tpu.yield
    }) : () -> ()
    "tpu.region"() ({
      %run_scoped3A_182 = tpu.sem_alloc : memref<!tpu.dma_semaphore, #tpu.memory_space<semaphore_mem>>
      %dma_start3A = tpu.memref_slice %arg11[%mul3A_0] : memref<100352xf32, #tpu.memory_space<vmem_shared>> -> memref<6272xf32, #tpu.memory_space<vmem_shared>>
      %dma_start3A_183 = tpu.memref_slice %arg5[%mul3A_0] : memref<100352xf32, #tpu.memory_space<hbm>> -> memref<6272xf32, #tpu.memory_space<hbm>>
      tpu.enqueue_dma source(%dma_start3A_183 : memref<6272xf32, #tpu.memory_space<hbm>>) target(%dma_start3A : memref<6272xf32, #tpu.memory_space<vmem_shared>>) target_semaphore(%run_scoped3A_182 : memref<!tpu.dma_semaphore, #tpu.memory_space<semaphore_mem>>)
      %dma_wait3A_184 = tpu.memref_slice %arg11[%mul3A_0] : memref<100352xf32, #tpu.memory_space<vmem_shared>> -> memref<6272xf32, #tpu.memory_space<vmem_shared>>
      %dma_wait3A_185 = tpu.memref_slice %arg5[%mul3A_0] : memref<100352xf32, #tpu.memory_space<hbm>> -> memref<6272xf32, #tpu.memory_space<hbm>>
      tpu.wait_dma2 semaphore(%run_scoped3A_182 : memref<!tpu.dma_semaphore, #tpu.memory_space<semaphore_mem>>) src(%dma_wait3A_185 : memref<6272xf32, #tpu.memory_space<hbm>>) dst(%dma_wait3A_184 : memref<6272xf32, #tpu.memory_space<vmem_shared>>)
      tpu.yield
    }) : () -> ()
    %run_scoped3A = arith.constant 0 : i32
    "tpu.region"() ({
      %run_scoped3A_182 = tpu.sem_alloc : memref<!tpu.dma_semaphore, #tpu.memory_space<semaphore_mem>>
      %dma_start3A = tpu.memref_slice %arg12[%mul3A_0] : memref<100352xf32, #tpu.memory_space<vmem_shared>> -> memref<6272xf32, #tpu.memory_space<vmem_shared>>
      %dma_start3A_183 = arith.constant 0 : i32
      %dma_start3A_184 = tpu.memref_slice %arg2[%run_scoped3A, %dma_start3A_183] : memref<4x100352xf32, #tpu.memory_space<hbm>> -> memref<1x100352xf32, #tpu.memory_space<hbm>>
      %dma_start3A_185 = tpu.memref_squeeze %dma_start3A_184 : memref<1x100352xf32, #tpu.memory_space<hbm>> -> memref<100352xf32, #tpu.memory_space<hbm>>
      %dma_start3A_186 = tpu.memref_slice %dma_start3A_185[%mul3A_0] : memref<100352xf32, #tpu.memory_space<hbm>> -> memref<6272xf32, #tpu.memory_space<hbm>>
      tpu.enqueue_dma source(%dma_start3A_186 : memref<6272xf32, #tpu.memory_space<hbm>>) target(%dma_start3A : memref<6272xf32, #tpu.memory_space<vmem_shared>>) target_semaphore(%run_scoped3A_182 : memref<!tpu.dma_semaphore, #tpu.memory_space<semaphore_mem>>)
      %dma_wait3A_187 = tpu.memref_slice %arg12[%mul3A_0] : memref<100352xf32, #tpu.memory_space<vmem_shared>> -> memref<6272xf32, #tpu.memory_space<vmem_shared>>
      %dma_wait3A_188 = arith.constant 0 : i32
      %dma_wait3A_189 = tpu.memref_slice %arg2[%run_scoped3A, %dma_wait3A_188] : memref<4x100352xf32, #tpu.memory_space<hbm>> -> memref<1x100352xf32, #tpu.memory_space<hbm>>
      %dma_wait3A_190 = tpu.memref_squeeze %dma_wait3A_189 : memref<1x100352xf32, #tpu.memory_space<hbm>> -> memref<100352xf32, #tpu.memory_space<hbm>>
      %dma_wait3A_191 = tpu.memref_slice %dma_wait3A_190[%mul3A_0] : memref<100352xf32, #tpu.memory_space<hbm>> -> memref<6272xf32, #tpu.memory_space<hbm>>
      tpu.wait_dma2 semaphore(%run_scoped3A_182 : memref<!tpu.dma_semaphore, #tpu.memory_space<semaphore_mem>>) src(%dma_wait3A_191 : memref<6272xf32, #tpu.memory_space<hbm>>) dst(%dma_wait3A_187 : memref<6272xf32, #tpu.memory_space<vmem_shared>>)
      tpu.yield
    }) : () -> ()
    %run_scoped3A_1 = arith.constant 1 : i32
    "tpu.region"() ({
      %run_scoped3A_182 = tpu.sem_alloc : memref<!tpu.dma_semaphore, #tpu.memory_space<semaphore_mem>>
      %dma_start3A = tpu.memref_slice %arg13[%mul3A_0] : memref<100352xf32, #tpu.memory_space<vmem_shared>> -> memref<6272xf32, #tpu.memory_space<vmem_shared>>
      %dma_start3A_183 = arith.constant 0 : i32
      %dma_start3A_184 = tpu.memref_slice %arg2[%run_scoped3A_1, %dma_start3A_183] : memref<4x100352xf32, #tpu.memory_space<hbm>> -> memref<1x100352xf32, #tpu.memory_space<hbm>>
      %dma_start3A_185 = tpu.memref_squeeze %dma_start3A_184 : memref<1x100352xf32, #tpu.memory_space<hbm>> -> memref<100352xf32, #tpu.memory_space<hbm>>
      %dma_start3A_186 = tpu.memref_slice %dma_start3A_185[%mul3A_0] : memref<100352xf32, #tpu.memory_space<hbm>> -> memref<6272xf32, #tpu.memory_space<hbm>>
      tpu.enqueue_dma source(%dma_start3A_186 : memref<6272xf32, #tpu.memory_space<hbm>>) target(%dma_start3A : memref<6272xf32, #tpu.memory_space<vmem_shared>>) target_semaphore(%run_scoped3A_182 : memref<!tpu.dma_semaphore, #tpu.memory_space<semaphore_mem>>)
      %dma_wait3A_187 = tpu.memref_slice %arg13[%mul3A_0] : memref<100352xf32, #tpu.memory_space<vmem_shared>> -> memref<6272xf32, #tpu.memory_space<vmem_shared>>
      %dma_wait3A_188 = arith.constant 0 : i32
      %dma_wait3A_189 = tpu.memref_slice %arg2[%run_scoped3A_1, %dma_wait3A_188] : memref<4x100352xf32, #tpu.memory_space<hbm>> -> memref<1x100352xf32, #tpu.memory_space<hbm>>
      %dma_wait3A_190 = tpu.memref_squeeze %dma_wait3A_189 : memref<1x100352xf32, #tpu.memory_space<hbm>> -> memref<100352xf32, #tpu.memory_space<hbm>>
      %dma_wait3A_191 = tpu.memref_slice %dma_wait3A_190[%mul3A_0] : memref<100352xf32, #tpu.memory_space<hbm>> -> memref<6272xf32, #tpu.memory_space<hbm>>
      tpu.wait_dma2 semaphore(%run_scoped3A_182 : memref<!tpu.dma_semaphore, #tpu.memory_space<semaphore_mem>>) src(%dma_wait3A_191 : memref<6272xf32, #tpu.memory_space<hbm>>) dst(%dma_wait3A_187 : memref<6272xf32, #tpu.memory_space<vmem_shared>>)
      tpu.yield
    }) : () -> ()
    %run_scoped3A_2 = arith.constant 2 : i32
    "tpu.region"() ({
      %run_scoped3A_182 = tpu.sem_alloc : memref<!tpu.dma_semaphore, #tpu.memory_space<semaphore_mem>>
      %dma_start3A = tpu.memref_slice %arg14[%mul3A_0] : memref<100352xf32, #tpu.memory_space<vmem_shared>> -> memref<6272xf32, #tpu.memory_space<vmem_shared>>
      %dma_start3A_183 = arith.constant 0 : i32
      %dma_start3A_184 = tpu.memref_slice %arg2[%run_scoped3A_2, %dma_start3A_183] : memref<4x100352xf32, #tpu.memory_space<hbm>> -> memref<1x100352xf32, #tpu.memory_space<hbm>>
      %dma_start3A_185 = tpu.memref_squeeze %dma_start3A_184 : memref<1x100352xf32, #tpu.memory_space<hbm>> -> memref<100352xf32, #tpu.memory_space<hbm>>
      %dma_start3A_186 = tpu.memref_slice %dma_start3A_185[%mul3A_0] : memref<100352xf32, #tpu.memory_space<hbm>> -> memref<6272xf32, #tpu.memory_space<hbm>>
      tpu.enqueue_dma source(%dma_start3A_186 : memref<6272xf32, #tpu.memory_space<hbm>>) target(%dma_start3A : memref<6272xf32, #tpu.memory_space<vmem_shared>>) target_semaphore(%run_scoped3A_182 : memref<!tpu.dma_semaphore, #tpu.memory_space<semaphore_mem>>)
      %dma_wait3A_187 = tpu.memref_slice %arg14[%mul3A_0] : memref<100352xf32, #tpu.memory_space<vmem_shared>> -> memref<6272xf32, #tpu.memory_space<vmem_shared>>
      %dma_wait3A_188 = arith.constant 0 : i32
      %dma_wait3A_189 = tpu.memref_slice %arg2[%run_scoped3A_2, %dma_wait3A_188] : memref<4x100352xf32, #tpu.memory_space<hbm>> -> memref<1x100352xf32, #tpu.memory_space<hbm>>
      %dma_wait3A_190 = tpu.memref_squeeze %dma_wait3A_189 : memref<1x100352xf32, #tpu.memory_space<hbm>> -> memref<100352xf32, #tpu.memory_space<hbm>>
      %dma_wait3A_191 = tpu.memref_slice %dma_wait3A_190[%mul3A_0] : memref<100352xf32, #tpu.memory_space<hbm>> -> memref<6272xf32, #tpu.memory_space<hbm>>
      tpu.wait_dma2 semaphore(%run_scoped3A_182 : memref<!tpu.dma_semaphore, #tpu.memory_space<semaphore_mem>>) src(%dma_wait3A_191 : memref<6272xf32, #tpu.memory_space<hbm>>) dst(%dma_wait3A_187 : memref<6272xf32, #tpu.memory_space<vmem_shared>>)
      tpu.yield
    }) : () -> ()
    %run_scoped3A_3 = arith.constant 3 : i32
    "tpu.region"() ({
      %run_scoped3A_182 = tpu.sem_alloc : memref<!tpu.dma_semaphore, #tpu.memory_space<semaphore_mem>>
      %dma_start3A = tpu.memref_slice %arg15[%mul3A_0] : memref<100352xf32, #tpu.memory_space<vmem_shared>> -> memref<6272xf32, #tpu.memory_space<vmem_shared>>
      %dma_start3A_183 = arith.constant 0 : i32
      %dma_start3A_184 = tpu.memref_slice %arg2[%run_scoped3A_3, %dma_start3A_183] : memref<4x100352xf32, #tpu.memory_space<hbm>> -> memref<1x100352xf32, #tpu.memory_space<hbm>>
      %dma_start3A_185 = tpu.memref_squeeze %dma_start3A_184 : memref<1x100352xf32, #tpu.memory_space<hbm>> -> memref<100352xf32, #tpu.memory_space<hbm>>
      %dma_start3A_186 = tpu.memref_slice %dma_start3A_185[%mul3A_0] : memref<100352xf32, #tpu.memory_space<hbm>> -> memref<6272xf32, #tpu.memory_space<hbm>>
      tpu.enqueue_dma source(%dma_start3A_186 : memref<6272xf32, #tpu.memory_space<hbm>>) target(%dma_start3A : memref<6272xf32, #tpu.memory_space<vmem_shared>>) target_semaphore(%run_scoped3A_182 : memref<!tpu.dma_semaphore, #tpu.memory_space<semaphore_mem>>)
      %dma_wait3A_187 = tpu.memref_slice %arg15[%mul3A_0] : memref<100352xf32, #tpu.memory_space<vmem_shared>> -> memref<6272xf32, #tpu.memory_space<vmem_shared>>
      %dma_wait3A_188 = arith.constant 0 : i32
      %dma_wait3A_189 = tpu.memref_slice %arg2[%run_scoped3A_3, %dma_wait3A_188] : memref<4x100352xf32, #tpu.memory_space<hbm>> -> memref<1x100352xf32, #tpu.memory_space<hbm>>
      %dma_wait3A_190 = tpu.memref_squeeze %dma_wait3A_189 : memref<1x100352xf32, #tpu.memory_space<hbm>> -> memref<100352xf32, #tpu.memory_space<hbm>>
      %dma_wait3A_191 = tpu.memref_slice %dma_wait3A_190[%mul3A_0] : memref<100352xf32, #tpu.memory_space<hbm>> -> memref<6272xf32, #tpu.memory_space<hbm>>
      tpu.wait_dma2 semaphore(%run_scoped3A_182 : memref<!tpu.dma_semaphore, #tpu.memory_space<semaphore_mem>>) src(%dma_wait3A_191 : memref<6272xf32, #tpu.memory_space<hbm>>) dst(%dma_wait3A_187 : memref<6272xf32, #tpu.memory_space<vmem_shared>>)
      tpu.yield
    }) : () -> ()
    %barrier3A = arith.constant 0 : index
    tpu.barrier barrier_id(%barrier3A)
    %mul3A_4 = arith.constant 16 : i32
    %mul3A_5 = arith.muli %arg0, %mul3A_4 : i32
    %add3A = arith.addi %mul3A_5, %arg1 : i32
    %lt3A = arith.constant 16 : i32
    %lt3A_6 = arith.cmpi slt, %add3A, %lt3A : i32
    %convert_element_type3A = arith.extui %lt3A_6 : i1 to i32
    %add3A_7 = arith.constant 1562 : i32
    %add3A_8 = arith.addi %add3A_7, %convert_element_type3A : i32
    %mul3A_9 = arith.constant 1562 : i32
    %mul3A_10 = arith.muli %add3A, %mul3A_9 : i32
    %min3A = arith.constant 16 : i32
    %min3A_11 = arith.minsi %add3A, %min3A : i32
    %add3A_12 = arith.addi %mul3A_10, %min3A_11 : i32
    %scan3A = arith.constant 0 : i32
    %scan3A_13 = arith.constant 0 : i32
    %scan3A_14 = arith.constant 25 : i32
    %scan3A_15 = arith.addi %scan3A_13, %scan3A_14 : i32
    %scan3A_16 = arith.constant 1 : i32
    scf.for %scan3A_182 = %scan3A_13 to %scan3A_15 step %scan3A_16  : i32 {
      %mul3A_183 = arith.constant 64 : i32
      %mul3A_184 = arith.muli %scan3A_182, %mul3A_183 : i32
      %add3A_185 = arith.addi %add3A_12, %mul3A_184 : i32
      %mul3A_186 = arith.constant 64 : i32
      %mul3A_187 = arith.muli %scan3A_182, %mul3A_186 : i32
      %sub3A = arith.subi %add3A_8, %mul3A_187 : i32
      %min3A_188 = arith.constant 64 : i32
      %min3A_189 = arith.minsi %sub3A, %min3A_188 : i32
      "tpu.region"() ({
        %run_scoped3A_199 = tpu.sem_alloc : memref<!tpu.dma_semaphore, #tpu.memory_space<semaphore_mem>>
        %dma_start3A = arith.constant 0 : i32
        %dma_start3A_200 = tpu.memref_slice %arg3[%add3A_185, %dma_start3A] : memref<50064x128xi32, #tpu.memory_space<hbm>> -> memref<64x128xi32, #tpu.memory_space<hbm>>
        %dma_start3A_201 = arith.constant 0 : i32
        %dma_start3A_202 = tpu.memref_slice %arg3[%add3A_185, %dma_start3A_201] : memref<50064x128xi32, #tpu.memory_space<hbm>> -> memref<64x128xi32, #tpu.memory_space<hbm>>
        tpu.enqueue_dma source(%dma_start3A_202 : memref<64x128xi32, #tpu.memory_space<hbm>>) target(%arg16 : memref<64x128xi32, #tpu.memory_space<vmem>>) target_semaphore(%run_scoped3A_199 : memref<!tpu.dma_semaphore, #tpu.memory_space<semaphore_mem>>)
        %dma_wait3A_203 = arith.constant 0 : i32
        %dma_wait3A_204 = tpu.memref_slice %arg3[%add3A_185, %dma_wait3A_203] : memref<50064x128xi32, #tpu.memory_space<hbm>> -> memref<64x128xi32, #tpu.memory_space<hbm>>
        %dma_wait3A_205 = arith.constant 0 : i32
        %dma_wait3A_206 = tpu.memref_slice %arg3[%add3A_185, %dma_wait3A_205] : memref<50064x128xi32, #tpu.memory_space<hbm>> -> memref<64x128xi32, #tpu.memory_space<hbm>>
        tpu.wait_dma2 semaphore(%run_scoped3A_199 : memref<!tpu.dma_semaphore, #tpu.memory_space<semaphore_mem>>) src(%dma_wait3A_206 : memref<64x128xi32, #tpu.memory_space<hbm>>) dst(%arg16 : memref<64x128xi32, #tpu.memory_space<vmem>>)
        tpu.yield
      }) : () -> ()
      "tpu.region"() ({
        %run_scoped3A_199 = tpu.sem_alloc : memref<!tpu.dma_semaphore, #tpu.memory_space<semaphore_mem>>
        %dma_start3A = arith.constant 0 : i32
        %dma_start3A_200 = tpu.memref_slice %arg4[%add3A_185, %dma_start3A] : memref<50064x128xi32, #tpu.memory_space<hbm>> -> memref<64x128xi32, #tpu.memory_space<hbm>>
        %dma_start3A_201 = arith.constant 0 : i32
        %dma_start3A_202 = tpu.memref_slice %arg4[%add3A_185, %dma_start3A_201] : memref<50064x128xi32, #tpu.memory_space<hbm>> -> memref<64x128xi32, #tpu.memory_space<hbm>>
        tpu.enqueue_dma source(%dma_start3A_202 : memref<64x128xi32, #tpu.memory_space<hbm>>) target(%arg17 : memref<64x128xi32, #tpu.memory_space<vmem>>) target_semaphore(%run_scoped3A_199 : memref<!tpu.dma_semaphore, #tpu.memory_space<semaphore_mem>>)
        %dma_wait3A_203 = arith.constant 0 : i32
        %dma_wait3A_204 = tpu.memref_slice %arg4[%add3A_185, %dma_wait3A_203] : memref<50064x128xi32, #tpu.memory_space<hbm>> -> memref<64x128xi32, #tpu.memory_space<hbm>>
        %dma_wait3A_205 = arith.constant 0 : i32
        %dma_wait3A_206 = tpu.memref_slice %arg4[%add3A_185, %dma_wait3A_205] : memref<50064x128xi32, #tpu.memory_space<hbm>> -> memref<64x128xi32, #tpu.memory_space<hbm>>
        tpu.wait_dma2 semaphore(%run_scoped3A_199 : memref<!tpu.dma_semaphore, #tpu.memory_space<semaphore_mem>>) src(%dma_wait3A_206 : memref<64x128xi32, #tpu.memory_space<hbm>>) dst(%arg17 : memref<64x128xi32, #tpu.memory_space<vmem>>)
        tpu.yield
      }) : () -> ()
      %while3A = arith.constant 0 : i32
      %while3A_190 = arith.constant 0 : i32
      %while3A_191 = arith.subi %min3A_189, %while3A_190 : i32
      %while3A_192 = arith.addi %while3A_190, %while3A_191 : i32
      %while3A_193 = arith.constant 1 : i32
      %while3A_194 = arith.divsi %while3A_191, %while3A_193 : i32
      %while3A_195 = arith.muli %while3A_194, %while3A_193 : i32
      %while3A_196 = arith.addi %while3A_190, %while3A_195 : i32
      %while3A_197 = arith.constant 1 : i32
      scf.for %while3A_199 = %while3A_190 to %while3A_196 step %while3A_197  : i32 {
        %mul3A_200 = arith.constant 64 : i32
        %mul3A_201 = arith.muli %scan3A_182, %mul3A_200 : i32
        %add3A_202 = arith.addi %mul3A_201, %while3A_199 : i32
        %rem3A = arith.constant 2 : i32
        %rem3A_203 = arith.remsi %add3A_202, %rem3A : i32
        %ge3A = arith.constant 2 : i32
        %ge3A_204 = arith.cmpi sge, %add3A_202, %ge3A : i32
        %convert_element_type3A_205 = arith.extui %ge3A_204 : i1 to i32
        %cond3A = arith.constant 0 : i32
        %cond3A_206 = arith.cmpi ne, %convert_element_type3A_205, %cond3A : i32
        scf.if %cond3A_206 {
          %dma_wait3A_362 = arith.constant 0 : i32
          %dma_wait3A_363 = arith.constant 0 : i32
          %dma_wait3A_364 = arith.constant 0 : i32
          %dma_wait3A_365 = tpu.memref_slice %arg18[%rem3A_203, %dma_wait3A_363, %dma_wait3A_364] : memref<2x4x128xf32, #tpu.memory_space<vmem>> -> memref<1x4x128xf32, #tpu.memory_space<vmem>>
          %dma_wait3A_366 = tpu.memref_squeeze %dma_wait3A_365 : memref<1x4x128xf32, #tpu.memory_space<vmem>> -> memref<4x128xf32, #tpu.memory_space<vmem>>
          %dma_wait3A_367 = arith.constant 0 : i32
          %dma_wait3A_368 = tpu.memref_slice %dma_wait3A_366[%dma_wait3A_362, %dma_wait3A_367] : memref<4x128xf32, #tpu.memory_space<vmem>> -> memref<1x128xf32, #tpu.memory_space<vmem>>
          %dma_wait3A_369 = tpu.memref_squeeze %dma_wait3A_368 : memref<1x128xf32, #tpu.memory_space<vmem>> -> memref<128xf32, #tpu.memory_space<vmem>>
          %dma_wait3A_370 = arith.constant 0 : i32
          %dma_wait3A_371 = tpu.memref_slice %arg5[%dma_wait3A_370] : memref<100352xf32, #tpu.memory_space<hbm>> -> memref<128xf32, #tpu.memory_space<hbm>>
          %dma_wait3A_372 = arith.constant 0 : i32
          %dma_wait3A_373 = arith.constant 0 : i32
          %dma_wait3A_374 = tpu.memref_slice %arg18[%rem3A_203, %dma_wait3A_372, %dma_wait3A_373] : memref<2x4x128xf32, #tpu.memory_space<vmem>> -> memref<1x4x128xf32, #tpu.memory_space<vmem>>
          %dma_wait3A_375 = tpu.memref_squeeze %dma_wait3A_374 : memref<1x4x128xf32, #tpu.memory_space<vmem>> -> memref<4x128xf32, #tpu.memory_space<vmem>>
          %dma_wait3A_376 = arith.constant 0 : i32
          %dma_wait3A_377 = tpu.memref_slice %dma_wait3A_375[%dma_wait3A_362, %dma_wait3A_376] : memref<4x128xf32, #tpu.memory_space<vmem>> -> memref<1x128xf32, #tpu.memory_space<vmem>>
          %dma_wait3A_378 = tpu.memref_squeeze %dma_wait3A_377 : memref<1x128xf32, #tpu.memory_space<vmem>> -> memref<128xf32, #tpu.memory_space<vmem>>
          %dma_wait3A_379 = arith.constant 0 : i32
          %dma_wait3A_380 = tpu.memref_slice %arg5[%dma_wait3A_379] : memref<100352xf32, #tpu.memory_space<hbm>> -> memref<128xf32, #tpu.memory_space<hbm>>
          tpu.wait_dma2 semaphore(%arg21 : memref<!tpu.dma_semaphore, #tpu.memory_space<semaphore_mem>>) src(%dma_wait3A_380 : memref<128xf32, #tpu.memory_space<hbm>>) dst(%dma_wait3A_378 : memref<128xf32, #tpu.memory_space<vmem>>)
          %dma_wait3A_381 = arith.constant 1 : i32
          %dma_wait3A_382 = arith.constant 0 : i32
          %dma_wait3A_383 = arith.constant 0 : i32
          %dma_wait3A_384 = tpu.memref_slice %arg18[%rem3A_203, %dma_wait3A_382, %dma_wait3A_383] : memref<2x4x128xf32, #tpu.memory_space<vmem>> -> memref<1x4x128xf32, #tpu.memory_space<vmem>>
          %dma_wait3A_385 = tpu.memref_squeeze %dma_wait3A_384 : memref<1x4x128xf32, #tpu.memory_space<vmem>> -> memref<4x128xf32, #tpu.memory_space<vmem>>
          %dma_wait3A_386 = arith.constant 0 : i32
          %dma_wait3A_387 = tpu.memref_slice %dma_wait3A_385[%dma_wait3A_381, %dma_wait3A_386] : memref<4x128xf32, #tpu.memory_space<vmem>> -> memref<1x128xf32, #tpu.memory_space<vmem>>
          %dma_wait3A_388 = tpu.memref_squeeze %dma_wait3A_387 : memref<1x128xf32, #tpu.memory_space<vmem>> -> memref<128xf32, #tpu.memory_space<vmem>>
          %dma_wait3A_389 = arith.constant 0 : i32
          %dma_wait3A_390 = tpu.memref_slice %arg5[%dma_wait3A_389] : memref<100352xf32, #tpu.memory_space<hbm>> -> memref<128xf32, #tpu.memory_space<hbm>>
          %dma_wait3A_391 = arith.constant 0 : i32
          %dma_wait3A_392 = arith.constant 0 : i32
          %dma_wait3A_393 = tpu.memref_slice %arg18[%rem3A_203, %dma_wait3A_391, %dma_wait3A_392] : memref<2x4x128xf32, #tpu.memory_space<vmem>> -> memref<1x4x128xf32, #tpu.memory_space<vmem>>
          %dma_wait3A_394 = tpu.memref_squeeze %dma_wait3A_393 : memref<1x4x128xf32, #tpu.memory_space<vmem>> -> memref<4x128xf32, #tpu.memory_space<vmem>>
          %dma_wait3A_395 = arith.constant 0 : i32
          %dma_wait3A_396 = tpu.memref_slice %dma_wait3A_394[%dma_wait3A_381, %dma_wait3A_395] : memref<4x128xf32, #tpu.memory_space<vmem>> -> memref<1x128xf32, #tpu.memory_space<vmem>>
          %dma_wait3A_397 = tpu.memref_squeeze %dma_wait3A_396 : memref<1x128xf32, #tpu.memory_space<vmem>> -> memref<128xf32, #tpu.memory_space<vmem>>
          %dma_wait3A_398 = arith.constant 0 : i32
          %dma_wait3A_399 = tpu.memref_slice %arg5[%dma_wait3A_398] : memref<100352xf32, #tpu.memory_space<hbm>> -> memref<128xf32, #tpu.memory_space<hbm>>
          tpu.wait_dma2 semaphore(%arg21 : memref<!tpu.dma_semaphore, #tpu.memory_space<semaphore_mem>>) src(%dma_wait3A_399 : memref<128xf32, #tpu.memory_space<hbm>>) dst(%dma_wait3A_397 : memref<128xf32, #tpu.memory_space<vmem>>)
          %dma_wait3A_400 = arith.constant 2 : i32
          %dma_wait3A_401 = arith.constant 0 : i32
          %dma_wait3A_402 = arith.constant 0 : i32
          %dma_wait3A_403 = tpu.memref_slice %arg18[%rem3A_203, %dma_wait3A_401, %dma_wait3A_402] : memref<2x4x128xf32, #tpu.memory_space<vmem>> -> memref<1x4x128xf32, #tpu.memory_space<vmem>>
          %dma_wait3A_404 = tpu.memref_squeeze %dma_wait3A_403 : memref<1x4x128xf32, #tpu.memory_space<vmem>> -> memref<4x128xf32, #tpu.memory_space<vmem>>
          %dma_wait3A_405 = arith.constant 0 : i32
          %dma_wait3A_406 = tpu.memref_slice %dma_wait3A_404[%dma_wait3A_400, %dma_wait3A_405] : memref<4x128xf32, #tpu.memory_space<vmem>> -> memref<1x128xf32, #tpu.memory_space<vmem>>
          %dma_wait3A_407 = tpu.memref_squeeze %dma_wait3A_406 : memref<1x128xf32, #tpu.memory_space<vmem>> -> memref<128xf32, #tpu.memory_space<vmem>>
          %dma_wait3A_408 = arith.constant 0 : i32
          %dma_wait3A_409 = tpu.memref_slice %arg5[%dma_wait3A_408] : memref<100352xf32, #tpu.memory_space<hbm>> -> memref<128xf32, #tpu.memory_space<hbm>>
          %dma_wait3A_410 = arith.constant 0 : i32
          %dma_wait3A_411 = arith.constant 0 : i32
          %dma_wait3A_412 = tpu.memref_slice %arg18[%rem3A_203, %dma_wait3A_410, %dma_wait3A_411] : memref<2x4x128xf32, #tpu.memory_space<vmem>> -> memref<1x4x128xf32, #tpu.memory_space<vmem>>
          %dma_wait3A_413 = tpu.memref_squeeze %dma_wait3A_412 : memref<1x4x128xf32, #tpu.memory_space<vmem>> -> memref<4x128xf32, #tpu.memory_space<vmem>>
          %dma_wait3A_414 = arith.constant 0 : i32
          %dma_wait3A_415 = tpu.memref_slice %dma_wait3A_413[%dma_wait3A_400, %dma_wait3A_414] : memref<4x128xf32, #tpu.memory_space<vmem>> -> memref<1x128xf32, #tpu.memory_space<vmem>>
          %dma_wait3A_416 = tpu.memref_squeeze %dma_wait3A_415 : memref<1x128xf32, #tpu.memory_space<vmem>> -> memref<128xf32, #tpu.memory_space<vmem>>
          %dma_wait3A_417 = arith.constant 0 : i32
          %dma_wait3A_418 = tpu.memref_slice %arg5[%dma_wait3A_417] : memref<100352xf32, #tpu.memory_space<hbm>> -> memref<128xf32, #tpu.memory_space<hbm>>
          tpu.wait_dma2 semaphore(%arg21 : memref<!tpu.dma_semaphore, #tpu.memory_space<semaphore_mem>>) src(%dma_wait3A_418 : memref<128xf32, #tpu.memory_space<hbm>>) dst(%dma_wait3A_416 : memref<128xf32, #tpu.memory_space<vmem>>)
          %dma_wait3A_419 = arith.constant 3 : i32
          %dma_wait3A_420 = arith.constant 0 : i32
          %dma_wait3A_421 = arith.constant 0 : i32
          %dma_wait3A_422 = tpu.memref_slice %arg18[%rem3A_203, %dma_wait3A_420, %dma_wait3A_421] : memref<2x4x128xf32, #tpu.memory_space<vmem>> -> memref<1x4x128xf32, #tpu.memory_space<vmem>>
          %dma_wait3A_423 = tpu.memref_squeeze %dma_wait3A_422 : memref<1x4x128xf32, #tpu.memory_space<vmem>> -> memref<4x128xf32, #tpu.memory_space<vmem>>
          %dma_wait3A_424 = arith.constant 0 : i32
          %dma_wait3A_425 = tpu.memref_slice %dma_wait3A_423[%dma_wait3A_419, %dma_wait3A_424] : memref<4x128xf32, #tpu.memory_space<vmem>> -> memref<1x128xf32, #tpu.memory_space<vmem>>
          %dma_wait3A_426 = tpu.memref_squeeze %dma_wait3A_425 : memref<1x128xf32, #tpu.memory_space<vmem>> -> memref<128xf32, #tpu.memory_space<vmem>>
          %dma_wait3A_427 = arith.constant 0 : i32
          %dma_wait3A_428 = tpu.memref_slice %arg5[%dma_wait3A_427] : memref<100352xf32, #tpu.memory_space<hbm>> -> memref<128xf32, #tpu.memory_space<hbm>>
          %dma_wait3A_429 = arith.constant 0 : i32
          %dma_wait3A_430 = arith.constant 0 : i32
          %dma_wait3A_431 = tpu.memref_slice %arg18[%rem3A_203, %dma_wait3A_429, %dma_wait3A_430] : memref<2x4x128xf32, #tpu.memory_space<vmem>> -> memref<1x4x128xf32, #tpu.memory_space<vmem>>
          %dma_wait3A_432 = tpu.memref_squeeze %dma_wait3A_431 : memref<1x4x128xf32, #tpu.memory_space<vmem>> -> memref<4x128xf32, #tpu.memory_space<vmem>>
          %dma_wait3A_433 = arith.constant 0 : i32
          %dma_wait3A_434 = tpu.memref_slice %dma_wait3A_432[%dma_wait3A_419, %dma_wait3A_433] : memref<4x128xf32, #tpu.memory_space<vmem>> -> memref<1x128xf32, #tpu.memory_space<vmem>>
          %dma_wait3A_435 = tpu.memref_squeeze %dma_wait3A_434 : memref<1x128xf32, #tpu.memory_space<vmem>> -> memref<128xf32, #tpu.memory_space<vmem>>
          %dma_wait3A_436 = arith.constant 0 : i32
          %dma_wait3A_437 = tpu.memref_slice %arg5[%dma_wait3A_436] : memref<100352xf32, #tpu.memory_space<hbm>> -> memref<128xf32, #tpu.memory_space<hbm>>
          tpu.wait_dma2 semaphore(%arg21 : memref<!tpu.dma_semaphore, #tpu.memory_space<semaphore_mem>>) src(%dma_wait3A_437 : memref<128xf32, #tpu.memory_space<hbm>>) dst(%dma_wait3A_435 : memref<128xf32, #tpu.memory_space<vmem>>)
        } else {
        }
        %dma_start3A = arith.constant 0 : i32
        %dma_start3A_207 = arith.constant 0 : i32
        %dma_start3A_208 = arith.constant 0 : i32
        %dma_start3A_209 = tpu.memref_slice %arg18[%rem3A_203, %dma_start3A_207, %dma_start3A_208] : memref<2x4x128xf32, #tpu.memory_space<vmem>> -> memref<1x4x128xf32, #tpu.memory_space<vmem>>
        %dma_start3A_210 = tpu.memref_squeeze %dma_start3A_209 : memref<1x4x128xf32, #tpu.memory_space<vmem>> -> memref<4x128xf32, #tpu.memory_space<vmem>>
        %dma_start3A_211 = arith.constant 0 : i32
        %dma_start3A_212 = tpu.memref_slice %dma_start3A_210[%dma_start3A, %dma_start3A_211] : memref<4x128xf32, #tpu.memory_space<vmem>> -> memref<1x128xf32, #tpu.memory_space<vmem>>
        %dma_start3A_213 = tpu.memref_squeeze %dma_start3A_212 : memref<1x128xf32, #tpu.memory_space<vmem>> -> memref<128xf32, #tpu.memory_space<vmem>>
        %dma_start3A_214 = arith.constant 0 : i32
        %dma_start3A_215 = tpu.memref_slice %arg16[%while3A_199, %dma_start3A_214] : memref<64x128xi32, #tpu.memory_space<vmem>> -> memref<1x128xi32, #tpu.memory_space<vmem>>
        %dma_start3A_216 = tpu.memref_squeeze %dma_start3A_215 : memref<1x128xi32, #tpu.memory_space<vmem>> -> memref<128xi32, #tpu.memory_space<vmem>>
        %dma_start3A_217 = arith.constant 0 : i32
        %dma_start3A_218 = tpu.memref_slice %arg12[%dma_start3A_217] : memref<100352xf32, #tpu.memory_space<vmem_shared>> -> memref<100352xf32, #tpu.memory_space<vmem_shared>>
        tpu.enqueue_indirect_dma source(%dma_start3A_218 : memref<100352xf32, #tpu.memory_space<vmem_shared>>) target(%dma_start3A_213 : memref<128xf32, #tpu.memory_space<vmem>>) offsets(%dma_start3A_216 : memref<128xi32, #tpu.memory_space<vmem>>) semaphore(%arg20 : memref<!tpu.dma_semaphore, #tpu.memory_space<semaphore_mem>>)
        %dma_start3A_219 = arith.constant 1 : i32
        %dma_start3A_220 = arith.constant 0 : i32
        %dma_start3A_221 = arith.constant 0 : i32
        %dma_start3A_222 = tpu.memref_slice %arg18[%rem3A_203, %dma_start3A_220, %dma_start3A_221] : memref<2x4x128xf32, #tpu.memory_space<vmem>> -> memref<1x4x128xf32, #tpu.memory_space<vmem>>
        %dma_start3A_223 = tpu.memref_squeeze %dma_start3A_222 : memref<1x4x128xf32, #tpu.memory_space<vmem>> -> memref<4x128xf32, #tpu.memory_space<vmem>>
        %dma_start3A_224 = arith.constant 0 : i32
        %dma_start3A_225 = tpu.memref_slice %dma_start3A_223[%dma_start3A_219, %dma_start3A_224] : memref<4x128xf32, #tpu.memory_space<vmem>> -> memref<1x128xf32, #tpu.memory_space<vmem>>
        %dma_start3A_226 = tpu.memref_squeeze %dma_start3A_225 : memref<1x128xf32, #tpu.memory_space<vmem>> -> memref<128xf32, #tpu.memory_space<vmem>>
        %dma_start3A_227 = arith.constant 0 : i32
        %dma_start3A_228 = tpu.memref_slice %arg16[%while3A_199, %dma_start3A_227] : memref<64x128xi32, #tpu.memory_space<vmem>> -> memref<1x128xi32, #tpu.memory_space<vmem>>
        %dma_start3A_229 = tpu.memref_squeeze %dma_start3A_228 : memref<1x128xi32, #tpu.memory_space<vmem>> -> memref<128xi32, #tpu.memory_space<vmem>>
        %dma_start3A_230 = arith.constant 0 : i32
        %dma_start3A_231 = tpu.memref_slice %arg13[%dma_start3A_230] : memref<100352xf32, #tpu.memory_space<vmem_shared>> -> memref<100352xf32, #tpu.memory_space<vmem_shared>>
        tpu.enqueue_indirect_dma source(%dma_start3A_231 : memref<100352xf32, #tpu.memory_space<vmem_shared>>) target(%dma_start3A_226 : memref<128xf32, #tpu.memory_space<vmem>>) offsets(%dma_start3A_229 : memref<128xi32, #tpu.memory_space<vmem>>) semaphore(%arg20 : memref<!tpu.dma_semaphore, #tpu.memory_space<semaphore_mem>>)
        %dma_start3A_232 = arith.constant 2 : i32
        %dma_start3A_233 = arith.constant 0 : i32
        %dma_start3A_234 = arith.constant 0 : i32
        %dma_start3A_235 = tpu.memref_slice %arg18[%rem3A_203, %dma_start3A_233, %dma_start3A_234] : memref<2x4x128xf32, #tpu.memory_space<vmem>> -> memref<1x4x128xf32, #tpu.memory_space<vmem>>
        %dma_start3A_236 = tpu.memref_squeeze %dma_start3A_235 : memref<1x4x128xf32, #tpu.memory_space<vmem>> -> memref<4x128xf32, #tpu.memory_space<vmem>>
        %dma_start3A_237 = arith.constant 0 : i32
        %dma_start3A_238 = tpu.memref_slice %dma_start3A_236[%dma_start3A_232, %dma_start3A_237] : memref<4x128xf32, #tpu.memory_space<vmem>> -> memref<1x128xf32, #tpu.memory_space<vmem>>
        %dma_start3A_239 = tpu.memref_squeeze %dma_start3A_238 : memref<1x128xf32, #tpu.memory_space<vmem>> -> memref<128xf32, #tpu.memory_space<vmem>>
        %dma_start3A_240 = arith.constant 0 : i32
        %dma_start3A_241 = tpu.memref_slice %arg16[%while3A_199, %dma_start3A_240] : memref<64x128xi32, #tpu.memory_space<vmem>> -> memref<1x128xi32, #tpu.memory_space<vmem>>
        %dma_start3A_242 = tpu.memref_squeeze %dma_start3A_241 : memref<1x128xi32, #tpu.memory_space<vmem>> -> memref<128xi32, #tpu.memory_space<vmem>>
        %dma_start3A_243 = arith.constant 0 : i32
        %dma_start3A_244 = tpu.memref_slice %arg14[%dma_start3A_243] : memref<100352xf32, #tpu.memory_space<vmem_shared>> -> memref<100352xf32, #tpu.memory_space<vmem_shared>>
        tpu.enqueue_indirect_dma source(%dma_start3A_244 : memref<100352xf32, #tpu.memory_space<vmem_shared>>) target(%dma_start3A_239 : memref<128xf32, #tpu.memory_space<vmem>>) offsets(%dma_start3A_242 : memref<128xi32, #tpu.memory_space<vmem>>) semaphore(%arg20 : memref<!tpu.dma_semaphore, #tpu.memory_space<semaphore_mem>>)
        %dma_start3A_245 = arith.constant 3 : i32
        %dma_start3A_246 = arith.constant 0 : i32
        %dma_start3A_247 = arith.constant 0 : i32
        %dma_start3A_248 = tpu.memref_slice %arg18[%rem3A_203, %dma_start3A_246, %dma_start3A_247] : memref<2x4x128xf32, #tpu.memory_space<vmem>> -> memref<1x4x128xf32, #tpu.memory_space<vmem>>
        %dma_start3A_249 = tpu.memref_squeeze %dma_start3A_248 : memref<1x4x128xf32, #tpu.memory_space<vmem>> -> memref<4x128xf32, #tpu.memory_space<vmem>>
        %dma_start3A_250 = arith.constant 0 : i32
        %dma_start3A_251 = tpu.memref_slice %dma_start3A_249[%dma_start3A_245, %dma_start3A_250] : memref<4x128xf32, #tpu.memory_space<vmem>> -> memref<1x128xf32, #tpu.memory_space<vmem>>
        %dma_start3A_252 = tpu.memref_squeeze %dma_start3A_251 : memref<1x128xf32, #tpu.memory_space<vmem>> -> memref<128xf32, #tpu.memory_space<vmem>>
        %dma_start3A_253 = arith.constant 0 : i32
        %dma_start3A_254 = tpu.memref_slice %arg16[%while3A_199, %dma_start3A_253] : memref<64x128xi32, #tpu.memory_space<vmem>> -> memref<1x128xi32, #tpu.memory_space<vmem>>
        %dma_start3A_255 = tpu.memref_squeeze %dma_start3A_254 : memref<1x128xi32, #tpu.memory_space<vmem>> -> memref<128xi32, #tpu.memory_space<vmem>>
        %dma_start3A_256 = arith.constant 0 : i32
        %dma_start3A_257 = tpu.memref_slice %arg15[%dma_start3A_256] : memref<100352xf32, #tpu.memory_space<vmem_shared>> -> memref<100352xf32, #tpu.memory_space<vmem_shared>>
        tpu.enqueue_indirect_dma source(%dma_start3A_257 : memref<100352xf32, #tpu.memory_space<vmem_shared>>) target(%dma_start3A_252 : memref<128xf32, #tpu.memory_space<vmem>>) offsets(%dma_start3A_255 : memref<128xi32, #tpu.memory_space<vmem>>) semaphore(%arg20 : memref<!tpu.dma_semaphore, #tpu.memory_space<semaphore_mem>>)
        %dma_wait3A_258 = arith.constant 0 : i32
        %dma_wait3A_259 = arith.constant 0 : i32
        %dma_wait3A_260 = arith.constant 0 : i32
        %dma_wait3A_261 = tpu.memref_slice %arg18[%rem3A_203, %dma_wait3A_259, %dma_wait3A_260] : memref<2x4x128xf32, #tpu.memory_space<vmem>> -> memref<1x4x128xf32, #tpu.memory_space<vmem>>
        %dma_wait3A_262 = tpu.memref_squeeze %dma_wait3A_261 : memref<1x4x128xf32, #tpu.memory_space<vmem>> -> memref<4x128xf32, #tpu.memory_space<vmem>>
        %dma_wait3A_263 = arith.constant 0 : i32
        %dma_wait3A_264 = tpu.memref_slice %dma_wait3A_262[%dma_wait3A_258, %dma_wait3A_263] : memref<4x128xf32, #tpu.memory_space<vmem>> -> memref<1x128xf32, #tpu.memory_space<vmem>>
        %dma_wait3A_265 = tpu.memref_squeeze %dma_wait3A_264 : memref<1x128xf32, #tpu.memory_space<vmem>> -> memref<128xf32, #tpu.memory_space<vmem>>
        %dma_wait3A_266 = arith.constant 0 : i32
        %dma_wait3A_267 = tpu.memref_slice %arg16[%while3A_199, %dma_wait3A_266] : memref<64x128xi32, #tpu.memory_space<vmem>> -> memref<1x128xi32, #tpu.memory_space<vmem>>
        %dma_wait3A_268 = tpu.memref_squeeze %dma_wait3A_267 : memref<1x128xi32, #tpu.memory_space<vmem>> -> memref<128xi32, #tpu.memory_space<vmem>>
        %dma_wait3A_269 = arith.constant 0 : i32
        %dma_wait3A_270 = tpu.memref_slice %arg12[%dma_wait3A_269] : memref<100352xf32, #tpu.memory_space<vmem_shared>> -> memref<100352xf32, #tpu.memory_space<vmem_shared>>
        tpu.wait_indirect_dma semaphore(%arg20 : memref<!tpu.dma_semaphore, #tpu.memory_space<semaphore_mem>>) src(%dma_wait3A_270 : memref<100352xf32, #tpu.memory_space<vmem_shared>>) dst(%dma_wait3A_265 : memref<128xf32, #tpu.memory_space<vmem>>)
        %dma_wait3A_271 = arith.constant 1 : i32
        %dma_wait3A_272 = arith.constant 0 : i32
        %dma_wait3A_273 = arith.constant 0 : i32
        %dma_wait3A_274 = tpu.memref_slice %arg18[%rem3A_203, %dma_wait3A_272, %dma_wait3A_273] : memref<2x4x128xf32, #tpu.memory_space<vmem>> -> memref<1x4x128xf32, #tpu.memory_space<vmem>>
        %dma_wait3A_275 = tpu.memref_squeeze %dma_wait3A_274 : memref<1x4x128xf32, #tpu.memory_space<vmem>> -> memref<4x128xf32, #tpu.memory_space<vmem>>
        %dma_wait3A_276 = arith.constant 0 : i32
        %dma_wait3A_277 = tpu.memref_slice %dma_wait3A_275[%dma_wait3A_271, %dma_wait3A_276] : memref<4x128xf32, #tpu.memory_space<vmem>> -> memref<1x128xf32, #tpu.memory_space<vmem>>
        %dma_wait3A_278 = tpu.memref_squeeze %dma_wait3A_277 : memref<1x128xf32, #tpu.memory_space<vmem>> -> memref<128xf32, #tpu.memory_space<vmem>>
        %dma_wait3A_279 = arith.constant 0 : i32
        %dma_wait3A_280 = tpu.memref_slice %arg16[%while3A_199, %dma_wait3A_279] : memref<64x128xi32, #tpu.memory_space<vmem>> -> memref<1x128xi32, #tpu.memory_space<vmem>>
        %dma_wait3A_281 = tpu.memref_squeeze %dma_wait3A_280 : memref<1x128xi32, #tpu.memory_space<vmem>> -> memref<128xi32, #tpu.memory_space<vmem>>
        %dma_wait3A_282 = arith.constant 0 : i32
        %dma_wait3A_283 = tpu.memref_slice %arg13[%dma_wait3A_282] : memref<100352xf32, #tpu.memory_space<vmem_shared>> -> memref<100352xf32, #tpu.memory_space<vmem_shared>>
        tpu.wait_indirect_dma semaphore(%arg20 : memref<!tpu.dma_semaphore, #tpu.memory_space<semaphore_mem>>) src(%dma_wait3A_283 : memref<100352xf32, #tpu.memory_space<vmem_shared>>) dst(%dma_wait3A_278 : memref<128xf32, #tpu.memory_space<vmem>>)
        %dma_wait3A_284 = arith.constant 2 : i32
        %dma_wait3A_285 = arith.constant 0 : i32
        %dma_wait3A_286 = arith.constant 0 : i32
        %dma_wait3A_287 = tpu.memref_slice %arg18[%rem3A_203, %dma_wait3A_285, %dma_wait3A_286] : memref<2x4x128xf32, #tpu.memory_space<vmem>> -> memref<1x4x128xf32, #tpu.memory_space<vmem>>
        %dma_wait3A_288 = tpu.memref_squeeze %dma_wait3A_287 : memref<1x4x128xf32, #tpu.memory_space<vmem>> -> memref<4x128xf32, #tpu.memory_space<vmem>>
        %dma_wait3A_289 = arith.constant 0 : i32
        %dma_wait3A_290 = tpu.memref_slice %dma_wait3A_288[%dma_wait3A_284, %dma_wait3A_289] : memref<4x128xf32, #tpu.memory_space<vmem>> -> memref<1x128xf32, #tpu.memory_space<vmem>>
        %dma_wait3A_291 = tpu.memref_squeeze %dma_wait3A_290 : memref<1x128xf32, #tpu.memory_space<vmem>> -> memref<128xf32, #tpu.memory_space<vmem>>
        %dma_wait3A_292 = arith.constant 0 : i32
        %dma_wait3A_293 = tpu.memref_slice %arg16[%while3A_199, %dma_wait3A_292] : memref<64x128xi32, #tpu.memory_space<vmem>> -> memref<1x128xi32, #tpu.memory_space<vmem>>
        %dma_wait3A_294 = tpu.memref_squeeze %dma_wait3A_293 : memref<1x128xi32, #tpu.memory_space<vmem>> -> memref<128xi32, #tpu.memory_space<vmem>>
        %dma_wait3A_295 = arith.constant 0 : i32
        %dma_wait3A_296 = tpu.memref_slice %arg14[%dma_wait3A_295] : memref<100352xf32, #tpu.memory_space<vmem_shared>> -> memref<100352xf32, #tpu.memory_space<vmem_shared>>
        tpu.wait_indirect_dma semaphore(%arg20 : memref<!tpu.dma_semaphore, #tpu.memory_space<semaphore_mem>>) src(%dma_wait3A_296 : memref<100352xf32, #tpu.memory_space<vmem_shared>>) dst(%dma_wait3A_291 : memref<128xf32, #tpu.memory_space<vmem>>)
        %dma_wait3A_297 = arith.constant 3 : i32
        %dma_wait3A_298 = arith.constant 0 : i32
        %dma_wait3A_299 = arith.constant 0 : i32
        %dma_wait3A_300 = tpu.memref_slice %arg18[%rem3A_203, %dma_wait3A_298, %dma_wait3A_299] : memref<2x4x128xf32, #tpu.memory_space<vmem>> -> memref<1x4x128xf32, #tpu.memory_space<vmem>>
        %dma_wait3A_301 = tpu.memref_squeeze %dma_wait3A_300 : memref<1x4x128xf32, #tpu.memory_space<vmem>> -> memref<4x128xf32, #tpu.memory_space<vmem>>
        %dma_wait3A_302 = arith.constant 0 : i32
        %dma_wait3A_303 = tpu.memref_slice %dma_wait3A_301[%dma_wait3A_297, %dma_wait3A_302] : memref<4x128xf32, #tpu.memory_space<vmem>> -> memref<1x128xf32, #tpu.memory_space<vmem>>
        %dma_wait3A_304 = tpu.memref_squeeze %dma_wait3A_303 : memref<1x128xf32, #tpu.memory_space<vmem>> -> memref<128xf32, #tpu.memory_space<vmem>>
        %dma_wait3A_305 = arith.constant 0 : i32
        %dma_wait3A_306 = tpu.memref_slice %arg16[%while3A_199, %dma_wait3A_305] : memref<64x128xi32, #tpu.memory_space<vmem>> -> memref<1x128xi32, #tpu.memory_space<vmem>>
        %dma_wait3A_307 = tpu.memref_squeeze %dma_wait3A_306 : memref<1x128xi32, #tpu.memory_space<vmem>> -> memref<128xi32, #tpu.memory_space<vmem>>
        %dma_wait3A_308 = arith.constant 0 : i32
        %dma_wait3A_309 = tpu.memref_slice %arg15[%dma_wait3A_308] : memref<100352xf32, #tpu.memory_space<vmem_shared>> -> memref<100352xf32, #tpu.memory_space<vmem_shared>>
        tpu.wait_indirect_dma semaphore(%arg20 : memref<!tpu.dma_semaphore, #tpu.memory_space<semaphore_mem>>) src(%dma_wait3A_309 : memref<100352xf32, #tpu.memory_space<vmem_shared>>) dst(%dma_wait3A_304 : memref<128xf32, #tpu.memory_space<vmem>>)
        %dma_start3A_310 = arith.constant 0 : i32
        %dma_start3A_311 = arith.constant 0 : i32
        %dma_start3A_312 = arith.constant 0 : i32
        %dma_start3A_313 = tpu.memref_slice %arg18[%rem3A_203, %dma_start3A_311, %dma_start3A_312] : memref<2x4x128xf32, #tpu.memory_space<vmem>> -> memref<1x4x128xf32, #tpu.memory_space<vmem>>
        %dma_start3A_314 = tpu.memref_squeeze %dma_start3A_313 : memref<1x4x128xf32, #tpu.memory_space<vmem>> -> memref<4x128xf32, #tpu.memory_space<vmem>>
        %dma_start3A_315 = arith.constant 0 : i32
        %dma_start3A_316 = tpu.memref_slice %dma_start3A_314[%dma_start3A_310, %dma_start3A_315] : memref<4x128xf32, #tpu.memory_space<vmem>> -> memref<1x128xf32, #tpu.memory_space<vmem>>
        %dma_start3A_317 = tpu.memref_squeeze %dma_start3A_316 : memref<1x128xf32, #tpu.memory_space<vmem>> -> memref<128xf32, #tpu.memory_space<vmem>>
        %dma_start3A_318 = arith.constant 0 : i32
        %dma_start3A_319 = tpu.memref_slice %arg17[%while3A_199, %dma_start3A_318] : memref<64x128xi32, #tpu.memory_space<vmem>> -> memref<1x128xi32, #tpu.memory_space<vmem>>
        %dma_start3A_320 = tpu.memref_squeeze %dma_start3A_319 : memref<1x128xi32, #tpu.memory_space<vmem>> -> memref<128xi32, #tpu.memory_space<vmem>>
        %dma_start3A_321 = arith.constant 0 : i32
        %dma_start3A_322 = tpu.memref_slice %arg8[%dma_start3A_321] : memref<100352xf32, #tpu.memory_space<vmem_shared>> -> memref<100352xf32, #tpu.memory_space<vmem_shared>>
        tpu.enqueue_indirect_dma source(%dma_start3A_317 : memref<128xf32, #tpu.memory_space<vmem>>) target(%dma_start3A_322 : memref<100352xf32, #tpu.memory_space<vmem_shared>>) offsets(%dma_start3A_320 : memref<128xi32, #tpu.memory_space<vmem>>) semaphore(%arg21 : memref<!tpu.dma_semaphore, #tpu.memory_space<semaphore_mem>>) {add = true}
        %dma_start3A_323 = arith.constant 1 : i32
        %dma_start3A_324 = arith.constant 0 : i32
        %dma_start3A_325 = arith.constant 0 : i32
        %dma_start3A_326 = tpu.memref_slice %arg18[%rem3A_203, %dma_start3A_324, %dma_start3A_325] : memref<2x4x128xf32, #tpu.memory_space<vmem>> -> memref<1x4x128xf32, #tpu.memory_space<vmem>>
        %dma_start3A_327 = tpu.memref_squeeze %dma_start3A_326 : memref<1x4x128xf32, #tpu.memory_space<vmem>> -> memref<4x128xf32, #tpu.memory_space<vmem>>
        %dma_start3A_328 = arith.constant 0 : i32
        %dma_start3A_329 = tpu.memref_slice %dma_start3A_327[%dma_start3A_323, %dma_start3A_328] : memref<4x128xf32, #tpu.memory_space<vmem>> -> memref<1x128xf32, #tpu.memory_space<vmem>>
        %dma_start3A_330 = tpu.memref_squeeze %dma_start3A_329 : memref<1x128xf32, #tpu.memory_space<vmem>> -> memref<128xf32, #tpu.memory_space<vmem>>
        %dma_start3A_331 = arith.constant 0 : i32
        %dma_start3A_332 = tpu.memref_slice %arg17[%while3A_199, %dma_start3A_331] : memref<64x128xi32, #tpu.memory_space<vmem>> -> memref<1x128xi32, #tpu.memory_space<vmem>>
        %dma_start3A_333 = tpu.memref_squeeze %dma_start3A_332 : memref<1x128xi32, #tpu.memory_space<vmem>> -> memref<128xi32, #tpu.memory_space<vmem>>
        %dma_start3A_334 = arith.constant 0 : i32
        %dma_start3A_335 = tpu.memref_slice %arg9[%dma_start3A_334] : memref<100352xf32, #tpu.memory_space<vmem_shared>> -> memref<100352xf32, #tpu.memory_space<vmem_shared>>
        tpu.enqueue_indirect_dma source(%dma_start3A_330 : memref<128xf32, #tpu.memory_space<vmem>>) target(%dma_start3A_335 : memref<100352xf32, #tpu.memory_space<vmem_shared>>) offsets(%dma_start3A_333 : memref<128xi32, #tpu.memory_space<vmem>>) semaphore(%arg21 : memref<!tpu.dma_semaphore, #tpu.memory_space<semaphore_mem>>) {add = true}
        %dma_start3A_336 = arith.constant 2 : i32
        %dma_start3A_337 = arith.constant 0 : i32
        %dma_start3A_338 = arith.constant 0 : i32
        %dma_start3A_339 = tpu.memref_slice %arg18[%rem3A_203, %dma_start3A_337, %dma_start3A_338] : memref<2x4x128xf32, #tpu.memory_space<vmem>> -> memref<1x4x128xf32, #tpu.memory_space<vmem>>
        %dma_start3A_340 = tpu.memref_squeeze %dma_start3A_339 : memref<1x4x128xf32, #tpu.memory_space<vmem>> -> memref<4x128xf32, #tpu.memory_space<vmem>>
        %dma_start3A_341 = arith.constant 0 : i32
        %dma_start3A_342 = tpu.memref_slice %dma_start3A_340[%dma_start3A_336, %dma_start3A_341] : memref<4x128xf32, #tpu.memory_space<vmem>> -> memref<1x128xf32, #tpu.memory_space<vmem>>
        %dma_start3A_343 = tpu.memref_squeeze %dma_start3A_342 : memref<1x128xf32, #tpu.memory_space<vmem>> -> memref<128xf32, #tpu.memory_space<vmem>>
        %dma_start3A_344 = arith.constant 0 : i32
        %dma_start3A_345 = tpu.memref_slice %arg17[%while3A_199, %dma_start3A_344] : memref<64x128xi32, #tpu.memory_space<vmem>> -> memref<1x128xi32, #tpu.memory_space<vmem>>
        %dma_start3A_346 = tpu.memref_squeeze %dma_start3A_345 : memref<1x128xi32, #tpu.memory_space<vmem>> -> memref<128xi32, #tpu.memory_space<vmem>>
        %dma_start3A_347 = arith.constant 0 : i32
        %dma_start3A_348 = tpu.memref_slice %arg10[%dma_start3A_347] : memref<100352xf32, #tpu.memory_space<vmem_shared>> -> memref<100352xf32, #tpu.memory_space<vmem_shared>>
        tpu.enqueue_indirect_dma source(%dma_start3A_343 : memref<128xf32, #tpu.memory_space<vmem>>) target(%dma_start3A_348 : memref<100352xf32, #tpu.memory_space<vmem_shared>>) offsets(%dma_start3A_346 : memref<128xi32, #tpu.memory_space<vmem>>) semaphore(%arg21 : memref<!tpu.dma_semaphore, #tpu.memory_space<semaphore_mem>>) {add = true}
        %dma_start3A_349 = arith.constant 3 : i32
        %dma_start3A_350 = arith.constant 0 : i32
        %dma_start3A_351 = arith.constant 0 : i32
        %dma_start3A_352 = tpu.memref_slice %arg18[%rem3A_203, %dma_start3A_350, %dma_start3A_351] : memref<2x4x128xf32, #tpu.memory_space<vmem>> -> memref<1x4x128xf32, #tpu.memory_space<vmem>>
        %dma_start3A_353 = tpu.memref_squeeze %dma_start3A_352 : memref<1x4x128xf32, #tpu.memory_space<vmem>> -> memref<4x128xf32, #tpu.memory_space<vmem>>
        %dma_start3A_354 = arith.constant 0 : i32
        %dma_start3A_355 = tpu.memref_slice %dma_start3A_353[%dma_start3A_349, %dma_start3A_354] : memref<4x128xf32, #tpu.memory_space<vmem>> -> memref<1x128xf32, #tpu.memory_space<vmem>>
        %dma_start3A_356 = tpu.memref_squeeze %dma_start3A_355 : memref<1x128xf32, #tpu.memory_space<vmem>> -> memref<128xf32, #tpu.memory_space<vmem>>
        %dma_start3A_357 = arith.constant 0 : i32
        %dma_start3A_358 = tpu.memref_slice %arg17[%while3A_199, %dma_start3A_357] : memref<64x128xi32, #tpu.memory_space<vmem>> -> memref<1x128xi32, #tpu.memory_space<vmem>>
        %dma_start3A_359 = tpu.memref_squeeze %dma_start3A_358 : memref<1x128xi32, #tpu.memory_space<vmem>> -> memref<128xi32, #tpu.memory_space<vmem>>
        %dma_start3A_360 = arith.constant 0 : i32
        %dma_start3A_361 = tpu.memref_slice %arg11[%dma_start3A_360] : memref<100352xf32, #tpu.memory_space<vmem_shared>> -> memref<100352xf32, #tpu.memory_space<vmem_shared>>
        tpu.enqueue_indirect_dma source(%dma_start3A_356 : memref<128xf32, #tpu.memory_space<vmem>>) target(%dma_start3A_361 : memref<100352xf32, #tpu.memory_space<vmem_shared>>) offsets(%dma_start3A_359 : memref<128xi32, #tpu.memory_space<vmem>>) semaphore(%arg21 : memref<!tpu.dma_semaphore, #tpu.memory_space<semaphore_mem>>) {add = true}
      }
      %while3A_198 = arith.constant 1 : i32
      scf.for %while3A_199 = %while3A_196 to %while3A_192 step %while3A_198  : i32 {
        %mul3A_200 = arith.constant 64 : i32
        %mul3A_201 = arith.muli %scan3A_182, %mul3A_200 : i32
        %add3A_202 = arith.addi %mul3A_201, %while3A_199 : i32
        %rem3A = arith.constant 2 : i32
        %rem3A_203 = arith.remsi %add3A_202, %rem3A : i32
        %ge3A = arith.constant 2 : i32
        %ge3A_204 = arith.cmpi sge, %add3A_202, %ge3A : i32
        %convert_element_type3A_205 = arith.extui %ge3A_204 : i1 to i32
        %cond3A = arith.constant 0 : i32
        %cond3A_206 = arith.cmpi ne, %convert_element_type3A_205, %cond3A : i32
        scf.if %cond3A_206 {
          %dma_wait3A_362 = arith.constant 0 : i32
          %dma_wait3A_363 = arith.constant 0 : i32
          %dma_wait3A_364 = arith.constant 0 : i32
          %dma_wait3A_365 = tpu.memref_slice %arg18[%rem3A_203, %dma_wait3A_363, %dma_wait3A_364] : memref<2x4x128xf32, #tpu.memory_space<vmem>> -> memref<1x4x128xf32, #tpu.memory_space<vmem>>
          %dma_wait3A_366 = tpu.memref_squeeze %dma_wait3A_365 : memref<1x4x128xf32, #tpu.memory_space<vmem>> -> memref<4x128xf32, #tpu.memory_space<vmem>>
          %dma_wait3A_367 = arith.constant 0 : i32
          %dma_wait3A_368 = tpu.memref_slice %dma_wait3A_366[%dma_wait3A_362, %dma_wait3A_367] : memref<4x128xf32, #tpu.memory_space<vmem>> -> memref<1x128xf32, #tpu.memory_space<vmem>>
          %dma_wait3A_369 = tpu.memref_squeeze %dma_wait3A_368 : memref<1x128xf32, #tpu.memory_space<vmem>> -> memref<128xf32, #tpu.memory_space<vmem>>
          %dma_wait3A_370 = arith.constant 0 : i32
          %dma_wait3A_371 = tpu.memref_slice %arg5[%dma_wait3A_370] : memref<100352xf32, #tpu.memory_space<hbm>> -> memref<128xf32, #tpu.memory_space<hbm>>
          %dma_wait3A_372 = arith.constant 0 : i32
          %dma_wait3A_373 = arith.constant 0 : i32
          %dma_wait3A_374 = tpu.memref_slice %arg18[%rem3A_203, %dma_wait3A_372, %dma_wait3A_373] : memref<2x4x128xf32, #tpu.memory_space<vmem>> -> memref<1x4x128xf32, #tpu.memory_space<vmem>>
          %dma_wait3A_375 = tpu.memref_squeeze %dma_wait3A_374 : memref<1x4x128xf32, #tpu.memory_space<vmem>> -> memref<4x128xf32, #tpu.memory_space<vmem>>
          %dma_wait3A_376 = arith.constant 0 : i32
          %dma_wait3A_377 = tpu.memref_slice %dma_wait3A_375[%dma_wait3A_362, %dma_wait3A_376] : memref<4x128xf32, #tpu.memory_space<vmem>> -> memref<1x128xf32, #tpu.memory_space<vmem>>
          %dma_wait3A_378 = tpu.memref_squeeze %dma_wait3A_377 : memref<1x128xf32, #tpu.memory_space<vmem>> -> memref<128xf32, #tpu.memory_space<vmem>>
          %dma_wait3A_379 = arith.constant 0 : i32
          %dma_wait3A_380 = tpu.memref_slice %arg5[%dma_wait3A_379] : memref<100352xf32, #tpu.memory_space<hbm>> -> memref<128xf32, #tpu.memory_space<hbm>>
          tpu.wait_dma2 semaphore(%arg21 : memref<!tpu.dma_semaphore, #tpu.memory_space<semaphore_mem>>) src(%dma_wait3A_380 : memref<128xf32, #tpu.memory_space<hbm>>) dst(%dma_wait3A_378 : memref<128xf32, #tpu.memory_space<vmem>>)
          %dma_wait3A_381 = arith.constant 1 : i32
          %dma_wait3A_382 = arith.constant 0 : i32
          %dma_wait3A_383 = arith.constant 0 : i32
          %dma_wait3A_384 = tpu.memref_slice %arg18[%rem3A_203, %dma_wait3A_382, %dma_wait3A_383] : memref<2x4x128xf32, #tpu.memory_space<vmem>> -> memref<1x4x128xf32, #tpu.memory_space<vmem>>
          %dma_wait3A_385 = tpu.memref_squeeze %dma_wait3A_384 : memref<1x4x128xf32, #tpu.memory_space<vmem>> -> memref<4x128xf32, #tpu.memory_space<vmem>>
          %dma_wait3A_386 = arith.constant 0 : i32
          %dma_wait3A_387 = tpu.memref_slice %dma_wait3A_385[%dma_wait3A_381, %dma_wait3A_386] : memref<4x128xf32, #tpu.memory_space<vmem>> -> memref<1x128xf32, #tpu.memory_space<vmem>>
          %dma_wait3A_388 = tpu.memref_squeeze %dma_wait3A_387 : memref<1x128xf32, #tpu.memory_space<vmem>> -> memref<128xf32, #tpu.memory_space<vmem>>
          %dma_wait3A_389 = arith.constant 0 : i32
          %dma_wait3A_390 = tpu.memref_slice %arg5[%dma_wait3A_389] : memref<100352xf32, #tpu.memory_space<hbm>> -> memref<128xf32, #tpu.memory_space<hbm>>
          %dma_wait3A_391 = arith.constant 0 : i32
          %dma_wait3A_392 = arith.constant 0 : i32
          %dma_wait3A_393 = tpu.memref_slice %arg18[%rem3A_203, %dma_wait3A_391, %dma_wait3A_392] : memref<2x4x128xf32, #tpu.memory_space<vmem>> -> memref<1x4x128xf32, #tpu.memory_space<vmem>>
          %dma_wait3A_394 = tpu.memref_squeeze %dma_wait3A_393 : memref<1x4x128xf32, #tpu.memory_space<vmem>> -> memref<4x128xf32, #tpu.memory_space<vmem>>
          %dma_wait3A_395 = arith.constant 0 : i32
          %dma_wait3A_396 = tpu.memref_slice %dma_wait3A_394[%dma_wait3A_381, %dma_wait3A_395] : memref<4x128xf32, #tpu.memory_space<vmem>> -> memref<1x128xf32, #tpu.memory_space<vmem>>
          %dma_wait3A_397 = tpu.memref_squeeze %dma_wait3A_396 : memref<1x128xf32, #tpu.memory_space<vmem>> -> memref<128xf32, #tpu.memory_space<vmem>>
          %dma_wait3A_398 = arith.constant 0 : i32
          %dma_wait3A_399 = tpu.memref_slice %arg5[%dma_wait3A_398] : memref<100352xf32, #tpu.memory_space<hbm>> -> memref<128xf32, #tpu.memory_space<hbm>>
          tpu.wait_dma2 semaphore(%arg21 : memref<!tpu.dma_semaphore, #tpu.memory_space<semaphore_mem>>) src(%dma_wait3A_399 : memref<128xf32, #tpu.memory_space<hbm>>) dst(%dma_wait3A_397 : memref<128xf32, #tpu.memory_space<vmem>>)
          %dma_wait3A_400 = arith.constant 2 : i32
          %dma_wait3A_401 = arith.constant 0 : i32
          %dma_wait3A_402 = arith.constant 0 : i32
          %dma_wait3A_403 = tpu.memref_slice %arg18[%rem3A_203, %dma_wait3A_401, %dma_wait3A_402] : memref<2x4x128xf32, #tpu.memory_space<vmem>> -> memref<1x4x128xf32, #tpu.memory_space<vmem>>
          %dma_wait3A_404 = tpu.memref_squeeze %dma_wait3A_403 : memref<1x4x128xf32, #tpu.memory_space<vmem>> -> memref<4x128xf32, #tpu.memory_space<vmem>>
          %dma_wait3A_405 = arith.constant 0 : i32
          %dma_wait3A_406 = tpu.memref_slice %dma_wait3A_404[%dma_wait3A_400, %dma_wait3A_405] : memref<4x128xf32, #tpu.memory_space<vmem>> -> memref<1x128xf32, #tpu.memory_space<vmem>>
          %dma_wait3A_407 = tpu.memref_squeeze %dma_wait3A_406 : memref<1x128xf32, #tpu.memory_space<vmem>> -> memref<128xf32, #tpu.memory_space<vmem>>
          %dma_wait3A_408 = arith.constant 0 : i32
          %dma_wait3A_409 = tpu.memref_slice %arg5[%dma_wait3A_408] : memref<100352xf32, #tpu.memory_space<hbm>> -> memref<128xf32, #tpu.memory_space<hbm>>
          %dma_wait3A_410 = arith.constant 0 : i32
          %dma_wait3A_411 = arith.constant 0 : i32
          %dma_wait3A_412 = tpu.memref_slice %arg18[%rem3A_203, %dma_wait3A_410, %dma_wait3A_411] : memref<2x4x128xf32, #tpu.memory_space<vmem>> -> memref<1x4x128xf32, #tpu.memory_space<vmem>>
          %dma_wait3A_413 = tpu.memref_squeeze %dma_wait3A_412 : memref<1x4x128xf32, #tpu.memory_space<vmem>> -> memref<4x128xf32, #tpu.memory_space<vmem>>
          %dma_wait3A_414 = arith.constant 0 : i32
          %dma_wait3A_415 = tpu.memref_slice %dma_wait3A_413[%dma_wait3A_400, %dma_wait3A_414] : memref<4x128xf32, #tpu.memory_space<vmem>> -> memref<1x128xf32, #tpu.memory_space<vmem>>
          %dma_wait3A_416 = tpu.memref_squeeze %dma_wait3A_415 : memref<1x128xf32, #tpu.memory_space<vmem>> -> memref<128xf32, #tpu.memory_space<vmem>>
          %dma_wait3A_417 = arith.constant 0 : i32
          %dma_wait3A_418 = tpu.memref_slice %arg5[%dma_wait3A_417] : memref<100352xf32, #tpu.memory_space<hbm>> -> memref<128xf32, #tpu.memory_space<hbm>>
          tpu.wait_dma2 semaphore(%arg21 : memref<!tpu.dma_semaphore, #tpu.memory_space<semaphore_mem>>) src(%dma_wait3A_418 : memref<128xf32, #tpu.memory_space<hbm>>) dst(%dma_wait3A_416 : memref<128xf32, #tpu.memory_space<vmem>>)
          %dma_wait3A_419 = arith.constant 3 : i32
          %dma_wait3A_420 = arith.constant 0 : i32
          %dma_wait3A_421 = arith.constant 0 : i32
          %dma_wait3A_422 = tpu.memref_slice %arg18[%rem3A_203, %dma_wait3A_420, %dma_wait3A_421] : memref<2x4x128xf32, #tpu.memory_space<vmem>> -> memref<1x4x128xf32, #tpu.memory_space<vmem>>
          %dma_wait3A_423 = tpu.memref_squeeze %dma_wait3A_422 : memref<1x4x128xf32, #tpu.memory_space<vmem>> -> memref<4x128xf32, #tpu.memory_space<vmem>>
          %dma_wait3A_424 = arith.constant 0 : i32
          %dma_wait3A_425 = tpu.memref_slice %dma_wait3A_423[%dma_wait3A_419, %dma_wait3A_424] : memref<4x128xf32, #tpu.memory_space<vmem>> -> memref<1x128xf32, #tpu.memory_space<vmem>>
          %dma_wait3A_426 = tpu.memref_squeeze %dma_wait3A_425 : memref<1x128xf32, #tpu.memory_space<vmem>> -> memref<128xf32, #tpu.memory_space<vmem>>
          %dma_wait3A_427 = arith.constant 0 : i32
          %dma_wait3A_428 = tpu.memref_slice %arg5[%dma_wait3A_427] : memref<100352xf32, #tpu.memory_space<hbm>> -> memref<128xf32, #tpu.memory_space<hbm>>
          %dma_wait3A_429 = arith.constant 0 : i32
          %dma_wait3A_430 = arith.constant 0 : i32
          %dma_wait3A_431 = tpu.memref_slice %arg18[%rem3A_203, %dma_wait3A_429, %dma_wait3A_430] : memref<2x4x128xf32, #tpu.memory_space<vmem>> -> memref<1x4x128xf32, #tpu.memory_space<vmem>>
          %dma_wait3A_432 = tpu.memref_squeeze %dma_wait3A_431 : memref<1x4x128xf32, #tpu.memory_space<vmem>> -> memref<4x128xf32, #tpu.memory_space<vmem>>
          %dma_wait3A_433 = arith.constant 0 : i32
          %dma_wait3A_434 = tpu.memref_slice %dma_wait3A_432[%dma_wait3A_419, %dma_wait3A_433] : memref<4x128xf32, #tpu.memory_space<vmem>> -> memref<1x128xf32, #tpu.memory_space<vmem>>
          %dma_wait3A_435 = tpu.memref_squeeze %dma_wait3A_434 : memref<1x128xf32, #tpu.memory_space<vmem>> -> memref<128xf32, #tpu.memory_space<vmem>>
          %dma_wait3A_436 = arith.constant 0 : i32
          %dma_wait3A_437 = tpu.memref_slice %arg5[%dma_wait3A_436] : memref<100352xf32, #tpu.memory_space<hbm>> -> memref<128xf32, #tpu.memory_space<hbm>>
          tpu.wait_dma2 semaphore(%arg21 : memref<!tpu.dma_semaphore, #tpu.memory_space<semaphore_mem>>) src(%dma_wait3A_437 : memref<128xf32, #tpu.memory_space<hbm>>) dst(%dma_wait3A_435 : memref<128xf32, #tpu.memory_space<vmem>>)
        } else {
        }
        %dma_start3A = arith.constant 0 : i32
        %dma_start3A_207 = arith.constant 0 : i32
        %dma_start3A_208 = arith.constant 0 : i32
        %dma_start3A_209 = tpu.memref_slice %arg18[%rem3A_203, %dma_start3A_207, %dma_start3A_208] : memref<2x4x128xf32, #tpu.memory_space<vmem>> -> memref<1x4x128xf32, #tpu.memory_space<vmem>>
        %dma_start3A_210 = tpu.memref_squeeze %dma_start3A_209 : memref<1x4x128xf32, #tpu.memory_space<vmem>> -> memref<4x128xf32, #tpu.memory_space<vmem>>
        %dma_start3A_211 = arith.constant 0 : i32
        %dma_start3A_212 = tpu.memref_slice %dma_start3A_210[%dma_start3A, %dma_start3A_211] : memref<4x128xf32, #tpu.memory_space<vmem>> -> memref<1x128xf32, #tpu.memory_space<vmem>>
        %dma_start3A_213 = tpu.memref_squeeze %dma_start3A_212 : memref<1x128xf32, #tpu.memory_space<vmem>> -> memref<128xf32, #tpu.memory_space<vmem>>
        %dma_start3A_214 = arith.constant 0 : i32
        %dma_start3A_215 = tpu.memref_slice %arg16[%while3A_199, %dma_start3A_214] : memref<64x128xi32, #tpu.memory_space<vmem>> -> memref<1x128xi32, #tpu.memory_space<vmem>>
        %dma_start3A_216 = tpu.memref_squeeze %dma_start3A_215 : memref<1x128xi32, #tpu.memory_space<vmem>> -> memref<128xi32, #tpu.memory_space<vmem>>
        %dma_start3A_217 = arith.constant 0 : i32
        %dma_start3A_218 = tpu.memref_slice %arg12[%dma_start3A_217] : memref<100352xf32, #tpu.memory_space<vmem_shared>> -> memref<100352xf32, #tpu.memory_space<vmem_shared>>
        tpu.enqueue_indirect_dma source(%dma_start3A_218 : memref<100352xf32, #tpu.memory_space<vmem_shared>>) target(%dma_start3A_213 : memref<128xf32, #tpu.memory_space<vmem>>) offsets(%dma_start3A_216 : memref<128xi32, #tpu.memory_space<vmem>>) semaphore(%arg20 : memref<!tpu.dma_semaphore, #tpu.memory_space<semaphore_mem>>)
        %dma_start3A_219 = arith.constant 1 : i32
        %dma_start3A_220 = arith.constant 0 : i32
        %dma_start3A_221 = arith.constant 0 : i32
        %dma_start3A_222 = tpu.memref_slice %arg18[%rem3A_203, %dma_start3A_220, %dma_start3A_221] : memref<2x4x128xf32, #tpu.memory_space<vmem>> -> memref<1x4x128xf32, #tpu.memory_space<vmem>>
        %dma_start3A_223 = tpu.memref_squeeze %dma_start3A_222 : memref<1x4x128xf32, #tpu.memory_space<vmem>> -> memref<4x128xf32, #tpu.memory_space<vmem>>
        %dma_start3A_224 = arith.constant 0 : i32
        %dma_start3A_225 = tpu.memref_slice %dma_start3A_223[%dma_start3A_219, %dma_start3A_224] : memref<4x128xf32, #tpu.memory_space<vmem>> -> memref<1x128xf32, #tpu.memory_space<vmem>>
        %dma_start3A_226 = tpu.memref_squeeze %dma_start3A_225 : memref<1x128xf32, #tpu.memory_space<vmem>> -> memref<128xf32, #tpu.memory_space<vmem>>
        %dma_start3A_227 = arith.constant 0 : i32
        %dma_start3A_228 = tpu.memref_slice %arg16[%while3A_199, %dma_start3A_227] : memref<64x128xi32, #tpu.memory_space<vmem>> -> memref<1x128xi32, #tpu.memory_space<vmem>>
        %dma_start3A_229 = tpu.memref_squeeze %dma_start3A_228 : memref<1x128xi32, #tpu.memory_space<vmem>> -> memref<128xi32, #tpu.memory_space<vmem>>
        %dma_start3A_230 = arith.constant 0 : i32
        %dma_start3A_231 = tpu.memref_slice %arg13[%dma_start3A_230] : memref<100352xf32, #tpu.memory_space<vmem_shared>> -> memref<100352xf32, #tpu.memory_space<vmem_shared>>
        tpu.enqueue_indirect_dma source(%dma_start3A_231 : memref<100352xf32, #tpu.memory_space<vmem_shared>>) target(%dma_start3A_226 : memref<128xf32, #tpu.memory_space<vmem>>) offsets(%dma_start3A_229 : memref<128xi32, #tpu.memory_space<vmem>>) semaphore(%arg20 : memref<!tpu.dma_semaphore, #tpu.memory_space<semaphore_mem>>)
        %dma_start3A_232 = arith.constant 2 : i32
        %dma_start3A_233 = arith.constant 0 : i32
        %dma_start3A_234 = arith.constant 0 : i32
        %dma_start3A_235 = tpu.memref_slice %arg18[%rem3A_203, %dma_start3A_233, %dma_start3A_234] : memref<2x4x128xf32, #tpu.memory_space<vmem>> -> memref<1x4x128xf32, #tpu.memory_space<vmem>>
        %dma_start3A_236 = tpu.memref_squeeze %dma_start3A_235 : memref<1x4x128xf32, #tpu.memory_space<vmem>> -> memref<4x128xf32, #tpu.memory_space<vmem>>
        %dma_start3A_237 = arith.constant 0 : i32
        %dma_start3A_238 = tpu.memref_slice %dma_start3A_236[%dma_start3A_232, %dma_start3A_237] : memref<4x128xf32, #tpu.memory_space<vmem>> -> memref<1x128xf32, #tpu.memory_space<vmem>>
        %dma_start3A_239 = tpu.memref_squeeze %dma_start3A_238 : memref<1x128xf32, #tpu.memory_space<vmem>> -> memref<128xf32, #tpu.memory_space<vmem>>
        %dma_start3A_240 = arith.constant 0 : i32
        %dma_start3A_241 = tpu.memref_slice %arg16[%while3A_199, %dma_start3A_240] : memref<64x128xi32, #tpu.memory_space<vmem>> -> memref<1x128xi32, #tpu.memory_space<vmem>>
        %dma_start3A_242 = tpu.memref_squeeze %dma_start3A_241 : memref<1x128xi32, #tpu.memory_space<vmem>> -> memref<128xi32, #tpu.memory_space<vmem>>
        %dma_start3A_243 = arith.constant 0 : i32
        %dma_start3A_244 = tpu.memref_slice %arg14[%dma_start3A_243] : memref<100352xf32, #tpu.memory_space<vmem_shared>> -> memref<100352xf32, #tpu.memory_space<vmem_shared>>
        tpu.enqueue_indirect_dma source(%dma_start3A_244 : memref<100352xf32, #tpu.memory_space<vmem_shared>>) target(%dma_start3A_239 : memref<128xf32, #tpu.memory_space<vmem>>) offsets(%dma_start3A_242 : memref<128xi32, #tpu.memory_space<vmem>>) semaphore(%arg20 : memref<!tpu.dma_semaphore, #tpu.memory_space<semaphore_mem>>)
        %dma_start3A_245 = arith.constant 3 : i32
        %dma_start3A_246 = arith.constant 0 : i32
        %dma_start3A_247 = arith.constant 0 : i32
        %dma_start3A_248 = tpu.memref_slice %arg18[%rem3A_203, %dma_start3A_246, %dma_start3A_247] : memref<2x4x128xf32, #tpu.memory_space<vmem>> -> memref<1x4x128xf32, #tpu.memory_space<vmem>>
        %dma_start3A_249 = tpu.memref_squeeze %dma_start3A_248 : memref<1x4x128xf32, #tpu.memory_space<vmem>> -> memref<4x128xf32, #tpu.memory_space<vmem>>
        %dma_start3A_250 = arith.constant 0 : i32
        %dma_start3A_251 = tpu.memref_slice %dma_start3A_249[%dma_start3A_245, %dma_start3A_250] : memref<4x128xf32, #tpu.memory_space<vmem>> -> memref<1x128xf32, #tpu.memory_space<vmem>>
        %dma_start3A_252 = tpu.memref_squeeze %dma_start3A_251 : memref<1x128xf32, #tpu.memory_space<vmem>> -> memref<128xf32, #tpu.memory_space<vmem>>
        %dma_start3A_253 = arith.constant 0 : i32
        %dma_start3A_254 = tpu.memref_slice %arg16[%while3A_199, %dma_start3A_253] : memref<64x128xi32, #tpu.memory_space<vmem>> -> memref<1x128xi32, #tpu.memory_space<vmem>>
        %dma_start3A_255 = tpu.memref_squeeze %dma_start3A_254 : memref<1x128xi32, #tpu.memory_space<vmem>> -> memref<128xi32, #tpu.memory_space<vmem>>
        %dma_start3A_256 = arith.constant 0 : i32
        %dma_start3A_257 = tpu.memref_slice %arg15[%dma_start3A_256] : memref<100352xf32, #tpu.memory_space<vmem_shared>> -> memref<100352xf32, #tpu.memory_space<vmem_shared>>
        tpu.enqueue_indirect_dma source(%dma_start3A_257 : memref<100352xf32, #tpu.memory_space<vmem_shared>>) target(%dma_start3A_252 : memref<128xf32, #tpu.memory_space<vmem>>) offsets(%dma_start3A_255 : memref<128xi32, #tpu.memory_space<vmem>>) semaphore(%arg20 : memref<!tpu.dma_semaphore, #tpu.memory_space<semaphore_mem>>)
        %dma_wait3A_258 = arith.constant 0 : i32
        %dma_wait3A_259 = arith.constant 0 : i32
        %dma_wait3A_260 = arith.constant 0 : i32
        %dma_wait3A_261 = tpu.memref_slice %arg18[%rem3A_203, %dma_wait3A_259, %dma_wait3A_260] : memref<2x4x128xf32, #tpu.memory_space<vmem>> -> memref<1x4x128xf32, #tpu.memory_space<vmem>>
        %dma_wait3A_262 = tpu.memref_squeeze %dma_wait3A_261 : memref<1x4x128xf32, #tpu.memory_space<vmem>> -> memref<4x128xf32, #tpu.memory_space<vmem>>
        %dma_wait3A_263 = arith.constant 0 : i32
        %dma_wait3A_264 = tpu.memref_slice %dma_wait3A_262[%dma_wait3A_258, %dma_wait3A_263] : memref<4x128xf32, #tpu.memory_space<vmem>> -> memref<1x128xf32, #tpu.memory_space<vmem>>
        %dma_wait3A_265 = tpu.memref_squeeze %dma_wait3A_264 : memref<1x128xf32, #tpu.memory_space<vmem>> -> memref<128xf32, #tpu.memory_space<vmem>>
        %dma_wait3A_266 = arith.constant 0 : i32
        %dma_wait3A_267 = tpu.memref_slice %arg16[%while3A_199, %dma_wait3A_266] : memref<64x128xi32, #tpu.memory_space<vmem>> -> memref<1x128xi32, #tpu.memory_space<vmem>>
        %dma_wait3A_268 = tpu.memref_squeeze %dma_wait3A_267 : memref<1x128xi32, #tpu.memory_space<vmem>> -> memref<128xi32, #tpu.memory_space<vmem>>
        %dma_wait3A_269 = arith.constant 0 : i32
        %dma_wait3A_270 = tpu.memref_slice %arg12[%dma_wait3A_269] : memref<100352xf32, #tpu.memory_space<vmem_shared>> -> memref<100352xf32, #tpu.memory_space<vmem_shared>>
        tpu.wait_indirect_dma semaphore(%arg20 : memref<!tpu.dma_semaphore, #tpu.memory_space<semaphore_mem>>) src(%dma_wait3A_270 : memref<100352xf32, #tpu.memory_space<vmem_shared>>) dst(%dma_wait3A_265 : memref<128xf32, #tpu.memory_space<vmem>>)
        %dma_wait3A_271 = arith.constant 1 : i32
        %dma_wait3A_272 = arith.constant 0 : i32
        %dma_wait3A_273 = arith.constant 0 : i32
        %dma_wait3A_274 = tpu.memref_slice %arg18[%rem3A_203, %dma_wait3A_272, %dma_wait3A_273] : memref<2x4x128xf32, #tpu.memory_space<vmem>> -> memref<1x4x128xf32, #tpu.memory_space<vmem>>
        %dma_wait3A_275 = tpu.memref_squeeze %dma_wait3A_274 : memref<1x4x128xf32, #tpu.memory_space<vmem>> -> memref<4x128xf32, #tpu.memory_space<vmem>>
        %dma_wait3A_276 = arith.constant 0 : i32
        %dma_wait3A_277 = tpu.memref_slice %dma_wait3A_275[%dma_wait3A_271, %dma_wait3A_276] : memref<4x128xf32, #tpu.memory_space<vmem>> -> memref<1x128xf32, #tpu.memory_space<vmem>>
        %dma_wait3A_278 = tpu.memref_squeeze %dma_wait3A_277 : memref<1x128xf32, #tpu.memory_space<vmem>> -> memref<128xf32, #tpu.memory_space<vmem>>
        %dma_wait3A_279 = arith.constant 0 : i32
        %dma_wait3A_280 = tpu.memref_slice %arg16[%while3A_199, %dma_wait3A_279] : memref<64x128xi32, #tpu.memory_space<vmem>> -> memref<1x128xi32, #tpu.memory_space<vmem>>
        %dma_wait3A_281 = tpu.memref_squeeze %dma_wait3A_280 : memref<1x128xi32, #tpu.memory_space<vmem>> -> memref<128xi32, #tpu.memory_space<vmem>>
        %dma_wait3A_282 = arith.constant 0 : i32
        %dma_wait3A_283 = tpu.memref_slice %arg13[%dma_wait3A_282] : memref<100352xf32, #tpu.memory_space<vmem_shared>> -> memref<100352xf32, #tpu.memory_space<vmem_shared>>
        tpu.wait_indirect_dma semaphore(%arg20 : memref<!tpu.dma_semaphore, #tpu.memory_space<semaphore_mem>>) src(%dma_wait3A_283 : memref<100352xf32, #tpu.memory_space<vmem_shared>>) dst(%dma_wait3A_278 : memref<128xf32, #tpu.memory_space<vmem>>)
        %dma_wait3A_284 = arith.constant 2 : i32
        %dma_wait3A_285 = arith.constant 0 : i32
        %dma_wait3A_286 = arith.constant 0 : i32
        %dma_wait3A_287 = tpu.memref_slice %arg18[%rem3A_203, %dma_wait3A_285, %dma_wait3A_286] : memref<2x4x128xf32, #tpu.memory_space<vmem>> -> memref<1x4x128xf32, #tpu.memory_space<vmem>>
        %dma_wait3A_288 = tpu.memref_squeeze %dma_wait3A_287 : memref<1x4x128xf32, #tpu.memory_space<vmem>> -> memref<4x128xf32, #tpu.memory_space<vmem>>
        %dma_wait3A_289 = arith.constant 0 : i32
        %dma_wait3A_290 = tpu.memref_slice %dma_wait3A_288[%dma_wait3A_284, %dma_wait3A_289] : memref<4x128xf32, #tpu.memory_space<vmem>> -> memref<1x128xf32, #tpu.memory_space<vmem>>
        %dma_wait3A_291 = tpu.memref_squeeze %dma_wait3A_290 : memref<1x128xf32, #tpu.memory_space<vmem>> -> memref<128xf32, #tpu.memory_space<vmem>>
        %dma_wait3A_292 = arith.constant 0 : i32
        %dma_wait3A_293 = tpu.memref_slice %arg16[%while3A_199, %dma_wait3A_292] : memref<64x128xi32, #tpu.memory_space<vmem>> -> memref<1x128xi32, #tpu.memory_space<vmem>>
        %dma_wait3A_294 = tpu.memref_squeeze %dma_wait3A_293 : memref<1x128xi32, #tpu.memory_space<vmem>> -> memref<128xi32, #tpu.memory_space<vmem>>
        %dma_wait3A_295 = arith.constant 0 : i32
        %dma_wait3A_296 = tpu.memref_slice %arg14[%dma_wait3A_295] : memref<100352xf32, #tpu.memory_space<vmem_shared>> -> memref<100352xf32, #tpu.memory_space<vmem_shared>>
        tpu.wait_indirect_dma semaphore(%arg20 : memref<!tpu.dma_semaphore, #tpu.memory_space<semaphore_mem>>) src(%dma_wait3A_296 : memref<100352xf32, #tpu.memory_space<vmem_shared>>) dst(%dma_wait3A_291 : memref<128xf32, #tpu.memory_space<vmem>>)
        %dma_wait3A_297 = arith.constant 3 : i32
        %dma_wait3A_298 = arith.constant 0 : i32
        %dma_wait3A_299 = arith.constant 0 : i32
        %dma_wait3A_300 = tpu.memref_slice %arg18[%rem3A_203, %dma_wait3A_298, %dma_wait3A_299] : memref<2x4x128xf32, #tpu.memory_space<vmem>> -> memref<1x4x128xf32, #tpu.memory_space<vmem>>
        %dma_wait3A_301 = tpu.memref_squeeze %dma_wait3A_300 : memref<1x4x128xf32, #tpu.memory_space<vmem>> -> memref<4x128xf32, #tpu.memory_space<vmem>>
        %dma_wait3A_302 = arith.constant 0 : i32
        %dma_wait3A_303 = tpu.memref_slice %dma_wait3A_301[%dma_wait3A_297, %dma_wait3A_302] : memref<4x128xf32, #tpu.memory_space<vmem>> -> memref<1x128xf32, #tpu.memory_space<vmem>>
        %dma_wait3A_304 = tpu.memref_squeeze %dma_wait3A_303 : memref<1x128xf32, #tpu.memory_space<vmem>> -> memref<128xf32, #tpu.memory_space<vmem>>
        %dma_wait3A_305 = arith.constant 0 : i32
        %dma_wait3A_306 = tpu.memref_slice %arg16[%while3A_199, %dma_wait3A_305] : memref<64x128xi32, #tpu.memory_space<vmem>> -> memref<1x128xi32, #tpu.memory_space<vmem>>
        %dma_wait3A_307 = tpu.memref_squeeze %dma_wait3A_306 : memref<1x128xi32, #tpu.memory_space<vmem>> -> memref<128xi32, #tpu.memory_space<vmem>>
        %dma_wait3A_308 = arith.constant 0 : i32
        %dma_wait3A_309 = tpu.memref_slice %arg15[%dma_wait3A_308] : memref<100352xf32, #tpu.memory_space<vmem_shared>> -> memref<100352xf32, #tpu.memory_space<vmem_shared>>
        tpu.wait_indirect_dma semaphore(%arg20 : memref<!tpu.dma_semaphore, #tpu.memory_space<semaphore_mem>>) src(%dma_wait3A_309 : memref<100352xf32, #tpu.memory_space<vmem_shared>>) dst(%dma_wait3A_304 : memref<128xf32, #tpu.memory_space<vmem>>)
        %dma_start3A_310 = arith.constant 0 : i32
        %dma_start3A_311 = arith.constant 0 : i32
        %dma_start3A_312 = arith.constant 0 : i32
        %dma_start3A_313 = tpu.memref_slice %arg18[%rem3A_203, %dma_start3A_311, %dma_start3A_312] : memref<2x4x128xf32, #tpu.memory_space<vmem>> -> memref<1x4x128xf32, #tpu.memory_space<vmem>>
        %dma_start3A_314 = tpu.memref_squeeze %dma_start3A_313 : memref<1x4x128xf32, #tpu.memory_space<vmem>> -> memref<4x128xf32, #tpu.memory_space<vmem>>
        %dma_start3A_315 = arith.constant 0 : i32
        %dma_start3A_316 = tpu.memref_slice %dma_start3A_314[%dma_start3A_310, %dma_start3A_315] : memref<4x128xf32, #tpu.memory_space<vmem>> -> memref<1x128xf32, #tpu.memory_space<vmem>>
        %dma_start3A_317 = tpu.memref_squeeze %dma_start3A_316 : memref<1x128xf32, #tpu.memory_space<vmem>> -> memref<128xf32, #tpu.memory_space<vmem>>
        %dma_start3A_318 = arith.constant 0 : i32
        %dma_start3A_319 = tpu.memref_slice %arg17[%while3A_199, %dma_start3A_318] : memref<64x128xi32, #tpu.memory_space<vmem>> -> memref<1x128xi32, #tpu.memory_space<vmem>>
        %dma_start3A_320 = tpu.memref_squeeze %dma_start3A_319 : memref<1x128xi32, #tpu.memory_space<vmem>> -> memref<128xi32, #tpu.memory_space<vmem>>
        %dma_start3A_321 = arith.constant 0 : i32
        %dma_start3A_322 = tpu.memref_slice %arg8[%dma_start3A_321] : memref<100352xf32, #tpu.memory_space<vmem_shared>> -> memref<100352xf32, #tpu.memory_space<vmem_shared>>
        tpu.enqueue_indirect_dma source(%dma_start3A_317 : memref<128xf32, #tpu.memory_space<vmem>>) target(%dma_start3A_322 : memref<100352xf32, #tpu.memory_space<vmem_shared>>) offsets(%dma_start3A_320 : memref<128xi32, #tpu.memory_space<vmem>>) semaphore(%arg21 : memref<!tpu.dma_semaphore, #tpu.memory_space<semaphore_mem>>) {add = true}
        %dma_start3A_323 = arith.constant 1 : i32
        %dma_start3A_324 = arith.constant 0 : i32
        %dma_start3A_325 = arith.constant 0 : i32
        %dma_start3A_326 = tpu.memref_slice %arg18[%rem3A_203, %dma_start3A_324, %dma_start3A_325] : memref<2x4x128xf32, #tpu.memory_space<vmem>> -> memref<1x4x128xf32, #tpu.memory_space<vmem>>
        %dma_start3A_327 = tpu.memref_squeeze %dma_start3A_326 : memref<1x4x128xf32, #tpu.memory_space<vmem>> -> memref<4x128xf32, #tpu.memory_space<vmem>>
        %dma_start3A_328 = arith.constant 0 : i32
        %dma_start3A_329 = tpu.memref_slice %dma_start3A_327[%dma_start3A_323, %dma_start3A_328] : memref<4x128xf32, #tpu.memory_space<vmem>> -> memref<1x128xf32, #tpu.memory_space<vmem>>
        %dma_start3A_330 = tpu.memref_squeeze %dma_start3A_329 : memref<1x128xf32, #tpu.memory_space<vmem>> -> memref<128xf32, #tpu.memory_space<vmem>>
        %dma_start3A_331 = arith.constant 0 : i32
        %dma_start3A_332 = tpu.memref_slice %arg17[%while3A_199, %dma_start3A_331] : memref<64x128xi32, #tpu.memory_space<vmem>> -> memref<1x128xi32, #tpu.memory_space<vmem>>
        %dma_start3A_333 = tpu.memref_squeeze %dma_start3A_332 : memref<1x128xi32, #tpu.memory_space<vmem>> -> memref<128xi32, #tpu.memory_space<vmem>>
        %dma_start3A_334 = arith.constant 0 : i32
        %dma_start3A_335 = tpu.memref_slice %arg9[%dma_start3A_334] : memref<100352xf32, #tpu.memory_space<vmem_shared>> -> memref<100352xf32, #tpu.memory_space<vmem_shared>>
        tpu.enqueue_indirect_dma source(%dma_start3A_330 : memref<128xf32, #tpu.memory_space<vmem>>) target(%dma_start3A_335 : memref<100352xf32, #tpu.memory_space<vmem_shared>>) offsets(%dma_start3A_333 : memref<128xi32, #tpu.memory_space<vmem>>) semaphore(%arg21 : memref<!tpu.dma_semaphore, #tpu.memory_space<semaphore_mem>>) {add = true}
        %dma_start3A_336 = arith.constant 2 : i32
        %dma_start3A_337 = arith.constant 0 : i32
        %dma_start3A_338 = arith.constant 0 : i32
        %dma_start3A_339 = tpu.memref_slice %arg18[%rem3A_203, %dma_start3A_337, %dma_start3A_338] : memref<2x4x128xf32, #tpu.memory_space<vmem>> -> memref<1x4x128xf32, #tpu.memory_space<vmem>>
        %dma_start3A_340 = tpu.memref_squeeze %dma_start3A_339 : memref<1x4x128xf32, #tpu.memory_space<vmem>> -> memref<4x128xf32, #tpu.memory_space<vmem>>
        %dma_start3A_341 = arith.constant 0 : i32
        %dma_start3A_342 = tpu.memref_slice %dma_start3A_340[%dma_start3A_336, %dma_start3A_341] : memref<4x128xf32, #tpu.memory_space<vmem>> -> memref<1x128xf32, #tpu.memory_space<vmem>>
        %dma_start3A_343 = tpu.memref_squeeze %dma_start3A_342 : memref<1x128xf32, #tpu.memory_space<vmem>> -> memref<128xf32, #tpu.memory_space<vmem>>
        %dma_start3A_344 = arith.constant 0 : i32
        %dma_start3A_345 = tpu.memref_slice %arg17[%while3A_199, %dma_start3A_344] : memref<64x128xi32, #tpu.memory_space<vmem>> -> memref<1x128xi32, #tpu.memory_space<vmem>>
        %dma_start3A_346 = tpu.memref_squeeze %dma_start3A_345 : memref<1x128xi32, #tpu.memory_space<vmem>> -> memref<128xi32, #tpu.memory_space<vmem>>
        %dma_start3A_347 = arith.constant 0 : i32
        %dma_start3A_348 = tpu.memref_slice %arg10[%dma_start3A_347] : memref<100352xf32, #tpu.memory_space<vmem_shared>> -> memref<100352xf32, #tpu.memory_space<vmem_shared>>
        tpu.enqueue_indirect_dma source(%dma_start3A_343 : memref<128xf32, #tpu.memory_space<vmem>>) target(%dma_start3A_348 : memref<100352xf32, #tpu.memory_space<vmem_shared>>) offsets(%dma_start3A_346 : memref<128xi32, #tpu.memory_space<vmem>>) semaphore(%arg21 : memref<!tpu.dma_semaphore, #tpu.memory_space<semaphore_mem>>) {add = true}
        %dma_start3A_349 = arith.constant 3 : i32
        %dma_start3A_350 = arith.constant 0 : i32
        %dma_start3A_351 = arith.constant 0 : i32
        %dma_start3A_352 = tpu.memref_slice %arg18[%rem3A_203, %dma_start3A_350, %dma_start3A_351] : memref<2x4x128xf32, #tpu.memory_space<vmem>> -> memref<1x4x128xf32, #tpu.memory_space<vmem>>
        %dma_start3A_353 = tpu.memref_squeeze %dma_start3A_352 : memref<1x4x128xf32, #tpu.memory_space<vmem>> -> memref<4x128xf32, #tpu.memory_space<vmem>>
        %dma_start3A_354 = arith.constant 0 : i32
        %dma_start3A_355 = tpu.memref_slice %dma_start3A_353[%dma_start3A_349, %dma_start3A_354] : memref<4x128xf32, #tpu.memory_space<vmem>> -> memref<1x128xf32, #tpu.memory_space<vmem>>
        %dma_start3A_356 = tpu.memref_squeeze %dma_start3A_355 : memref<1x128xf32, #tpu.memory_space<vmem>> -> memref<128xf32, #tpu.memory_space<vmem>>
        %dma_start3A_357 = arith.constant 0 : i32
        %dma_start3A_358 = tpu.memref_slice %arg17[%while3A_199, %dma_start3A_357] : memref<64x128xi32, #tpu.memory_space<vmem>> -> memref<1x128xi32, #tpu.memory_space<vmem>>
        %dma_start3A_359 = tpu.memref_squeeze %dma_start3A_358 : memref<1x128xi32, #tpu.memory_space<vmem>> -> memref<128xi32, #tpu.memory_space<vmem>>
        %dma_start3A_360 = arith.constant 0 : i32
        %dma_start3A_361 = tpu.memref_slice %arg11[%dma_start3A_360] : memref<100352xf32, #tpu.memory_space<vmem_shared>> -> memref<100352xf32, #tpu.memory_space<vmem_shared>>
        tpu.enqueue_indirect_dma source(%dma_start3A_356 : memref<128xf32, #tpu.memory_space<vmem>>) target(%dma_start3A_361 : memref<100352xf32, #tpu.memory_space<vmem_shared>>) offsets(%dma_start3A_359 : memref<128xi32, #tpu.memory_space<vmem>>) semaphore(%arg21 : memref<!tpu.dma_semaphore, #tpu.memory_space<semaphore_mem>>) {add = true}
      }
    }
    %scan3A_17 = arith.constant 25 : i32
    %dma_wait3A = arith.constant 0 : i32
    %dma_wait3A_18 = arith.constant 0 : i32
    %dma_wait3A_19 = arith.constant 0 : i32
    %dma_wait3A_20 = arith.constant 0 : i32
    %dma_wait3A_21 = tpu.memref_slice %arg18[%dma_wait3A, %dma_wait3A_19, %dma_wait3A_20] : memref<2x4x128xf32, #tpu.memory_space<vmem>> -> memref<1x4x128xf32, #tpu.memory_space<vmem>>
    %dma_wait3A_22 = tpu.memref_squeeze %dma_wait3A_21 : memref<1x4x128xf32, #tpu.memory_space<vmem>> -> memref<4x128xf32, #tpu.memory_space<vmem>>
    %dma_wait3A_23 = arith.constant 0 : i32
    %dma_wait3A_24 = tpu.memref_slice %dma_wait3A_22[%dma_wait3A_18, %dma_wait3A_23] : memref<4x128xf32, #tpu.memory_space<vmem>> -> memref<1x128xf32, #tpu.memory_space<vmem>>
    %dma_wait3A_25 = tpu.memref_squeeze %dma_wait3A_24 : memref<1x128xf32, #tpu.memory_space<vmem>> -> memref<128xf32, #tpu.memory_space<vmem>>
    %dma_wait3A_26 = arith.constant 0 : i32
    %dma_wait3A_27 = tpu.memref_slice %arg5[%dma_wait3A_26] : memref<100352xf32, #tpu.memory_space<hbm>> -> memref<128xf32, #tpu.memory_space<hbm>>
    %dma_wait3A_28 = arith.constant 0 : i32
    %dma_wait3A_29 = arith.constant 0 : i32
    %dma_wait3A_30 = tpu.memref_slice %arg18[%dma_wait3A, %dma_wait3A_28, %dma_wait3A_29] : memref<2x4x128xf32, #tpu.memory_space<vmem>> -> memref<1x4x128xf32, #tpu.memory_space<vmem>>
    %dma_wait3A_31 = tpu.memref_squeeze %dma_wait3A_30 : memref<1x4x128xf32, #tpu.memory_space<vmem>> -> memref<4x128xf32, #tpu.memory_space<vmem>>
    %dma_wait3A_32 = arith.constant 0 : i32
    %dma_wait3A_33 = tpu.memref_slice %dma_wait3A_31[%dma_wait3A_18, %dma_wait3A_32] : memref<4x128xf32, #tpu.memory_space<vmem>> -> memref<1x128xf32, #tpu.memory_space<vmem>>
    %dma_wait3A_34 = tpu.memref_squeeze %dma_wait3A_33 : memref<1x128xf32, #tpu.memory_space<vmem>> -> memref<128xf32, #tpu.memory_space<vmem>>
    %dma_wait3A_35 = arith.constant 0 : i32
    %dma_wait3A_36 = tpu.memref_slice %arg5[%dma_wait3A_35] : memref<100352xf32, #tpu.memory_space<hbm>> -> memref<128xf32, #tpu.memory_space<hbm>>
    tpu.wait_dma2 semaphore(%arg21 : memref<!tpu.dma_semaphore, #tpu.memory_space<semaphore_mem>>) src(%dma_wait3A_36 : memref<128xf32, #tpu.memory_space<hbm>>) dst(%dma_wait3A_34 : memref<128xf32, #tpu.memory_space<vmem>>)
    %dma_wait3A_37 = arith.constant 0 : i32
    %dma_wait3A_38 = arith.constant 1 : i32
    %dma_wait3A_39 = arith.constant 0 : i32
    %dma_wait3A_40 = arith.constant 0 : i32
    %dma_wait3A_41 = tpu.memref_slice %arg18[%dma_wait3A_37, %dma_wait3A_39, %dma_wait3A_40] : memref<2x4x128xf32, #tpu.memory_space<vmem>> -> memref<1x4x128xf32, #tpu.memory_space<vmem>>
    %dma_wait3A_42 = tpu.memref_squeeze %dma_wait3A_41 : memref<1x4x128xf32, #tpu.memory_space<vmem>> -> memref<4x128xf32, #tpu.memory_space<vmem>>
    %dma_wait3A_43 = arith.constant 0 : i32
    %dma_wait3A_44 = tpu.memref_slice %dma_wait3A_42[%dma_wait3A_38, %dma_wait3A_43] : memref<4x128xf32, #tpu.memory_space<vmem>> -> memref<1x128xf32, #tpu.memory_space<vmem>>
    %dma_wait3A_45 = tpu.memref_squeeze %dma_wait3A_44 : memref<1x128xf32, #tpu.memory_space<vmem>> -> memref<128xf32, #tpu.memory_space<vmem>>
    %dma_wait3A_46 = arith.constant 0 : i32
    %dma_wait3A_47 = tpu.memref_slice %arg5[%dma_wait3A_46] : memref<100352xf32, #tpu.memory_space<hbm>> -> memref<128xf32, #tpu.memory_space<hbm>>
    %dma_wait3A_48 = arith.constant 0 : i32
    %dma_wait3A_49 = arith.constant 0 : i32
    %dma_wait3A_50 = tpu.memref_slice %arg18[%dma_wait3A_37, %dma_wait3A_48, %dma_wait3A_49] : memref<2x4x128xf32, #tpu.memory_space<vmem>> -> memref<1x4x128xf32, #tpu.memory_space<vmem>>
    %dma_wait3A_51 = tpu.memref_squeeze %dma_wait3A_50 : memref<1x4x128xf32, #tpu.memory_space<vmem>> -> memref<4x128xf32, #tpu.memory_space<vmem>>
    %dma_wait3A_52 = arith.constant 0 : i32
    %dma_wait3A_53 = tpu.memref_slice %dma_wait3A_51[%dma_wait3A_38, %dma_wait3A_52] : memref<4x128xf32, #tpu.memory_space<vmem>> -> memref<1x128xf32, #tpu.memory_space<vmem>>
    %dma_wait3A_54 = tpu.memref_squeeze %dma_wait3A_53 : memref<1x128xf32, #tpu.memory_space<vmem>> -> memref<128xf32, #tpu.memory_space<vmem>>
    %dma_wait3A_55 = arith.constant 0 : i32
    %dma_wait3A_56 = tpu.memref_slice %arg5[%dma_wait3A_55] : memref<100352xf32, #tpu.memory_space<hbm>> -> memref<128xf32, #tpu.memory_space<hbm>>
    tpu.wait_dma2 semaphore(%arg21 : memref<!tpu.dma_semaphore, #tpu.memory_space<semaphore_mem>>) src(%dma_wait3A_56 : memref<128xf32, #tpu.memory_space<hbm>>) dst(%dma_wait3A_54 : memref<128xf32, #tpu.memory_space<vmem>>)
    %dma_wait3A_57 = arith.constant 0 : i32
    %dma_wait3A_58 = arith.constant 2 : i32
    %dma_wait3A_59 = arith.constant 0 : i32
    %dma_wait3A_60 = arith.constant 0 : i32
    %dma_wait3A_61 = tpu.memref_slice %arg18[%dma_wait3A_57, %dma_wait3A_59, %dma_wait3A_60] : memref<2x4x128xf32, #tpu.memory_space<vmem>> -> memref<1x4x128xf32, #tpu.memory_space<vmem>>
    %dma_wait3A_62 = tpu.memref_squeeze %dma_wait3A_61 : memref<1x4x128xf32, #tpu.memory_space<vmem>> -> memref<4x128xf32, #tpu.memory_space<vmem>>
    %dma_wait3A_63 = arith.constant 0 : i32
    %dma_wait3A_64 = tpu.memref_slice %dma_wait3A_62[%dma_wait3A_58, %dma_wait3A_63] : memref<4x128xf32, #tpu.memory_space<vmem>> -> memref<1x128xf32, #tpu.memory_space<vmem>>
    %dma_wait3A_65 = tpu.memref_squeeze %dma_wait3A_64 : memref<1x128xf32, #tpu.memory_space<vmem>> -> memref<128xf32, #tpu.memory_space<vmem>>
    %dma_wait3A_66 = arith.constant 0 : i32
    %dma_wait3A_67 = tpu.memref_slice %arg5[%dma_wait3A_66] : memref<100352xf32, #tpu.memory_space<hbm>> -> memref<128xf32, #tpu.memory_space<hbm>>
    %dma_wait3A_68 = arith.constant 0 : i32
    %dma_wait3A_69 = arith.constant 0 : i32
    %dma_wait3A_70 = tpu.memref_slice %arg18[%dma_wait3A_57, %dma_wait3A_68, %dma_wait3A_69] : memref<2x4x128xf32, #tpu.memory_space<vmem>> -> memref<1x4x128xf32, #tpu.memory_space<vmem>>
    %dma_wait3A_71 = tpu.memref_squeeze %dma_wait3A_70 : memref<1x4x128xf32, #tpu.memory_space<vmem>> -> memref<4x128xf32, #tpu.memory_space<vmem>>
    %dma_wait3A_72 = arith.constant 0 : i32
    %dma_wait3A_73 = tpu.memref_slice %dma_wait3A_71[%dma_wait3A_58, %dma_wait3A_72] : memref<4x128xf32, #tpu.memory_space<vmem>> -> memref<1x128xf32, #tpu.memory_space<vmem>>
    %dma_wait3A_74 = tpu.memref_squeeze %dma_wait3A_73 : memref<1x128xf32, #tpu.memory_space<vmem>> -> memref<128xf32, #tpu.memory_space<vmem>>
    %dma_wait3A_75 = arith.constant 0 : i32
    %dma_wait3A_76 = tpu.memref_slice %arg5[%dma_wait3A_75] : memref<100352xf32, #tpu.memory_space<hbm>> -> memref<128xf32, #tpu.memory_space<hbm>>
    tpu.wait_dma2 semaphore(%arg21 : memref<!tpu.dma_semaphore, #tpu.memory_space<semaphore_mem>>) src(%dma_wait3A_76 : memref<128xf32, #tpu.memory_space<hbm>>) dst(%dma_wait3A_74 : memref<128xf32, #tpu.memory_space<vmem>>)
    %dma_wait3A_77 = arith.constant 0 : i32
    %dma_wait3A_78 = arith.constant 3 : i32
    %dma_wait3A_79 = arith.constant 0 : i32
    %dma_wait3A_80 = arith.constant 0 : i32
    %dma_wait3A_81 = tpu.memref_slice %arg18[%dma_wait3A_77, %dma_wait3A_79, %dma_wait3A_80] : memref<2x4x128xf32, #tpu.memory_space<vmem>> -> memref<1x4x128xf32, #tpu.memory_space<vmem>>
    %dma_wait3A_82 = tpu.memref_squeeze %dma_wait3A_81 : memref<1x4x128xf32, #tpu.memory_space<vmem>> -> memref<4x128xf32, #tpu.memory_space<vmem>>
    %dma_wait3A_83 = arith.constant 0 : i32
    %dma_wait3A_84 = tpu.memref_slice %dma_wait3A_82[%dma_wait3A_78, %dma_wait3A_83] : memref<4x128xf32, #tpu.memory_space<vmem>> -> memref<1x128xf32, #tpu.memory_space<vmem>>
    %dma_wait3A_85 = tpu.memref_squeeze %dma_wait3A_84 : memref<1x128xf32, #tpu.memory_space<vmem>> -> memref<128xf32, #tpu.memory_space<vmem>>
    %dma_wait3A_86 = arith.constant 0 : i32
    %dma_wait3A_87 = tpu.memref_slice %arg5[%dma_wait3A_86] : memref<100352xf32, #tpu.memory_space<hbm>> -> memref<128xf32, #tpu.memory_space<hbm>>
    %dma_wait3A_88 = arith.constant 0 : i32
    %dma_wait3A_89 = arith.constant 0 : i32
    %dma_wait3A_90 = tpu.memref_slice %arg18[%dma_wait3A_77, %dma_wait3A_88, %dma_wait3A_89] : memref<2x4x128xf32, #tpu.memory_space<vmem>> -> memref<1x4x128xf32, #tpu.memory_space<vmem>>
    %dma_wait3A_91 = tpu.memref_squeeze %dma_wait3A_90 : memref<1x4x128xf32, #tpu.memory_space<vmem>> -> memref<4x128xf32, #tpu.memory_space<vmem>>
    %dma_wait3A_92 = arith.constant 0 : i32
    %dma_wait3A_93 = tpu.memref_slice %dma_wait3A_91[%dma_wait3A_78, %dma_wait3A_92] : memref<4x128xf32, #tpu.memory_space<vmem>> -> memref<1x128xf32, #tpu.memory_space<vmem>>
    %dma_wait3A_94 = tpu.memref_squeeze %dma_wait3A_93 : memref<1x128xf32, #tpu.memory_space<vmem>> -> memref<128xf32, #tpu.memory_space<vmem>>
    %dma_wait3A_95 = arith.constant 0 : i32
    %dma_wait3A_96 = tpu.memref_slice %arg5[%dma_wait3A_95] : memref<100352xf32, #tpu.memory_space<hbm>> -> memref<128xf32, #tpu.memory_space<hbm>>
    tpu.wait_dma2 semaphore(%arg21 : memref<!tpu.dma_semaphore, #tpu.memory_space<semaphore_mem>>) src(%dma_wait3A_96 : memref<128xf32, #tpu.memory_space<hbm>>) dst(%dma_wait3A_94 : memref<128xf32, #tpu.memory_space<vmem>>)
    %dma_wait3A_97 = arith.constant 1 : i32
    %dma_wait3A_98 = arith.constant 0 : i32
    %dma_wait3A_99 = arith.constant 0 : i32
    %dma_wait3A_100 = arith.constant 0 : i32
    %dma_wait3A_101 = tpu.memref_slice %arg18[%dma_wait3A_97, %dma_wait3A_99, %dma_wait3A_100] : memref<2x4x128xf32, #tpu.memory_space<vmem>> -> memref<1x4x128xf32, #tpu.memory_space<vmem>>
    %dma_wait3A_102 = tpu.memref_squeeze %dma_wait3A_101 : memref<1x4x128xf32, #tpu.memory_space<vmem>> -> memref<4x128xf32, #tpu.memory_space<vmem>>
    %dma_wait3A_103 = arith.constant 0 : i32
    %dma_wait3A_104 = tpu.memref_slice %dma_wait3A_102[%dma_wait3A_98, %dma_wait3A_103] : memref<4x128xf32, #tpu.memory_space<vmem>> -> memref<1x128xf32, #tpu.memory_space<vmem>>
    %dma_wait3A_105 = tpu.memref_squeeze %dma_wait3A_104 : memref<1x128xf32, #tpu.memory_space<vmem>> -> memref<128xf32, #tpu.memory_space<vmem>>
    %dma_wait3A_106 = arith.constant 0 : i32
    %dma_wait3A_107 = tpu.memref_slice %arg5[%dma_wait3A_106] : memref<100352xf32, #tpu.memory_space<hbm>> -> memref<128xf32, #tpu.memory_space<hbm>>
    %dma_wait3A_108 = arith.constant 0 : i32
    %dma_wait3A_109 = arith.constant 0 : i32
    %dma_wait3A_110 = tpu.memref_slice %arg18[%dma_wait3A_97, %dma_wait3A_108, %dma_wait3A_109] : memref<2x4x128xf32, #tpu.memory_space<vmem>> -> memref<1x4x128xf32, #tpu.memory_space<vmem>>
    %dma_wait3A_111 = tpu.memref_squeeze %dma_wait3A_110 : memref<1x4x128xf32, #tpu.memory_space<vmem>> -> memref<4x128xf32, #tpu.memory_space<vmem>>
    %dma_wait3A_112 = arith.constant 0 : i32
    %dma_wait3A_113 = tpu.memref_slice %dma_wait3A_111[%dma_wait3A_98, %dma_wait3A_112] : memref<4x128xf32, #tpu.memory_space<vmem>> -> memref<1x128xf32, #tpu.memory_space<vmem>>
    %dma_wait3A_114 = tpu.memref_squeeze %dma_wait3A_113 : memref<1x128xf32, #tpu.memory_space<vmem>> -> memref<128xf32, #tpu.memory_space<vmem>>
    %dma_wait3A_115 = arith.constant 0 : i32
    %dma_wait3A_116 = tpu.memref_slice %arg5[%dma_wait3A_115] : memref<100352xf32, #tpu.memory_space<hbm>> -> memref<128xf32, #tpu.memory_space<hbm>>
    tpu.wait_dma2 semaphore(%arg21 : memref<!tpu.dma_semaphore, #tpu.memory_space<semaphore_mem>>) src(%dma_wait3A_116 : memref<128xf32, #tpu.memory_space<hbm>>) dst(%dma_wait3A_114 : memref<128xf32, #tpu.memory_space<vmem>>)
    %dma_wait3A_117 = arith.constant 1 : i32
    %dma_wait3A_118 = arith.constant 1 : i32
    %dma_wait3A_119 = arith.constant 0 : i32
    %dma_wait3A_120 = arith.constant 0 : i32
    %dma_wait3A_121 = tpu.memref_slice %arg18[%dma_wait3A_117, %dma_wait3A_119, %dma_wait3A_120] : memref<2x4x128xf32, #tpu.memory_space<vmem>> -> memref<1x4x128xf32, #tpu.memory_space<vmem>>
    %dma_wait3A_122 = tpu.memref_squeeze %dma_wait3A_121 : memref<1x4x128xf32, #tpu.memory_space<vmem>> -> memref<4x128xf32, #tpu.memory_space<vmem>>
    %dma_wait3A_123 = arith.constant 0 : i32
    %dma_wait3A_124 = tpu.memref_slice %dma_wait3A_122[%dma_wait3A_118, %dma_wait3A_123] : memref<4x128xf32, #tpu.memory_space<vmem>> -> memref<1x128xf32, #tpu.memory_space<vmem>>
    %dma_wait3A_125 = tpu.memref_squeeze %dma_wait3A_124 : memref<1x128xf32, #tpu.memory_space<vmem>> -> memref<128xf32, #tpu.memory_space<vmem>>
    %dma_wait3A_126 = arith.constant 0 : i32
    %dma_wait3A_127 = tpu.memref_slice %arg5[%dma_wait3A_126] : memref<100352xf32, #tpu.memory_space<hbm>> -> memref<128xf32, #tpu.memory_space<hbm>>
    %dma_wait3A_128 = arith.constant 0 : i32
    %dma_wait3A_129 = arith.constant 0 : i32
    %dma_wait3A_130 = tpu.memref_slice %arg18[%dma_wait3A_117, %dma_wait3A_128, %dma_wait3A_129] : memref<2x4x128xf32, #tpu.memory_space<vmem>> -> memref<1x4x128xf32, #tpu.memory_space<vmem>>
    %dma_wait3A_131 = tpu.memref_squeeze %dma_wait3A_130 : memref<1x4x128xf32, #tpu.memory_space<vmem>> -> memref<4x128xf32, #tpu.memory_space<vmem>>
    %dma_wait3A_132 = arith.constant 0 : i32
    %dma_wait3A_133 = tpu.memref_slice %dma_wait3A_131[%dma_wait3A_118, %dma_wait3A_132] : memref<4x128xf32, #tpu.memory_space<vmem>> -> memref<1x128xf32, #tpu.memory_space<vmem>>
    %dma_wait3A_134 = tpu.memref_squeeze %dma_wait3A_133 : memref<1x128xf32, #tpu.memory_space<vmem>> -> memref<128xf32, #tpu.memory_space<vmem>>
    %dma_wait3A_135 = arith.constant 0 : i32
    %dma_wait3A_136 = tpu.memref_slice %arg5[%dma_wait3A_135] : memref<100352xf32, #tpu.memory_space<hbm>> -> memref<128xf32, #tpu.memory_space<hbm>>
    tpu.wait_dma2 semaphore(%arg21 : memref<!tpu.dma_semaphore, #tpu.memory_space<semaphore_mem>>) src(%dma_wait3A_136 : memref<128xf32, #tpu.memory_space<hbm>>) dst(%dma_wait3A_134 : memref<128xf32, #tpu.memory_space<vmem>>)
    %dma_wait3A_137 = arith.constant 1 : i32
    %dma_wait3A_138 = arith.constant 2 : i32
    %dma_wait3A_139 = arith.constant 0 : i32
    %dma_wait3A_140 = arith.constant 0 : i32
    %dma_wait3A_141 = tpu.memref_slice %arg18[%dma_wait3A_137, %dma_wait3A_139, %dma_wait3A_140] : memref<2x4x128xf32, #tpu.memory_space<vmem>> -> memref<1x4x128xf32, #tpu.memory_space<vmem>>
    %dma_wait3A_142 = tpu.memref_squeeze %dma_wait3A_141 : memref<1x4x128xf32, #tpu.memory_space<vmem>> -> memref<4x128xf32, #tpu.memory_space<vmem>>
    %dma_wait3A_143 = arith.constant 0 : i32
    %dma_wait3A_144 = tpu.memref_slice %dma_wait3A_142[%dma_wait3A_138, %dma_wait3A_143] : memref<4x128xf32, #tpu.memory_space<vmem>> -> memref<1x128xf32, #tpu.memory_space<vmem>>
    %dma_wait3A_145 = tpu.memref_squeeze %dma_wait3A_144 : memref<1x128xf32, #tpu.memory_space<vmem>> -> memref<128xf32, #tpu.memory_space<vmem>>
    %dma_wait3A_146 = arith.constant 0 : i32
    %dma_wait3A_147 = tpu.memref_slice %arg5[%dma_wait3A_146] : memref<100352xf32, #tpu.memory_space<hbm>> -> memref<128xf32, #tpu.memory_space<hbm>>
    %dma_wait3A_148 = arith.constant 0 : i32
    %dma_wait3A_149 = arith.constant 0 : i32
    %dma_wait3A_150 = tpu.memref_slice %arg18[%dma_wait3A_137, %dma_wait3A_148, %dma_wait3A_149] : memref<2x4x128xf32, #tpu.memory_space<vmem>> -> memref<1x4x128xf32, #tpu.memory_space<vmem>>
    %dma_wait3A_151 = tpu.memref_squeeze %dma_wait3A_150 : memref<1x4x128xf32, #tpu.memory_space<vmem>> -> memref<4x128xf32, #tpu.memory_space<vmem>>
    %dma_wait3A_152 = arith.constant 0 : i32
    %dma_wait3A_153 = tpu.memref_slice %dma_wait3A_151[%dma_wait3A_138, %dma_wait3A_152] : memref<4x128xf32, #tpu.memory_space<vmem>> -> memref<1x128xf32, #tpu.memory_space<vmem>>
    %dma_wait3A_154 = tpu.memref_squeeze %dma_wait3A_153 : memref<1x128xf32, #tpu.memory_space<vmem>> -> memref<128xf32, #tpu.memory_space<vmem>>
    %dma_wait3A_155 = arith.constant 0 : i32
    %dma_wait3A_156 = tpu.memref_slice %arg5[%dma_wait3A_155] : memref<100352xf32, #tpu.memory_space<hbm>> -> memref<128xf32, #tpu.memory_space<hbm>>
    tpu.wait_dma2 semaphore(%arg21 : memref<!tpu.dma_semaphore, #tpu.memory_space<semaphore_mem>>) src(%dma_wait3A_156 : memref<128xf32, #tpu.memory_space<hbm>>) dst(%dma_wait3A_154 : memref<128xf32, #tpu.memory_space<vmem>>)
    %dma_wait3A_157 = arith.constant 1 : i32
    %dma_wait3A_158 = arith.constant 3 : i32
    %dma_wait3A_159 = arith.constant 0 : i32
    %dma_wait3A_160 = arith.constant 0 : i32
    %dma_wait3A_161 = tpu.memref_slice %arg18[%dma_wait3A_157, %dma_wait3A_159, %dma_wait3A_160] : memref<2x4x128xf32, #tpu.memory_space<vmem>> -> memref<1x4x128xf32, #tpu.memory_space<vmem>>
    %dma_wait3A_162 = tpu.memref_squeeze %dma_wait3A_161 : memref<1x4x128xf32, #tpu.memory_space<vmem>> -> memref<4x128xf32, #tpu.memory_space<vmem>>
    %dma_wait3A_163 = arith.constant 0 : i32
    %dma_wait3A_164 = tpu.memref_slice %dma_wait3A_162[%dma_wait3A_158, %dma_wait3A_163] : memref<4x128xf32, #tpu.memory_space<vmem>> -> memref<1x128xf32, #tpu.memory_space<vmem>>
    %dma_wait3A_165 = tpu.memref_squeeze %dma_wait3A_164 : memref<1x128xf32, #tpu.memory_space<vmem>> -> memref<128xf32, #tpu.memory_space<vmem>>
    %dma_wait3A_166 = arith.constant 0 : i32
    %dma_wait3A_167 = tpu.memref_slice %arg5[%dma_wait3A_166] : memref<100352xf32, #tpu.memory_space<hbm>> -> memref<128xf32, #tpu.memory_space<hbm>>
    %dma_wait3A_168 = arith.constant 0 : i32
    %dma_wait3A_169 = arith.constant 0 : i32
    %dma_wait3A_170 = tpu.memref_slice %arg18[%dma_wait3A_157, %dma_wait3A_168, %dma_wait3A_169] : memref<2x4x128xf32, #tpu.memory_space<vmem>> -> memref<1x4x128xf32, #tpu.memory_space<vmem>>
    %dma_wait3A_171 = tpu.memref_squeeze %dma_wait3A_170 : memref<1x4x128xf32, #tpu.memory_space<vmem>> -> memref<4x128xf32, #tpu.memory_space<vmem>>
    %dma_wait3A_172 = arith.constant 0 : i32
    %dma_wait3A_173 = tpu.memref_slice %dma_wait3A_171[%dma_wait3A_158, %dma_wait3A_172] : memref<4x128xf32, #tpu.memory_space<vmem>> -> memref<1x128xf32, #tpu.memory_space<vmem>>
    %dma_wait3A_174 = tpu.memref_squeeze %dma_wait3A_173 : memref<1x128xf32, #tpu.memory_space<vmem>> -> memref<128xf32, #tpu.memory_space<vmem>>
    %dma_wait3A_175 = arith.constant 0 : i32
    %dma_wait3A_176 = tpu.memref_slice %arg5[%dma_wait3A_175] : memref<100352xf32, #tpu.memory_space<hbm>> -> memref<128xf32, #tpu.memory_space<hbm>>
    tpu.wait_dma2 semaphore(%arg21 : memref<!tpu.dma_semaphore, #tpu.memory_space<semaphore_mem>>) src(%dma_wait3A_176 : memref<128xf32, #tpu.memory_space<hbm>>) dst(%dma_wait3A_174 : memref<128xf32, #tpu.memory_space<vmem>>)
    %barrier3A_177 = arith.constant 0 : index
    tpu.barrier barrier_id(%barrier3A_177)
    %run_scoped3A_178 = arith.constant 0 : i32
    "tpu.region"() ({
      %run_scoped3A_182 = tpu.sem_alloc : memref<!tpu.dma_semaphore, #tpu.memory_space<semaphore_mem>>
      %dma_start3A = tpu.memref_slice %arg7[%arg0, %run_scoped3A_178, %mul3A_0] : memref<2x4x100352xf32, #tpu.memory_space<hbm>> -> memref<1x1x6272xf32, #tpu.memory_space<hbm>>
      %dma_start3A_183 = tpu.memref_squeeze %dma_start3A : memref<1x1x6272xf32, #tpu.memory_space<hbm>> -> memref<6272xf32, #tpu.memory_space<hbm>>
      %dma_start3A_184 = tpu.memref_slice %arg8[%mul3A_0] : memref<100352xf32, #tpu.memory_space<vmem_shared>> -> memref<6272xf32, #tpu.memory_space<vmem_shared>>
      tpu.enqueue_dma source(%dma_start3A_184 : memref<6272xf32, #tpu.memory_space<vmem_shared>>) target(%dma_start3A_183 : memref<6272xf32, #tpu.memory_space<hbm>>) target_semaphore(%run_scoped3A_182 : memref<!tpu.dma_semaphore, #tpu.memory_space<semaphore_mem>>)
      %dma_wait3A_185 = tpu.memref_slice %arg7[%arg0, %run_scoped3A_178, %mul3A_0] : memref<2x4x100352xf32, #tpu.memory_space<hbm>> -> memref<1x1x6272xf32, #tpu.memory_space<hbm>>
      %dma_wait3A_186 = tpu.memref_squeeze %dma_wait3A_185 : memref<1x1x6272xf32, #tpu.memory_space<hbm>> -> memref<6272xf32, #tpu.memory_space<hbm>>
      %dma_wait3A_187 = tpu.memref_slice %arg8[%mul3A_0] : memref<100352xf32, #tpu.memory_space<vmem_shared>> -> memref<6272xf32, #tpu.memory_space<vmem_shared>>
      tpu.wait_dma2 semaphore(%run_scoped3A_182 : memref<!tpu.dma_semaphore, #tpu.memory_space<semaphore_mem>>) src(%dma_wait3A_187 : memref<6272xf32, #tpu.memory_space<vmem_shared>>) dst(%dma_wait3A_186 : memref<6272xf32, #tpu.memory_space<hbm>>)
      tpu.yield
    }) : () -> ()
    %run_scoped3A_179 = arith.constant 1 : i32
    "tpu.region"() ({
      %run_scoped3A_182 = tpu.sem_alloc : memref<!tpu.dma_semaphore, #tpu.memory_space<semaphore_mem>>
      %dma_start3A = tpu.memref_slice %arg7[%arg0, %run_scoped3A_179, %mul3A_0] : memref<2x4x100352xf32, #tpu.memory_space<hbm>> -> memref<1x1x6272xf32, #tpu.memory_space<hbm>>
      %dma_start3A_183 = tpu.memref_squeeze %dma_start3A : memref<1x1x6272xf32, #tpu.memory_space<hbm>> -> memref<6272xf32, #tpu.memory_space<hbm>>
      %dma_start3A_184 = tpu.memref_slice %arg9[%mul3A_0] : memref<100352xf32, #tpu.memory_space<vmem_shared>> -> memref<6272xf32, #tpu.memory_space<vmem_shared>>
      tpu.enqueue_dma source(%dma_start3A_184 : memref<6272xf32, #tpu.memory_space<vmem_shared>>) target(%dma_start3A_183 : memref<6272xf32, #tpu.memory_space<hbm>>) target_semaphore(%run_scoped3A_182 : memref<!tpu.dma_semaphore, #tpu.memory_space<semaphore_mem>>)
      %dma_wait3A_185 = tpu.memref_slice %arg7[%arg0, %run_scoped3A_179, %mul3A_0] : memref<2x4x100352xf32, #tpu.memory_space<hbm>> -> memref<1x1x6272xf32, #tpu.memory_space<hbm>>
      %dma_wait3A_186 = tpu.memref_squeeze %dma_wait3A_185 : memref<1x1x6272xf32, #tpu.memory_space<hbm>> -> memref<6272xf32, #tpu.memory_space<hbm>>
      %dma_wait3A_187 = tpu.memref_slice %arg9[%mul3A_0] : memref<100352xf32, #tpu.memory_space<vmem_shared>> -> memref<6272xf32, #tpu.memory_space<vmem_shared>>
      tpu.wait_dma2 semaphore(%run_scoped3A_182 : memref<!tpu.dma_semaphore, #tpu.memory_space<semaphore_mem>>) src(%dma_wait3A_187 : memref<6272xf32, #tpu.memory_space<vmem_shared>>) dst(%dma_wait3A_186 : memref<6272xf32, #tpu.memory_space<hbm>>)
      tpu.yield
    }) : () -> ()
    %run_scoped3A_180 = arith.constant 2 : i32
    "tpu.region"() ({
      %run_scoped3A_182 = tpu.sem_alloc : memref<!tpu.dma_semaphore, #tpu.memory_space<semaphore_mem>>
      %dma_start3A = tpu.memref_slice %arg7[%arg0, %run_scoped3A_180, %mul3A_0] : memref<2x4x100352xf32, #tpu.memory_space<hbm>> -> memref<1x1x6272xf32, #tpu.memory_space<hbm>>
      %dma_start3A_183 = tpu.memref_squeeze %dma_start3A : memref<1x1x6272xf32, #tpu.memory_space<hbm>> -> memref<6272xf32, #tpu.memory_space<hbm>>
      %dma_start3A_184 = tpu.memref_slice %arg10[%mul3A_0] : memref<100352xf32, #tpu.memory_space<vmem_shared>> -> memref<6272xf32, #tpu.memory_space<vmem_shared>>
      tpu.enqueue_dma source(%dma_start3A_184 : memref<6272xf32, #tpu.memory_space<vmem_shared>>) target(%dma_start3A_183 : memref<6272xf32, #tpu.memory_space<hbm>>) target_semaphore(%run_scoped3A_182 : memref<!tpu.dma_semaphore, #tpu.memory_space<semaphore_mem>>)
      %dma_wait3A_185 = tpu.memref_slice %arg7[%arg0, %run_scoped3A_180, %mul3A_0] : memref<2x4x100352xf32, #tpu.memory_space<hbm>> -> memref<1x1x6272xf32, #tpu.memory_space<hbm>>
      %dma_wait3A_186 = tpu.memref_squeeze %dma_wait3A_185 : memref<1x1x6272xf32, #tpu.memory_space<hbm>> -> memref<6272xf32, #tpu.memory_space<hbm>>
      %dma_wait3A_187 = tpu.memref_slice %arg10[%mul3A_0] : memref<100352xf32, #tpu.memory_space<vmem_shared>> -> memref<6272xf32, #tpu.memory_space<vmem_shared>>
      tpu.wait_dma2 semaphore(%run_scoped3A_182 : memref<!tpu.dma_semaphore, #tpu.memory_space<semaphore_mem>>) src(%dma_wait3A_187 : memref<6272xf32, #tpu.memory_space<vmem_shared>>) dst(%dma_wait3A_186 : memref<6272xf32, #tpu.memory_space<hbm>>)
      tpu.yield
    }) : () -> ()
    %run_scoped3A_181 = arith.constant 3 : i32
    "tpu.region"() ({
      %run_scoped3A_182 = tpu.sem_alloc : memref<!tpu.dma_semaphore, #tpu.memory_space<semaphore_mem>>
      %dma_start3A = tpu.memref_slice %arg7[%arg0, %run_scoped3A_181, %mul3A_0] : memref<2x4x100352xf32, #tpu.memory_space<hbm>> -> memref<1x1x6272xf32, #tpu.memory_space<hbm>>
      %dma_start3A_183 = tpu.memref_squeeze %dma_start3A : memref<1x1x6272xf32, #tpu.memory_space<hbm>> -> memref<6272xf32, #tpu.memory_space<hbm>>
      %dma_start3A_184 = tpu.memref_slice %arg11[%mul3A_0] : memref<100352xf32, #tpu.memory_space<vmem_shared>> -> memref<6272xf32, #tpu.memory_space<vmem_shared>>
      tpu.enqueue_dma source(%dma_start3A_184 : memref<6272xf32, #tpu.memory_space<vmem_shared>>) target(%dma_start3A_183 : memref<6272xf32, #tpu.memory_space<hbm>>) target_semaphore(%run_scoped3A_182 : memref<!tpu.dma_semaphore, #tpu.memory_space<semaphore_mem>>)
      %dma_wait3A_185 = tpu.memref_slice %arg7[%arg0, %run_scoped3A_181, %mul3A_0] : memref<2x4x100352xf32, #tpu.memory_space<hbm>> -> memref<1x1x6272xf32, #tpu.memory_space<hbm>>
      %dma_wait3A_186 = tpu.memref_squeeze %dma_wait3A_185 : memref<1x1x6272xf32, #tpu.memory_space<hbm>> -> memref<6272xf32, #tpu.memory_space<hbm>>
      %dma_wait3A_187 = tpu.memref_slice %arg11[%mul3A_0] : memref<100352xf32, #tpu.memory_space<vmem_shared>> -> memref<6272xf32, #tpu.memory_space<vmem_shared>>
      tpu.wait_dma2 semaphore(%run_scoped3A_182 : memref<!tpu.dma_semaphore, #tpu.memory_space<semaphore_mem>>) src(%dma_wait3A_187 : memref<6272xf32, #tpu.memory_space<vmem_shared>>) dst(%dma_wait3A_186 : memref<6272xf32, #tpu.memory_space<hbm>>)
      tpu.yield
    }) : () -> ()
    return
  }
}

#map = affine_map<(d0, d1) -> (0, 0)>
#map1 = affine_map<(d0, d1) -> (0)>
#map2 = affine_map<(d0, d1) -> (0, 0, 0)>
module attributes {stable_mosaic.version = 14 : i64} {
  func.func @_pass_body(%arg0: i32, %arg1: i32, %arg2: memref<4x100352xf32, #tpu.memory_space<hbm>>, %arg3: memref<50064x128xi32, #tpu.memory_space<hbm>>, %arg4: memref<50064x128xi32, #tpu.memory_space<hbm>>, %arg5: memref<100352xf32, #tpu.memory_space<hbm>>, %arg6: memref<128xf32, #tpu.memory_space<hbm>>, %arg7: memref<2x4x100352xf32, #tpu.memory_space<hbm>>, %arg8: memref<100352xf32, #tpu.memory_space<vmem_shared>>, %arg9: memref<100352xf32, #tpu.memory_space<vmem_shared>>, %arg10: memref<100352xf32, #tpu.memory_space<vmem_shared>>, %arg11: memref<100352xf32, #tpu.memory_space<vmem_shared>>, %arg12: memref<100352xf32, #tpu.memory_space<vmem_shared>>, %arg13: memref<100352xf32, #tpu.memory_space<vmem_shared>>, %arg14: memref<100352xf32, #tpu.memory_space<vmem_shared>>, %arg15: memref<100352xf32, #tpu.memory_space<vmem_shared>>, %arg16: memref<64x128xi32, #tpu.memory_space<vmem>>, %arg17: memref<64x128xi32, #tpu.memory_space<vmem>>, %arg18: memref<2x4x128xf32, #tpu.memory_space<vmem>>, %arg19: memref<128xf32, #tpu.memory_space<vmem>>, %arg20: memref<!tpu.dma_semaphore, #tpu.memory_space<semaphore_mem>>, %arg21: memref<!tpu.dma_semaphore, #tpu.memory_space<semaphore_mem>>) attributes {dimension_semantics = [#tpu.dimension_semantics<core_parallel>, #tpu.dimension_semantics<subcore_parallel>], iteration_bounds = array<i64: 2, 16>, scalar_prefetch = 0 : i64, scratch_operands = 14 : i64, tpu.core_type = #tpu.core_type<sc_vector_subcore>, window_params = [{transform_indices = #map}, {transform_indices = #map}, {transform_indices = #map}, {transform_indices = #map1}, {transform_indices = #map1}, {transform_indices = #map2}]} {
    %mul3A = arith.constant 6272 : i32
    %mul3A_0 = arith.muli %arg1, %mul3A : i32
    "tpu.region"() ({
      %run_scoped3A_182 = tpu.sem_alloc : memref<!tpu.dma_semaphore, #tpu.memory_space<semaphore_mem>>
      %dma_start3A = tpu.memref_slice %arg8[%mul3A_0] : memref<100352xf32, #tpu.memory_space<vmem_shared>> -> memref<6272xf32, #tpu.memory_space<vmem_shared>>
      %dma_start3A_183 = tpu.memref_slice %arg5[%mul3A_0] : memref<100352xf32, #tpu.memory_space<hbm>> -> memref<6272xf32, #tpu.memory_space<hbm>>
      tpu.enqueue_dma source(%dma_start3A_183 : memref<6272xf32, #tpu.memory_space<hbm>>) target(%dma_start3A : memref<6272xf32, #tpu.memory_space<vmem_shared>>) target_semaphore(%run_scoped3A_182 : memref<!tpu.dma_semaphore, #tpu.memory_space<semaphore_mem>>)
      %dma_wait3A_184 = tpu.memref_slice %arg8[%mul3A_0] : memref<100352xf32, #tpu.memory_space<vmem_shared>> -> memref<6272xf32, #tpu.memory_space<vmem_shared>>
      %dma_wait3A_185 = tpu.memref_slice %arg5[%mul3A_0] : memref<100352xf32, #tpu.memory_space<hbm>> -> memref<6272xf32, #tpu.memory_space<hbm>>
      tpu.wait_dma2 semaphore(%run_scoped3A_182 : memref<!tpu.dma_semaphore, #tpu.memory_space<semaphore_mem>>) src(%dma_wait3A_185 : memref<6272xf32, #tpu.memory_space<hbm>>) dst(%dma_wait3A_184 : memref<6272xf32, #tpu.memory_space<vmem_shared>>)
      tpu.yield
    }) : () -> ()
    "tpu.region"() ({
      %run_scoped3A_182 = tpu.sem_alloc : memref<!tpu.dma_semaphore, #tpu.memory_space<semaphore_mem>>
      %dma_start3A = tpu.memref_slice %arg9[%mul3A_0] : memref<100352xf32, #tpu.memory_space<vmem_shared>> -> memref<6272xf32, #tpu.memory_space<vmem_shared>>
      %dma_start3A_183 = tpu.memref_slice %arg5[%mul3A_0] : memref<100352xf32, #tpu.memory_space<hbm>> -> memref<6272xf32, #tpu.memory_space<hbm>>
      tpu.enqueue_dma source(%dma_start3A_183 : memref<6272xf32, #tpu.memory_space<hbm>>) target(%dma_start3A : memref<6272xf32, #tpu.memory_space<vmem_shared>>) target_semaphore(%run_scoped3A_182 : memref<!tpu.dma_semaphore, #tpu.memory_space<semaphore_mem>>)
      %dma_wait3A_184 = tpu.memref_slice %arg9[%mul3A_0] : memref<100352xf32, #tpu.memory_space<vmem_shared>> -> memref<6272xf32, #tpu.memory_space<vmem_shared>>
      %dma_wait3A_185 = tpu.memref_slice %arg5[%mul3A_0] : memref<100352xf32, #tpu.memory_space<hbm>> -> memref<6272xf32, #tpu.memory_space<hbm>>
      tpu.wait_dma2 semaphore(%run_scoped3A_182 : memref<!tpu.dma_semaphore, #tpu.memory_space<semaphore_mem>>) src(%dma_wait3A_185 : memref<6272xf32, #tpu.memory_space<hbm>>) dst(%dma_wait3A_184 : memref<6272xf32, #tpu.memory_space<vmem_shared>>)
      tpu.yield
    }) : () -> ()
    "tpu.region"() ({
      %run_scoped3A_182 = tpu.sem_alloc : memref<!tpu.dma_semaphore, #tpu.memory_space<semaphore_mem>>
      %dma_start3A = tpu.memref_slice %arg10[%mul3A_0] : memref<100352xf32, #tpu.memory_space<vmem_shared>> -> memref<6272xf32, #tpu.memory_space<vmem_shared>>
      %dma_start3A_183 = tpu.memref_slice %arg5[%mul3A_0] : memref<100352xf32, #tpu.memory_space<hbm>> -> memref<6272xf32, #tpu.memory_space<hbm>>
      tpu.enqueue_dma source(%dma_start3A_183 : memref<6272xf32, #tpu.memory_space<hbm>>) target(%dma_start3A : memref<6272xf32, #tpu.memory_space<vmem_shared>>) target_semaphore(%run_scoped3A_182 : memref<!tpu.dma_semaphore, #tpu.memory_space<semaphore_mem>>)
      %dma_wait3A_184 = tpu.memref_slice %arg10[%mul3A_0] : memref<100352xf32, #tpu.memory_space<vmem_shared>> -> memref<6272xf32, #tpu.memory_space<vmem_shared>>
      %dma_wait3A_185 = tpu.memref_slice %arg5[%mul3A_0] : memref<100352xf32, #tpu.memory_space<hbm>> -> memref<6272xf32, #tpu.memory_space<hbm>>
      tpu.wait_dma2 semaphore(%run_scoped3A_182 : memref<!tpu.dma_semaphore, #tpu.memory_space<semaphore_mem>>) src(%dma_wait3A_185 : memref<6272xf32, #tpu.memory_space<hbm>>) dst(%dma_wait3A_184 : memref<6272xf32, #tpu.memory_space<vmem_shared>>)
      tpu.yield
    }) : () -> ()
    "tpu.region"() ({
      %run_scoped3A_182 = tpu.sem_alloc : memref<!tpu.dma_semaphore, #tpu.memory_space<semaphore_mem>>
      %dma_start3A = tpu.memref_slice %arg11[%mul3A_0] : memref<100352xf32, #tpu.memory_space<vmem_shared>> -> memref<6272xf32, #tpu.memory_space<vmem_shared>>
      %dma_start3A_183 = tpu.memref_slice %arg5[%mul3A_0] : memref<100352xf32, #tpu.memory_space<hbm>> -> memref<6272xf32, #tpu.memory_space<hbm>>
      tpu.enqueue_dma source(%dma_start3A_183 : memref<6272xf32, #tpu.memory_space<hbm>>) target(%dma_start3A : memref<6272xf32, #tpu.memory_space<vmem_shared>>) target_semaphore(%run_scoped3A_182 : memref<!tpu.dma_semaphore, #tpu.memory_space<semaphore_mem>>)
      %dma_wait3A_184 = tpu.memref_slice %arg11[%mul3A_0] : memref<100352xf32, #tpu.memory_space<vmem_shared>> -> memref<6272xf32, #tpu.memory_space<vmem_shared>>
      %dma_wait3A_185 = tpu.memref_slice %arg5[%mul3A_0] : memref<100352xf32, #tpu.memory_space<hbm>> -> memref<6272xf32, #tpu.memory_space<hbm>>
      tpu.wait_dma2 semaphore(%run_scoped3A_182 : memref<!tpu.dma_semaphore, #tpu.memory_space<semaphore_mem>>) src(%dma_wait3A_185 : memref<6272xf32, #tpu.memory_space<hbm>>) dst(%dma_wait3A_184 : memref<6272xf32, #tpu.memory_space<vmem_shared>>)
      tpu.yield
    }) : () -> ()
    %run_scoped3A = arith.constant 0 : i32
    "tpu.region"() ({
      %run_scoped3A_182 = tpu.sem_alloc : memref<!tpu.dma_semaphore, #tpu.memory_space<semaphore_mem>>
      %dma_start3A = tpu.memref_slice %arg12[%mul3A_0] : memref<100352xf32, #tpu.memory_space<vmem_shared>> -> memref<6272xf32, #tpu.memory_space<vmem_shared>>
      %dma_start3A_183 = arith.constant 0 : i32
      %dma_start3A_184 = tpu.memref_slice %arg2[%run_scoped3A, %dma_start3A_183] : memref<4x100352xf32, #tpu.memory_space<hbm>> -> memref<1x100352xf32, #tpu.memory_space<hbm>>
      %dma_start3A_185 = tpu.memref_squeeze %dma_start3A_184 : memref<1x100352xf32, #tpu.memory_space<hbm>> -> memref<100352xf32, #tpu.memory_space<hbm>>
      %dma_start3A_186 = tpu.memref_slice %dma_start3A_185[%mul3A_0] : memref<100352xf32, #tpu.memory_space<hbm>> -> memref<6272xf32, #tpu.memory_space<hbm>>
      tpu.enqueue_dma source(%dma_start3A_186 : memref<6272xf32, #tpu.memory_space<hbm>>) target(%dma_start3A : memref<6272xf32, #tpu.memory_space<vmem_shared>>) target_semaphore(%run_scoped3A_182 : memref<!tpu.dma_semaphore, #tpu.memory_space<semaphore_mem>>)
      %dma_wait3A_187 = tpu.memref_slice %arg12[%mul3A_0] : memref<100352xf32, #tpu.memory_space<vmem_shared>> -> memref<6272xf32, #tpu.memory_space<vmem_shared>>
      %dma_wait3A_188 = arith.constant 0 : i32
      %dma_wait3A_189 = tpu.memref_slice %arg2[%run_scoped3A, %dma_wait3A_188] : memref<4x100352xf32, #tpu.memory_space<hbm>> -> memref<1x100352xf32, #tpu.memory_space<hbm>>
      %dma_wait3A_190 = tpu.memref_squeeze %dma_wait3A_189 : memref<1x100352xf32, #tpu.memory_space<hbm>> -> memref<100352xf32, #tpu.memory_space<hbm>>
      %dma_wait3A_191 = tpu.memref_slice %dma_wait3A_190[%mul3A_0] : memref<100352xf32, #tpu.memory_space<hbm>> -> memref<6272xf32, #tpu.memory_space<hbm>>
      tpu.wait_dma2 semaphore(%run_scoped3A_182 : memref<!tpu.dma_semaphore, #tpu.memory_space<semaphore_mem>>) src(%dma_wait3A_191 : memref<6272xf32, #tpu.memory_space<hbm>>) dst(%dma_wait3A_187 : memref<6272xf32, #tpu.memory_space<vmem_shared>>)
      tpu.yield
    }) : () -> ()
    %run_scoped3A_1 = arith.constant 1 : i32
    "tpu.region"() ({
      %run_scoped3A_182 = tpu.sem_alloc : memref<!tpu.dma_semaphore, #tpu.memory_space<semaphore_mem>>
      %dma_start3A = tpu.memref_slice %arg13[%mul3A_0] : memref<100352xf32, #tpu.memory_space<vmem_shared>> -> memref<6272xf32, #tpu.memory_space<vmem_shared>>
      %dma_start3A_183 = arith.constant 0 : i32
      %dma_start3A_184 = tpu.memref_slice %arg2[%run_scoped3A_1, %dma_start3A_183] : memref<4x100352xf32, #tpu.memory_space<hbm>> -> memref<1x100352xf32, #tpu.memory_space<hbm>>
      %dma_start3A_185 = tpu.memref_squeeze %dma_start3A_184 : memref<1x100352xf32, #tpu.memory_space<hbm>> -> memref<100352xf32, #tpu.memory_space<hbm>>
      %dma_start3A_186 = tpu.memref_slice %dma_start3A_185[%mul3A_0] : memref<100352xf32, #tpu.memory_space<hbm>> -> memref<6272xf32, #tpu.memory_space<hbm>>
      tpu.enqueue_dma source(%dma_start3A_186 : memref<6272xf32, #tpu.memory_space<hbm>>) target(%dma_start3A : memref<6272xf32, #tpu.memory_space<vmem_shared>>) target_semaphore(%run_scoped3A_182 : memref<!tpu.dma_semaphore, #tpu.memory_space<semaphore_mem>>)
      %dma_wait3A_187 = tpu.memref_slice %arg13[%mul3A_0] : memref<100352xf32, #tpu.memory_space<vmem_shared>> -> memref<6272xf32, #tpu.memory_space<vmem_shared>>
      %dma_wait3A_188 = arith.constant 0 : i32
      %dma_wait3A_189 = tpu.memref_slice %arg2[%run_scoped3A_1, %dma_wait3A_188] : memref<4x100352xf32, #tpu.memory_space<hbm>> -> memref<1x100352xf32, #tpu.memory_space<hbm>>
      %dma_wait3A_190 = tpu.memref_squeeze %dma_wait3A_189 : memref<1x100352xf32, #tpu.memory_space<hbm>> -> memref<100352xf32, #tpu.memory_space<hbm>>
      %dma_wait3A_191 = tpu.memref_slice %dma_wait3A_190[%mul3A_0] : memref<100352xf32, #tpu.memory_space<hbm>> -> memref<6272xf32, #tpu.memory_space<hbm>>
      tpu.wait_dma2 semaphore(%run_scoped3A_182 : memref<!tpu.dma_semaphore, #tpu.memory_space<semaphore_mem>>) src(%dma_wait3A_191 : memref<6272xf32, #tpu.memory_space<hbm>>) dst(%dma_wait3A_187 : memref<6272xf32, #tpu.memory_space<vmem_shared>>)
      tpu.yield
    }) : () -> ()
    %run_scoped3A_2 = arith.constant 2 : i32
    "tpu.region"() ({
      %run_scoped3A_182 = tpu.sem_alloc : memref<!tpu.dma_semaphore, #tpu.memory_space<semaphore_mem>>
      %dma_start3A = tpu.memref_slice %arg14[%mul3A_0] : memref<100352xf32, #tpu.memory_space<vmem_shared>> -> memref<6272xf32, #tpu.memory_space<vmem_shared>>
      %dma_start3A_183 = arith.constant 0 : i32
      %dma_start3A_184 = tpu.memref_slice %arg2[%run_scoped3A_2, %dma_start3A_183] : memref<4x100352xf32, #tpu.memory_space<hbm>> -> memref<1x100352xf32, #tpu.memory_space<hbm>>
      %dma_start3A_185 = tpu.memref_squeeze %dma_start3A_184 : memref<1x100352xf32, #tpu.memory_space<hbm>> -> memref<100352xf32, #tpu.memory_space<hbm>>
      %dma_start3A_186 = tpu.memref_slice %dma_start3A_185[%mul3A_0] : memref<100352xf32, #tpu.memory_space<hbm>> -> memref<6272xf32, #tpu.memory_space<hbm>>
      tpu.enqueue_dma source(%dma_start3A_186 : memref<6272xf32, #tpu.memory_space<hbm>>) target(%dma_start3A : memref<6272xf32, #tpu.memory_space<vmem_shared>>) target_semaphore(%run_scoped3A_182 : memref<!tpu.dma_semaphore, #tpu.memory_space<semaphore_mem>>)
      %dma_wait3A_187 = tpu.memref_slice %arg14[%mul3A_0] : memref<100352xf32, #tpu.memory_space<vmem_shared>> -> memref<6272xf32, #tpu.memory_space<vmem_shared>>
      %dma_wait3A_188 = arith.constant 0 : i32
      %dma_wait3A_189 = tpu.memref_slice %arg2[%run_scoped3A_2, %dma_wait3A_188] : memref<4x100352xf32, #tpu.memory_space<hbm>> -> memref<1x100352xf32, #tpu.memory_space<hbm>>
      %dma_wait3A_190 = tpu.memref_squeeze %dma_wait3A_189 : memref<1x100352xf32, #tpu.memory_space<hbm>> -> memref<100352xf32, #tpu.memory_space<hbm>>
      %dma_wait3A_191 = tpu.memref_slice %dma_wait3A_190[%mul3A_0] : memref<100352xf32, #tpu.memory_space<hbm>> -> memref<6272xf32, #tpu.memory_space<hbm>>
      tpu.wait_dma2 semaphore(%run_scoped3A_182 : memref<!tpu.dma_semaphore, #tpu.memory_space<semaphore_mem>>) src(%dma_wait3A_191 : memref<6272xf32, #tpu.memory_space<hbm>>) dst(%dma_wait3A_187 : memref<6272xf32, #tpu.memory_space<vmem_shared>>)
      tpu.yield
    }) : () -> ()
    %run_scoped3A_3 = arith.constant 3 : i32
    "tpu.region"() ({
      %run_scoped3A_182 = tpu.sem_alloc : memref<!tpu.dma_semaphore, #tpu.memory_space<semaphore_mem>>
      %dma_start3A = tpu.memref_slice %arg15[%mul3A_0] : memref<100352xf32, #tpu.memory_space<vmem_shared>> -> memref<6272xf32, #tpu.memory_space<vmem_shared>>
      %dma_start3A_183 = arith.constant 0 : i32
      %dma_start3A_184 = tpu.memref_slice %arg2[%run_scoped3A_3, %dma_start3A_183] : memref<4x100352xf32, #tpu.memory_space<hbm>> -> memref<1x100352xf32, #tpu.memory_space<hbm>>
      %dma_start3A_185 = tpu.memref_squeeze %dma_start3A_184 : memref<1x100352xf32, #tpu.memory_space<hbm>> -> memref<100352xf32, #tpu.memory_space<hbm>>
      %dma_start3A_186 = tpu.memref_slice %dma_start3A_185[%mul3A_0] : memref<100352xf32, #tpu.memory_space<hbm>> -> memref<6272xf32, #tpu.memory_space<hbm>>
      tpu.enqueue_dma source(%dma_start3A_186 : memref<6272xf32, #tpu.memory_space<hbm>>) target(%dma_start3A : memref<6272xf32, #tpu.memory_space<vmem_shared>>) target_semaphore(%run_scoped3A_182 : memref<!tpu.dma_semaphore, #tpu.memory_space<semaphore_mem>>)
      %dma_wait3A_187 = tpu.memref_slice %arg15[%mul3A_0] : memref<100352xf32, #tpu.memory_space<vmem_shared>> -> memref<6272xf32, #tpu.memory_space<vmem_shared>>
      %dma_wait3A_188 = arith.constant 0 : i32
      %dma_wait3A_189 = tpu.memref_slice %arg2[%run_scoped3A_3, %dma_wait3A_188] : memref<4x100352xf32, #tpu.memory_space<hbm>> -> memref<1x100352xf32, #tpu.memory_space<hbm>>
      %dma_wait3A_190 = tpu.memref_squeeze %dma_wait3A_189 : memref<1x100352xf32, #tpu.memory_space<hbm>> -> memref<100352xf32, #tpu.memory_space<hbm>>
      %dma_wait3A_191 = tpu.memref_slice %dma_wait3A_190[%mul3A_0] : memref<100352xf32, #tpu.memory_space<hbm>> -> memref<6272xf32, #tpu.memory_space<hbm>>
      tpu.wait_dma2 semaphore(%run_scoped3A_182 : memref<!tpu.dma_semaphore, #tpu.memory_space<semaphore_mem>>) src(%dma_wait3A_191 : memref<6272xf32, #tpu.memory_space<hbm>>) dst(%dma_wait3A_187 : memref<6272xf32, #tpu.memory_space<vmem_shared>>)
      tpu.yield
    }) : () -> ()
    %barrier3A = arith.constant 0 : index
    tpu.barrier barrier_id(%barrier3A)
    %mul3A_4 = arith.constant 16 : i32
    %mul3A_5 = arith.muli %arg0, %mul3A_4 : i32
    %add3A = arith.addi %mul3A_5, %arg1 : i32
    %lt3A = arith.constant 16 : i32
    %lt3A_6 = arith.cmpi slt, %add3A, %lt3A : i32
    %convert_element_type3A = arith.extui %lt3A_6 : i1 to i32
    %add3A_7 = arith.constant 1562 : i32
    %add3A_8 = arith.addi %add3A_7, %convert_element_type3A : i32
    %mul3A_9 = arith.constant 1562 : i32
    %mul3A_10 = arith.muli %add3A, %mul3A_9 : i32
    %min3A = arith.constant 16 : i32
    %min3A_11 = arith.minsi %add3A, %min3A : i32
    %add3A_12 = arith.addi %mul3A_10, %min3A_11 : i32
    %scan3A = arith.constant 0 : i32
    %scan3A_13 = arith.constant 0 : i32
    %scan3A_14 = arith.constant 25 : i32
    %scan3A_15 = arith.addi %scan3A_13, %scan3A_14 : i32
    %scan3A_16 = arith.constant 1 : i32
    scf.for %scan3A_182 = %scan3A_13 to %scan3A_15 step %scan3A_16  : i32 {
      %mul3A_183 = arith.constant 64 : i32
      %mul3A_184 = arith.muli %scan3A_182, %mul3A_183 : i32
      %add3A_185 = arith.addi %add3A_12, %mul3A_184 : i32
      %mul3A_186 = arith.constant 64 : i32
      %mul3A_187 = arith.muli %scan3A_182, %mul3A_186 : i32
      %sub3A = arith.subi %add3A_8, %mul3A_187 : i32
      %min3A_188 = arith.constant 64 : i32
      %min3A_189 = arith.minsi %sub3A, %min3A_188 : i32
      "tpu.region"() ({
        %run_scoped3A_199 = tpu.sem_alloc : memref<!tpu.dma_semaphore, #tpu.memory_space<semaphore_mem>>
        %dma_start3A = arith.constant 0 : i32
        %dma_start3A_200 = tpu.memref_slice %arg3[%add3A_185, %dma_start3A] : memref<50064x128xi32, #tpu.memory_space<hbm>> -> memref<64x128xi32, #tpu.memory_space<hbm>>
        %dma_start3A_201 = arith.constant 0 : i32
        %dma_start3A_202 = tpu.memref_slice %arg3[%add3A_185, %dma_start3A_201] : memref<50064x128xi32, #tpu.memory_space<hbm>> -> memref<64x128xi32, #tpu.memory_space<hbm>>
        tpu.enqueue_dma source(%dma_start3A_202 : memref<64x128xi32, #tpu.memory_space<hbm>>) target(%arg16 : memref<64x128xi32, #tpu.memory_space<vmem>>) target_semaphore(%run_scoped3A_199 : memref<!tpu.dma_semaphore, #tpu.memory_space<semaphore_mem>>)
        %dma_wait3A_203 = arith.constant 0 : i32
        %dma_wait3A_204 = tpu.memref_slice %arg3[%add3A_185, %dma_wait3A_203] : memref<50064x128xi32, #tpu.memory_space<hbm>> -> memref<64x128xi32, #tpu.memory_space<hbm>>
        %dma_wait3A_205 = arith.constant 0 : i32
        %dma_wait3A_206 = tpu.memref_slice %arg3[%add3A_185, %dma_wait3A_205] : memref<50064x128xi32, #tpu.memory_space<hbm>> -> memref<64x128xi32, #tpu.memory_space<hbm>>
        tpu.wait_dma2 semaphore(%run_scoped3A_199 : memref<!tpu.dma_semaphore, #tpu.memory_space<semaphore_mem>>) src(%dma_wait3A_206 : memref<64x128xi32, #tpu.memory_space<hbm>>) dst(%arg16 : memref<64x128xi32, #tpu.memory_space<vmem>>)
        tpu.yield
      }) : () -> ()
      "tpu.region"() ({
        %run_scoped3A_199 = tpu.sem_alloc : memref<!tpu.dma_semaphore, #tpu.memory_space<semaphore_mem>>
        %dma_start3A = arith.constant 0 : i32
        %dma_start3A_200 = tpu.memref_slice %arg4[%add3A_185, %dma_start3A] : memref<50064x128xi32, #tpu.memory_space<hbm>> -> memref<64x128xi32, #tpu.memory_space<hbm>>
        %dma_start3A_201 = arith.constant 0 : i32
        %dma_start3A_202 = tpu.memref_slice %arg4[%add3A_185, %dma_start3A_201] : memref<50064x128xi32, #tpu.memory_space<hbm>> -> memref<64x128xi32, #tpu.memory_space<hbm>>
        tpu.enqueue_dma source(%dma_start3A_202 : memref<64x128xi32, #tpu.memory_space<hbm>>) target(%arg17 : memref<64x128xi32, #tpu.memory_space<vmem>>) target_semaphore(%run_scoped3A_199 : memref<!tpu.dma_semaphore, #tpu.memory_space<semaphore_mem>>)
        %dma_wait3A_203 = arith.constant 0 : i32
        %dma_wait3A_204 = tpu.memref_slice %arg4[%add3A_185, %dma_wait3A_203] : memref<50064x128xi32, #tpu.memory_space<hbm>> -> memref<64x128xi32, #tpu.memory_space<hbm>>
        %dma_wait3A_205 = arith.constant 0 : i32
        %dma_wait3A_206 = tpu.memref_slice %arg4[%add3A_185, %dma_wait3A_205] : memref<50064x128xi32, #tpu.memory_space<hbm>> -> memref<64x128xi32, #tpu.memory_space<hbm>>
        tpu.wait_dma2 semaphore(%run_scoped3A_199 : memref<!tpu.dma_semaphore, #tpu.memory_space<semaphore_mem>>) src(%dma_wait3A_206 : memref<64x128xi32, #tpu.memory_space<hbm>>) dst(%arg17 : memref<64x128xi32, #tpu.memory_space<vmem>>)
        tpu.yield
      }) : () -> ()
      %while3A = arith.constant 0 : i32
      %while3A_190 = arith.constant 0 : i32
      %while3A_191 = arith.subi %min3A_189, %while3A_190 : i32
      %while3A_192 = arith.addi %while3A_190, %while3A_191 : i32
      %while3A_193 = arith.constant 1 : i32
      %while3A_194 = arith.divsi %while3A_191, %while3A_193 : i32
      %while3A_195 = arith.muli %while3A_194, %while3A_193 : i32
      %while3A_196 = arith.addi %while3A_190, %while3A_195 : i32
      %while3A_197 = arith.constant 1 : i32
      scf.for %while3A_199 = %while3A_190 to %while3A_196 step %while3A_197  : i32 {
        %mul3A_200 = arith.constant 64 : i32
        %mul3A_201 = arith.muli %scan3A_182, %mul3A_200 : i32
        %add3A_202 = arith.addi %mul3A_201, %while3A_199 : i32
        %rem3A = arith.constant 2 : i32
        %rem3A_203 = arith.remsi %add3A_202, %rem3A : i32
        %ge3A = arith.constant 2 : i32
        %ge3A_204 = arith.cmpi sge, %add3A_202, %ge3A : i32
        %convert_element_type3A_205 = arith.extui %ge3A_204 : i1 to i32
        %cond3A = arith.constant 0 : i32
        %cond3A_206 = arith.cmpi ne, %convert_element_type3A_205, %cond3A : i32
        scf.if %cond3A_206 {
          %dma_wait3A_362 = arith.constant 0 : i32
          %dma_wait3A_363 = arith.constant 0 : i32
          %dma_wait3A_364 = arith.constant 0 : i32
          %dma_wait3A_365 = tpu.memref_slice %arg18[%rem3A_203, %dma_wait3A_363, %dma_wait3A_364] : memref<2x4x128xf32, #tpu.memory_space<vmem>> -> memref<1x4x128xf32, #tpu.memory_space<vmem>>
          %dma_wait3A_366 = tpu.memref_squeeze %dma_wait3A_365 : memref<1x4x128xf32, #tpu.memory_space<vmem>> -> memref<4x128xf32, #tpu.memory_space<vmem>>
          %dma_wait3A_367 = arith.constant 0 : i32
          %dma_wait3A_368 = tpu.memref_slice %dma_wait3A_366[%dma_wait3A_362, %dma_wait3A_367] : memref<4x128xf32, #tpu.memory_space<vmem>> -> memref<1x128xf32, #tpu.memory_space<vmem>>
          %dma_wait3A_369 = tpu.memref_squeeze %dma_wait3A_368 : memref<1x128xf32, #tpu.memory_space<vmem>> -> memref<128xf32, #tpu.memory_space<vmem>>
          %dma_wait3A_370 = arith.constant 0 : i32
          %dma_wait3A_371 = tpu.memref_slice %arg5[%dma_wait3A_370] : memref<100352xf32, #tpu.memory_space<hbm>> -> memref<128xf32, #tpu.memory_space<hbm>>
          %dma_wait3A_372 = arith.constant 0 : i32
          %dma_wait3A_373 = arith.constant 0 : i32
          %dma_wait3A_374 = tpu.memref_slice %arg18[%rem3A_203, %dma_wait3A_372, %dma_wait3A_373] : memref<2x4x128xf32, #tpu.memory_space<vmem>> -> memref<1x4x128xf32, #tpu.memory_space<vmem>>
          %dma_wait3A_375 = tpu.memref_squeeze %dma_wait3A_374 : memref<1x4x128xf32, #tpu.memory_space<vmem>> -> memref<4x128xf32, #tpu.memory_space<vmem>>
          %dma_wait3A_376 = arith.constant 0 : i32
          %dma_wait3A_377 = tpu.memref_slice %dma_wait3A_375[%dma_wait3A_362, %dma_wait3A_376] : memref<4x128xf32, #tpu.memory_space<vmem>> -> memref<1x128xf32, #tpu.memory_space<vmem>>
          %dma_wait3A_378 = tpu.memref_squeeze %dma_wait3A_377 : memref<1x128xf32, #tpu.memory_space<vmem>> -> memref<128xf32, #tpu.memory_space<vmem>>
          %dma_wait3A_379 = arith.constant 0 : i32
          %dma_wait3A_380 = tpu.memref_slice %arg5[%dma_wait3A_379] : memref<100352xf32, #tpu.memory_space<hbm>> -> memref<128xf32, #tpu.memory_space<hbm>>
          tpu.wait_dma2 semaphore(%arg21 : memref<!tpu.dma_semaphore, #tpu.memory_space<semaphore_mem>>) src(%dma_wait3A_380 : memref<128xf32, #tpu.memory_space<hbm>>) dst(%dma_wait3A_378 : memref<128xf32, #tpu.memory_space<vmem>>)
          %dma_wait3A_381 = arith.constant 1 : i32
          %dma_wait3A_382 = arith.constant 0 : i32
          %dma_wait3A_383 = arith.constant 0 : i32
          %dma_wait3A_384 = tpu.memref_slice %arg18[%rem3A_203, %dma_wait3A_382, %dma_wait3A_383] : memref<2x4x128xf32, #tpu.memory_space<vmem>> -> memref<1x4x128xf32, #tpu.memory_space<vmem>>
          %dma_wait3A_385 = tpu.memref_squeeze %dma_wait3A_384 : memref<1x4x128xf32, #tpu.memory_space<vmem>> -> memref<4x128xf32, #tpu.memory_space<vmem>>
          %dma_wait3A_386 = arith.constant 0 : i32
          %dma_wait3A_387 = tpu.memref_slice %dma_wait3A_385[%dma_wait3A_381, %dma_wait3A_386] : memref<4x128xf32, #tpu.memory_space<vmem>> -> memref<1x128xf32, #tpu.memory_space<vmem>>
          %dma_wait3A_388 = tpu.memref_squeeze %dma_wait3A_387 : memref<1x128xf32, #tpu.memory_space<vmem>> -> memref<128xf32, #tpu.memory_space<vmem>>
          %dma_wait3A_389 = arith.constant 0 : i32
          %dma_wait3A_390 = tpu.memref_slice %arg5[%dma_wait3A_389] : memref<100352xf32, #tpu.memory_space<hbm>> -> memref<128xf32, #tpu.memory_space<hbm>>
          %dma_wait3A_391 = arith.constant 0 : i32
          %dma_wait3A_392 = arith.constant 0 : i32
          %dma_wait3A_393 = tpu.memref_slice %arg18[%rem3A_203, %dma_wait3A_391, %dma_wait3A_392] : memref<2x4x128xf32, #tpu.memory_space<vmem>> -> memref<1x4x128xf32, #tpu.memory_space<vmem>>
          %dma_wait3A_394 = tpu.memref_squeeze %dma_wait3A_393 : memref<1x4x128xf32, #tpu.memory_space<vmem>> -> memref<4x128xf32, #tpu.memory_space<vmem>>
          %dma_wait3A_395 = arith.constant 0 : i32
          %dma_wait3A_396 = tpu.memref_slice %dma_wait3A_394[%dma_wait3A_381, %dma_wait3A_395] : memref<4x128xf32, #tpu.memory_space<vmem>> -> memref<1x128xf32, #tpu.memory_space<vmem>>
          %dma_wait3A_397 = tpu.memref_squeeze %dma_wait3A_396 : memref<1x128xf32, #tpu.memory_space<vmem>> -> memref<128xf32, #tpu.memory_space<vmem>>
          %dma_wait3A_398 = arith.constant 0 : i32
          %dma_wait3A_399 = tpu.memref_slice %arg5[%dma_wait3A_398] : memref<100352xf32, #tpu.memory_space<hbm>> -> memref<128xf32, #tpu.memory_space<hbm>>
          tpu.wait_dma2 semaphore(%arg21 : memref<!tpu.dma_semaphore, #tpu.memory_space<semaphore_mem>>) src(%dma_wait3A_399 : memref<128xf32, #tpu.memory_space<hbm>>) dst(%dma_wait3A_397 : memref<128xf32, #tpu.memory_space<vmem>>)
          %dma_wait3A_400 = arith.constant 2 : i32
          %dma_wait3A_401 = arith.constant 0 : i32
          %dma_wait3A_402 = arith.constant 0 : i32
          %dma_wait3A_403 = tpu.memref_slice %arg18[%rem3A_203, %dma_wait3A_401, %dma_wait3A_402] : memref<2x4x128xf32, #tpu.memory_space<vmem>> -> memref<1x4x128xf32, #tpu.memory_space<vmem>>
          %dma_wait3A_404 = tpu.memref_squeeze %dma_wait3A_403 : memref<1x4x128xf32, #tpu.memory_space<vmem>> -> memref<4x128xf32, #tpu.memory_space<vmem>>
          %dma_wait3A_405 = arith.constant 0 : i32
          %dma_wait3A_406 = tpu.memref_slice %dma_wait3A_404[%dma_wait3A_400, %dma_wait3A_405] : memref<4x128xf32, #tpu.memory_space<vmem>> -> memref<1x128xf32, #tpu.memory_space<vmem>>
          %dma_wait3A_407 = tpu.memref_squeeze %dma_wait3A_406 : memref<1x128xf32, #tpu.memory_space<vmem>> -> memref<128xf32, #tpu.memory_space<vmem>>
          %dma_wait3A_408 = arith.constant 0 : i32
          %dma_wait3A_409 = tpu.memref_slice %arg5[%dma_wait3A_408] : memref<100352xf32, #tpu.memory_space<hbm>> -> memref<128xf32, #tpu.memory_space<hbm>>
          %dma_wait3A_410 = arith.constant 0 : i32
          %dma_wait3A_411 = arith.constant 0 : i32
          %dma_wait3A_412 = tpu.memref_slice %arg18[%rem3A_203, %dma_wait3A_410, %dma_wait3A_411] : memref<2x4x128xf32, #tpu.memory_space<vmem>> -> memref<1x4x128xf32, #tpu.memory_space<vmem>>
          %dma_wait3A_413 = tpu.memref_squeeze %dma_wait3A_412 : memref<1x4x128xf32, #tpu.memory_space<vmem>> -> memref<4x128xf32, #tpu.memory_space<vmem>>
          %dma_wait3A_414 = arith.constant 0 : i32
          %dma_wait3A_415 = tpu.memref_slice %dma_wait3A_413[%dma_wait3A_400, %dma_wait3A_414] : memref<4x128xf32, #tpu.memory_space<vmem>> -> memref<1x128xf32, #tpu.memory_space<vmem>>
          %dma_wait3A_416 = tpu.memref_squeeze %dma_wait3A_415 : memref<1x128xf32, #tpu.memory_space<vmem>> -> memref<128xf32, #tpu.memory_space<vmem>>
          %dma_wait3A_417 = arith.constant 0 : i32
          %dma_wait3A_418 = tpu.memref_slice %arg5[%dma_wait3A_417] : memref<100352xf32, #tpu.memory_space<hbm>> -> memref<128xf32, #tpu.memory_space<hbm>>
          tpu.wait_dma2 semaphore(%arg21 : memref<!tpu.dma_semaphore, #tpu.memory_space<semaphore_mem>>) src(%dma_wait3A_418 : memref<128xf32, #tpu.memory_space<hbm>>) dst(%dma_wait3A_416 : memref<128xf32, #tpu.memory_space<vmem>>)
          %dma_wait3A_419 = arith.constant 3 : i32
          %dma_wait3A_420 = arith.constant 0 : i32
          %dma_wait3A_421 = arith.constant 0 : i32
          %dma_wait3A_422 = tpu.memref_slice %arg18[%rem3A_203, %dma_wait3A_420, %dma_wait3A_421] : memref<2x4x128xf32, #tpu.memory_space<vmem>> -> memref<1x4x128xf32, #tpu.memory_space<vmem>>
          %dma_wait3A_423 = tpu.memref_squeeze %dma_wait3A_422 : memref<1x4x128xf32, #tpu.memory_space<vmem>> -> memref<4x128xf32, #tpu.memory_space<vmem>>
          %dma_wait3A_424 = arith.constant 0 : i32
          %dma_wait3A_425 = tpu.memref_slice %dma_wait3A_423[%dma_wait3A_419, %dma_wait3A_424] : memref<4x128xf32, #tpu.memory_space<vmem>> -> memref<1x128xf32, #tpu.memory_space<vmem>>
          %dma_wait3A_426 = tpu.memref_squeeze %dma_wait3A_425 : memref<1x128xf32, #tpu.memory_space<vmem>> -> memref<128xf32, #tpu.memory_space<vmem>>
          %dma_wait3A_427 = arith.constant 0 : i32
          %dma_wait3A_428 = tpu.memref_slice %arg5[%dma_wait3A_427] : memref<100352xf32, #tpu.memory_space<hbm>> -> memref<128xf32, #tpu.memory_space<hbm>>
          %dma_wait3A_429 = arith.constant 0 : i32
          %dma_wait3A_430 = arith.constant 0 : i32
          %dma_wait3A_431 = tpu.memref_slice %arg18[%rem3A_203, %dma_wait3A_429, %dma_wait3A_430] : memref<2x4x128xf32, #tpu.memory_space<vmem>> -> memref<1x4x128xf32, #tpu.memory_space<vmem>>
          %dma_wait3A_432 = tpu.memref_squeeze %dma_wait3A_431 : memref<1x4x128xf32, #tpu.memory_space<vmem>> -> memref<4x128xf32, #tpu.memory_space<vmem>>
          %dma_wait3A_433 = arith.constant 0 : i32
          %dma_wait3A_434 = tpu.memref_slice %dma_wait3A_432[%dma_wait3A_419, %dma_wait3A_433] : memref<4x128xf32, #tpu.memory_space<vmem>> -> memref<1x128xf32, #tpu.memory_space<vmem>>
          %dma_wait3A_435 = tpu.memref_squeeze %dma_wait3A_434 : memref<1x128xf32, #tpu.memory_space<vmem>> -> memref<128xf32, #tpu.memory_space<vmem>>
          %dma_wait3A_436 = arith.constant 0 : i32
          %dma_wait3A_437 = tpu.memref_slice %arg5[%dma_wait3A_436] : memref<100352xf32, #tpu.memory_space<hbm>> -> memref<128xf32, #tpu.memory_space<hbm>>
          tpu.wait_dma2 semaphore(%arg21 : memref<!tpu.dma_semaphore, #tpu.memory_space<semaphore_mem>>) src(%dma_wait3A_437 : memref<128xf32, #tpu.memory_space<hbm>>) dst(%dma_wait3A_435 : memref<128xf32, #tpu.memory_space<vmem>>)
        } else {
        }
        %dma_start3A = arith.constant 0 : i32
        %dma_start3A_207 = arith.constant 0 : i32
        %dma_start3A_208 = arith.constant 0 : i32
        %dma_start3A_209 = tpu.memref_slice %arg18[%rem3A_203, %dma_start3A_207, %dma_start3A_208] : memref<2x4x128xf32, #tpu.memory_space<vmem>> -> memref<1x4x128xf32, #tpu.memory_space<vmem>>
        %dma_start3A_210 = tpu.memref_squeeze %dma_start3A_209 : memref<1x4x128xf32, #tpu.memory_space<vmem>> -> memref<4x128xf32, #tpu.memory_space<vmem>>
        %dma_start3A_211 = arith.constant 0 : i32
        %dma_start3A_212 = tpu.memref_slice %dma_start3A_210[%dma_start3A, %dma_start3A_211] : memref<4x128xf32, #tpu.memory_space<vmem>> -> memref<1x128xf32, #tpu.memory_space<vmem>>
        %dma_start3A_213 = tpu.memref_squeeze %dma_start3A_212 : memref<1x128xf32, #tpu.memory_space<vmem>> -> memref<128xf32, #tpu.memory_space<vmem>>
        %dma_start3A_214 = arith.constant 0 : i32
        %dma_start3A_215 = tpu.memref_slice %arg16[%while3A_199, %dma_start3A_214] : memref<64x128xi32, #tpu.memory_space<vmem>> -> memref<1x128xi32, #tpu.memory_space<vmem>>
        %dma_start3A_216 = tpu.memref_squeeze %dma_start3A_215 : memref<1x128xi32, #tpu.memory_space<vmem>> -> memref<128xi32, #tpu.memory_space<vmem>>
        %dma_start3A_217 = arith.constant 0 : i32
        %dma_start3A_218 = tpu.memref_slice %arg12[%dma_start3A_217] : memref<100352xf32, #tpu.memory_space<vmem_shared>> -> memref<100352xf32, #tpu.memory_space<vmem_shared>>
        tpu.enqueue_indirect_dma source(%dma_start3A_218 : memref<100352xf32, #tpu.memory_space<vmem_shared>>) target(%dma_start3A_213 : memref<128xf32, #tpu.memory_space<vmem>>) offsets(%dma_start3A_216 : memref<128xi32, #tpu.memory_space<vmem>>) semaphore(%arg20 : memref<!tpu.dma_semaphore, #tpu.memory_space<semaphore_mem>>)
        %dma_start3A_219 = arith.constant 1 : i32
        %dma_start3A_220 = arith.constant 0 : i32
        %dma_start3A_221 = arith.constant 0 : i32
        %dma_start3A_222 = tpu.memref_slice %arg18[%rem3A_203, %dma_start3A_220, %dma_start3A_221] : memref<2x4x128xf32, #tpu.memory_space<vmem>> -> memref<1x4x128xf32, #tpu.memory_space<vmem>>
        %dma_start3A_223 = tpu.memref_squeeze %dma_start3A_222 : memref<1x4x128xf32, #tpu.memory_space<vmem>> -> memref<4x128xf32, #tpu.memory_space<vmem>>
        %dma_start3A_224 = arith.constant 0 : i32
        %dma_start3A_225 = tpu.memref_slice %dma_start3A_223[%dma_start3A_219, %dma_start3A_224] : memref<4x128xf32, #tpu.memory_space<vmem>> -> memref<1x128xf32, #tpu.memory_space<vmem>>
        %dma_start3A_226 = tpu.memref_squeeze %dma_start3A_225 : memref<1x128xf32, #tpu.memory_space<vmem>> -> memref<128xf32, #tpu.memory_space<vmem>>
        %dma_start3A_227 = arith.constant 0 : i32
        %dma_start3A_228 = tpu.memref_slice %arg16[%while3A_199, %dma_start3A_227] : memref<64x128xi32, #tpu.memory_space<vmem>> -> memref<1x128xi32, #tpu.memory_space<vmem>>
        %dma_start3A_229 = tpu.memref_squeeze %dma_start3A_228 : memref<1x128xi32, #tpu.memory_space<vmem>> -> memref<128xi32, #tpu.memory_space<vmem>>
        %dma_start3A_230 = arith.constant 0 : i32
        %dma_start3A_231 = tpu.memref_slice %arg13[%dma_start3A_230] : memref<100352xf32, #tpu.memory_space<vmem_shared>> -> memref<100352xf32, #tpu.memory_space<vmem_shared>>
        tpu.enqueue_indirect_dma source(%dma_start3A_231 : memref<100352xf32, #tpu.memory_space<vmem_shared>>) target(%dma_start3A_226 : memref<128xf32, #tpu.memory_space<vmem>>) offsets(%dma_start3A_229 : memref<128xi32, #tpu.memory_space<vmem>>) semaphore(%arg20 : memref<!tpu.dma_semaphore, #tpu.memory_space<semaphore_mem>>)
        %dma_start3A_232 = arith.constant 2 : i32
        %dma_start3A_233 = arith.constant 0 : i32
        %dma_start3A_234 = arith.constant 0 : i32
        %dma_start3A_235 = tpu.memref_slice %arg18[%rem3A_203, %dma_start3A_233, %dma_start3A_234] : memref<2x4x128xf32, #tpu.memory_space<vmem>> -> memref<1x4x128xf32, #tpu.memory_space<vmem>>
        %dma_start3A_236 = tpu.memref_squeeze %dma_start3A_235 : memref<1x4x128xf32, #tpu.memory_space<vmem>> -> memref<4x128xf32, #tpu.memory_space<vmem>>
        %dma_start3A_237 = arith.constant 0 : i32
        %dma_start3A_238 = tpu.memref_slice %dma_start3A_236[%dma_start3A_232, %dma_start3A_237] : memref<4x128xf32, #tpu.memory_space<vmem>> -> memref<1x128xf32, #tpu.memory_space<vmem>>
        %dma_start3A_239 = tpu.memref_squeeze %dma_start3A_238 : memref<1x128xf32, #tpu.memory_space<vmem>> -> memref<128xf32, #tpu.memory_space<vmem>>
        %dma_start3A_240 = arith.constant 0 : i32
        %dma_start3A_241 = tpu.memref_slice %arg16[%while3A_199, %dma_start3A_240] : memref<64x128xi32, #tpu.memory_space<vmem>> -> memref<1x128xi32, #tpu.memory_space<vmem>>
        %dma_start3A_242 = tpu.memref_squeeze %dma_start3A_241 : memref<1x128xi32, #tpu.memory_space<vmem>> -> memref<128xi32, #tpu.memory_space<vmem>>
        %dma_start3A_243 = arith.constant 0 : i32
        %dma_start3A_244 = tpu.memref_slice %arg14[%dma_start3A_243] : memref<100352xf32, #tpu.memory_space<vmem_shared>> -> memref<100352xf32, #tpu.memory_space<vmem_shared>>
        tpu.enqueue_indirect_dma source(%dma_start3A_244 : memref<100352xf32, #tpu.memory_space<vmem_shared>>) target(%dma_start3A_239 : memref<128xf32, #tpu.memory_space<vmem>>) offsets(%dma_start3A_242 : memref<128xi32, #tpu.memory_space<vmem>>) semaphore(%arg20 : memref<!tpu.dma_semaphore, #tpu.memory_space<semaphore_mem>>)
        %dma_start3A_245 = arith.constant 3 : i32
        %dma_start3A_246 = arith.constant 0 : i32
        %dma_start3A_247 = arith.constant 0 : i32
        %dma_start3A_248 = tpu.memref_slice %arg18[%rem3A_203, %dma_start3A_246, %dma_start3A_247] : memref<2x4x128xf32, #tpu.memory_space<vmem>> -> memref<1x4x128xf32, #tpu.memory_space<vmem>>
        %dma_start3A_249 = tpu.memref_squeeze %dma_start3A_248 : memref<1x4x128xf32, #tpu.memory_space<vmem>> -> memref<4x128xf32, #tpu.memory_space<vmem>>
        %dma_start3A_250 = arith.constant 0 : i32
        %dma_start3A_251 = tpu.memref_slice %dma_start3A_249[%dma_start3A_245, %dma_start3A_250] : memref<4x128xf32, #tpu.memory_space<vmem>> -> memref<1x128xf32, #tpu.memory_space<vmem>>
        %dma_start3A_252 = tpu.memref_squeeze %dma_start3A_251 : memref<1x128xf32, #tpu.memory_space<vmem>> -> memref<128xf32, #tpu.memory_space<vmem>>
        %dma_start3A_253 = arith.constant 0 : i32
        %dma_start3A_254 = tpu.memref_slice %arg16[%while3A_199, %dma_start3A_253] : memref<64x128xi32, #tpu.memory_space<vmem>> -> memref<1x128xi32, #tpu.memory_space<vmem>>
        %dma_start3A_255 = tpu.memref_squeeze %dma_start3A_254 : memref<1x128xi32, #tpu.memory_space<vmem>> -> memref<128xi32, #tpu.memory_space<vmem>>
        %dma_start3A_256 = arith.constant 0 : i32
        %dma_start3A_257 = tpu.memref_slice %arg15[%dma_start3A_256] : memref<100352xf32, #tpu.memory_space<vmem_shared>> -> memref<100352xf32, #tpu.memory_space<vmem_shared>>
        tpu.enqueue_indirect_dma source(%dma_start3A_257 : memref<100352xf32, #tpu.memory_space<vmem_shared>>) target(%dma_start3A_252 : memref<128xf32, #tpu.memory_space<vmem>>) offsets(%dma_start3A_255 : memref<128xi32, #tpu.memory_space<vmem>>) semaphore(%arg20 : memref<!tpu.dma_semaphore, #tpu.memory_space<semaphore_mem>>)
        %dma_wait3A_258 = arith.constant 0 : i32
        %dma_wait3A_259 = arith.constant 0 : i32
        %dma_wait3A_260 = arith.constant 0 : i32
        %dma_wait3A_261 = tpu.memref_slice %arg18[%rem3A_203, %dma_wait3A_259, %dma_wait3A_260] : memref<2x4x128xf32, #tpu.memory_space<vmem>> -> memref<1x4x128xf32, #tpu.memory_space<vmem>>
        %dma_wait3A_262 = tpu.memref_squeeze %dma_wait3A_261 : memref<1x4x128xf32, #tpu.memory_space<vmem>> -> memref<4x128xf32, #tpu.memory_space<vmem>>
        %dma_wait3A_263 = arith.constant 0 : i32
        %dma_wait3A_264 = tpu.memref_slice %dma_wait3A_262[%dma_wait3A_258, %dma_wait3A_263] : memref<4x128xf32, #tpu.memory_space<vmem>> -> memref<1x128xf32, #tpu.memory_space<vmem>>
        %dma_wait3A_265 = tpu.memref_squeeze %dma_wait3A_264 : memref<1x128xf32, #tpu.memory_space<vmem>> -> memref<128xf32, #tpu.memory_space<vmem>>
        %dma_wait3A_266 = arith.constant 0 : i32
        %dma_wait3A_267 = tpu.memref_slice %arg16[%while3A_199, %dma_wait3A_266] : memref<64x128xi32, #tpu.memory_space<vmem>> -> memref<1x128xi32, #tpu.memory_space<vmem>>
        %dma_wait3A_268 = tpu.memref_squeeze %dma_wait3A_267 : memref<1x128xi32, #tpu.memory_space<vmem>> -> memref<128xi32, #tpu.memory_space<vmem>>
        %dma_wait3A_269 = arith.constant 0 : i32
        %dma_wait3A_270 = tpu.memref_slice %arg12[%dma_wait3A_269] : memref<100352xf32, #tpu.memory_space<vmem_shared>> -> memref<100352xf32, #tpu.memory_space<vmem_shared>>
        tpu.wait_indirect_dma semaphore(%arg20 : memref<!tpu.dma_semaphore, #tpu.memory_space<semaphore_mem>>) src(%dma_wait3A_270 : memref<100352xf32, #tpu.memory_space<vmem_shared>>) dst(%dma_wait3A_265 : memref<128xf32, #tpu.memory_space<vmem>>)
        %dma_wait3A_271 = arith.constant 1 : i32
        %dma_wait3A_272 = arith.constant 0 : i32
        %dma_wait3A_273 = arith.constant 0 : i32
        %dma_wait3A_274 = tpu.memref_slice %arg18[%rem3A_203, %dma_wait3A_272, %dma_wait3A_273] : memref<2x4x128xf32, #tpu.memory_space<vmem>> -> memref<1x4x128xf32, #tpu.memory_space<vmem>>
        %dma_wait3A_275 = tpu.memref_squeeze %dma_wait3A_274 : memref<1x4x128xf32, #tpu.memory_space<vmem>> -> memref<4x128xf32, #tpu.memory_space<vmem>>
        %dma_wait3A_276 = arith.constant 0 : i32
        %dma_wait3A_277 = tpu.memref_slice %dma_wait3A_275[%dma_wait3A_271, %dma_wait3A_276] : memref<4x128xf32, #tpu.memory_space<vmem>> -> memref<1x128xf32, #tpu.memory_space<vmem>>
        %dma_wait3A_278 = tpu.memref_squeeze %dma_wait3A_277 : memref<1x128xf32, #tpu.memory_space<vmem>> -> memref<128xf32, #tpu.memory_space<vmem>>
        %dma_wait3A_279 = arith.constant 0 : i32
        %dma_wait3A_280 = tpu.memref_slice %arg16[%while3A_199, %dma_wait3A_279] : memref<64x128xi32, #tpu.memory_space<vmem>> -> memref<1x128xi32, #tpu.memory_space<vmem>>
        %dma_wait3A_281 = tpu.memref_squeeze %dma_wait3A_280 : memref<1x128xi32, #tpu.memory_space<vmem>> -> memref<128xi32, #tpu.memory_space<vmem>>
        %dma_wait3A_282 = arith.constant 0 : i32
        %dma_wait3A_283 = tpu.memref_slice %arg13[%dma_wait3A_282] : memref<100352xf32, #tpu.memory_space<vmem_shared>> -> memref<100352xf32, #tpu.memory_space<vmem_shared>>
        tpu.wait_indirect_dma semaphore(%arg20 : memref<!tpu.dma_semaphore, #tpu.memory_space<semaphore_mem>>) src(%dma_wait3A_283 : memref<100352xf32, #tpu.memory_space<vmem_shared>>) dst(%dma_wait3A_278 : memref<128xf32, #tpu.memory_space<vmem>>)
        %dma_wait3A_284 = arith.constant 2 : i32
        %dma_wait3A_285 = arith.constant 0 : i32
        %dma_wait3A_286 = arith.constant 0 : i32
        %dma_wait3A_287 = tpu.memref_slice %arg18[%rem3A_203, %dma_wait3A_285, %dma_wait3A_286] : memref<2x4x128xf32, #tpu.memory_space<vmem>> -> memref<1x4x128xf32, #tpu.memory_space<vmem>>
        %dma_wait3A_288 = tpu.memref_squeeze %dma_wait3A_287 : memref<1x4x128xf32, #tpu.memory_space<vmem>> -> memref<4x128xf32, #tpu.memory_space<vmem>>
        %dma_wait3A_289 = arith.constant 0 : i32
        %dma_wait3A_290 = tpu.memref_slice %dma_wait3A_288[%dma_wait3A_284, %dma_wait3A_289] : memref<4x128xf32, #tpu.memory_space<vmem>> -> memref<1x128xf32, #tpu.memory_space<vmem>>
        %dma_wait3A_291 = tpu.memref_squeeze %dma_wait3A_290 : memref<1x128xf32, #tpu.memory_space<vmem>> -> memref<128xf32, #tpu.memory_space<vmem>>
        %dma_wait3A_292 = arith.constant 0 : i32
        %dma_wait3A_293 = tpu.memref_slice %arg16[%while3A_199, %dma_wait3A_292] : memref<64x128xi32, #tpu.memory_space<vmem>> -> memref<1x128xi32, #tpu.memory_space<vmem>>
        %dma_wait3A_294 = tpu.memref_squeeze %dma_wait3A_293 : memref<1x128xi32, #tpu.memory_space<vmem>> -> memref<128xi32, #tpu.memory_space<vmem>>
        %dma_wait3A_295 = arith.constant 0 : i32
        %dma_wait3A_296 = tpu.memref_slice %arg14[%dma_wait3A_295] : memref<100352xf32, #tpu.memory_space<vmem_shared>> -> memref<100352xf32, #tpu.memory_space<vmem_shared>>
        tpu.wait_indirect_dma semaphore(%arg20 : memref<!tpu.dma_semaphore, #tpu.memory_space<semaphore_mem>>) src(%dma_wait3A_296 : memref<100352xf32, #tpu.memory_space<vmem_shared>>) dst(%dma_wait3A_291 : memref<128xf32, #tpu.memory_space<vmem>>)
        %dma_wait3A_297 = arith.constant 3 : i32
        %dma_wait3A_298 = arith.constant 0 : i32
        %dma_wait3A_299 = arith.constant 0 : i32
        %dma_wait3A_300 = tpu.memref_slice %arg18[%rem3A_203, %dma_wait3A_298, %dma_wait3A_299] : memref<2x4x128xf32, #tpu.memory_space<vmem>> -> memref<1x4x128xf32, #tpu.memory_space<vmem>>
        %dma_wait3A_301 = tpu.memref_squeeze %dma_wait3A_300 : memref<1x4x128xf32, #tpu.memory_space<vmem>> -> memref<4x128xf32, #tpu.memory_space<vmem>>
        %dma_wait3A_302 = arith.constant 0 : i32
        %dma_wait3A_303 = tpu.memref_slice %dma_wait3A_301[%dma_wait3A_297, %dma_wait3A_302] : memref<4x128xf32, #tpu.memory_space<vmem>> -> memref<1x128xf32, #tpu.memory_space<vmem>>
        %dma_wait3A_304 = tpu.memref_squeeze %dma_wait3A_303 : memref<1x128xf32, #tpu.memory_space<vmem>> -> memref<128xf32, #tpu.memory_space<vmem>>
        %dma_wait3A_305 = arith.constant 0 : i32
        %dma_wait3A_306 = tpu.memref_slice %arg16[%while3A_199, %dma_wait3A_305] : memref<64x128xi32, #tpu.memory_space<vmem>> -> memref<1x128xi32, #tpu.memory_space<vmem>>
        %dma_wait3A_307 = tpu.memref_squeeze %dma_wait3A_306 : memref<1x128xi32, #tpu.memory_space<vmem>> -> memref<128xi32, #tpu.memory_space<vmem>>
        %dma_wait3A_308 = arith.constant 0 : i32
        %dma_wait3A_309 = tpu.memref_slice %arg15[%dma_wait3A_308] : memref<100352xf32, #tpu.memory_space<vmem_shared>> -> memref<100352xf32, #tpu.memory_space<vmem_shared>>
        tpu.wait_indirect_dma semaphore(%arg20 : memref<!tpu.dma_semaphore, #tpu.memory_space<semaphore_mem>>) src(%dma_wait3A_309 : memref<100352xf32, #tpu.memory_space<vmem_shared>>) dst(%dma_wait3A_304 : memref<128xf32, #tpu.memory_space<vmem>>)
        %dma_start3A_310 = arith.constant 0 : i32
        %dma_start3A_311 = arith.constant 0 : i32
        %dma_start3A_312 = arith.constant 0 : i32
        %dma_start3A_313 = tpu.memref_slice %arg18[%rem3A_203, %dma_start3A_311, %dma_start3A_312] : memref<2x4x128xf32, #tpu.memory_space<vmem>> -> memref<1x4x128xf32, #tpu.memory_space<vmem>>
        %dma_start3A_314 = tpu.memref_squeeze %dma_start3A_313 : memref<1x4x128xf32, #tpu.memory_space<vmem>> -> memref<4x128xf32, #tpu.memory_space<vmem>>
        %dma_start3A_315 = arith.constant 0 : i32
        %dma_start3A_316 = tpu.memref_slice %dma_start3A_314[%dma_start3A_310, %dma_start3A_315] : memref<4x128xf32, #tpu.memory_space<vmem>> -> memref<1x128xf32, #tpu.memory_space<vmem>>
        %dma_start3A_317 = tpu.memref_squeeze %dma_start3A_316 : memref<1x128xf32, #tpu.memory_space<vmem>> -> memref<128xf32, #tpu.memory_space<vmem>>
        %dma_start3A_318 = arith.constant 0 : i32
        %dma_start3A_319 = tpu.memref_slice %arg17[%while3A_199, %dma_start3A_318] : memref<64x128xi32, #tpu.memory_space<vmem>> -> memref<1x128xi32, #tpu.memory_space<vmem>>
        %dma_start3A_320 = tpu.memref_squeeze %dma_start3A_319 : memref<1x128xi32, #tpu.memory_space<vmem>> -> memref<128xi32, #tpu.memory_space<vmem>>
        %dma_start3A_321 = arith.constant 0 : i32
        %dma_start3A_322 = tpu.memref_slice %arg8[%dma_start3A_321] : memref<100352xf32, #tpu.memory_space<vmem_shared>> -> memref<100352xf32, #tpu.memory_space<vmem_shared>>
        tpu.enqueue_indirect_dma source(%dma_start3A_317 : memref<128xf32, #tpu.memory_space<vmem>>) target(%dma_start3A_322 : memref<100352xf32, #tpu.memory_space<vmem_shared>>) offsets(%dma_start3A_320 : memref<128xi32, #tpu.memory_space<vmem>>) semaphore(%arg21 : memref<!tpu.dma_semaphore, #tpu.memory_space<semaphore_mem>>) {add = true}
        %dma_start3A_323 = arith.constant 1 : i32
        %dma_start3A_324 = arith.constant 0 : i32
        %dma_start3A_325 = arith.constant 0 : i32
        %dma_start3A_326 = tpu.memref_slice %arg18[%rem3A_203, %dma_start3A_324, %dma_start3A_325] : memref<2x4x128xf32, #tpu.memory_space<vmem>> -> memref<1x4x128xf32, #tpu.memory_space<vmem>>
        %dma_start3A_327 = tpu.memref_squeeze %dma_start3A_326 : memref<1x4x128xf32, #tpu.memory_space<vmem>> -> memref<4x128xf32, #tpu.memory_space<vmem>>
        %dma_start3A_328 = arith.constant 0 : i32
        %dma_start3A_329 = tpu.memref_slice %dma_start3A_327[%dma_start3A_323, %dma_start3A_328] : memref<4x128xf32, #tpu.memory_space<vmem>> -> memref<1x128xf32, #tpu.memory_space<vmem>>
        %dma_start3A_330 = tpu.memref_squeeze %dma_start3A_329 : memref<1x128xf32, #tpu.memory_space<vmem>> -> memref<128xf32, #tpu.memory_space<vmem>>
        %dma_start3A_331 = arith.constant 0 : i32
        %dma_start3A_332 = tpu.memref_slice %arg17[%while3A_199, %dma_start3A_331] : memref<64x128xi32, #tpu.memory_space<vmem>> -> memref<1x128xi32, #tpu.memory_space<vmem>>
        %dma_start3A_333 = tpu.memref_squeeze %dma_start3A_332 : memref<1x128xi32, #tpu.memory_space<vmem>> -> memref<128xi32, #tpu.memory_space<vmem>>
        %dma_start3A_334 = arith.constant 0 : i32
        %dma_start3A_335 = tpu.memref_slice %arg9[%dma_start3A_334] : memref<100352xf32, #tpu.memory_space<vmem_shared>> -> memref<100352xf32, #tpu.memory_space<vmem_shared>>
        tpu.enqueue_indirect_dma source(%dma_start3A_330 : memref<128xf32, #tpu.memory_space<vmem>>) target(%dma_start3A_335 : memref<100352xf32, #tpu.memory_space<vmem_shared>>) offsets(%dma_start3A_333 : memref<128xi32, #tpu.memory_space<vmem>>) semaphore(%arg21 : memref<!tpu.dma_semaphore, #tpu.memory_space<semaphore_mem>>) {add = true}
        %dma_start3A_336 = arith.constant 2 : i32
        %dma_start3A_337 = arith.constant 0 : i32
        %dma_start3A_338 = arith.constant 0 : i32
        %dma_start3A_339 = tpu.memref_slice %arg18[%rem3A_203, %dma_start3A_337, %dma_start3A_338] : memref<2x4x128xf32, #tpu.memory_space<vmem>> -> memref<1x4x128xf32, #tpu.memory_space<vmem>>
        %dma_start3A_340 = tpu.memref_squeeze %dma_start3A_339 : memref<1x4x128xf32, #tpu.memory_space<vmem>> -> memref<4x128xf32, #tpu.memory_space<vmem>>
        %dma_start3A_341 = arith.constant 0 : i32
        %dma_start3A_342 = tpu.memref_slice %dma_start3A_340[%dma_start3A_336, %dma_start3A_341] : memref<4x128xf32, #tpu.memory_space<vmem>> -> memref<1x128xf32, #tpu.memory_space<vmem>>
        %dma_start3A_343 = tpu.memref_squeeze %dma_start3A_342 : memref<1x128xf32, #tpu.memory_space<vmem>> -> memref<128xf32, #tpu.memory_space<vmem>>
        %dma_start3A_344 = arith.constant 0 : i32
        %dma_start3A_345 = tpu.memref_slice %arg17[%while3A_199, %dma_start3A_344] : memref<64x128xi32, #tpu.memory_space<vmem>> -> memref<1x128xi32, #tpu.memory_space<vmem>>
        %dma_start3A_346 = tpu.memref_squeeze %dma_start3A_345 : memref<1x128xi32, #tpu.memory_space<vmem>> -> memref<128xi32, #tpu.memory_space<vmem>>
        %dma_start3A_347 = arith.constant 0 : i32
        %dma_start3A_348 = tpu.memref_slice %arg10[%dma_start3A_347] : memref<100352xf32, #tpu.memory_space<vmem_shared>> -> memref<100352xf32, #tpu.memory_space<vmem_shared>>
        tpu.enqueue_indirect_dma source(%dma_start3A_343 : memref<128xf32, #tpu.memory_space<vmem>>) target(%dma_start3A_348 : memref<100352xf32, #tpu.memory_space<vmem_shared>>) offsets(%dma_start3A_346 : memref<128xi32, #tpu.memory_space<vmem>>) semaphore(%arg21 : memref<!tpu.dma_semaphore, #tpu.memory_space<semaphore_mem>>) {add = true}
        %dma_start3A_349 = arith.constant 3 : i32
        %dma_start3A_350 = arith.constant 0 : i32
        %dma_start3A_351 = arith.constant 0 : i32
        %dma_start3A_352 = tpu.memref_slice %arg18[%rem3A_203, %dma_start3A_350, %dma_start3A_351] : memref<2x4x128xf32, #tpu.memory_space<vmem>> -> memref<1x4x128xf32, #tpu.memory_space<vmem>>
        %dma_start3A_353 = tpu.memref_squeeze %dma_start3A_352 : memref<1x4x128xf32, #tpu.memory_space<vmem>> -> memref<4x128xf32, #tpu.memory_space<vmem>>
        %dma_start3A_354 = arith.constant 0 : i32
        %dma_start3A_355 = tpu.memref_slice %dma_start3A_353[%dma_start3A_349, %dma_start3A_354] : memref<4x128xf32, #tpu.memory_space<vmem>> -> memref<1x128xf32, #tpu.memory_space<vmem>>
        %dma_start3A_356 = tpu.memref_squeeze %dma_start3A_355 : memref<1x128xf32, #tpu.memory_space<vmem>> -> memref<128xf32, #tpu.memory_space<vmem>>
        %dma_start3A_357 = arith.constant 0 : i32
        %dma_start3A_358 = tpu.memref_slice %arg17[%while3A_199, %dma_start3A_357] : memref<64x128xi32, #tpu.memory_space<vmem>> -> memref<1x128xi32, #tpu.memory_space<vmem>>
        %dma_start3A_359 = tpu.memref_squeeze %dma_start3A_358 : memref<1x128xi32, #tpu.memory_space<vmem>> -> memref<128xi32, #tpu.memory_space<vmem>>
        %dma_start3A_360 = arith.constant 0 : i32
        %dma_start3A_361 = tpu.memref_slice %arg11[%dma_start3A_360] : memref<100352xf32, #tpu.memory_space<vmem_shared>> -> memref<100352xf32, #tpu.memory_space<vmem_shared>>
        tpu.enqueue_indirect_dma source(%dma_start3A_356 : memref<128xf32, #tpu.memory_space<vmem>>) target(%dma_start3A_361 : memref<100352xf32, #tpu.memory_space<vmem_shared>>) offsets(%dma_start3A_359 : memref<128xi32, #tpu.memory_space<vmem>>) semaphore(%arg21 : memref<!tpu.dma_semaphore, #tpu.memory_space<semaphore_mem>>) {add = true}
      }
      %while3A_198 = arith.constant 1 : i32
      scf.for %while3A_199 = %while3A_196 to %while3A_192 step %while3A_198  : i32 {
        %mul3A_200 = arith.constant 64 : i32
        %mul3A_201 = arith.muli %scan3A_182, %mul3A_200 : i32
        %add3A_202 = arith.addi %mul3A_201, %while3A_199 : i32
        %rem3A = arith.constant 2 : i32
        %rem3A_203 = arith.remsi %add3A_202, %rem3A : i32
        %ge3A = arith.constant 2 : i32
        %ge3A_204 = arith.cmpi sge, %add3A_202, %ge3A : i32
        %convert_element_type3A_205 = arith.extui %ge3A_204 : i1 to i32
        %cond3A = arith.constant 0 : i32
        %cond3A_206 = arith.cmpi ne, %convert_element_type3A_205, %cond3A : i32
        scf.if %cond3A_206 {
          %dma_wait3A_362 = arith.constant 0 : i32
          %dma_wait3A_363 = arith.constant 0 : i32
          %dma_wait3A_364 = arith.constant 0 : i32
          %dma_wait3A_365 = tpu.memref_slice %arg18[%rem3A_203, %dma_wait3A_363, %dma_wait3A_364] : memref<2x4x128xf32, #tpu.memory_space<vmem>> -> memref<1x4x128xf32, #tpu.memory_space<vmem>>
          %dma_wait3A_366 = tpu.memref_squeeze %dma_wait3A_365 : memref<1x4x128xf32, #tpu.memory_space<vmem>> -> memref<4x128xf32, #tpu.memory_space<vmem>>
          %dma_wait3A_367 = arith.constant 0 : i32
          %dma_wait3A_368 = tpu.memref_slice %dma_wait3A_366[%dma_wait3A_362, %dma_wait3A_367] : memref<4x128xf32, #tpu.memory_space<vmem>> -> memref<1x128xf32, #tpu.memory_space<vmem>>
          %dma_wait3A_369 = tpu.memref_squeeze %dma_wait3A_368 : memref<1x128xf32, #tpu.memory_space<vmem>> -> memref<128xf32, #tpu.memory_space<vmem>>
          %dma_wait3A_370 = arith.constant 0 : i32
          %dma_wait3A_371 = tpu.memref_slice %arg5[%dma_wait3A_370] : memref<100352xf32, #tpu.memory_space<hbm>> -> memref<128xf32, #tpu.memory_space<hbm>>
          %dma_wait3A_372 = arith.constant 0 : i32
          %dma_wait3A_373 = arith.constant 0 : i32
          %dma_wait3A_374 = tpu.memref_slice %arg18[%rem3A_203, %dma_wait3A_372, %dma_wait3A_373] : memref<2x4x128xf32, #tpu.memory_space<vmem>> -> memref<1x4x128xf32, #tpu.memory_space<vmem>>
          %dma_wait3A_375 = tpu.memref_squeeze %dma_wait3A_374 : memref<1x4x128xf32, #tpu.memory_space<vmem>> -> memref<4x128xf32, #tpu.memory_space<vmem>>
          %dma_wait3A_376 = arith.constant 0 : i32
          %dma_wait3A_377 = tpu.memref_slice %dma_wait3A_375[%dma_wait3A_362, %dma_wait3A_376] : memref<4x128xf32, #tpu.memory_space<vmem>> -> memref<1x128xf32, #tpu.memory_space<vmem>>
          %dma_wait3A_378 = tpu.memref_squeeze %dma_wait3A_377 : memref<1x128xf32, #tpu.memory_space<vmem>> -> memref<128xf32, #tpu.memory_space<vmem>>
          %dma_wait3A_379 = arith.constant 0 : i32
          %dma_wait3A_380 = tpu.memref_slice %arg5[%dma_wait3A_379] : memref<100352xf32, #tpu.memory_space<hbm>> -> memref<128xf32, #tpu.memory_space<hbm>>
          tpu.wait_dma2 semaphore(%arg21 : memref<!tpu.dma_semaphore, #tpu.memory_space<semaphore_mem>>) src(%dma_wait3A_380 : memref<128xf32, #tpu.memory_space<hbm>>) dst(%dma_wait3A_378 : memref<128xf32, #tpu.memory_space<vmem>>)
          %dma_wait3A_381 = arith.constant 1 : i32
          %dma_wait3A_382 = arith.constant 0 : i32
          %dma_wait3A_383 = arith.constant 0 : i32
          %dma_wait3A_384 = tpu.memref_slice %arg18[%rem3A_203, %dma_wait3A_382, %dma_wait3A_383] : memref<2x4x128xf32, #tpu.memory_space<vmem>> -> memref<1x4x128xf32, #tpu.memory_space<vmem>>
          %dma_wait3A_385 = tpu.memref_squeeze %dma_wait3A_384 : memref<1x4x128xf32, #tpu.memory_space<vmem>> -> memref<4x128xf32, #tpu.memory_space<vmem>>
          %dma_wait3A_386 = arith.constant 0 : i32
          %dma_wait3A_387 = tpu.memref_slice %dma_wait3A_385[%dma_wait3A_381, %dma_wait3A_386] : memref<4x128xf32, #tpu.memory_space<vmem>> -> memref<1x128xf32, #tpu.memory_space<vmem>>
          %dma_wait3A_388 = tpu.memref_squeeze %dma_wait3A_387 : memref<1x128xf32, #tpu.memory_space<vmem>> -> memref<128xf32, #tpu.memory_space<vmem>>
          %dma_wait3A_389 = arith.constant 0 : i32
          %dma_wait3A_390 = tpu.memref_slice %arg5[%dma_wait3A_389] : memref<100352xf32, #tpu.memory_space<hbm>> -> memref<128xf32, #tpu.memory_space<hbm>>
          %dma_wait3A_391 = arith.constant 0 : i32
          %dma_wait3A_392 = arith.constant 0 : i32
          %dma_wait3A_393 = tpu.memref_slice %arg18[%rem3A_203, %dma_wait3A_391, %dma_wait3A_392] : memref<2x4x128xf32, #tpu.memory_space<vmem>> -> memref<1x4x128xf32, #tpu.memory_space<vmem>>
          %dma_wait3A_394 = tpu.memref_squeeze %dma_wait3A_393 : memref<1x4x128xf32, #tpu.memory_space<vmem>> -> memref<4x128xf32, #tpu.memory_space<vmem>>
          %dma_wait3A_395 = arith.constant 0 : i32
          %dma_wait3A_396 = tpu.memref_slice %dma_wait3A_394[%dma_wait3A_381, %dma_wait3A_395] : memref<4x128xf32, #tpu.memory_space<vmem>> -> memref<1x128xf32, #tpu.memory_space<vmem>>
          %dma_wait3A_397 = tpu.memref_squeeze %dma_wait3A_396 : memref<1x128xf32, #tpu.memory_space<vmem>> -> memref<128xf32, #tpu.memory_space<vmem>>
          %dma_wait3A_398 = arith.constant 0 : i32
          %dma_wait3A_399 = tpu.memref_slice %arg5[%dma_wait3A_398] : memref<100352xf32, #tpu.memory_space<hbm>> -> memref<128xf32, #tpu.memory_space<hbm>>
          tpu.wait_dma2 semaphore(%arg21 : memref<!tpu.dma_semaphore, #tpu.memory_space<semaphore_mem>>) src(%dma_wait3A_399 : memref<128xf32, #tpu.memory_space<hbm>>) dst(%dma_wait3A_397 : memref<128xf32, #tpu.memory_space<vmem>>)
          %dma_wait3A_400 = arith.constant 2 : i32
          %dma_wait3A_401 = arith.constant 0 : i32
          %dma_wait3A_402 = arith.constant 0 : i32
          %dma_wait3A_403 = tpu.memref_slice %arg18[%rem3A_203, %dma_wait3A_401, %dma_wait3A_402] : memref<2x4x128xf32, #tpu.memory_space<vmem>> -> memref<1x4x128xf32, #tpu.memory_space<vmem>>
          %dma_wait3A_404 = tpu.memref_squeeze %dma_wait3A_403 : memref<1x4x128xf32, #tpu.memory_space<vmem>> -> memref<4x128xf32, #tpu.memory_space<vmem>>
          %dma_wait3A_405 = arith.constant 0 : i32
          %dma_wait3A_406 = tpu.memref_slice %dma_wait3A_404[%dma_wait3A_400, %dma_wait3A_405] : memref<4x128xf32, #tpu.memory_space<vmem>> -> memref<1x128xf32, #tpu.memory_space<vmem>>
          %dma_wait3A_407 = tpu.memref_squeeze %dma_wait3A_406 : memref<1x128xf32, #tpu.memory_space<vmem>> -> memref<128xf32, #tpu.memory_space<vmem>>
          %dma_wait3A_408 = arith.constant 0 : i32
          %dma_wait3A_409 = tpu.memref_slice %arg5[%dma_wait3A_408] : memref<100352xf32, #tpu.memory_space<hbm>> -> memref<128xf32, #tpu.memory_space<hbm>>
          %dma_wait3A_410 = arith.constant 0 : i32
          %dma_wait3A_411 = arith.constant 0 : i32
          %dma_wait3A_412 = tpu.memref_slice %arg18[%rem3A_203, %dma_wait3A_410, %dma_wait3A_411] : memref<2x4x128xf32, #tpu.memory_space<vmem>> -> memref<1x4x128xf32, #tpu.memory_space<vmem>>
          %dma_wait3A_413 = tpu.memref_squeeze %dma_wait3A_412 : memref<1x4x128xf32, #tpu.memory_space<vmem>> -> memref<4x128xf32, #tpu.memory_space<vmem>>
          %dma_wait3A_414 = arith.constant 0 : i32
          %dma_wait3A_415 = tpu.memref_slice %dma_wait3A_413[%dma_wait3A_400, %dma_wait3A_414] : memref<4x128xf32, #tpu.memory_space<vmem>> -> memref<1x128xf32, #tpu.memory_space<vmem>>
          %dma_wait3A_416 = tpu.memref_squeeze %dma_wait3A_415 : memref<1x128xf32, #tpu.memory_space<vmem>> -> memref<128xf32, #tpu.memory_space<vmem>>
          %dma_wait3A_417 = arith.constant 0 : i32
          %dma_wait3A_418 = tpu.memref_slice %arg5[%dma_wait3A_417] : memref<100352xf32, #tpu.memory_space<hbm>> -> memref<128xf32, #tpu.memory_space<hbm>>
          tpu.wait_dma2 semaphore(%arg21 : memref<!tpu.dma_semaphore, #tpu.memory_space<semaphore_mem>>) src(%dma_wait3A_418 : memref<128xf32, #tpu.memory_space<hbm>>) dst(%dma_wait3A_416 : memref<128xf32, #tpu.memory_space<vmem>>)
          %dma_wait3A_419 = arith.constant 3 : i32
          %dma_wait3A_420 = arith.constant 0 : i32
          %dma_wait3A_421 = arith.constant 0 : i32
          %dma_wait3A_422 = tpu.memref_slice %arg18[%rem3A_203, %dma_wait3A_420, %dma_wait3A_421] : memref<2x4x128xf32, #tpu.memory_space<vmem>> -> memref<1x4x128xf32, #tpu.memory_space<vmem>>
          %dma_wait3A_423 = tpu.memref_squeeze %dma_wait3A_422 : memref<1x4x128xf32, #tpu.memory_space<vmem>> -> memref<4x128xf32, #tpu.memory_space<vmem>>
          %dma_wait3A_424 = arith.constant 0 : i32
          %dma_wait3A_425 = tpu.memref_slice %dma_wait3A_423[%dma_wait3A_419, %dma_wait3A_424] : memref<4x128xf32, #tpu.memory_space<vmem>> -> memref<1x128xf32, #tpu.memory_space<vmem>>
          %dma_wait3A_426 = tpu.memref_squeeze %dma_wait3A_425 : memref<1x128xf32, #tpu.memory_space<vmem>> -> memref<128xf32, #tpu.memory_space<vmem>>
          %dma_wait3A_427 = arith.constant 0 : i32
          %dma_wait3A_428 = tpu.memref_slice %arg5[%dma_wait3A_427] : memref<100352xf32, #tpu.memory_space<hbm>> -> memref<128xf32, #tpu.memory_space<hbm>>
          %dma_wait3A_429 = arith.constant 0 : i32
          %dma_wait3A_430 = arith.constant 0 : i32
          %dma_wait3A_431 = tpu.memref_slice %arg18[%rem3A_203, %dma_wait3A_429, %dma_wait3A_430] : memref<2x4x128xf32, #tpu.memory_space<vmem>> -> memref<1x4x128xf32, #tpu.memory_space<vmem>>
          %dma_wait3A_432 = tpu.memref_squeeze %dma_wait3A_431 : memref<1x4x128xf32, #tpu.memory_space<vmem>> -> memref<4x128xf32, #tpu.memory_space<vmem>>
          %dma_wait3A_433 = arith.constant 0 : i32
          %dma_wait3A_434 = tpu.memref_slice %dma_wait3A_432[%dma_wait3A_419, %dma_wait3A_433] : memref<4x128xf32, #tpu.memory_space<vmem>> -> memref<1x128xf32, #tpu.memory_space<vmem>>
          %dma_wait3A_435 = tpu.memref_squeeze %dma_wait3A_434 : memref<1x128xf32, #tpu.memory_space<vmem>> -> memref<128xf32, #tpu.memory_space<vmem>>
          %dma_wait3A_436 = arith.constant 0 : i32
          %dma_wait3A_437 = tpu.memref_slice %arg5[%dma_wait3A_436] : memref<100352xf32, #tpu.memory_space<hbm>> -> memref<128xf32, #tpu.memory_space<hbm>>
          tpu.wait_dma2 semaphore(%arg21 : memref<!tpu.dma_semaphore, #tpu.memory_space<semaphore_mem>>) src(%dma_wait3A_437 : memref<128xf32, #tpu.memory_space<hbm>>) dst(%dma_wait3A_435 : memref<128xf32, #tpu.memory_space<vmem>>)
        } else {
        }
        %dma_start3A = arith.constant 0 : i32
        %dma_start3A_207 = arith.constant 0 : i32
        %dma_start3A_208 = arith.constant 0 : i32
        %dma_start3A_209 = tpu.memref_slice %arg18[%rem3A_203, %dma_start3A_207, %dma_start3A_208] : memref<2x4x128xf32, #tpu.memory_space<vmem>> -> memref<1x4x128xf32, #tpu.memory_space<vmem>>
        %dma_start3A_210 = tpu.memref_squeeze %dma_start3A_209 : memref<1x4x128xf32, #tpu.memory_space<vmem>> -> memref<4x128xf32, #tpu.memory_space<vmem>>
        %dma_start3A_211 = arith.constant 0 : i32
        %dma_start3A_212 = tpu.memref_slice %dma_start3A_210[%dma_start3A, %dma_start3A_211] : memref<4x128xf32, #tpu.memory_space<vmem>> -> memref<1x128xf32, #tpu.memory_space<vmem>>
        %dma_start3A_213 = tpu.memref_squeeze %dma_start3A_212 : memref<1x128xf32, #tpu.memory_space<vmem>> -> memref<128xf32, #tpu.memory_space<vmem>>
        %dma_start3A_214 = arith.constant 0 : i32
        %dma_start3A_215 = tpu.memref_slice %arg16[%while3A_199, %dma_start3A_214] : memref<64x128xi32, #tpu.memory_space<vmem>> -> memref<1x128xi32, #tpu.memory_space<vmem>>
        %dma_start3A_216 = tpu.memref_squeeze %dma_start3A_215 : memref<1x128xi32, #tpu.memory_space<vmem>> -> memref<128xi32, #tpu.memory_space<vmem>>
        %dma_start3A_217 = arith.constant 0 : i32
        %dma_start3A_218 = tpu.memref_slice %arg12[%dma_start3A_217] : memref<100352xf32, #tpu.memory_space<vmem_shared>> -> memref<100352xf32, #tpu.memory_space<vmem_shared>>
        tpu.enqueue_indirect_dma source(%dma_start3A_218 : memref<100352xf32, #tpu.memory_space<vmem_shared>>) target(%dma_start3A_213 : memref<128xf32, #tpu.memory_space<vmem>>) offsets(%dma_start3A_216 : memref<128xi32, #tpu.memory_space<vmem>>) semaphore(%arg20 : memref<!tpu.dma_semaphore, #tpu.memory_space<semaphore_mem>>)
        %dma_start3A_219 = arith.constant 1 : i32
        %dma_start3A_220 = arith.constant 0 : i32
        %dma_start3A_221 = arith.constant 0 : i32
        %dma_start3A_222 = tpu.memref_slice %arg18[%rem3A_203, %dma_start3A_220, %dma_start3A_221] : memref<2x4x128xf32, #tpu.memory_space<vmem>> -> memref<1x4x128xf32, #tpu.memory_space<vmem>>
        %dma_start3A_223 = tpu.memref_squeeze %dma_start3A_222 : memref<1x4x128xf32, #tpu.memory_space<vmem>> -> memref<4x128xf32, #tpu.memory_space<vmem>>
        %dma_start3A_224 = arith.constant 0 : i32
        %dma_start3A_225 = tpu.memref_slice %dma_start3A_223[%dma_start3A_219, %dma_start3A_224] : memref<4x128xf32, #tpu.memory_space<vmem>> -> memref<1x128xf32, #tpu.memory_space<vmem>>
        %dma_start3A_226 = tpu.memref_squeeze %dma_start3A_225 : memref<1x128xf32, #tpu.memory_space<vmem>> -> memref<128xf32, #tpu.memory_space<vmem>>
        %dma_start3A_227 = arith.constant 0 : i32
        %dma_start3A_228 = tpu.memref_slice %arg16[%while3A_199, %dma_start3A_227] : memref<64x128xi32, #tpu.memory_space<vmem>> -> memref<1x128xi32, #tpu.memory_space<vmem>>
        %dma_start3A_229 = tpu.memref_squeeze %dma_start3A_228 : memref<1x128xi32, #tpu.memory_space<vmem>> -> memref<128xi32, #tpu.memory_space<vmem>>
        %dma_start3A_230 = arith.constant 0 : i32
        %dma_start3A_231 = tpu.memref_slice %arg13[%dma_start3A_230] : memref<100352xf32, #tpu.memory_space<vmem_shared>> -> memref<100352xf32, #tpu.memory_space<vmem_shared>>
        tpu.enqueue_indirect_dma source(%dma_start3A_231 : memref<100352xf32, #tpu.memory_space<vmem_shared>>) target(%dma_start3A_226 : memref<128xf32, #tpu.memory_space<vmem>>) offsets(%dma_start3A_229 : memref<128xi32, #tpu.memory_space<vmem>>) semaphore(%arg20 : memref<!tpu.dma_semaphore, #tpu.memory_space<semaphore_mem>>)
        %dma_start3A_232 = arith.constant 2 : i32
        %dma_start3A_233 = arith.constant 0 : i32
        %dma_start3A_234 = arith.constant 0 : i32
        %dma_start3A_235 = tpu.memref_slice %arg18[%rem3A_203, %dma_start3A_233, %dma_start3A_234] : memref<2x4x128xf32, #tpu.memory_space<vmem>> -> memref<1x4x128xf32, #tpu.memory_space<vmem>>
        %dma_start3A_236 = tpu.memref_squeeze %dma_start3A_235 : memref<1x4x128xf32, #tpu.memory_space<vmem>> -> memref<4x128xf32, #tpu.memory_space<vmem>>
        %dma_start3A_237 = arith.constant 0 : i32
        %dma_start3A_238 = tpu.memref_slice %dma_start3A_236[%dma_start3A_232, %dma_start3A_237] : memref<4x128xf32, #tpu.memory_space<vmem>> -> memref<1x128xf32, #tpu.memory_space<vmem>>
        %dma_start3A_239 = tpu.memref_squeeze %dma_start3A_238 : memref<1x128xf32, #tpu.memory_space<vmem>> -> memref<128xf32, #tpu.memory_space<vmem>>
        %dma_start3A_240 = arith.constant 0 : i32
        %dma_start3A_241 = tpu.memref_slice %arg16[%while3A_199, %dma_start3A_240] : memref<64x128xi32, #tpu.memory_space<vmem>> -> memref<1x128xi32, #tpu.memory_space<vmem>>
        %dma_start3A_242 = tpu.memref_squeeze %dma_start3A_241 : memref<1x128xi32, #tpu.memory_space<vmem>> -> memref<128xi32, #tpu.memory_space<vmem>>
        %dma_start3A_243 = arith.constant 0 : i32
        %dma_start3A_244 = tpu.memref_slice %arg14[%dma_start3A_243] : memref<100352xf32, #tpu.memory_space<vmem_shared>> -> memref<100352xf32, #tpu.memory_space<vmem_shared>>
        tpu.enqueue_indirect_dma source(%dma_start3A_244 : memref<100352xf32, #tpu.memory_space<vmem_shared>>) target(%dma_start3A_239 : memref<128xf32, #tpu.memory_space<vmem>>) offsets(%dma_start3A_242 : memref<128xi32, #tpu.memory_space<vmem>>) semaphore(%arg20 : memref<!tpu.dma_semaphore, #tpu.memory_space<semaphore_mem>>)
        %dma_start3A_245 = arith.constant 3 : i32
        %dma_start3A_246 = arith.constant 0 : i32
        %dma_start3A_247 = arith.constant 0 : i32
        %dma_start3A_248 = tpu.memref_slice %arg18[%rem3A_203, %dma_start3A_246, %dma_start3A_247] : memref<2x4x128xf32, #tpu.memory_space<vmem>> -> memref<1x4x128xf32, #tpu.memory_space<vmem>>
        %dma_start3A_249 = tpu.memref_squeeze %dma_start3A_248 : memref<1x4x128xf32, #tpu.memory_space<vmem>> -> memref<4x128xf32, #tpu.memory_space<vmem>>
        %dma_start3A_250 = arith.constant 0 : i32
        %dma_start3A_251 = tpu.memref_slice %dma_start3A_249[%dma_start3A_245, %dma_start3A_250] : memref<4x128xf32, #tpu.memory_space<vmem>> -> memref<1x128xf32, #tpu.memory_space<vmem>>
        %dma_start3A_252 = tpu.memref_squeeze %dma_start3A_251 : memref<1x128xf32, #tpu.memory_space<vmem>> -> memref<128xf32, #tpu.memory_space<vmem>>
        %dma_start3A_253 = arith.constant 0 : i32
        %dma_start3A_254 = tpu.memref_slice %arg16[%while3A_199, %dma_start3A_253] : memref<64x128xi32, #tpu.memory_space<vmem>> -> memref<1x128xi32, #tpu.memory_space<vmem>>
        %dma_start3A_255 = tpu.memref_squeeze %dma_start3A_254 : memref<1x128xi32, #tpu.memory_space<vmem>> -> memref<128xi32, #tpu.memory_space<vmem>>
        %dma_start3A_256 = arith.constant 0 : i32
        %dma_start3A_257 = tpu.memref_slice %arg15[%dma_start3A_256] : memref<100352xf32, #tpu.memory_space<vmem_shared>> -> memref<100352xf32, #tpu.memory_space<vmem_shared>>
        tpu.enqueue_indirect_dma source(%dma_start3A_257 : memref<100352xf32, #tpu.memory_space<vmem_shared>>) target(%dma_start3A_252 : memref<128xf32, #tpu.memory_space<vmem>>) offsets(%dma_start3A_255 : memref<128xi32, #tpu.memory_space<vmem>>) semaphore(%arg20 : memref<!tpu.dma_semaphore, #tpu.memory_space<semaphore_mem>>)
        %dma_wait3A_258 = arith.constant 0 : i32
        %dma_wait3A_259 = arith.constant 0 : i32
        %dma_wait3A_260 = arith.constant 0 : i32
        %dma_wait3A_261 = tpu.memref_slice %arg18[%rem3A_203, %dma_wait3A_259, %dma_wait3A_260] : memref<2x4x128xf32, #tpu.memory_space<vmem>> -> memref<1x4x128xf32, #tpu.memory_space<vmem>>
        %dma_wait3A_262 = tpu.memref_squeeze %dma_wait3A_261 : memref<1x4x128xf32, #tpu.memory_space<vmem>> -> memref<4x128xf32, #tpu.memory_space<vmem>>
        %dma_wait3A_263 = arith.constant 0 : i32
        %dma_wait3A_264 = tpu.memref_slice %dma_wait3A_262[%dma_wait3A_258, %dma_wait3A_263] : memref<4x128xf32, #tpu.memory_space<vmem>> -> memref<1x128xf32, #tpu.memory_space<vmem>>
        %dma_wait3A_265 = tpu.memref_squeeze %dma_wait3A_264 : memref<1x128xf32, #tpu.memory_space<vmem>> -> memref<128xf32, #tpu.memory_space<vmem>>
        %dma_wait3A_266 = arith.constant 0 : i32
        %dma_wait3A_267 = tpu.memref_slice %arg16[%while3A_199, %dma_wait3A_266] : memref<64x128xi32, #tpu.memory_space<vmem>> -> memref<1x128xi32, #tpu.memory_space<vmem>>
        %dma_wait3A_268 = tpu.memref_squeeze %dma_wait3A_267 : memref<1x128xi32, #tpu.memory_space<vmem>> -> memref<128xi32, #tpu.memory_space<vmem>>
        %dma_wait3A_269 = arith.constant 0 : i32
        %dma_wait3A_270 = tpu.memref_slice %arg12[%dma_wait3A_269] : memref<100352xf32, #tpu.memory_space<vmem_shared>> -> memref<100352xf32, #tpu.memory_space<vmem_shared>>
        tpu.wait_indirect_dma semaphore(%arg20 : memref<!tpu.dma_semaphore, #tpu.memory_space<semaphore_mem>>) src(%dma_wait3A_270 : memref<100352xf32, #tpu.memory_space<vmem_shared>>) dst(%dma_wait3A_265 : memref<128xf32, #tpu.memory_space<vmem>>)
        %dma_wait3A_271 = arith.constant 1 : i32
        %dma_wait3A_272 = arith.constant 0 : i32
        %dma_wait3A_273 = arith.constant 0 : i32
        %dma_wait3A_274 = tpu.memref_slice %arg18[%rem3A_203, %dma_wait3A_272, %dma_wait3A_273] : memref<2x4x128xf32, #tpu.memory_space<vmem>> -> memref<1x4x128xf32, #tpu.memory_space<vmem>>
        %dma_wait3A_275 = tpu.memref_squeeze %dma_wait3A_274 : memref<1x4x128xf32, #tpu.memory_space<vmem>> -> memref<4x128xf32, #tpu.memory_space<vmem>>
        %dma_wait3A_276 = arith.constant 0 : i32
        %dma_wait3A_277 = tpu.memref_slice %dma_wait3A_275[%dma_wait3A_271, %dma_wait3A_276] : memref<4x128xf32, #tpu.memory_space<vmem>> -> memref<1x128xf32, #tpu.memory_space<vmem>>
        %dma_wait3A_278 = tpu.memref_squeeze %dma_wait3A_277 : memref<1x128xf32, #tpu.memory_space<vmem>> -> memref<128xf32, #tpu.memory_space<vmem>>
        %dma_wait3A_279 = arith.constant 0 : i32
        %dma_wait3A_280 = tpu.memref_slice %arg16[%while3A_199, %dma_wait3A_279] : memref<64x128xi32, #tpu.memory_space<vmem>> -> memref<1x128xi32, #tpu.memory_space<vmem>>
        %dma_wait3A_281 = tpu.memref_squeeze %dma_wait3A_280 : memref<1x128xi32, #tpu.memory_space<vmem>> -> memref<128xi32, #tpu.memory_space<vmem>>
        %dma_wait3A_282 = arith.constant 0 : i32
        %dma_wait3A_283 = tpu.memref_slice %arg13[%dma_wait3A_282] : memref<100352xf32, #tpu.memory_space<vmem_shared>> -> memref<100352xf32, #tpu.memory_space<vmem_shared>>
        tpu.wait_indirect_dma semaphore(%arg20 : memref<!tpu.dma_semaphore, #tpu.memory_space<semaphore_mem>>) src(%dma_wait3A_283 : memref<100352xf32, #tpu.memory_space<vmem_shared>>) dst(%dma_wait3A_278 : memref<128xf32, #tpu.memory_space<vmem>>)
        %dma_wait3A_284 = arith.constant 2 : i32
        %dma_wait3A_285 = arith.constant 0 : i32
        %dma_wait3A_286 = arith.constant 0 : i32
        %dma_wait3A_287 = tpu.memref_slice %arg18[%rem3A_203, %dma_wait3A_285, %dma_wait3A_286] : memref<2x4x128xf32, #tpu.memory_space<vmem>> -> memref<1x4x128xf32, #tpu.memory_space<vmem>>
        %dma_wait3A_288 = tpu.memref_squeeze %dma_wait3A_287 : memref<1x4x128xf32, #tpu.memory_space<vmem>> -> memref<4x128xf32, #tpu.memory_space<vmem>>
        %dma_wait3A_289 = arith.constant 0 : i32
        %dma_wait3A_290 = tpu.memref_slice %dma_wait3A_288[%dma_wait3A_284, %dma_wait3A_289] : memref<4x128xf32, #tpu.memory_space<vmem>> -> memref<1x128xf32, #tpu.memory_space<vmem>>
        %dma_wait3A_291 = tpu.memref_squeeze %dma_wait3A_290 : memref<1x128xf32, #tpu.memory_space<vmem>> -> memref<128xf32, #tpu.memory_space<vmem>>
        %dma_wait3A_292 = arith.constant 0 : i32
        %dma_wait3A_293 = tpu.memref_slice %arg16[%while3A_199, %dma_wait3A_292] : memref<64x128xi32, #tpu.memory_space<vmem>> -> memref<1x128xi32, #tpu.memory_space<vmem>>
        %dma_wait3A_294 = tpu.memref_squeeze %dma_wait3A_293 : memref<1x128xi32, #tpu.memory_space<vmem>> -> memref<128xi32, #tpu.memory_space<vmem>>
        %dma_wait3A_295 = arith.constant 0 : i32
        %dma_wait3A_296 = tpu.memref_slice %arg14[%dma_wait3A_295] : memref<100352xf32, #tpu.memory_space<vmem_shared>> -> memref<100352xf32, #tpu.memory_space<vmem_shared>>
        tpu.wait_indirect_dma semaphore(%arg20 : memref<!tpu.dma_semaphore, #tpu.memory_space<semaphore_mem>>) src(%dma_wait3A_296 : memref<100352xf32, #tpu.memory_space<vmem_shared>>) dst(%dma_wait3A_291 : memref<128xf32, #tpu.memory_space<vmem>>)
        %dma_wait3A_297 = arith.constant 3 : i32
        %dma_wait3A_298 = arith.constant 0 : i32
        %dma_wait3A_299 = arith.constant 0 : i32
        %dma_wait3A_300 = tpu.memref_slice %arg18[%rem3A_203, %dma_wait3A_298, %dma_wait3A_299] : memref<2x4x128xf32, #tpu.memory_space<vmem>> -> memref<1x4x128xf32, #tpu.memory_space<vmem>>
        %dma_wait3A_301 = tpu.memref_squeeze %dma_wait3A_300 : memref<1x4x128xf32, #tpu.memory_space<vmem>> -> memref<4x128xf32, #tpu.memory_space<vmem>>
        %dma_wait3A_302 = arith.constant 0 : i32
        %dma_wait3A_303 = tpu.memref_slice %dma_wait3A_301[%dma_wait3A_297, %dma_wait3A_302] : memref<4x128xf32, #tpu.memory_space<vmem>> -> memref<1x128xf32, #tpu.memory_space<vmem>>
        %dma_wait3A_304 = tpu.memref_squeeze %dma_wait3A_303 : memref<1x128xf32, #tpu.memory_space<vmem>> -> memref<128xf32, #tpu.memory_space<vmem>>
        %dma_wait3A_305 = arith.constant 0 : i32
        %dma_wait3A_306 = tpu.memref_slice %arg16[%while3A_199, %dma_wait3A_305] : memref<64x128xi32, #tpu.memory_space<vmem>> -> memref<1x128xi32, #tpu.memory_space<vmem>>
        %dma_wait3A_307 = tpu.memref_squeeze %dma_wait3A_306 : memref<1x128xi32, #tpu.memory_space<vmem>> -> memref<128xi32, #tpu.memory_space<vmem>>
        %dma_wait3A_308 = arith.constant 0 : i32
        %dma_wait3A_309 = tpu.memref_slice %arg15[%dma_wait3A_308] : memref<100352xf32, #tpu.memory_space<vmem_shared>> -> memref<100352xf32, #tpu.memory_space<vmem_shared>>
        tpu.wait_indirect_dma semaphore(%arg20 : memref<!tpu.dma_semaphore, #tpu.memory_space<semaphore_mem>>) src(%dma_wait3A_309 : memref<100352xf32, #tpu.memory_space<vmem_shared>>) dst(%dma_wait3A_304 : memref<128xf32, #tpu.memory_space<vmem>>)
        %dma_start3A_310 = arith.constant 0 : i32
        %dma_start3A_311 = arith.constant 0 : i32
        %dma_start3A_312 = arith.constant 0 : i32
        %dma_start3A_313 = tpu.memref_slice %arg18[%rem3A_203, %dma_start3A_311, %dma_start3A_312] : memref<2x4x128xf32, #tpu.memory_space<vmem>> -> memref<1x4x128xf32, #tpu.memory_space<vmem>>
        %dma_start3A_314 = tpu.memref_squeeze %dma_start3A_313 : memref<1x4x128xf32, #tpu.memory_space<vmem>> -> memref<4x128xf32, #tpu.memory_space<vmem>>
        %dma_start3A_315 = arith.constant 0 : i32
        %dma_start3A_316 = tpu.memref_slice %dma_start3A_314[%dma_start3A_310, %dma_start3A_315] : memref<4x128xf32, #tpu.memory_space<vmem>> -> memref<1x128xf32, #tpu.memory_space<vmem>>
        %dma_start3A_317 = tpu.memref_squeeze %dma_start3A_316 : memref<1x128xf32, #tpu.memory_space<vmem>> -> memref<128xf32, #tpu.memory_space<vmem>>
        %dma_start3A_318 = arith.constant 0 : i32
        %dma_start3A_319 = tpu.memref_slice %arg17[%while3A_199, %dma_start3A_318] : memref<64x128xi32, #tpu.memory_space<vmem>> -> memref<1x128xi32, #tpu.memory_space<vmem>>
        %dma_start3A_320 = tpu.memref_squeeze %dma_start3A_319 : memref<1x128xi32, #tpu.memory_space<vmem>> -> memref<128xi32, #tpu.memory_space<vmem>>
        %dma_start3A_321 = arith.constant 0 : i32
        %dma_start3A_322 = tpu.memref_slice %arg8[%dma_start3A_321] : memref<100352xf32, #tpu.memory_space<vmem_shared>> -> memref<100352xf32, #tpu.memory_space<vmem_shared>>
        tpu.enqueue_indirect_dma source(%dma_start3A_317 : memref<128xf32, #tpu.memory_space<vmem>>) target(%dma_start3A_322 : memref<100352xf32, #tpu.memory_space<vmem_shared>>) offsets(%dma_start3A_320 : memref<128xi32, #tpu.memory_space<vmem>>) semaphore(%arg21 : memref<!tpu.dma_semaphore, #tpu.memory_space<semaphore_mem>>) {add = true}
        %dma_start3A_323 = arith.constant 1 : i32
        %dma_start3A_324 = arith.constant 0 : i32
        %dma_start3A_325 = arith.constant 0 : i32
        %dma_start3A_326 = tpu.memref_slice %arg18[%rem3A_203, %dma_start3A_324, %dma_start3A_325] : memref<2x4x128xf32, #tpu.memory_space<vmem>> -> memref<1x4x128xf32, #tpu.memory_space<vmem>>
        %dma_start3A_327 = tpu.memref_squeeze %dma_start3A_326 : memref<1x4x128xf32, #tpu.memory_space<vmem>> -> memref<4x128xf32, #tpu.memory_space<vmem>>
        %dma_start3A_328 = arith.constant 0 : i32
        %dma_start3A_329 = tpu.memref_slice %dma_start3A_327[%dma_start3A_323, %dma_start3A_328] : memref<4x128xf32, #tpu.memory_space<vmem>> -> memref<1x128xf32, #tpu.memory_space<vmem>>
        %dma_start3A_330 = tpu.memref_squeeze %dma_start3A_329 : memref<1x128xf32, #tpu.memory_space<vmem>> -> memref<128xf32, #tpu.memory_space<vmem>>
        %dma_start3A_331 = arith.constant 0 : i32
        %dma_start3A_332 = tpu.memref_slice %arg17[%while3A_199, %dma_start3A_331] : memref<64x128xi32, #tpu.memory_space<vmem>> -> memref<1x128xi32, #tpu.memory_space<vmem>>
        %dma_start3A_333 = tpu.memref_squeeze %dma_start3A_332 : memref<1x128xi32, #tpu.memory_space<vmem>> -> memref<128xi32, #tpu.memory_space<vmem>>
        %dma_start3A_334 = arith.constant 0 : i32
        %dma_start3A_335 = tpu.memref_slice %arg9[%dma_start3A_334] : memref<100352xf32, #tpu.memory_space<vmem_shared>> -> memref<100352xf32, #tpu.memory_space<vmem_shared>>
        tpu.enqueue_indirect_dma source(%dma_start3A_330 : memref<128xf32, #tpu.memory_space<vmem>>) target(%dma_start3A_335 : memref<100352xf32, #tpu.memory_space<vmem_shared>>) offsets(%dma_start3A_333 : memref<128xi32, #tpu.memory_space<vmem>>) semaphore(%arg21 : memref<!tpu.dma_semaphore, #tpu.memory_space<semaphore_mem>>) {add = true}
        %dma_start3A_336 = arith.constant 2 : i32
        %dma_start3A_337 = arith.constant 0 : i32
        %dma_start3A_338 = arith.constant 0 : i32
        %dma_start3A_339 = tpu.memref_slice %arg18[%rem3A_203, %dma_start3A_337, %dma_start3A_338] : memref<2x4x128xf32, #tpu.memory_space<vmem>> -> memref<1x4x128xf32, #tpu.memory_space<vmem>>
        %dma_start3A_340 = tpu.memref_squeeze %dma_start3A_339 : memref<1x4x128xf32, #tpu.memory_space<vmem>> -> memref<4x128xf32, #tpu.memory_space<vmem>>
        %dma_start3A_341 = arith.constant 0 : i32
        %dma_start3A_342 = tpu.memref_slice %dma_start3A_340[%dma_start3A_336, %dma_start3A_341] : memref<4x128xf32, #tpu.memory_space<vmem>> -> memref<1x128xf32, #tpu.memory_space<vmem>>
        %dma_start3A_343 = tpu.memref_squeeze %dma_start3A_342 : memref<1x128xf32, #tpu.memory_space<vmem>> -> memref<128xf32, #tpu.memory_space<vmem>>
        %dma_start3A_344 = arith.constant 0 : i32
        %dma_start3A_345 = tpu.memref_slice %arg17[%while3A_199, %dma_start3A_344] : memref<64x128xi32, #tpu.memory_space<vmem>> -> memref<1x128xi32, #tpu.memory_space<vmem>>
        %dma_start3A_346 = tpu.memref_squeeze %dma_start3A_345 : memref<1x128xi32, #tpu.memory_space<vmem>> -> memref<128xi32, #tpu.memory_space<vmem>>
        %dma_start3A_347 = arith.constant 0 : i32
        %dma_start3A_348 = tpu.memref_slice %arg10[%dma_start3A_347] : memref<100352xf32, #tpu.memory_space<vmem_shared>> -> memref<100352xf32, #tpu.memory_space<vmem_shared>>
        tpu.enqueue_indirect_dma source(%dma_start3A_343 : memref<128xf32, #tpu.memory_space<vmem>>) target(%dma_start3A_348 : memref<100352xf32, #tpu.memory_space<vmem_shared>>) offsets(%dma_start3A_346 : memref<128xi32, #tpu.memory_space<vmem>>) semaphore(%arg21 : memref<!tpu.dma_semaphore, #tpu.memory_space<semaphore_mem>>) {add = true}
        %dma_start3A_349 = arith.constant 3 : i32
        %dma_start3A_350 = arith.constant 0 : i32
        %dma_start3A_351 = arith.constant 0 : i32
        %dma_start3A_352 = tpu.memref_slice %arg18[%rem3A_203, %dma_start3A_350, %dma_start3A_351] : memref<2x4x128xf32, #tpu.memory_space<vmem>> -> memref<1x4x128xf32, #tpu.memory_space<vmem>>
        %dma_start3A_353 = tpu.memref_squeeze %dma_start3A_352 : memref<1x4x128xf32, #tpu.memory_space<vmem>> -> memref<4x128xf32, #tpu.memory_space<vmem>>
        %dma_start3A_354 = arith.constant 0 : i32
        %dma_start3A_355 = tpu.memref_slice %dma_start3A_353[%dma_start3A_349, %dma_start3A_354] : memref<4x128xf32, #tpu.memory_space<vmem>> -> memref<1x128xf32, #tpu.memory_space<vmem>>
        %dma_start3A_356 = tpu.memref_squeeze %dma_start3A_355 : memref<1x128xf32, #tpu.memory_space<vmem>> -> memref<128xf32, #tpu.memory_space<vmem>>
        %dma_start3A_357 = arith.constant 0 : i32
        %dma_start3A_358 = tpu.memref_slice %arg17[%while3A_199, %dma_start3A_357] : memref<64x128xi32, #tpu.memory_space<vmem>> -> memref<1x128xi32, #tpu.memory_space<vmem>>
        %dma_start3A_359 = tpu.memref_squeeze %dma_start3A_358 : memref<1x128xi32, #tpu.memory_space<vmem>> -> memref<128xi32, #tpu.memory_space<vmem>>
        %dma_start3A_360 = arith.constant 0 : i32
        %dma_start3A_361 = tpu.memref_slice %arg11[%dma_start3A_360] : memref<100352xf32, #tpu.memory_space<vmem_shared>> -> memref<100352xf32, #tpu.memory_space<vmem_shared>>
        tpu.enqueue_indirect_dma source(%dma_start3A_356 : memref<128xf32, #tpu.memory_space<vmem>>) target(%dma_start3A_361 : memref<100352xf32, #tpu.memory_space<vmem_shared>>) offsets(%dma_start3A_359 : memref<128xi32, #tpu.memory_space<vmem>>) semaphore(%arg21 : memref<!tpu.dma_semaphore, #tpu.memory_space<semaphore_mem>>) {add = true}
      }
    }
    %scan3A_17 = arith.constant 25 : i32
    %dma_wait3A = arith.constant 0 : i32
    %dma_wait3A_18 = arith.constant 0 : i32
    %dma_wait3A_19 = arith.constant 0 : i32
    %dma_wait3A_20 = arith.constant 0 : i32
    %dma_wait3A_21 = tpu.memref_slice %arg18[%dma_wait3A, %dma_wait3A_19, %dma_wait3A_20] : memref<2x4x128xf32, #tpu.memory_space<vmem>> -> memref<1x4x128xf32, #tpu.memory_space<vmem>>
    %dma_wait3A_22 = tpu.memref_squeeze %dma_wait3A_21 : memref<1x4x128xf32, #tpu.memory_space<vmem>> -> memref<4x128xf32, #tpu.memory_space<vmem>>
    %dma_wait3A_23 = arith.constant 0 : i32
    %dma_wait3A_24 = tpu.memref_slice %dma_wait3A_22[%dma_wait3A_18, %dma_wait3A_23] : memref<4x128xf32, #tpu.memory_space<vmem>> -> memref<1x128xf32, #tpu.memory_space<vmem>>
    %dma_wait3A_25 = tpu.memref_squeeze %dma_wait3A_24 : memref<1x128xf32, #tpu.memory_space<vmem>> -> memref<128xf32, #tpu.memory_space<vmem>>
    %dma_wait3A_26 = arith.constant 0 : i32
    %dma_wait3A_27 = tpu.memref_slice %arg5[%dma_wait3A_26] : memref<100352xf32, #tpu.memory_space<hbm>> -> memref<128xf32, #tpu.memory_space<hbm>>
    %dma_wait3A_28 = arith.constant 0 : i32
    %dma_wait3A_29 = arith.constant 0 : i32
    %dma_wait3A_30 = tpu.memref_slice %arg18[%dma_wait3A, %dma_wait3A_28, %dma_wait3A_29] : memref<2x4x128xf32, #tpu.memory_space<vmem>> -> memref<1x4x128xf32, #tpu.memory_space<vmem>>
    %dma_wait3A_31 = tpu.memref_squeeze %dma_wait3A_30 : memref<1x4x128xf32, #tpu.memory_space<vmem>> -> memref<4x128xf32, #tpu.memory_space<vmem>>
    %dma_wait3A_32 = arith.constant 0 : i32
    %dma_wait3A_33 = tpu.memref_slice %dma_wait3A_31[%dma_wait3A_18, %dma_wait3A_32] : memref<4x128xf32, #tpu.memory_space<vmem>> -> memref<1x128xf32, #tpu.memory_space<vmem>>
    %dma_wait3A_34 = tpu.memref_squeeze %dma_wait3A_33 : memref<1x128xf32, #tpu.memory_space<vmem>> -> memref<128xf32, #tpu.memory_space<vmem>>
    %dma_wait3A_35 = arith.constant 0 : i32
    %dma_wait3A_36 = tpu.memref_slice %arg5[%dma_wait3A_35] : memref<100352xf32, #tpu.memory_space<hbm>> -> memref<128xf32, #tpu.memory_space<hbm>>
    tpu.wait_dma2 semaphore(%arg21 : memref<!tpu.dma_semaphore, #tpu.memory_space<semaphore_mem>>) src(%dma_wait3A_36 : memref<128xf32, #tpu.memory_space<hbm>>) dst(%dma_wait3A_34 : memref<128xf32, #tpu.memory_space<vmem>>)
    %dma_wait3A_37 = arith.constant 0 : i32
    %dma_wait3A_38 = arith.constant 1 : i32
    %dma_wait3A_39 = arith.constant 0 : i32
    %dma_wait3A_40 = arith.constant 0 : i32
    %dma_wait3A_41 = tpu.memref_slice %arg18[%dma_wait3A_37, %dma_wait3A_39, %dma_wait3A_40] : memref<2x4x128xf32, #tpu.memory_space<vmem>> -> memref<1x4x128xf32, #tpu.memory_space<vmem>>
    %dma_wait3A_42 = tpu.memref_squeeze %dma_wait3A_41 : memref<1x4x128xf32, #tpu.memory_space<vmem>> -> memref<4x128xf32, #tpu.memory_space<vmem>>
    %dma_wait3A_43 = arith.constant 0 : i32
    %dma_wait3A_44 = tpu.memref_slice %dma_wait3A_42[%dma_wait3A_38, %dma_wait3A_43] : memref<4x128xf32, #tpu.memory_space<vmem>> -> memref<1x128xf32, #tpu.memory_space<vmem>>
    %dma_wait3A_45 = tpu.memref_squeeze %dma_wait3A_44 : memref<1x128xf32, #tpu.memory_space<vmem>> -> memref<128xf32, #tpu.memory_space<vmem>>
    %dma_wait3A_46 = arith.constant 0 : i32
    %dma_wait3A_47 = tpu.memref_slice %arg5[%dma_wait3A_46] : memref<100352xf32, #tpu.memory_space<hbm>> -> memref<128xf32, #tpu.memory_space<hbm>>
    %dma_wait3A_48 = arith.constant 0 : i32
    %dma_wait3A_49 = arith.constant 0 : i32
    %dma_wait3A_50 = tpu.memref_slice %arg18[%dma_wait3A_37, %dma_wait3A_48, %dma_wait3A_49] : memref<2x4x128xf32, #tpu.memory_space<vmem>> -> memref<1x4x128xf32, #tpu.memory_space<vmem>>
    %dma_wait3A_51 = tpu.memref_squeeze %dma_wait3A_50 : memref<1x4x128xf32, #tpu.memory_space<vmem>> -> memref<4x128xf32, #tpu.memory_space<vmem>>
    %dma_wait3A_52 = arith.constant 0 : i32
    %dma_wait3A_53 = tpu.memref_slice %dma_wait3A_51[%dma_wait3A_38, %dma_wait3A_52] : memref<4x128xf32, #tpu.memory_space<vmem>> -> memref<1x128xf32, #tpu.memory_space<vmem>>
    %dma_wait3A_54 = tpu.memref_squeeze %dma_wait3A_53 : memref<1x128xf32, #tpu.memory_space<vmem>> -> memref<128xf32, #tpu.memory_space<vmem>>
    %dma_wait3A_55 = arith.constant 0 : i32
    %dma_wait3A_56 = tpu.memref_slice %arg5[%dma_wait3A_55] : memref<100352xf32, #tpu.memory_space<hbm>> -> memref<128xf32, #tpu.memory_space<hbm>>
    tpu.wait_dma2 semaphore(%arg21 : memref<!tpu.dma_semaphore, #tpu.memory_space<semaphore_mem>>) src(%dma_wait3A_56 : memref<128xf32, #tpu.memory_space<hbm>>) dst(%dma_wait3A_54 : memref<128xf32, #tpu.memory_space<vmem>>)
    %dma_wait3A_57 = arith.constant 0 : i32
    %dma_wait3A_58 = arith.constant 2 : i32
    %dma_wait3A_59 = arith.constant 0 : i32
    %dma_wait3A_60 = arith.constant 0 : i32
    %dma_wait3A_61 = tpu.memref_slice %arg18[%dma_wait3A_57, %dma_wait3A_59, %dma_wait3A_60] : memref<2x4x128xf32, #tpu.memory_space<vmem>> -> memref<1x4x128xf32, #tpu.memory_space<vmem>>
    %dma_wait3A_62 = tpu.memref_squeeze %dma_wait3A_61 : memref<1x4x128xf32, #tpu.memory_space<vmem>> -> memref<4x128xf32, #tpu.memory_space<vmem>>
    %dma_wait3A_63 = arith.constant 0 : i32
    %dma_wait3A_64 = tpu.memref_slice %dma_wait3A_62[%dma_wait3A_58, %dma_wait3A_63] : memref<4x128xf32, #tpu.memory_space<vmem>> -> memref<1x128xf32, #tpu.memory_space<vmem>>
    %dma_wait3A_65 = tpu.memref_squeeze %dma_wait3A_64 : memref<1x128xf32, #tpu.memory_space<vmem>> -> memref<128xf32, #tpu.memory_space<vmem>>
    %dma_wait3A_66 = arith.constant 0 : i32
    %dma_wait3A_67 = tpu.memref_slice %arg5[%dma_wait3A_66] : memref<100352xf32, #tpu.memory_space<hbm>> -> memref<128xf32, #tpu.memory_space<hbm>>
    %dma_wait3A_68 = arith.constant 0 : i32
    %dma_wait3A_69 = arith.constant 0 : i32
    %dma_wait3A_70 = tpu.memref_slice %arg18[%dma_wait3A_57, %dma_wait3A_68, %dma_wait3A_69] : memref<2x4x128xf32, #tpu.memory_space<vmem>> -> memref<1x4x128xf32, #tpu.memory_space<vmem>>
    %dma_wait3A_71 = tpu.memref_squeeze %dma_wait3A_70 : memref<1x4x128xf32, #tpu.memory_space<vmem>> -> memref<4x128xf32, #tpu.memory_space<vmem>>
    %dma_wait3A_72 = arith.constant 0 : i32
    %dma_wait3A_73 = tpu.memref_slice %dma_wait3A_71[%dma_wait3A_58, %dma_wait3A_72] : memref<4x128xf32, #tpu.memory_space<vmem>> -> memref<1x128xf32, #tpu.memory_space<vmem>>
    %dma_wait3A_74 = tpu.memref_squeeze %dma_wait3A_73 : memref<1x128xf32, #tpu.memory_space<vmem>> -> memref<128xf32, #tpu.memory_space<vmem>>
    %dma_wait3A_75 = arith.constant 0 : i32
    %dma_wait3A_76 = tpu.memref_slice %arg5[%dma_wait3A_75] : memref<100352xf32, #tpu.memory_space<hbm>> -> memref<128xf32, #tpu.memory_space<hbm>>
    tpu.wait_dma2 semaphore(%arg21 : memref<!tpu.dma_semaphore, #tpu.memory_space<semaphore_mem>>) src(%dma_wait3A_76 : memref<128xf32, #tpu.memory_space<hbm>>) dst(%dma_wait3A_74 : memref<128xf32, #tpu.memory_space<vmem>>)
    %dma_wait3A_77 = arith.constant 0 : i32
    %dma_wait3A_78 = arith.constant 3 : i32
    %dma_wait3A_79 = arith.constant 0 : i32
    %dma_wait3A_80 = arith.constant 0 : i32
    %dma_wait3A_81 = tpu.memref_slice %arg18[%dma_wait3A_77, %dma_wait3A_79, %dma_wait3A_80] : memref<2x4x128xf32, #tpu.memory_space<vmem>> -> memref<1x4x128xf32, #tpu.memory_space<vmem>>
    %dma_wait3A_82 = tpu.memref_squeeze %dma_wait3A_81 : memref<1x4x128xf32, #tpu.memory_space<vmem>> -> memref<4x128xf32, #tpu.memory_space<vmem>>
    %dma_wait3A_83 = arith.constant 0 : i32
    %dma_wait3A_84 = tpu.memref_slice %dma_wait3A_82[%dma_wait3A_78, %dma_wait3A_83] : memref<4x128xf32, #tpu.memory_space<vmem>> -> memref<1x128xf32, #tpu.memory_space<vmem>>
    %dma_wait3A_85 = tpu.memref_squeeze %dma_wait3A_84 : memref<1x128xf32, #tpu.memory_space<vmem>> -> memref<128xf32, #tpu.memory_space<vmem>>
    %dma_wait3A_86 = arith.constant 0 : i32
    %dma_wait3A_87 = tpu.memref_slice %arg5[%dma_wait3A_86] : memref<100352xf32, #tpu.memory_space<hbm>> -> memref<128xf32, #tpu.memory_space<hbm>>
    %dma_wait3A_88 = arith.constant 0 : i32
    %dma_wait3A_89 = arith.constant 0 : i32
    %dma_wait3A_90 = tpu.memref_slice %arg18[%dma_wait3A_77, %dma_wait3A_88, %dma_wait3A_89] : memref<2x4x128xf32, #tpu.memory_space<vmem>> -> memref<1x4x128xf32, #tpu.memory_space<vmem>>
    %dma_wait3A_91 = tpu.memref_squeeze %dma_wait3A_90 : memref<1x4x128xf32, #tpu.memory_space<vmem>> -> memref<4x128xf32, #tpu.memory_space<vmem>>
    %dma_wait3A_92 = arith.constant 0 : i32
    %dma_wait3A_93 = tpu.memref_slice %dma_wait3A_91[%dma_wait3A_78, %dma_wait3A_92] : memref<4x128xf32, #tpu.memory_space<vmem>> -> memref<1x128xf32, #tpu.memory_space<vmem>>
    %dma_wait3A_94 = tpu.memref_squeeze %dma_wait3A_93 : memref<1x128xf32, #tpu.memory_space<vmem>> -> memref<128xf32, #tpu.memory_space<vmem>>
    %dma_wait3A_95 = arith.constant 0 : i32
    %dma_wait3A_96 = tpu.memref_slice %arg5[%dma_wait3A_95] : memref<100352xf32, #tpu.memory_space<hbm>> -> memref<128xf32, #tpu.memory_space<hbm>>
    tpu.wait_dma2 semaphore(%arg21 : memref<!tpu.dma_semaphore, #tpu.memory_space<semaphore_mem>>) src(%dma_wait3A_96 : memref<128xf32, #tpu.memory_space<hbm>>) dst(%dma_wait3A_94 : memref<128xf32, #tpu.memory_space<vmem>>)
    %dma_wait3A_97 = arith.constant 1 : i32
    %dma_wait3A_98 = arith.constant 0 : i32
    %dma_wait3A_99 = arith.constant 0 : i32
    %dma_wait3A_100 = arith.constant 0 : i32
    %dma_wait3A_101 = tpu.memref_slice %arg18[%dma_wait3A_97, %dma_wait3A_99, %dma_wait3A_100] : memref<2x4x128xf32, #tpu.memory_space<vmem>> -> memref<1x4x128xf32, #tpu.memory_space<vmem>>
    %dma_wait3A_102 = tpu.memref_squeeze %dma_wait3A_101 : memref<1x4x128xf32, #tpu.memory_space<vmem>> -> memref<4x128xf32, #tpu.memory_space<vmem>>
    %dma_wait3A_103 = arith.constant 0 : i32
    %dma_wait3A_104 = tpu.memref_slice %dma_wait3A_102[%dma_wait3A_98, %dma_wait3A_103] : memref<4x128xf32, #tpu.memory_space<vmem>> -> memref<1x128xf32, #tpu.memory_space<vmem>>
    %dma_wait3A_105 = tpu.memref_squeeze %dma_wait3A_104 : memref<1x128xf32, #tpu.memory_space<vmem>> -> memref<128xf32, #tpu.memory_space<vmem>>
    %dma_wait3A_106 = arith.constant 0 : i32
    %dma_wait3A_107 = tpu.memref_slice %arg5[%dma_wait3A_106] : memref<100352xf32, #tpu.memory_space<hbm>> -> memref<128xf32, #tpu.memory_space<hbm>>
    %dma_wait3A_108 = arith.constant 0 : i32
    %dma_wait3A_109 = arith.constant 0 : i32
    %dma_wait3A_110 = tpu.memref_slice %arg18[%dma_wait3A_97, %dma_wait3A_108, %dma_wait3A_109] : memref<2x4x128xf32, #tpu.memory_space<vmem>> -> memref<1x4x128xf32, #tpu.memory_space<vmem>>
    %dma_wait3A_111 = tpu.memref_squeeze %dma_wait3A_110 : memref<1x4x128xf32, #tpu.memory_space<vmem>> -> memref<4x128xf32, #tpu.memory_space<vmem>>
    %dma_wait3A_112 = arith.constant 0 : i32
    %dma_wait3A_113 = tpu.memref_slice %dma_wait3A_111[%dma_wait3A_98, %dma_wait3A_112] : memref<4x128xf32, #tpu.memory_space<vmem>> -> memref<1x128xf32, #tpu.memory_space<vmem>>
    %dma_wait3A_114 = tpu.memref_squeeze %dma_wait3A_113 : memref<1x128xf32, #tpu.memory_space<vmem>> -> memref<128xf32, #tpu.memory_space<vmem>>
    %dma_wait3A_115 = arith.constant 0 : i32
    %dma_wait3A_116 = tpu.memref_slice %arg5[%dma_wait3A_115] : memref<100352xf32, #tpu.memory_space<hbm>> -> memref<128xf32, #tpu.memory_space<hbm>>
    tpu.wait_dma2 semaphore(%arg21 : memref<!tpu.dma_semaphore, #tpu.memory_space<semaphore_mem>>) src(%dma_wait3A_116 : memref<128xf32, #tpu.memory_space<hbm>>) dst(%dma_wait3A_114 : memref<128xf32, #tpu.memory_space<vmem>>)
    %dma_wait3A_117 = arith.constant 1 : i32
    %dma_wait3A_118 = arith.constant 1 : i32
    %dma_wait3A_119 = arith.constant 0 : i32
    %dma_wait3A_120 = arith.constant 0 : i32
    %dma_wait3A_121 = tpu.memref_slice %arg18[%dma_wait3A_117, %dma_wait3A_119, %dma_wait3A_120] : memref<2x4x128xf32, #tpu.memory_space<vmem>> -> memref<1x4x128xf32, #tpu.memory_space<vmem>>
    %dma_wait3A_122 = tpu.memref_squeeze %dma_wait3A_121 : memref<1x4x128xf32, #tpu.memory_space<vmem>> -> memref<4x128xf32, #tpu.memory_space<vmem>>
    %dma_wait3A_123 = arith.constant 0 : i32
    %dma_wait3A_124 = tpu.memref_slice %dma_wait3A_122[%dma_wait3A_118, %dma_wait3A_123] : memref<4x128xf32, #tpu.memory_space<vmem>> -> memref<1x128xf32, #tpu.memory_space<vmem>>
    %dma_wait3A_125 = tpu.memref_squeeze %dma_wait3A_124 : memref<1x128xf32, #tpu.memory_space<vmem>> -> memref<128xf32, #tpu.memory_space<vmem>>
    %dma_wait3A_126 = arith.constant 0 : i32
    %dma_wait3A_127 = tpu.memref_slice %arg5[%dma_wait3A_126] : memref<100352xf32, #tpu.memory_space<hbm>> -> memref<128xf32, #tpu.memory_space<hbm>>
    %dma_wait3A_128 = arith.constant 0 : i32
    %dma_wait3A_129 = arith.constant 0 : i32
    %dma_wait3A_130 = tpu.memref_slice %arg18[%dma_wait3A_117, %dma_wait3A_128, %dma_wait3A_129] : memref<2x4x128xf32, #tpu.memory_space<vmem>> -> memref<1x4x128xf32, #tpu.memory_space<vmem>>
    %dma_wait3A_131 = tpu.memref_squeeze %dma_wait3A_130 : memref<1x4x128xf32, #tpu.memory_space<vmem>> -> memref<4x128xf32, #tpu.memory_space<vmem>>
    %dma_wait3A_132 = arith.constant 0 : i32
    %dma_wait3A_133 = tpu.memref_slice %dma_wait3A_131[%dma_wait3A_118, %dma_wait3A_132] : memref<4x128xf32, #tpu.memory_space<vmem>> -> memref<1x128xf32, #tpu.memory_space<vmem>>
    %dma_wait3A_134 = tpu.memref_squeeze %dma_wait3A_133 : memref<1x128xf32, #tpu.memory_space<vmem>> -> memref<128xf32, #tpu.memory_space<vmem>>
    %dma_wait3A_135 = arith.constant 0 : i32
    %dma_wait3A_136 = tpu.memref_slice %arg5[%dma_wait3A_135] : memref<100352xf32, #tpu.memory_space<hbm>> -> memref<128xf32, #tpu.memory_space<hbm>>
    tpu.wait_dma2 semaphore(%arg21 : memref<!tpu.dma_semaphore, #tpu.memory_space<semaphore_mem>>) src(%dma_wait3A_136 : memref<128xf32, #tpu.memory_space<hbm>>) dst(%dma_wait3A_134 : memref<128xf32, #tpu.memory_space<vmem>>)
    %dma_wait3A_137 = arith.constant 1 : i32
    %dma_wait3A_138 = arith.constant 2 : i32
    %dma_wait3A_139 = arith.constant 0 : i32
    %dma_wait3A_140 = arith.constant 0 : i32
    %dma_wait3A_141 = tpu.memref_slice %arg18[%dma_wait3A_137, %dma_wait3A_139, %dma_wait3A_140] : memref<2x4x128xf32, #tpu.memory_space<vmem>> -> memref<1x4x128xf32, #tpu.memory_space<vmem>>
    %dma_wait3A_142 = tpu.memref_squeeze %dma_wait3A_141 : memref<1x4x128xf32, #tpu.memory_space<vmem>> -> memref<4x128xf32, #tpu.memory_space<vmem>>
    %dma_wait3A_143 = arith.constant 0 : i32
    %dma_wait3A_144 = tpu.memref_slice %dma_wait3A_142[%dma_wait3A_138, %dma_wait3A_143] : memref<4x128xf32, #tpu.memory_space<vmem>> -> memref<1x128xf32, #tpu.memory_space<vmem>>
    %dma_wait3A_145 = tpu.memref_squeeze %dma_wait3A_144 : memref<1x128xf32, #tpu.memory_space<vmem>> -> memref<128xf32, #tpu.memory_space<vmem>>
    %dma_wait3A_146 = arith.constant 0 : i32
    %dma_wait3A_147 = tpu.memref_slice %arg5[%dma_wait3A_146] : memref<100352xf32, #tpu.memory_space<hbm>> -> memref<128xf32, #tpu.memory_space<hbm>>
    %dma_wait3A_148 = arith.constant 0 : i32
    %dma_wait3A_149 = arith.constant 0 : i32
    %dma_wait3A_150 = tpu.memref_slice %arg18[%dma_wait3A_137, %dma_wait3A_148, %dma_wait3A_149] : memref<2x4x128xf32, #tpu.memory_space<vmem>> -> memref<1x4x128xf32, #tpu.memory_space<vmem>>
    %dma_wait3A_151 = tpu.memref_squeeze %dma_wait3A_150 : memref<1x4x128xf32, #tpu.memory_space<vmem>> -> memref<4x128xf32, #tpu.memory_space<vmem>>
    %dma_wait3A_152 = arith.constant 0 : i32
    %dma_wait3A_153 = tpu.memref_slice %dma_wait3A_151[%dma_wait3A_138, %dma_wait3A_152] : memref<4x128xf32, #tpu.memory_space<vmem>> -> memref<1x128xf32, #tpu.memory_space<vmem>>
    %dma_wait3A_154 = tpu.memref_squeeze %dma_wait3A_153 : memref<1x128xf32, #tpu.memory_space<vmem>> -> memref<128xf32, #tpu.memory_space<vmem>>
    %dma_wait3A_155 = arith.constant 0 : i32
    %dma_wait3A_156 = tpu.memref_slice %arg5[%dma_wait3A_155] : memref<100352xf32, #tpu.memory_space<hbm>> -> memref<128xf32, #tpu.memory_space<hbm>>
    tpu.wait_dma2 semaphore(%arg21 : memref<!tpu.dma_semaphore, #tpu.memory_space<semaphore_mem>>) src(%dma_wait3A_156 : memref<128xf32, #tpu.memory_space<hbm>>) dst(%dma_wait3A_154 : memref<128xf32, #tpu.memory_space<vmem>>)
    %dma_wait3A_157 = arith.constant 1 : i32
    %dma_wait3A_158 = arith.constant 3 : i32
    %dma_wait3A_159 = arith.constant 0 : i32
    %dma_wait3A_160 = arith.constant 0 : i32
    %dma_wait3A_161 = tpu.memref_slice %arg18[%dma_wait3A_157, %dma_wait3A_159, %dma_wait3A_160] : memref<2x4x128xf32, #tpu.memory_space<vmem>> -> memref<1x4x128xf32, #tpu.memory_space<vmem>>
    %dma_wait3A_162 = tpu.memref_squeeze %dma_wait3A_161 : memref<1x4x128xf32, #tpu.memory_space<vmem>> -> memref<4x128xf32, #tpu.memory_space<vmem>>
    %dma_wait3A_163 = arith.constant 0 : i32
    %dma_wait3A_164 = tpu.memref_slice %dma_wait3A_162[%dma_wait3A_158, %dma_wait3A_163] : memref<4x128xf32, #tpu.memory_space<vmem>> -> memref<1x128xf32, #tpu.memory_space<vmem>>
    %dma_wait3A_165 = tpu.memref_squeeze %dma_wait3A_164 : memref<1x128xf32, #tpu.memory_space<vmem>> -> memref<128xf32, #tpu.memory_space<vmem>>
    %dma_wait3A_166 = arith.constant 0 : i32
    %dma_wait3A_167 = tpu.memref_slice %arg5[%dma_wait3A_166] : memref<100352xf32, #tpu.memory_space<hbm>> -> memref<128xf32, #tpu.memory_space<hbm>>
    %dma_wait3A_168 = arith.constant 0 : i32
    %dma_wait3A_169 = arith.constant 0 : i32
    %dma_wait3A_170 = tpu.memref_slice %arg18[%dma_wait3A_157, %dma_wait3A_168, %dma_wait3A_169] : memref<2x4x128xf32, #tpu.memory_space<vmem>> -> memref<1x4x128xf32, #tpu.memory_space<vmem>>
    %dma_wait3A_171 = tpu.memref_squeeze %dma_wait3A_170 : memref<1x4x128xf32, #tpu.memory_space<vmem>> -> memref<4x128xf32, #tpu.memory_space<vmem>>
    %dma_wait3A_172 = arith.constant 0 : i32
    %dma_wait3A_173 = tpu.memref_slice %dma_wait3A_171[%dma_wait3A_158, %dma_wait3A_172] : memref<4x128xf32, #tpu.memory_space<vmem>> -> memref<1x128xf32, #tpu.memory_space<vmem>>
    %dma_wait3A_174 = tpu.memref_squeeze %dma_wait3A_173 : memref<1x128xf32, #tpu.memory_space<vmem>> -> memref<128xf32, #tpu.memory_space<vmem>>
    %dma_wait3A_175 = arith.constant 0 : i32
    %dma_wait3A_176 = tpu.memref_slice %arg5[%dma_wait3A_175] : memref<100352xf32, #tpu.memory_space<hbm>> -> memref<128xf32, #tpu.memory_space<hbm>>
    tpu.wait_dma2 semaphore(%arg21 : memref<!tpu.dma_semaphore, #tpu.memory_space<semaphore_mem>>) src(%dma_wait3A_176 : memref<128xf32, #tpu.memory_space<hbm>>) dst(%dma_wait3A_174 : memref<128xf32, #tpu.memory_space<vmem>>)
    %barrier3A_177 = arith.constant 0 : index
    tpu.barrier barrier_id(%barrier3A_177)
    %run_scoped3A_178 = arith.constant 0 : i32
    "tpu.region"() ({
      %run_scoped3A_182 = tpu.sem_alloc : memref<!tpu.dma_semaphore, #tpu.memory_space<semaphore_mem>>
      %dma_start3A = tpu.memref_slice %arg7[%arg0, %run_scoped3A_178, %mul3A_0] : memref<2x4x100352xf32, #tpu.memory_space<hbm>> -> memref<1x1x6272xf32, #tpu.memory_space<hbm>>
      %dma_start3A_183 = tpu.memref_squeeze %dma_start3A : memref<1x1x6272xf32, #tpu.memory_space<hbm>> -> memref<6272xf32, #tpu.memory_space<hbm>>
      %dma_start3A_184 = tpu.memref_slice %arg8[%mul3A_0] : memref<100352xf32, #tpu.memory_space<vmem_shared>> -> memref<6272xf32, #tpu.memory_space<vmem_shared>>
      tpu.enqueue_dma source(%dma_start3A_184 : memref<6272xf32, #tpu.memory_space<vmem_shared>>) target(%dma_start3A_183 : memref<6272xf32, #tpu.memory_space<hbm>>) target_semaphore(%run_scoped3A_182 : memref<!tpu.dma_semaphore, #tpu.memory_space<semaphore_mem>>)
      %dma_wait3A_185 = tpu.memref_slice %arg7[%arg0, %run_scoped3A_178, %mul3A_0] : memref<2x4x100352xf32, #tpu.memory_space<hbm>> -> memref<1x1x6272xf32, #tpu.memory_space<hbm>>
      %dma_wait3A_186 = tpu.memref_squeeze %dma_wait3A_185 : memref<1x1x6272xf32, #tpu.memory_space<hbm>> -> memref<6272xf32, #tpu.memory_space<hbm>>
      %dma_wait3A_187 = tpu.memref_slice %arg8[%mul3A_0] : memref<100352xf32, #tpu.memory_space<vmem_shared>> -> memref<6272xf32, #tpu.memory_space<vmem_shared>>
      tpu.wait_dma2 semaphore(%run_scoped3A_182 : memref<!tpu.dma_semaphore, #tpu.memory_space<semaphore_mem>>) src(%dma_wait3A_187 : memref<6272xf32, #tpu.memory_space<vmem_shared>>) dst(%dma_wait3A_186 : memref<6272xf32, #tpu.memory_space<hbm>>)
      tpu.yield
    }) : () -> ()
    %run_scoped3A_179 = arith.constant 1 : i32
    "tpu.region"() ({
      %run_scoped3A_182 = tpu.sem_alloc : memref<!tpu.dma_semaphore, #tpu.memory_space<semaphore_mem>>
      %dma_start3A = tpu.memref_slice %arg7[%arg0, %run_scoped3A_179, %mul3A_0] : memref<2x4x100352xf32, #tpu.memory_space<hbm>> -> memref<1x1x6272xf32, #tpu.memory_space<hbm>>
      %dma_start3A_183 = tpu.memref_squeeze %dma_start3A : memref<1x1x6272xf32, #tpu.memory_space<hbm>> -> memref<6272xf32, #tpu.memory_space<hbm>>
      %dma_start3A_184 = tpu.memref_slice %arg9[%mul3A_0] : memref<100352xf32, #tpu.memory_space<vmem_shared>> -> memref<6272xf32, #tpu.memory_space<vmem_shared>>
      tpu.enqueue_dma source(%dma_start3A_184 : memref<6272xf32, #tpu.memory_space<vmem_shared>>) target(%dma_start3A_183 : memref<6272xf32, #tpu.memory_space<hbm>>) target_semaphore(%run_scoped3A_182 : memref<!tpu.dma_semaphore, #tpu.memory_space<semaphore_mem>>)
      %dma_wait3A_185 = tpu.memref_slice %arg7[%arg0, %run_scoped3A_179, %mul3A_0] : memref<2x4x100352xf32, #tpu.memory_space<hbm>> -> memref<1x1x6272xf32, #tpu.memory_space<hbm>>
      %dma_wait3A_186 = tpu.memref_squeeze %dma_wait3A_185 : memref<1x1x6272xf32, #tpu.memory_space<hbm>> -> memref<6272xf32, #tpu.memory_space<hbm>>
      %dma_wait3A_187 = tpu.memref_slice %arg9[%mul3A_0] : memref<100352xf32, #tpu.memory_space<vmem_shared>> -> memref<6272xf32, #tpu.memory_space<vmem_shared>>
      tpu.wait_dma2 semaphore(%run_scoped3A_182 : memref<!tpu.dma_semaphore, #tpu.memory_space<semaphore_mem>>) src(%dma_wait3A_187 : memref<6272xf32, #tpu.memory_space<vmem_shared>>) dst(%dma_wait3A_186 : memref<6272xf32, #tpu.memory_space<hbm>>)
      tpu.yield
    }) : () -> ()
    %run_scoped3A_180 = arith.constant 2 : i32
    "tpu.region"() ({
      %run_scoped3A_182 = tpu.sem_alloc : memref<!tpu.dma_semaphore, #tpu.memory_space<semaphore_mem>>
      %dma_start3A = tpu.memref_slice %arg7[%arg0, %run_scoped3A_180, %mul3A_0] : memref<2x4x100352xf32, #tpu.memory_space<hbm>> -> memref<1x1x6272xf32, #tpu.memory_space<hbm>>
      %dma_start3A_183 = tpu.memref_squeeze %dma_start3A : memref<1x1x6272xf32, #tpu.memory_space<hbm>> -> memref<6272xf32, #tpu.memory_space<hbm>>
      %dma_start3A_184 = tpu.memref_slice %arg10[%mul3A_0] : memref<100352xf32, #tpu.memory_space<vmem_shared>> -> memref<6272xf32, #tpu.memory_space<vmem_shared>>
      tpu.enqueue_dma source(%dma_start3A_184 : memref<6272xf32, #tpu.memory_space<vmem_shared>>) target(%dma_start3A_183 : memref<6272xf32, #tpu.memory_space<hbm>>) target_semaphore(%run_scoped3A_182 : memref<!tpu.dma_semaphore, #tpu.memory_space<semaphore_mem>>)
      %dma_wait3A_185 = tpu.memref_slice %arg7[%arg0, %run_scoped3A_180, %mul3A_0] : memref<2x4x100352xf32, #tpu.memory_space<hbm>> -> memref<1x1x6272xf32, #tpu.memory_space<hbm>>
      %dma_wait3A_186 = tpu.memref_squeeze %dma_wait3A_185 : memref<1x1x6272xf32, #tpu.memory_space<hbm>> -> memref<6272xf32, #tpu.memory_space<hbm>>
      %dma_wait3A_187 = tpu.memref_slice %arg10[%mul3A_0] : memref<100352xf32, #tpu.memory_space<vmem_shared>> -> memref<6272xf32, #tpu.memory_space<vmem_shared>>
      tpu.wait_dma2 semaphore(%run_scoped3A_182 : memref<!tpu.dma_semaphore, #tpu.memory_space<semaphore_mem>>) src(%dma_wait3A_187 : memref<6272xf32, #tpu.memory_space<vmem_shared>>) dst(%dma_wait3A_186 : memref<6272xf32, #tpu.memory_space<hbm>>)
      tpu.yield
    }) : () -> ()
    %run_scoped3A_181 = arith.constant 3 : i32
    "tpu.region"() ({
      %run_scoped3A_182 = tpu.sem_alloc : memref<!tpu.dma_semaphore, #tpu.memory_space<semaphore_mem>>
      %dma_start3A = tpu.memref_slice %arg7[%arg0, %run_scoped3A_181, %mul3A_0] : memref<2x4x100352xf32, #tpu.memory_space<hbm>> -> memref<1x1x6272xf32, #tpu.memory_space<hbm>>
      %dma_start3A_183 = tpu.memref_squeeze %dma_start3A : memref<1x1x6272xf32, #tpu.memory_space<hbm>> -> memref<6272xf32, #tpu.memory_space<hbm>>
      %dma_start3A_184 = tpu.memref_slice %arg11[%mul3A_0] : memref<100352xf32, #tpu.memory_space<vmem_shared>> -> memref<6272xf32, #tpu.memory_space<vmem_shared>>
      tpu.enqueue_dma source(%dma_start3A_184 : memref<6272xf32, #tpu.memory_space<vmem_shared>>) target(%dma_start3A_183 : memref<6272xf32, #tpu.memory_space<hbm>>) target_semaphore(%run_scoped3A_182 : memref<!tpu.dma_semaphore, #tpu.memory_space<semaphore_mem>>)
      %dma_wait3A_185 = tpu.memref_slice %arg7[%arg0, %run_scoped3A_181, %mul3A_0] : memref<2x4x100352xf32, #tpu.memory_space<hbm>> -> memref<1x1x6272xf32, #tpu.memory_space<hbm>>
      %dma_wait3A_186 = tpu.memref_squeeze %dma_wait3A_185 : memref<1x1x6272xf32, #tpu.memory_space<hbm>> -> memref<6272xf32, #tpu.memory_space<hbm>>
      %dma_wait3A_187 = tpu.memref_slice %arg11[%mul3A_0] : memref<100352xf32, #tpu.memory_space<vmem_shared>> -> memref<6272xf32, #tpu.memory_space<vmem_shared>>
      tpu.wait_dma2 semaphore(%run_scoped3A_182 : memref<!tpu.dma_semaphore, #tpu.memory_space<semaphore_mem>>) src(%dma_wait3A_187 : memref<6272xf32, #tpu.memory_space<vmem_shared>>) dst(%dma_wait3A_186 : memref<6272xf32, #tpu.memory_space<hbm>>)
      tpu.yield
    }) : () -> ()
    return
  }
}

module attributes {stable_mosaic.version = 14 : i64} {
  func.func @_prologue_body(%arg0: i32, %arg1: i32, %arg2: memref<3x3584xf32, #tpu.memory_space<vmem>>, %arg3: memref<4x3584xf32, #tpu.memory_space<vmem>>, %arg4: memref<3x1xf32, #tpu.memory_space<vmem>>) attributes {dimension_semantics = [#tpu.dimension_semantics<arbitrary>, #tpu.dimension_semantics<arbitrary>], iteration_bounds = array<i64: 2, 28>, scalar_prefetch = 0 : i64, scratch_operands = 0 : i64, tpu.core_type = #tpu.core_type<tc>, window_params = [{transform_indices = @transform_0, window_bounds = array<i64: 3, 3584>}, {transform_indices = @transform_1, window_bounds = array<i64: 4, 3584>}, {pipeline_mode = #tpu.pipeline_mode<synchronous>, transform_indices = @transform_2, window_bounds = array<i64: 3, 1>}]} {
    %eq3A = arith.constant 0 : i32
    %eq3A_0 = arith.cmpi eq, %arg0, %eq3A : i32
    %eq3A_1 = arith.constant 0 : i32
    %eq3A_2 = arith.cmpi eq, %arg1, %eq3A_1 : i32
    %and3A = arith.andi %eq3A_0, %eq3A_2 : i1
    %convert_element_type3A = arith.extui %and3A : i1 to i32
    %cond3A = arith.constant 0 : i32
    %cond3A_3 = arith.cmpi ne, %convert_element_type3A, %cond3A : i32
    scf.if %cond3A_3 {
      %broadcast_in_dim3A = arith.constant 0.000000e+00 : f32
      %broadcast_in_dim3A_14 = vector.broadcast %broadcast_in_dim3A : f32 to vector<3x1xf32>
      %swap3A = arith.constant 0 : index
      %swap3A_15 = arith.constant 0 : index
      %swap3A_16 = vector.load %arg4[%swap3A, %swap3A_15] : memref<3x1xf32, #tpu.memory_space<vmem>>, vector<3x1xf32>
      tpu.vector_store %arg4[%swap3A, %swap3A_15], %broadcast_in_dim3A_14 {strides = array<i32>} : memref<3x1xf32, #tpu.memory_space<vmem>>, vector<3x1xf32>,
    } else {
    }
    %eq3A_4 = arith.constant 0 : i32
    %eq3A_5 = arith.cmpi eq, %arg0, %eq3A_4 : i32
    %convert_element_type3A_6 = arith.extui %eq3A_5 : i1 to i32
    %cond3A_7 = arith.constant 0 : i32
    %cond3A_8 = arith.cmpi ne, %convert_element_type3A_6, %cond3A_7 : i32
    scf.if %cond3A_8 {
      %get3A = arith.constant 0 : index
      %get3A_14 = arith.constant 0 : index
      %get3A_15 = vector.load %arg4[%get3A, %get3A_14] : memref<3x1xf32, #tpu.memory_space<vmem>>, vector<3x1xf32>
      %get3A_16 = arith.constant 0 : index
      %get3A_17 = arith.constant 0 : index
      %get3A_18 = vector.load %arg2[%get3A_16, %get3A_17] : memref<3x3584xf32, #tpu.memory_space<vmem>>, vector<3x3584xf32>
      %reduce_sum3A = arith.constant dense<0.000000e+00> : vector<3xf32>
      %reduce_sum3A_19 = vector.multi_reduction <add>, %get3A_18, %reduce_sum3A [1] : vector<3x3584xf32> to vector<3xf32>
      %broadcast_in_dim3A = vector.shape_cast %reduce_sum3A_19 : vector<3xf32> to vector<3x1xf32>
      %div3A = arith.constant 1.000000e+05 : f32
      %div3A_20 = vector.broadcast %div3A : f32 to vector<3x1xf32>
      %div3A_21 = arith.divf %broadcast_in_dim3A, %div3A_20 : vector<3x1xf32>
      %add3A = arith.addf %get3A_15, %div3A_21 : vector<3x1xf32>
      %swap3A = arith.constant 0 : index
      %swap3A_22 = arith.constant 0 : index
      %swap3A_23 = vector.load %arg4[%swap3A, %swap3A_22] : memref<3x1xf32, #tpu.memory_space<vmem>>, vector<3x1xf32>
      tpu.vector_store %arg4[%swap3A, %swap3A_22], %add3A {strides = array<i32>} : memref<3x1xf32, #tpu.memory_space<vmem>>, vector<3x1xf32>,
    } else {
    }
    %eq3A_9 = arith.constant 1 : i32
    %eq3A_10 = arith.cmpi eq, %arg0, %eq3A_9 : i32
    %convert_element_type3A_11 = arith.extui %eq3A_10 : i1 to i32
    %cond3A_12 = arith.constant 0 : i32
    %cond3A_13 = arith.cmpi ne, %convert_element_type3A_11, %cond3A_12 : i32
    scf.if %cond3A_13 {
      %get3A = arith.constant 0 : index
      %get3A_14 = arith.constant 0 : index
      %get3A_15 = vector.load %arg2[%get3A, %get3A_14] : memref<3x3584xf32, #tpu.memory_space<vmem>>, vector<3x3584xf32>
      %get3A_16 = arith.constant 0 : index
      %get3A_17 = arith.constant 0 : index
      %get3A_18 = vector.load %arg4[%get3A_16, %get3A_17] : memref<3x1xf32, #tpu.memory_space<vmem>>, vector<3x1xf32>
      %sub3A = vector.broadcast %get3A_18 : vector<3x1xf32> to vector<3x3584xf32>
      %sub3A_19 = arith.subf %get3A_15, %sub3A : vector<3x3584xf32>
      %broadcast_in_dim3A = arith.constant 1.000000e+00 : f32
      %broadcast_in_dim3A_20 = vector.broadcast %broadcast_in_dim3A : f32 to vector<1x3584xf32>
      %concatenate3A = tpu.concatenate %sub3A_19, %broadcast_in_dim3A_20 in 0 : vector<3x3584xf32>, vector<1x3584xf32> -> vector<4x3584xf32>
      %swap3A = arith.constant 0 : index
      %swap3A_21 = arith.constant 0 : index
      %swap3A_22 = vector.load %arg3[%swap3A, %swap3A_21] : memref<4x3584xf32, #tpu.memory_space<vmem>>, vector<4x3584xf32>
      tpu.vector_store %arg3[%swap3A, %swap3A_21], %concatenate3A {strides = array<i32>} : memref<4x3584xf32, #tpu.memory_space<vmem>>, vector<4x3584xf32>,
    } else {
    }
    return
  }
  func.func @transform_0(%arg0: i32, %arg1: i32) -> (i32, i32) {
    %c0_i32 = arith.constant 0 : i32
    %c0_i32_0 = arith.constant 0 : i32
    return %c0_i32, %arg1 : i32, i32
  }
  func.func @transform_1(%arg0: i32, %arg1: i32) -> (i32, i32) {
    %c0_i32 = arith.constant 0 : i32
    %c0_i32_0 = arith.constant 0 : i32
    return %c0_i32, %arg1 : i32, i32
  }
  func.func @transform_2(%arg0: i32, %arg1: i32) -> (i32, i32) {
    %c0_i32 = arith.constant 0 : i32
    %c0_i32_0 = arith.constant 0 : i32
    %c0_i32_1 = arith.constant 0 : i32
    return %c0_i32, %c0_i32_0 : i32, i32
  }
}

module attributes {stable_mosaic.version = 14 : i64} {
  func.func @_add_body(%arg0: i32, %arg1: memref<2x4x3584xf32, #tpu.memory_space<vmem>>, %arg2: memref<4x3584xf32, #tpu.memory_space<vmem>>) attributes {dimension_semantics = [#tpu.dimension_semantics<arbitrary>], iteration_bounds = array<i64: 28>, scalar_prefetch = 0 : i64, scratch_operands = 0 : i64, tpu.core_type = #tpu.core_type<tc>, window_params = [{transform_indices = @transform_0, window_bounds = array<i64: 2, 4, 3584>}, {transform_indices = @transform_1, window_bounds = array<i64: 4, 3584>}]} {
    %get3A = arith.constant 0 : index
    %get3A_0 = arith.constant 0 : index
    %get3A_1 = arith.constant 0 : index
    %get3A_2 = vector.load %arg1[%get3A, %get3A_0, %get3A_1] : memref<2x4x3584xf32, #tpu.memory_space<vmem>>, vector<1x4x3584xf32>
    %get3A_3 = vector.shape_cast %get3A_2 : vector<1x4x3584xf32> to vector<4x3584xf32>
    %get3A_4 = arith.constant 1 : index
    %get3A_5 = arith.constant 0 : index
    %get3A_6 = arith.constant 0 : index
    %get3A_7 = vector.load %arg1[%get3A_4, %get3A_5, %get3A_6] : memref<2x4x3584xf32, #tpu.memory_space<vmem>>, vector<1x4x3584xf32>
    %get3A_8 = vector.shape_cast %get3A_7 : vector<1x4x3584xf32> to vector<4x3584xf32>
    %add3A = arith.addf %get3A_3, %get3A_8 : vector<4x3584xf32>
    %swap3A = arith.constant 0 : index
    %swap3A_9 = arith.constant 0 : index
    %swap3A_10 = vector.load %arg2[%swap3A, %swap3A_9] : memref<4x3584xf32, #tpu.memory_space<vmem>>, vector<4x3584xf32>
    tpu.vector_store %arg2[%swap3A, %swap3A_9], %add3A {strides = array<i32>} : memref<4x3584xf32, #tpu.memory_space<vmem>>, vector<4x3584xf32>,
    return
  }
  func.func @transform_0(%arg0: i32) -> (i32, i32, i32) {
    %c0_i32 = arith.constant 0 : i32
    %c0_i32_0 = arith.constant 0 : i32
    %c0_i32_1 = arith.constant 0 : i32
    return %c0_i32, %c0_i32_0, %arg0 : i32, i32, i32
  }
  func.func @transform_1(%arg0: i32) -> (i32, i32) {
    %c0_i32 = arith.constant 0 : i32
    %c0_i32_0 = arith.constant 0 : i32
    return %c0_i32, %arg0 : i32, i32
  }
}

module attributes {stable_mosaic.version = 14 : i64} {
  func.func @_combine_body(%arg0: i32, %arg1: memref<4x3584xf32, #tpu.memory_space<vmem>>, %arg2: memref<4x3584xf32, #tpu.memory_space<vmem>>, %arg3: memref<4x3584xf32, #tpu.memory_space<vmem>>, %arg4: memref<3x3584xf32, #tpu.memory_space<vmem>>, %arg5: memref<3x12xf32, #tpu.memory_space<vmem>>, %arg6: memref<3x3584xf32, #tpu.memory_space<vmem>>) attributes {dimension_semantics = [#tpu.dimension_semantics<arbitrary>], iteration_bounds = array<i64: 28>, scalar_prefetch = 0 : i64, scratch_operands = 0 : i64, tpu.core_type = #tpu.core_type<tc>, window_params = [{transform_indices = @transform_0, window_bounds = array<i64: 4, 3584>}, {transform_indices = @transform_1, window_bounds = array<i64: 4, 3584>}, {transform_indices = @transform_2, window_bounds = array<i64: 4, 3584>}, {transform_indices = @transform_3, window_bounds = array<i64: 3, 3584>}, {pipeline_mode = #tpu.pipeline_mode<synchronous>, transform_indices = @transform_4, window_bounds = array<i64: 3, 12>}, {transform_indices = @transform_5, window_bounds = array<i64: 3, 3584>}]} {
    %get3A = arith.constant 0 : index
    %get3A_0 = arith.constant 0 : index
    %get3A_1 = vector.load %arg1[%get3A, %get3A_0] : memref<4x3584xf32, #tpu.memory_space<vmem>>, vector<4x3584xf32>
    %get3A_2 = arith.constant 0 : index
    %get3A_3 = arith.constant 0 : index
    %get3A_4 = vector.load %arg2[%get3A_2, %get3A_3] : memref<4x3584xf32, #tpu.memory_space<vmem>>, vector<4x3584xf32>
    %get3A_5 = arith.constant 0 : index
    %get3A_6 = arith.constant 0 : index
    %get3A_7 = vector.load %arg3[%get3A_5, %get3A_6] : memref<4x3584xf32, #tpu.memory_space<vmem>>, vector<4x3584xf32>
    %get3A_8 = arith.constant 0 : index
    %get3A_9 = arith.constant 0 : index
    %get3A_10 = vector.load %arg5[%get3A_8, %get3A_9] : memref<3x12xf32, #tpu.memory_space<vmem>>, vector<3x12xf32>
    %slice3A = vector.extract_strided_slice %get3A_10 {offsets = [0, 0], sizes = [3, 3], strides = [1, 1]} : vector<3x12xf32> to vector<3x3xf32>
    %slice3A_11 = vector.extract_strided_slice %get3A_10 {offsets = [0, 3], sizes = [3, 3], strides = [1, 1]} : vector<3x12xf32> to vector<3x3xf32>
    %slice3A_12 = vector.extract_strided_slice %get3A_10 {offsets = [0, 6], sizes = [3, 3], strides = [1, 1]} : vector<3x12xf32> to vector<3x3xf32>
    %slice3A_13 = vector.extract_strided_slice %get3A_10 {offsets = [0, 9], sizes = [3, 1], strides = [1, 1]} : vector<3x12xf32> to vector<3x1xf32>
    %slice3A_14 = vector.extract_strided_slice %get3A_10 {offsets = [0, 10], sizes = [3, 1], strides = [1, 1]} : vector<3x12xf32> to vector<3x1xf32>
    %slice3A_15 = vector.extract_strided_slice %get3A_10 {offsets = [0, 11], sizes = [3, 1], strides = [1, 1]} : vector<3x12xf32> to vector<3x1xf32>
    %slice3A_16 = vector.extract_strided_slice %get3A_7 {offsets = [0, 0], sizes = [3, 3584], strides = [1, 1]} : vector<4x3584xf32> to vector<3x3584xf32>
    %dot_general3A = arith.constant dense<0.000000e+00> : vector<3x3584xf32>
    %dot_general3A_17 = tpu.matmul %slice3A, %slice3A_16, %dot_general3A {dimension_numbers = #tpu.dot_dimension_numbers<[1], [0], [0], [1], [0, 0, 1, 1], [], []>, transpose_lhs_hint = false} : vector<3x3xf32>, vector<3x3584xf32>, vector<3x3584xf32> -> vector<3x3584xf32>
    %slice3A_18 = vector.extract_strided_slice %get3A_4 {offsets = [0, 0], sizes = [3, 3584], strides = [1, 1]} : vector<4x3584xf32> to vector<3x3584xf32>
    %dot_general3A_19 = arith.constant dense<0.000000e+00> : vector<3x3584xf32>
    %dot_general3A_20 = tpu.matmul %slice3A_11, %slice3A_18, %dot_general3A_19 {dimension_numbers = #tpu.dot_dimension_numbers<[1], [0], [0], [1], [0, 0, 1, 1], [], []>, transpose_lhs_hint = false} : vector<3x3xf32>, vector<3x3584xf32>, vector<3x3584xf32> -> vector<3x3584xf32>
    %add3A = arith.addf %dot_general3A_17, %dot_general3A_20 : vector<3x3584xf32>
    %slice3A_21 = vector.extract_strided_slice %get3A_1 {offsets = [0, 0], sizes = [3, 3584], strides = [1, 1]} : vector<4x3584xf32> to vector<3x3584xf32>
    %dot_general3A_22 = arith.constant dense<0.000000e+00> : vector<3x3584xf32>
    %dot_general3A_23 = tpu.matmul %slice3A_12, %slice3A_21, %dot_general3A_22 {dimension_numbers = #tpu.dot_dimension_numbers<[1], [0], [0], [1], [0, 0, 1, 1], [], []>, transpose_lhs_hint = false} : vector<3x3xf32>, vector<3x3584xf32>, vector<3x3584xf32> -> vector<3x3584xf32>
    %add3A_24 = arith.addf %add3A, %dot_general3A_23 : vector<3x3584xf32>
    %slice3A_25 = vector.extract_strided_slice %get3A_4 {offsets = [3, 0], sizes = [1, 3584], strides = [1, 1]} : vector<4x3584xf32> to vector<1x3584xf32>
    %mul3A = vector.broadcast %slice3A_13 : vector<3x1xf32> to vector<3x3584xf32>
    %mul3A_26 = vector.broadcast %slice3A_25 : vector<1x3584xf32> to vector<3x3584xf32>
    %mul3A_27 = arith.mulf %mul3A, %mul3A_26 : vector<3x3584xf32>
    %add3A_28 = arith.addf %add3A_24, %mul3A_27 : vector<3x3584xf32>
    %slice3A_29 = vector.extract_strided_slice %get3A_1 {offsets = [3, 0], sizes = [1, 3584], strides = [1, 1]} : vector<4x3584xf32> to vector<1x3584xf32>
    %mul3A_30 = vector.broadcast %slice3A_14 : vector<3x1xf32> to vector<3x3584xf32>
    %mul3A_31 = vector.broadcast %slice3A_29 : vector<1x3584xf32> to vector<3x3584xf32>
    %mul3A_32 = arith.mulf %mul3A_30, %mul3A_31 : vector<3x3584xf32>
    %add3A_33 = arith.addf %add3A_28, %mul3A_32 : vector<3x3584xf32>
    %add3A_34 = vector.broadcast %slice3A_15 : vector<3x1xf32> to vector<3x3584xf32>
    %add3A_35 = arith.addf %add3A_33, %add3A_34 : vector<3x3584xf32>
    %mul3A_36 = arith.constant 3584 : i32
    %mul3A_37 = arith.muli %arg0, %mul3A_36 : i32
    %iota3A = tpu.iota {dimensions = array<i32: 1>} : vector<1x3584xi32>
    %add3A_38 = vector.broadcast %mul3A_37 : i32 to vector<1x3584xi32>
    %add3A_39 = arith.addi %add3A_38, %iota3A : vector<1x3584xi32>
    %jit3A = arith.constant 40 : i32
    %eq3A = arith.constant 0 : i32
    %eq3A_40 = arith.cmpi eq, %jit3A, %eq3A : i32
    %jit3A_41 = arith.constant 1 : i32
    %select_n3A = arith.select %eq3A_40, %jit3A_41, %jit3A : i32
    %rem3A = vector.broadcast %select_n3A : i32 to vector<1x3584xi32>
    %rem3A_42 = arith.remsi %add3A_39, %rem3A : vector<1x3584xi32>
    %ne3A = arith.constant 0 : i32
    %ne3A_43 = vector.broadcast %ne3A : i32 to vector<1x3584xi32>
    %ne3A_44 = arith.cmpi ne, %rem3A_42, %ne3A_43 : vector<1x3584xi32>
    %lt3A = arith.constant 0 : i32
    %lt3A_45 = vector.broadcast %lt3A : i32 to vector<1x3584xi32>
    %lt3A_46 = arith.cmpi slt, %rem3A_42, %lt3A_45 : vector<1x3584xi32>
    %lt3A_47 = arith.constant 0 : i32
    %lt3A_48 = arith.cmpi slt, %select_n3A, %lt3A_47 : i32
    %ne3A_49 = vector.broadcast %lt3A_48 : i1 to vector<1x3584xi1>
    %ne3A_50 = vector.broadcast %ne3A_49 : vector<1x3584xi1> to vector<1x3584xi1>
    %ne3A_51 = arith.xori %lt3A_46, %ne3A_50 : vector<1x3584xi1>
    %and3A = arith.andi %ne3A_51, %ne3A_44 : vector<1x3584xi1>
    %add3A_52 = vector.broadcast %select_n3A : i32 to vector<1x3584xi32>
    %add3A_53 = arith.addi %rem3A_42, %add3A_52 : vector<1x3584xi32>
    %select_n3A_54 = arith.select %and3A, %add3A_53, %rem3A_42 : vector<1x3584xi1>, vector<1x3584xi32>
    %lt3A_55 = arith.constant 1960 : i32
    %lt3A_56 = vector.broadcast %lt3A_55 : i32 to vector<1x3584xi32>
    %lt3A_57 = arith.cmpi slt, %add3A_39, %lt3A_56 : vector<1x3584xi32>
    %le3A = arith.constant 13 : i32
    %le3A_58 = vector.broadcast %le3A : i32 to vector<1x3584xi32>
    %le3A_59 = arith.cmpi sle, %select_n3A_54, %le3A_58 : vector<1x3584xi32>
    %ge3A = arith.constant 25 : i32
    %ge3A_60 = vector.broadcast %ge3A : i32 to vector<1x3584xi32>
    %ge3A_61 = arith.cmpi sge, %select_n3A_54, %ge3A_60 : vector<1x3584xi32>
    %le3A_62 = arith.constant 38 : i32
    %le3A_63 = vector.broadcast %le3A_62 : i32 to vector<1x3584xi32>
    %le3A_64 = arith.cmpi sle, %select_n3A_54, %le3A_63 : vector<1x3584xi32>
    %and3A_65 = arith.andi %ge3A_61, %le3A_64 : vector<1x3584xi1>
    %or3A = arith.ori %le3A_59, %and3A_65 : vector<1x3584xi1>
    %and3A_66 = arith.andi %lt3A_57, %or3A : vector<1x3584xi1>
    %get3A_67 = arith.constant 0 : index
    %get3A_68 = arith.constant 0 : index
    %get3A_69 = vector.load %arg4[%get3A_67, %get3A_68] : memref<3x3584xf32, #tpu.memory_space<vmem>>, vector<3x3584xf32>
    %broadcast_in_dim3A = vector.shape_cast %and3A_66 : vector<1x3584xi1> to vector<1x3584xi1>
    %broadcast_in_dim3A_70 = vector.broadcast %broadcast_in_dim3A : vector<1x3584xi1> to vector<3x3584xi1>
    %select_n3A_71 = arith.select %broadcast_in_dim3A_70, %get3A_69, %add3A_35 : vector<3x3584xi1>, vector<3x3584xf32>
    %swap3A = arith.constant 0 : index
    %swap3A_72 = arith.constant 0 : index
    %swap3A_73 = vector.load %arg6[%swap3A, %swap3A_72] : memref<3x3584xf32, #tpu.memory_space<vmem>>, vector<3x3584xf32>
    tpu.vector_store %arg6[%swap3A, %swap3A_72], %select_n3A_71 {strides = array<i32>} : memref<3x3584xf32, #tpu.memory_space<vmem>>, vector<3x3584xf32>,
    return
  }
  func.func @transform_0(%arg0: i32) -> (i32, i32) {
    %c0_i32 = arith.constant 0 : i32
    %c0_i32_0 = arith.constant 0 : i32
    return %c0_i32, %arg0 : i32, i32
  }
  func.func @transform_1(%arg0: i32) -> (i32, i32) {
    %c0_i32 = arith.constant 0 : i32
    %c0_i32_0 = arith.constant 0 : i32
    return %c0_i32, %arg0 : i32, i32
  }
  func.func @transform_2(%arg0: i32) -> (i32, i32) {
    %c0_i32 = arith.constant 0 : i32
    %c0_i32_0 = arith.constant 0 : i32
    return %c0_i32, %arg0 : i32, i32
  }
  func.func @transform_3(%arg0: i32) -> (i32, i32) {
    %c0_i32 = arith.constant 0 : i32
    %c0_i32_0 = arith.constant 0 : i32
    return %c0_i32, %arg0 : i32, i32
  }
  func.func @transform_4(%arg0: i32) -> (i32, i32) {
    %c0_i32 = arith.constant 0 : i32
    %c0_i32_0 = arith.constant 0 : i32
    %c0_i32_1 = arith.constant 0 : i32
    return %c0_i32, %c0_i32_0 : i32, i32
  }
  func.func @transform_5(%arg0: i32) -> (i32, i32) {
    %c0_i32 = arith.constant 0 : i32
    %c0_i32_0 = arith.constant 0 : i32
    return %c0_i32, %arg0 : i32, i32
  }
}

</mosaic_0001>

<sc_bundles>
// kernel: kernel.10.cloned.1.call-start
scs
__scs_entry_jumppad:
0x0: {  	(pc) =	sbr.rel $0x88, $3  }
0x1: {  	(tag) =	ssettag $0x0;
	lr =	simm.s32 $0x1  }
0x2: {  	[smem:$0x3F99] =	sst lr;
	_ =	strace $0xD0000000  }
0x3: {  	_ = 	snop  }
0x4: {  	_ = 	snop  }
0x5: {  	_ = 	snop  }
0x6: {  	_ = 	snop  }
0x7: {  	_ = 	snop  }
__scs_overlays_trampoline_lowered:
0x8: {  	[smem:$0x3FA8] =	sst s0  }
0x9: {  	[smem:$0x3FA9] =	sst s1  }
0xa: {  	[smem:$0x3FAA] =	sst s2  }
0xb: {  	[smem:$0x3FAB] =	sst s3  }
0xc: {  	[smem:$0x3FAC] =	sst s4  }
0xd: {  	[smem:$0x3FAD] =	sst s5  }
0xe: {  	[smem:$0x3FAE] =	sst s6  }
0xf: {  	[smem:$0x3FAF] =	sst s7  }
0x10: {  	[smem:$0x3FB0] =	sst s8  }
0x11: {  	[smem:$0x3FB1] =	sst s9;
	s0 =	simm.s32 @!p0 $0x0  }
0x12: {  	s1 =	sld [smem:$0x3F97];
	s0 =	simm.s32 @p0 $0x1  }
0x13: {  	[smem:$0x3FB2] =	sst s0;
	s0 =	simm.s32 @!p1 $0x0  }
0x14: {  	s2 =	sld [smem:$0x3F96];
	s0 =	simm.s32 @p1 $0x1  }
0x15: {  	[smem:$0x3FB3] =	sst s0;
	s0 =	simm.s32 @!p2 $0x0  }
0x16: {  	s3 =	sld [smem:$0x3FDB];
	s0 =	simm.s32 @p2 $0x1  }
0x17: {  	s4 =	simm.s32 $0x1BF5;
	[smem:$0x3FB5] =	sst s0  }
0x18: {  	s0 =	sld [smem:$0x3F98];
	_ =	swait.ge [sflag:s4], $0x0  }
0x19: {  	s7 =	sld [smem:$0x3F99]  }
0x1a: {  	s8 =	sadd.s32 $0xFFFFE003, lr  }
0x1b: {  	s9 =	sadd.s32 $0xFFFFFEF7, lr;
	s5 =	simm.s32 $0xFFFFFFFF;
	p2 =	slt.u32 s8, $0xFFFFF086  }
0x1c: {  	p1 =	slt.u32 s9, $0xF7A;
	s5 =	simm.s32 @!p2 $0x0  }
0x1d: {  	s5 =	simm.s32 @p1 $0x1;
	p0 =	seq.s32 s7, s2  }
0x1e: {  	s7 =	smul.u32 @!p0 $0xF7A, s2;
	p2 =	seq.s32 @!p0 s5, $0x0  }
0x1f: {  	s9 =	smul.u32 $0xF7A, s1;
	s8 =	simm.s32 @!p0 $0x1BF5;
	p2 =	por !p2, p0  }
0x20: {  	[sflag:s8] =	ssyncset.s32 @!p0 $0xFFFFF086;
	s6 =	sadd.s32 @!p0 s3, s7;
	s7 =	simm.s32 @!p0 $0x108  }
0x21: {  	s3 =	sadd.s32 s3, s9;
	s6 =	sadd.s32 @!p0 $0x88, s6;
	s7 =	simm.s32 @p2 $0x1082  }
0x22: {  	[simem:s7], [sflag:s8] =	dma.local @!p0 [hbm:s6], $0xF7A  }
0x23: {  	s9 =	sor.u32 $0xD0000000, s2;
	s6 =	simm.s32 $0x108;
	_ =	swait.ge @!p0 [sflag:s8], $0x0  }
0x24: {  	s3 =	sadd.s32 $0x88, s3;
	s6 =	simm.s32 @!p1 $0x1082;
	[sflag:s4] =	ssyncset.s32 $0xFFFFF086  }
0x25: {  	[simem:s6], [sflag:s4] =	dma.local [hbm:s3], $0xF7A  }
0x26: {  	[smem:$0x3F99] =	sst s1;
	(tag) =	ssettag s2;
	_ =	strace s9  }
0x27: {  	s1 =	sld [smem:$0x3FA9]  }
0x28: {  	s2 =	sld [smem:$0x3FAA]  }
0x29: {  	s4 =	sld [smem:$0x3FAC]  }
0x2a: {  	p0 =	seq.s32 s5, $0x0;
	s5 =	sld [smem:$0x3FAD]  }
0x2b: {  	s6 =	sld [smem:$0x3FAE]  }
0x2c: {  	s7 =	sld [smem:$0x3FAF]  }
0x2d: {  	s3 =	simm.s32 $0x108;
	s8 =	sld [smem:$0x3FB0]  }
0x2e: {  	s3 =	simm.s32 @!p0 $0x1082;
	s9 =	sld [smem:$0x3FB1]  }
0x2f: {  	lr =	sadd.s32 s0, s3;
	s0 =	sld [smem:$0x3FA8]  }
0x30: {  	s3 =	sld [smem:$0x3FAB]  }
0x31: {  	[smem:$0x3FB4] =	sst s10  }
0x32: {  	s10 =	sld [smem:$0x3FB2];
	_ =	sdelay $0x3  }
0x33: {  	p0 =	seq.s32 s10, $0x1;
	s10 =	sld [smem:$0x3FB4];
	_ =	sdelay $0x3  }
0x34: {  	[smem:$0x3FB4] =	sst s10  }
0x35: {  	s10 =	sld [smem:$0x3FB3];
	_ =	sdelay $0x3  }
0x36: {  	p1 =	seq.s32 s10, $0x1;
	s10 =	sld [smem:$0x3FB4];
	_ =	sdelay $0x3  }
0x37: {  	[smem:$0x3FB4] =	sst s10  }
0x38: {  	s10 =	sld [smem:$0x3FB5]  }
0x39: {  	_ = 	snop;
	(pc) =	sbr.ind lr, $3  }
0x3a: {  	_ = 	snop  }
0x3b: {  	_ = 	snop  }
0x3c: {  	p2 =	seq.s32 s10, $0x1;
	s10 =	sld [smem:$0x3FB4]  }
0x3d: {  	_ =	shalt  }
0x3e: {  	_ =	shalt  }
0x3f: {  	_ =	shalt  }
0x40: {  	_ =	shalt  }
0x41: {  	_ =	shalt  }
0x42: {  	_ =	shalt  }
0x43: {  	_ =	shalt  }
0x44: {  	_ =	shalt  }
0x45: {  	_ =	shalt  }
0x46: {  	_ =	shalt  }
0x47: {  	_ =	shalt  }
0x48: {  	_ =	shalt  }
0x49: {  	_ =	shalt  }
0x4a: {  	_ =	shalt  }
0x4b: {  	_ =	shalt  }
0x4c: {  	_ =	shalt  }
0x4d: {  	_ =	shalt  }
0x4e: {  	_ =	shalt  }
0x4f: {  	_ =	shalt  }
0x50: {  	_ =	shalt  }
0x51: {  	_ =	shalt  }
0x52: {  	_ =	shalt  }
0x53: {  	_ =	shalt  }
0x54: {  	_ =	shalt  }
0x55: {  	_ =	shalt  }
0x56: {  	_ =	shalt  }
0x57: {  	_ =	shalt  }
0x58: {  	_ =	shalt  }
0x59: {  	_ =	shalt  }
0x5a: {  	_ =	shalt  }
0x5b: {  	_ =	shalt  }
0x5c: {  	_ =	shalt  }
0x5d: {  	_ =	shalt  }
0x5e: {  	_ =	shalt  }
0x5f: {  	_ =	shalt  }
0x60: {  	_ =	shalt  }
0x61: {  	_ =	shalt  }
0x62: {  	_ =	shalt  }
0x63: {  	_ =	shalt  }
0x64: {  	_ =	shalt  }
0x65: {  	_ =	shalt  }
0x66: {  	_ =	shalt  }
0x67: {  	_ =	shalt  }
0x68: {  	_ =	shalt  }
0x69: {  	_ =	shalt  }
0x6a: {  	_ =	shalt  }
0x6b: {  	_ =	shalt  }
0x6c: {  	_ =	shalt  }
0x6d: {  	_ =	shalt  }
0x6e: {  	_ =	shalt  }
0x6f: {  	_ =	shalt  }
0x70: {  	_ =	shalt  }
0x71: {  	_ =	shalt  }
0x72: {  	_ =	shalt  }
0x73: {  	_ =	shalt  }
0x74: {  	_ =	shalt  }
0x75: {  	_ =	shalt  }
0x76: {  	_ =	shalt  }
0x77: {  	_ =	shalt  }
0x78: {  	_ =	shalt  }
0x79: {  	_ =	shalt  }
0x7a: {  	_ =	shalt  }
0x7b: {  	_ =	shalt  }
0x7c: {  	_ =	shalt  }
0x7d: {  	_ =	shalt  }
0x7e: {  	_ =	shalt  }
0x7f: {  	_ =	shalt  }
0x80: {  	_ =	shalt  }
0x81: {  	_ =	shalt  }
0x82: {  	_ =	shalt  }
0x83: {  	_ =	shalt  }
0x84: {  	_ =	shalt  }
0x85: {  	_ =	shalt  }
0x86: {  	_ =	shalt  }
0x87: {  	_ =	shalt  }
.Lfunc_end0:
.L_simem_size_0:
called_computation_lowered:
.L_overlay_start_0:
0x88: {  	s2 =	sld [smem:$0x3FD9]  }
0x89: {  	s3 =	sld [smem:$0x3FFE];
	_ =	sdelay $0x1  }
0x8a: {  	s1 =	srdreg.scid  }
0x8b: {  	s0 =	sand.u32 $0x1, s1  }
0x8c: {  	s17 =	sshll.u32 s0, $0xA;
	s2 =	sadd.s32 s3, s2  }
0x8d: {  	s2 =	sadd.s32 s2, s17  }
0x8e: {  	[smem:$0x3FC0] =	sst s2  }
0x8f: {  	_ = 	snop  }
0x90: {  	s2 =	sld [smem:$0x3FD0];
	(tm) =	ssettm $0x1  }
0x91: {  	s18 =	sld [smem:$0x3FFB];
	_ =	sdelay $0x3  }
0x92: {  	_ =	strace s18  }
0x93: {  	s3 =	sld [smem:$0x3FFC];
	_ =	sdelay $0x3  }
0x94: {  	_ =	strace s3  }
0x95: {  	s3 =	sld [smem:$0x3FFD];
	_ =	sdelay $0x3  }
0x96: {  	_ =	strace s3  }
0x97: {  	_ =	strace $0x8FFFFFFF  }
0x98: {  	s19 =	sld [smem:$0x3FDB];
	_ =	sdelay $0x1  }
0x99: {  	s4 =	simm.s32 $_scs_section_size  }
0x9a: {  	s5 =	simm.s32 $_size__tile_overlayer_lowered;
	s6 =	simm.s32 $_tile_overlayer_lowered  }
0x9b: {  	s22 =	simm.s32 $0x1BFF;
	s21 =	sshll.u32 s6, $0x1;
	s3 =	sadd.s32 s4, s19  }
0x9c: {  	s7 =	simm.s32 $0x0;
	s20 =	sshll.u32 s5, $0x1;
	s5 =	sadd.s32 s21, s3  }
0x9d: {  	[timem:s7], [sflag:s22] =	dma.local [hbm:s5], s20  }
0x9e: {  	_ =	swait.ge [sflag:s22], s20  }
0x9f: {  	s4 =	ssub.s32 $0x0, s20;
	[sflag:s22] =	ssyncset.done $0x0  }
0xa0: {  	[sflag:s22] =	ssyncadd.s32 s4;
	_ =	sdelay $0x1  }
0xa1: {  	s23 =	simm.s32 $0x1B8B  }
0xa2: {  	_ =	swait.ge [sflag:s23], $0x1  }
0xa3: {  	[sflag:s23] =	ssyncset.done $0x0  }
0xa4: {  	s25 =	simm.s32 $0x1B8E;
	s24 =	sld [smem:$0x3FFE];
	[sflag:s23] =	ssyncadd.s32 $0xFFFFFFFF  }
0xa5: {  	s26 =	simm.s32 $execute0_lowered;
	[smem:$0x3FD2] =	sst s25  }
0xa6: {  	s5 =	sshll.u32 s26, $0x1;
	_ =	strace $0x80000046;
	[dreg:$0x1] =	wrdreg $0xFFFFFFFF  }
0xa7: {  	s28 =	simm.s32 $_size_execute0_lowered;
	s3 =	sadd.s32 s3, s5;
	[dreg:$0x0] =	wrdreg $0x0  }
0xa8: {  	s5 =	sshll.u32 s28, $0x1;
	[dreg:$0x2] =	wrdreg s3  }
0xa9: {  	[dreg:$0x3] =	wrdreg s5  }
0xaa: {  	[dreg:$0x4] =	wrdreg $0xC0  }
0xab: {  	_ =	task [dreg:s7], $0x5FFFF  }
0xac: {  	[dreg:$0x1] =	wrdreg $0xFFFFFFFF  }
0xad: {  	[dreg:$0x0] =	wrdreg $0x60  }
0xae: {  	[dreg:$0x2] =	wrdreg s24  }
0xaf: {  	[dreg:$0x3] =	wrdreg s2  }
0xb0: {  	[dreg:$0x4] =	wrdreg $0x0  }
0xb1: {  	[dreg:$0x5] =	wrdreg $0x18800  }
0xb2: {  	[dreg:$0x6] =	wrdreg $0x31000  }
0xb3: {  	[dreg:$0x7] =	wrdreg $0x49800  }
0xb4: {  	[dreg:$0x8] =	wrdreg $0x62000  }
0xb5: {  	[dreg:$0x9] =	wrdreg $0x7A800  }
0xb6: {  	[dreg:$0xa] =	wrdreg $0x93000  }
0xb7: {  	[dreg:$0xb] =	wrdreg $0x9  }
0xb8: {  	_ =	task.clear_ibuf [dreg:s7], $0xCFFFF;
	_ =	strace $0x90000046  }
0xb9: {  	s29 =	simm.s32 $0x9;
	_ =	strace $0x80000048  }
0xba: {  	_ =	swait.ge [sflag:s29], $0x1  }
0xbb: {  	[sflag:s29] =	ssyncadd.s32 $0xFFFFFFFF  }
0xbc: {  	_ =	strace $0x90000048  }
0xbd: {  	_ =	sfence  }
0xbe: {  	s30 =	sld [smem:$0x0];
	_ =	sdelay $0x2  }
0xbf: {  	s31 =	sshll.u32 s1, $0xD;
	s1 =	sshrl.u32 s1, $0x2  }
0xc0: {  	s3 =	sand.u32 $0x4000, s31;
	s1 =	sadd.s32 s1, s30  }
0xc1: {  	s0 =	sor.u32 s3, s0;
	s1 =	sshll.u32 s1, $0x11  }
0xc2: {  	s0 =	sor.u32 s1, s0  }
0xc3: {  	s0 =	sadd.s32 $0x8F2B, s0  }
0xc4: {  	[sflag:s0] =	ssyncadd.remote.s32 $0x1  }
0xc5: {  	_ =	sfence.sel $0xFFFF  }
0xc6: {  	[dreg:$0x0] =	wrdreg $0xFFFFFFFF;
	(pc) =	sbr.abs _section_cstart, $3  }
0xc7: {  	[dreg:$0x1] =	wrdreg $0xFFFFFFFF  }
0xc8: {  	_ =	task.clear_ibuf [dreg:s7], $0x2FFFF;
	_ =	strace $0x9FFFFFFF  }
0xc9: {  	(tm) =	ssettm $0x7FFFFFFF  }
tec
execute0_lowered:
.L_overlay_start_1:
0x0: {  	(tag) =	ssettag $0x1  }
0x1: {  	s1 =	rddreg [dreg:$0x0]  }
0x2: {  	s5 =	rddreg [dreg:$0x1]  }
0x3: {  	s0 =	rddreg [dreg:$0x2]  }
0x4: {  	s2 =	rddreg [dreg:$0x3]  }
0x5: {  	s3 =	rddreg [dreg:$0x4]  }
0x6: {  	s4 =	rddreg [dreg:$0x5]  }
0x7: {  	s6 =	rddreg [dreg:$0x6]  }
0x8: {  	s7 =	rddreg [dreg:$0x7]  }
0x9: {  	s8 =	rddreg [dreg:$0x8]  }
0xa: {  	s21 =	stileid.u32;
	s11 =	simm.s32 $0x0;
	s10 =	srdreg.scid  }
0xb: {  	s9 =	smul.u32 $0x1880, s21;
	[smem:$0x7FF] =	sst s11;
	s12 =	sand.u32 $0x1, s10  }
0xc: {  	s10 =	sadd.s32 $0x189200, s1;
	s11 =	sadd.s32 $0xC5800, s1;
	s15 =	sadd.s32 $0x1AC00, s1  }
0xd: {  	s26 =	sshll.u32 s21, $0x6;
	s29 =	sadd.s32 $0x11900, s1;
	_ =	strace $0x80000047  }
0xe: {  	s14 =	smul.u32 $0x62000, s12;
	[dreg:$0xa] =	wrdreg s15;
	s23 =	ssub.s32 $0x2, s12  }
0xf: {  	s18 =	sshll.u32 s12, $0x4;
	s15 =	sor.u32 $0x1C03, s26;
	s12 =	sxor.u32 $0x61B, s12  }
0x10: {  	s13 =	sshrl.u32 s9, $0x3;
	s16 =	sshrl.u32 s23, $0x1;
	s24 =	sor.u32 s21, s18  }
0x11: {  	s25 =	sadd.s32 s9, s0;
	s30 =	sadd.s32 s9, s2;
	s21 =	sadd.s32 s9, s4  }
0x12: {  	[dreg:$0x12] =	wrdreg s12;
	s17 =	sadd.s32 s13, s1;
	s14 =	sadd.s32 s9, s14  }
0x13: {  	s20 =	ssub.s32 s23, s16;
	[dreg:$0xb] =	wrdreg s25;
	s18 =	smul.u32 $0x61A, s24  }
0x14: {  	s28 =	smin.u32 s24, $0x10;
	[dreg:$0xc] =	wrdreg s30;
	s31 =	sadd.s32 s13, s29  }
0x15: {  	[dreg:$0x11] =	wrdreg s21;
	s23 =	sadd.s32 s9, s7;
	s14 =	sshrl.u32 s14, $0x3  }
0x16: {  	[dreg:$0xd] =	wrdreg s31;
	s29 =	smax.u32 s20, $0x1;
	s30 =	sshrl.u32 s23, $0x3  }
0x17: {  	s19 =	sadd.s32 s14, s1;
	s1 =	sadd.s32 $0x14A00, s1;
	[dreg:$0x17] =	wrdreg s29  }
0x18: {  	s16 =	sadd.s32 s28, s18;
	s18 =	sadd.s32 $0xE800, s17;
	[dreg:$0x19] =	wrdreg s30  }
0x19: {  	s22 =	sadd.s32 s9, s6;
	s1 =	sadd.s32 s13, s1;
	[dreg:$0x10] =	wrdreg s18  }
0x1a: {  	s14 =	sadd.s32 s5, s13;
	s13 =	sadd.s32 s9, s3;
	[dreg:$0xe] =	wrdreg s1  }
0x1b: {  	s12 =	simm.s32 $0x80;
	s24 =	sadd.s32 $0x1AE00, s19;
	[dreg:$0xf] =	wrdreg s13  }
0x1c: {  	s5 =	simm.s32 $0x3;
	s25 =	sadd.s32 $0x1DF00, s19;
	[dreg:$0x13] =	wrdreg s24  }
.Ltmp0:
0x1d: {  	s26 =	sadd.s32 $0x21000, s19;
	[dreg:$0x14] =	wrdreg s25;
	(pc) =	sbr.rel .LBB2_1-.Ltmp0, $4  }
0x1e: {  	s17 =	simm.s32 $0x2;
	s28 =	sadd.s32 $0x24100, s19;
	[dreg:$0x15] =	wrdreg s26  }
0x1f: {  	s9 =	sadd.s32 s9, s8;
	[dreg:$0x16] =	wrdreg s28;
	s1 =	sshrl.u32 s22, $0x3  }
0x20: {  	s18 =	simm.s32 $0x0;
	s31 =	sshrl.u32 s9, $0x3;
	[dreg:$0x18] =	wrdreg s1  }
0x21: {  	s9 =	simm.s32 $0xEF80;
	s13 =	simm.s32 $0x1;
	[dreg:$0x1a] =	wrdreg s31  }
.LBB2_9:
0x22: {  	_ =	swait.ge [sflag:s17], $0x80  }
0x23: {  	[sflag:s17] =	ssyncset.done $0x0  }
0x24: {  	[sflag:s17] =	ssyncadd.s32 $0xFFFFFF80  }
0x25: {  	_ =	swait.ge [sflag:s17], $0x80  }
0x26: {  	[sflag:s17] =	ssyncset.done $0x0  }
0x27: {  	[sflag:s17] =	ssyncadd.s32 $0xFFFFFF80  }
0x28: {  	_ =	swait.ge [sflag:s17], $0x80  }
0x29: {  	[sflag:s17] =	ssyncset.done $0x0  }
0x2a: {  	[sflag:s17] =	ssyncadd.s32 $0xFFFFFF80  }
0x2b: {  	_ =	swait.ge [sflag:s17], $0x80  }
0x2c: {  	[sflag:s17] =	ssyncset.done $0x0  }
0x2d: {  	[sflag:s17] =	ssyncadd.s32 $0xFFFFFF80  }
0x2e: {  	_ =	swait.ge [sflag:s17], $0x80  }
0x2f: {  	[sflag:s17] =	ssyncset.done $0x0  }
0x30: {  	[sflag:s17] =	ssyncadd.s32 $0xFFFFFF80  }
0x31: {  	_ =	swait.ge [sflag:s17], $0x80  }
0x32: {  	[sflag:s17] =	ssyncset.done $0x0  }
0x33: {  	[sflag:s17] =	ssyncadd.s32 $0xFFFFFF80  }
0x34: {  	_ =	swait.ge [sflag:s17], $0x80  }
0x35: {  	[sflag:s17] =	ssyncset.done $0x0  }
0x36: {  	[sflag:s17] =	ssyncadd.s32 $0xFFFFFF80  }
0x37: {  	_ =	swait.ge [sflag:s17], $0x80  }
0x38: {  	[sflag:s17] =	ssyncset.done $0x0  }
0x39: {  	[sflag:s17] =	ssyncadd.s32 $0xFFFFFF80  }
0x3a: {  	[bflag:$0x0] =	sbarrier.arrive $0xFFFF  }
0x3b: {  	s1 =	rddreg [dreg:$0x13]  }
0x3c: {  	s19 =	rddreg [dreg:$0x1b]  }
0x3d: {  	[hbm:s1], [sflag:s15] =	dma.local [spmem:s19], $0x310  }
0x3e: {  	_ =	swait.ge [sflag:s5], $0x310  }
0x3f: {  	[sflag:s5] =	ssyncset.done $0x0;
	s24 =	rddreg [dreg:$0x14]  }
0x40: {  	s25 =	rddreg [dreg:$0x1c];
	[sflag:s5] =	ssyncadd.s32 $0xFFFFFCF0  }
0x41: {  	[hbm:s24], [sflag:s15] =	dma.local [spmem:s25], $0x310  }
0x42: {  	_ =	swait.ge [sflag:s5], $0x310  }
0x43: {  	[sflag:s5] =	ssyncset.done $0x0;
	s26 =	rddreg [dreg:$0x15]  }
0x44: {  	s28 =	rddreg [dreg:$0x1d];
	[sflag:s5] =	ssyncadd.s32 $0xFFFFFCF0  }
0x45: {  	[hbm:s26], [sflag:s15] =	dma.local [spmem:s28], $0x310  }
0x46: {  	_ =	swait.ge [sflag:s5], $0x310  }
0x47: {  	[sflag:s5] =	ssyncset.done $0x0;
	s29 =	rddreg [dreg:$0x16]  }
0x48: {  	s30 =	rddreg [dreg:$0x1e];
	[sflag:s5] =	ssyncadd.s32 $0xFFFFFCF0  }
0x49: {  	[hbm:s29], [sflag:s15] =	dma.local [spmem:s30], $0x310  }
0x4a: {  	_ =	swait.ge [sflag:s5], $0x310  }
0x4b: {  	s18 =	sadd.s32 $0x1, s18;
	s31 =	rddreg [dreg:$0x17]  }
0x4c: {  	p0 =	sne.s32 s18, s31  }
.Ltmp1:
0x4d: {  	_ = 	snop;
	(pc) =	sbr.rel @!p0 .LBB2_10-.Ltmp1, $3  }
0x4e: {  	_ =	sdelay $0x1  }
0x4f: {  	[sflag:s5] =	ssyncset.done $0x0  }
0x50: {  	[sflag:s5] =	ssyncadd.s32 $0xFFFFFCF0  }
.LBB2_1:
0x51: {  	s1 =	rddreg [dreg:$0xb]  }
0x52: {  	s1 =	sshrl.u32 s1, $0x3  }
0x53: {  	[dreg:$0x1b] =	wrdreg s1  }
0x54: {  	[spmem:s1], [sflag:s15] =	dma.local [hbm:s14], $0x310  }
0x55: {  	_ =	swait.ge [sflag:s5], $0x310  }
0x56: {  	s21 =	rddreg [dreg:$0xc]  }
0x57: {  	[sflag:s5] =	ssyncset.done $0x0;
	s1 =	sshrl.u32 s21, $0x3  }
0x58: {  	[sflag:s5] =	ssyncadd.s32 $0xFFFFFCF0;
	[dreg:$0x1c] =	wrdreg s1  }
0x59: {  	[spmem:s1], [sflag:s15] =	dma.local [hbm:s14], $0x310  }
0x5a: {  	_ =	swait.ge [sflag:s5], $0x310  }
0x5b: {  	s22 =	rddreg [dreg:$0xf]  }
0x5c: {  	[sflag:s5] =	ssyncset.done $0x0;
	s1 =	sshrl.u32 s22, $0x3  }
0x5d: {  	[sflag:s5] =	ssyncadd.s32 $0xFFFFFCF0;
	[dreg:$0x1d] =	wrdreg s1  }
0x5e: {  	[spmem:s1], [sflag:s15] =	dma.local [hbm:s14], $0x310  }
0x5f: {  	_ =	swait.ge [sflag:s5], $0x310  }
0x60: {  	s23 =	rddreg [dreg:$0x11]  }
0x61: {  	[sflag:s5] =	ssyncset.done $0x0;
	s1 =	sshrl.u32 s23, $0x3  }
0x62: {  	[sflag:s5] =	ssyncadd.s32 $0xFFFFFCF0;
	[dreg:$0x1e] =	wrdreg s1  }
0x63: {  	[spmem:s1], [sflag:s15] =	dma.local [hbm:s14], $0x310  }
0x64: {  	_ =	swait.ge [sflag:s5], $0x310  }
0x65: {  	[sflag:s5] =	ssyncset.done $0x0;
	s24 =	rddreg [dreg:$0x10]  }
0x66: {  	s19 =	rddreg [dreg:$0x18];
	[sflag:s5] =	ssyncadd.s32 $0xFFFFFCF0  }
0x67: {  	[spmem:s19], [sflag:s15] =	dma.local [hbm:s24], $0x310  }
0x68: {  	_ =	swait.ge [sflag:s5], $0x310  }
0x69: {  	[sflag:s5] =	ssyncset.done $0x0;
	s25 =	rddreg [dreg:$0xd]  }
0x6a: {  	s26 =	rddreg [dreg:$0x19];
	[sflag:s5] =	ssyncadd.s32 $0xFFFFFCF0  }
0x6b: {  	[spmem:s26], [sflag:s15] =	dma.local [hbm:s25], $0x310  }
0x6c: {  	_ =	swait.ge [sflag:s5], $0x310  }
0x6d: {  	[sflag:s5] =	ssyncset.done $0x0;
	s28 =	rddreg [dreg:$0xe]  }
0x6e: {  	s29 =	rddreg [dreg:$0x1a];
	[sflag:s5] =	ssyncadd.s32 $0xFFFFFCF0  }
0x6f: {  	[spmem:s29], [sflag:s15] =	dma.local [hbm:s28], $0x310  }
0x70: {  	_ =	swait.ge [sflag:s5], $0x310  }
0x71: {  	[sflag:s5] =	ssyncset.done $0x0  }
0x72: {  	s30 =	simm.s32 $0x0;
	s31 =	rddreg [dreg:$0xa];
	[sflag:s5] =	ssyncadd.s32 $0xFFFFFCF0  }
0x73: {  	[tilespmem:s9], [sflag:$0x3] =	stream.linear.gather [hbm4b:s31+s30], $0x80, $0x38;
	[tilespmem:$0xF000] =	vst v63  }
0x74: {  	_ =	swait.ge [sflag:s5], $0x80  }
0x75: {  	[sflag:s5] =	ssyncset.done $0x0  }
0x76: {  	[sflag:s5] =	ssyncadd.s32 $0xFFFFFF80  }
0x77: {  	[bflag:$0x0] =	sbarrier.arrive $0xFFFF  }
0x78: {  	s24 =	simm.s32 $0x0;
	s26 =	simm.s32 $0x0;
	s23 =	rddreg [dreg:$0x12]  }
.LBB2_2:
0x79: {  	s1 =	sshll.u32 s26, $0x6  }
0x7a: {  	s1 =	sadd.s32 s1, s16  }
0x7b: {  	s1 =	sshll.u32 s1, $0x4  }
0x7c: {  	s25 =	simm.s32 $0x0;
	s1 =	sand.u32 $0x1FFFFFF0, s1  }
0x7d: {  	s28 =	simm.s32 $0xAB80;
	s31 =	smin.u32 s23, $0x40;
	s19 =	sadd.s32 s10, s1  }
0x7e: {  	[tilespmem:s28], [sflag:$0x3] =	stream.linear.gather [hbm4b:s19+s25], $0x2000, $0x38;
	[tilespmem:$0xF000] =	vst v63  }
0x7f: {  	s29 =	sshll.u32 s31, $0xB;
	_ =	swait.ge [sflag:s5], $0x2000  }
0x80: {  	p2 =	sne.s32 s29, $0x800;
	s22 =	sadd.s32 s11, s1;
	[sflag:s5] =	ssyncset.done $0x0  }
.Ltmp2:
0x81: {  	s1 =	simm.s32 $0xCB80;
	[sflag:s5] =	ssyncadd.s32 $0xFFFFE000;
	(pc) =	sbr.rel @!p2 .LBB2_3-.Ltmp2, $4  }
0x82: {  	[tilespmem:s1], [sflag:$0x3] =	stream.linear.gather [hbm4b:s22+s25], $0x2000, $0x38;
	[tilespmem:$0xF000] =	vst v63  }
0x83: {  	p0 =	slt.u32 s24, $0x2;
	_ =	swait.ge [sflag:s5], $0x2000  }
0x84: {  	s30 =	simm.s32 $0x800;
	p1 =	por $0x0, $0x0;
	[sflag:s5] =	ssyncset.done $0x0  }
0x85: {  	p0 =	por p0, p0;
	s19 =	sadd.s32 $0x1, s24;
	[sflag:s5] =	ssyncadd.s32 $0xFFFFE000  }
0x86: {  	s25 =	simm.s32 @!p0 $0x2  }
0x87: {  	_ =	swait.ge @!p0 [sflag:s25], $0x80  }
0x88: {  	[sflag:s25] =	ssyncset.done @!p0 $0x0  }
0x89: {  	[sflag:s25] =	ssyncadd.s32 @!p0 $0xFFFFFF80  }
0x8a: {  	_ =	swait.ge @!p0 [sflag:s25], $0x80  }
0x8b: {  	[sflag:s25] =	ssyncset.done @!p0 $0x0  }
0x8c: {  	[sflag:s25] =	ssyncadd.s32 @!p0 $0xFFFFFF80  }
0x8d: {  	_ =	swait.ge @!p0 [sflag:s25], $0x80  }
0x8e: {  	[sflag:s25] =	ssyncset.done @!p0 $0x0  }
0x8f: {  	[sflag:s25] =	ssyncadd.s32 @!p0 $0xFFFFFF80  }
0x90: {  	s31 =	simm.s32 $0x0;
	_ =	swait.ge @!p0 [sflag:s25], $0x80  }
0x91: {  	s31 =	sand.u32 $0x200, s31;
	[sflag:s25] =	ssyncset.done @!p0 $0x0  }
0x92: {  	s22 =	sadd.s32 $0xEB80, s31;
	[sflag:s25] =	ssyncadd.s32 @!p0 $0xFFFFFF80  }
0x93: {  	[tilespmem:s22], [sflag:$0x1] =	stream.indirect.gather [spmem:s6], $0x1, s28, s12, $0xb8;
	[tilespmem:$0xF000] =	vst v63  }
0x94: {  	s20 =	sor.u32 $0xEC00, s31  }
0x95: {  	[tilespmem:s20], [sflag:$0x1] =	stream.indirect.gather [spmem:s7], $0x1, s28, s12, $0xb8;
	[tilespmem:$0xF000] =	vst v63  }
0x96: {  	s21 =	sor.u32 $0xEC80, s31  }
0x97: {  	[tilespmem:s21], [sflag:$0x1] =	stream.indirect.gather [spmem:s8], $0x1, s28, s12, $0xb8;
	[tilespmem:$0xF000] =	vst v63  }
0x98: {  	_ =	swait.ge [sflag:s13], $0x80  }
0x99: {  	[sflag:s13] =	ssyncset.done $0x0  }
0x9a: {  	[sflag:s13] =	ssyncadd.s32 $0xFFFFFF80  }
0x9b: {  	_ =	swait.ge [sflag:s13], $0x80  }
0x9c: {  	[sflag:s13] =	ssyncset.done $0x0  }
0x9d: {  	[sflag:s13] =	ssyncadd.s32 $0xFFFFFF80  }
0x9e: {  	_ =	swait.ge [sflag:s13], $0x80  }
0x9f: {  	[sflag:s13] =	ssyncset.done $0x0  }
0xa0: {  	p2 =	sne.s32 s29, $0x1000;
	[sflag:s13] =	ssyncadd.s32 $0xFFFFFF80  }
0xa1: {  	[spmem:s0] =	stream.indirect.scatter.add.f32 [tilespmem:s22], [sflag:$0x2], $0x1, s1, s12, $0xb8;
	[tilespmem:$0xF000] =	vst v63  }
.Ltmp3:
0xa2: {  	p6 =	slt.u32 s19, $0x2;
	(pc) =	sbr.rel @!p2 .LBB2_5-.Ltmp3, $4  }
0xa3: {  	s19 =	sadd.s32 $0x1, s19;
	p1 =	por $0x1, $0x1;
	s31 =	simm.s32 $0x1000  }
0xa4: {  	[spmem:s2] =	stream.indirect.scatter.add.f32 [tilespmem:s20], [sflag:$0x2], $0x1, s1, s12, $0xb8;
	[tilespmem:$0xF000] =	vst v63  }
0xa5: {  	p0 =	por p6, p6;
	s25 =	simm.s32 $0xCC00;
	s28 =	simm.s32 $0xAC00  }
0xa6: {  	[spmem:s3] =	stream.indirect.scatter.add.f32 [tilespmem:s21], [sflag:$0x2], $0x1, s1, s12, $0xb8;
	[tilespmem:$0xF000] =	vst v63  }
.LBB2_6:
0xa7: {  	[spmem:s4] =	stream.indirect.scatter.add.f32 [tilespmem:s9], [sflag:$0x2], $0x1, s1, s12, $0xb8;
	[tilespmem:$0xF000] =	vst v63  }
0xa8: {  	s20 =	smov.u32 s31;
	s1 =	smov.u32 s25  }
0xa9: {  	p3 =	slt.u32 s19, $0x2;
	s31 =	sadd.s32 $0x800, s31;
	s21 =	simm.s32 @!p0 $0x2  }
0xaa: {  	p2 =	sne.s32 s29, s31;
	_ =	swait.ge @!p0 [sflag:s21], $0x80  }
0xab: {  	[sflag:s21] =	ssyncset.done @!p0 $0x0  }
0xac: {  	[sflag:s21] =	ssyncadd.s32 @!p0 $0xFFFFFF80  }
0xad: {  	_ =	swait.ge @!p0 [sflag:s21], $0x80  }
0xae: {  	[sflag:s21] =	ssyncset.done @!p0 $0x0  }
0xaf: {  	[sflag:s21] =	ssyncadd.s32 @!p0 $0xFFFFFF80  }
0xb0: {  	_ =	swait.ge @!p0 [sflag:s21], $0x80  }
0xb1: {  	[sflag:s21] =	ssyncset.done @!p0 $0x0  }
0xb2: {  	[sflag:s21] =	ssyncadd.s32 @!p0 $0xFFFFFF80  }
0xb3: {  	s22 =	sshrl.u32 s30, $0x2;
	s30 =	smov.u32 s20;
	_ =	swait.ge @!p0 [sflag:s21], $0x80  }
0xb4: {  	s20 =	sand.u32 $0x200, s22;
	[sflag:s21] =	ssyncset.done @!p0 $0x0  }
0xb5: {  	[sflag:s21] =	ssyncadd.s32 @!p0 $0xFFFFFF80;
	s21 =	sadd.s32 $0xEB80, s20;
	p0 =	por p3, p3  }
0xb6: {  	[tilespmem:s21], [sflag:$0x1] =	stream.indirect.gather [spmem:s6], $0x1, s28, s12, $0xb8;
	[tilespmem:$0xF000] =	vst v63  }
0xb7: {  	s22 =	sor.u32 $0xEC00, s20  }
0xb8: {  	[tilespmem:s22], [sflag:$0x1] =	stream.indirect.gather [spmem:s7], $0x1, s28, s12, $0xb8;
	[tilespmem:$0xF000] =	vst v63  }
0xb9: {  	s20 =	sor.u32 $0xEC80, s20  }
0xba: {  	[tilespmem:s20], [sflag:$0x1] =	stream.indirect.gather [spmem:s8], $0x1, s28, s12, $0xb8;
	[tilespmem:$0xF000] =	vst v63  }
0xbb: {  	_ =	swait.ge [sflag:s13], $0x80  }
0xbc: {  	[sflag:s13] =	ssyncset.done $0x0  }
0xbd: {  	[sflag:s13] =	ssyncadd.s32 $0xFFFFFF80  }
0xbe: {  	_ =	swait.ge [sflag:s13], $0x80  }
0xbf: {  	[sflag:s13] =	ssyncset.done $0x0  }
0xc0: {  	[sflag:s13] =	ssyncadd.s32 $0xFFFFFF80  }
0xc1: {  	_ =	swait.ge [sflag:s13], $0x80  }
0xc2: {  	[sflag:s13] =	ssyncset.done $0x0  }
0xc3: {  	[sflag:s13] =	ssyncadd.s32 $0xFFFFFF80  }
0xc4: {  	[spmem:s0] =	stream.indirect.scatter.add.f32 [tilespmem:s21], [sflag:$0x2], $0x1, s25, s12, $0xb8;
	[tilespmem:$0xF000] =	vst v63  }
.Ltmp4:
0xc5: {  	(pc) =	sbr.rel @p2 .LBB2_6-.Ltmp4, $4  }
0xc6: {  	[spmem:s2] =	stream.indirect.scatter.add.f32 [tilespmem:s22], [sflag:$0x2], $0x1, s25, s12, $0xb8;
	[tilespmem:$0xF000] =	vst v63  }
0xc7: {  	_ = 	snop  }
0xc8: {  	[spmem:s3] =	stream.indirect.scatter.add.f32 [tilespmem:s20], [sflag:$0x2], $0x1, s25, s12, $0xb8;
	[tilespmem:$0xF000] =	vst v63  }
0xc9: {  	s19 =	sadd.s32 $0x1, s19;
	s28 =	sadd.s32 $0x80, s28;
	s25 =	sadd.s32 $0x80, s25  }
0xca: {  	s19 =	smov.u32 s1;
	s1 =	smov.u32 s25;
	s25 =	smov.u32 s30  }
.LBB2_8:
0xcb: {  	[spmem:s4] =	stream.indirect.scatter.add.f32 @p1 [tilespmem:s9], [sflag:$0x2], $0x1, s19, s12, $0xb8;
	[tilespmem:$0xF000] =	vst v63  }
0xcc: {  	s19 =	simm.s32 @!p0 $0x2  }
0xcd: {  	_ =	swait.ge @!p0 [sflag:s19], $0x80  }
0xce: {  	[sflag:s19] =	ssyncset.done @!p0 $0x0  }
0xcf: {  	[sflag:s19] =	ssyncadd.s32 @!p0 $0xFFFFFF80  }
0xd0: {  	_ =	swait.ge @!p0 [sflag:s19], $0x80  }
0xd1: {  	[sflag:s19] =	ssyncset.done @!p0 $0x0  }
0xd2: {  	[sflag:s19] =	ssyncadd.s32 @!p0 $0xFFFFFF80  }
0xd3: {  	_ =	swait.ge @!p0 [sflag:s19], $0x80  }
0xd4: {  	[sflag:s19] =	ssyncset.done @!p0 $0x0  }
0xd5: {  	[sflag:s19] =	ssyncadd.s32 @!p0 $0xFFFFFF80  }
0xd6: {  	s20 =	sshrl.u32 s25, $0x2;
	_ =	swait.ge @!p0 [sflag:s19], $0x80  }
0xd7: {  	s20 =	sand.u32 $0x200, s20;
	[sflag:s19] =	ssyncset.done @!p0 $0x0  }
0xd8: {  	s31 =	sadd.s32 $0xEB80, s20;
	[sflag:s19] =	ssyncadd.s32 @!p0 $0xFFFFFF80  }
0xd9: {  	[tilespmem:s31], [sflag:$0x1] =	stream.indirect.gather [spmem:s6], $0x1, s28, s12, $0xb8;
	[tilespmem:$0xF000] =	vst v63  }
0xda: {  	s21 =	sor.u32 $0xEC00, s20  }
0xdb: {  	[tilespmem:s21], [sflag:$0x1] =	stream.indirect.gather [spmem:s7], $0x1, s28, s12, $0xb8;
	[tilespmem:$0xF000] =	vst v63  }
0xdc: {  	s20 =	sor.u32 $0xEC80, s20  }
0xdd: {  	[tilespmem:s20], [sflag:$0x1] =	stream.indirect.gather [spmem:s8], $0x1, s28, s12, $0xb8;
	[tilespmem:$0xF000] =	vst v63  }
0xde: {  	_ =	swait.ge [sflag:s13], $0x80  }
0xdf: {  	[sflag:s13] =	ssyncset.done $0x0  }
0xe0: {  	[sflag:s13] =	ssyncadd.s32 $0xFFFFFF80  }
0xe1: {  	_ =	swait.ge [sflag:s13], $0x80  }
0xe2: {  	[sflag:s13] =	ssyncset.done $0x0  }
0xe3: {  	[sflag:s13] =	ssyncadd.s32 $0xFFFFFF80  }
0xe4: {  	_ =	swait.ge [sflag:s13], $0x80  }
0xe5: {  	[sflag:s13] =	ssyncset.done $0x0  }
0xe6: {  	s26 =	sadd.s32 $0x1, s26;
	[sflag:s13] =	ssyncadd.s32 $0xFFFFFF80  }
0xe7: {  	[spmem:s0] =	stream.indirect.scatter.add.f32 [tilespmem:s31], [sflag:$0x2], $0x1, s1, s12, $0xb8;
	[tilespmem:$0xF000] =	vst v63  }
0xe8: {  	p0 =	sne.s32 s26, $0x19  }
0xe9: {  	[spmem:s2] =	stream.indirect.scatter.add.f32 [tilespmem:s21], [sflag:$0x2], $0x1, s1, s12, $0xb8;
	[tilespmem:$0xF000] =	vst v63  }
.Ltmp5:
0xea: {  	_ = 	snop;
	(pc) =	sbr.rel @p0 .LBB2_2-.Ltmp5, $4  }
.Ltmp6:
0xeb: {  	_ = 	snop;
	(pc) =	sbr.rel @!p0 .LBB2_9-.Ltmp6, $4  }
0xec: {  	[spmem:s3] =	stream.indirect.scatter.add.f32 [tilespmem:s20], [sflag:$0x2], $0x1, s1, s12, $0xb8;
	[tilespmem:$0xF000] =	vst v63  }
0xed: {  	s23 =	sadd.s32 $0xFFFFFFC0, s23;
	s24 =	sadd.s32 $0x40, s24  }
0xee: {  	[spmem:s4] =	stream.indirect.scatter.add.f32 [tilespmem:s9], [sflag:$0x2], $0x1, s1, s12, $0xb8;
	[tilespmem:$0xF000] =	vst v63  }
0xef: {  	_ = 	snop  }
.LBB2_3:
.Ltmp7:
0xf0: {  	(pc) =	sbr.rel .LBB2_8-.Ltmp7, $2  }
0xf1: {  	_ =	sdelay $0x2  }
0xf2: {  	_ = 	snop  }
.LBB2_5:
.Ltmp8:
0xf3: {  	(pc) =	sbr.rel .LBB2_8-.Ltmp8, $2  }
0xf4: {  	_ =	sdelay $0x2  }
0xf5: {  	s19 =	simm.s32 $0xCB80;
	s1 =	simm.s32 $0xCC00;
	s25 =	simm.s32 $0x800  }
.LBB2_10:
0xf6: {  	_ =	sfence.sel $0x180000  }
0xf7: {  	[bflag:$0x0] =	sbarrier.arrive $0xFFFF  }
0xf8: {  	_ =	strace $0x90000047  }
0xf9: {  	s0 =	stileid.u32;
	[bflag:$0x2] =	sbarrier.arrive $0xFFFF  }
0xfa: {  	p0 =	sne.s32 s0, $0x0;
	s0 =	rddreg [dreg:$0x9]  }
0xfb: {  	s0 =	sadd.s32 @!p0 $0x100000, s0  }
0xfc: {  	[sflag:s0] =	ssyncadd.tile.s32 @!p0 $0x1;
	_ =	shalt  }
.Lfunc_end2:
_tile_overlayer_lowered:
.L_overlay_start_2:
0xfd: {  	(tag) =	ssettag $0x2  }
0xfe: {  	s0 =	rddreg [dreg:$0x0];
	s2 =	stileid.u32  }
0xff: {  	s1 =	rddreg [dreg:$0x1];
	p0 =	sne.s32 s2, $0x0  }
0x100: {  	s3 =	rddreg [dreg:$0x2];
	[bflag:$0x3] =	sbarrier.arrive $0xFFFF;
	s2 =	simm.s32 @!p0 $0x1C03  }
0x101: {  	[timem:s3], [sflag:s2] =	dma.local @!p0 [hbm:s0], s1  }
0x102: {  	s0 =	simm.s32 @!p0 $0x3  }
0x103: {  	_ =	swait.ge @!p0 [sflag:s0], s1  }
0x104: {  	s1 =	ssub.s32 @!p0 $0x0, s1;
	[sflag:s0] =	ssyncset.done @!p0 $0x0  }
0x105: {  	[sflag:s0] =	ssyncadd.s32 @!p0 s1  }
0x106: {  	[bflag:$0x3] =	sbarrier.arrive $0xFFFF  }
0x107: {  	_ =	shalt  }

// kernel: kernel.13.cloned.1.call-start
scs
__scs_entry_jumppad:
0x0: {  	(pc) =	sbr.rel $0x88, $3  }
0x1: {  	(tag) =	ssettag $0x0;
	lr =	simm.s32 $0x1  }
0x2: {  	[smem:$0x3F99] =	sst lr;
	_ =	strace $0xD0000000  }
0x3: {  	_ = 	snop  }
0x4: {  	_ = 	snop  }
0x5: {  	_ = 	snop  }
0x6: {  	_ = 	snop  }
0x7: {  	_ = 	snop  }
__scs_overlays_trampoline_lowered:
0x8: {  	[smem:$0x3FA8] =	sst s0  }
0x9: {  	[smem:$0x3FA9] =	sst s1  }
0xa: {  	[smem:$0x3FAA] =	sst s2  }
0xb: {  	[smem:$0x3FAB] =	sst s3  }
0xc: {  	[smem:$0x3FAC] =	sst s4  }
0xd: {  	[smem:$0x3FAD] =	sst s5  }
0xe: {  	[smem:$0x3FAE] =	sst s6  }
0xf: {  	[smem:$0x3FAF] =	sst s7  }
0x10: {  	[smem:$0x3FB0] =	sst s8  }
0x11: {  	[smem:$0x3FB1] =	sst s9;
	s0 =	simm.s32 @!p0 $0x0  }
0x12: {  	s1 =	sld [smem:$0x3F97];
	s0 =	simm.s32 @p0 $0x1  }
0x13: {  	[smem:$0x3FB2] =	sst s0;
	s0 =	simm.s32 @!p1 $0x0  }
0x14: {  	s2 =	sld [smem:$0x3F96];
	s0 =	simm.s32 @p1 $0x1  }
0x15: {  	[smem:$0x3FB3] =	sst s0;
	s0 =	simm.s32 @!p2 $0x0  }
0x16: {  	s3 =	sld [smem:$0x3FDB];
	s0 =	simm.s32 @p2 $0x1  }
0x17: {  	s4 =	simm.s32 $0x1BF5;
	[smem:$0x3FB5] =	sst s0  }
0x18: {  	s0 =	sld [smem:$0x3F98];
	_ =	swait.ge [sflag:s4], $0x0  }
0x19: {  	s7 =	sld [smem:$0x3F99]  }
0x1a: {  	s8 =	sadd.s32 $0xFFFFE003, lr  }
0x1b: {  	s9 =	sadd.s32 $0xFFFFFEF7, lr;
	s5 =	simm.s32 $0xFFFFFFFF;
	p2 =	slt.u32 s8, $0xFFFFF086  }
0x1c: {  	p1 =	slt.u32 s9, $0xF7A;
	s5 =	simm.s32 @!p2 $0x0  }
0x1d: {  	s5 =	simm.s32 @p1 $0x1;
	p0 =	seq.s32 s7, s2  }
0x1e: {  	s7 =	smul.u32 @!p0 $0xF7A, s2;
	p2 =	seq.s32 @!p0 s5, $0x0  }
0x1f: {  	s9 =	smul.u32 $0xF7A, s1;
	s8 =	simm.s32 @!p0 $0x1BF5;
	p2 =	por !p2, p0  }
0x20: {  	[sflag:s8] =	ssyncset.s32 @!p0 $0xFFFFF086;
	s6 =	sadd.s32 @!p0 s3, s7;
	s7 =	simm.s32 @!p0 $0x108  }
0x21: {  	s3 =	sadd.s32 s3, s9;
	s6 =	sadd.s32 @!p0 $0x88, s6;
	s7 =	simm.s32 @p2 $0x1082  }
0x22: {  	[simem:s7], [sflag:s8] =	dma.local @!p0 [hbm:s6], $0xF7A  }
0x23: {  	s9 =	sor.u32 $0xD0000000, s2;
	s6 =	simm.s32 $0x108;
	_ =	swait.ge @!p0 [sflag:s8], $0x0  }
0x24: {  	s3 =	sadd.s32 $0x88, s3;
	s6 =	simm.s32 @!p1 $0x1082;
	[sflag:s4] =	ssyncset.s32 $0xFFFFF086  }
0x25: {  	[simem:s6], [sflag:s4] =	dma.local [hbm:s3], $0xF7A  }
0x26: {  	[smem:$0x3F99] =	sst s1;
	(tag) =	ssettag s2;
	_ =	strace s9  }
0x27: {  	s1 =	sld [smem:$0x3FA9]  }
0x28: {  	s2 =	sld [smem:$0x3FAA]  }
0x29: {  	s4 =	sld [smem:$0x3FAC]  }
0x2a: {  	p0 =	seq.s32 s5, $0x0;
	s5 =	sld [smem:$0x3FAD]  }
0x2b: {  	s6 =	sld [smem:$0x3FAE]  }
0x2c: {  	s7 =	sld [smem:$0x3FAF]  }
0x2d: {  	s3 =	simm.s32 $0x108;
	s8 =	sld [smem:$0x3FB0]  }
0x2e: {  	s3 =	simm.s32 @!p0 $0x1082;
	s9 =	sld [smem:$0x3FB1]  }
0x2f: {  	lr =	sadd.s32 s0, s3;
	s0 =	sld [smem:$0x3FA8]  }
0x30: {  	s3 =	sld [smem:$0x3FAB]  }
0x31: {  	[smem:$0x3FB4] =	sst s10  }
0x32: {  	s10 =	sld [smem:$0x3FB2];
	_ =	sdelay $0x3  }
0x33: {  	p0 =	seq.s32 s10, $0x1;
	s10 =	sld [smem:$0x3FB4];
	_ =	sdelay $0x3  }
0x34: {  	[smem:$0x3FB4] =	sst s10  }
0x35: {  	s10 =	sld [smem:$0x3FB3];
	_ =	sdelay $0x3  }
0x36: {  	p1 =	seq.s32 s10, $0x1;
	s10 =	sld [smem:$0x3FB4];
	_ =	sdelay $0x3  }
0x37: {  	[smem:$0x3FB4] =	sst s10  }
0x38: {  	s10 =	sld [smem:$0x3FB5]  }
0x39: {  	_ = 	snop;
	(pc) =	sbr.ind lr, $3  }
0x3a: {  	_ = 	snop  }
0x3b: {  	_ = 	snop  }
0x3c: {  	p2 =	seq.s32 s10, $0x1;
	s10 =	sld [smem:$0x3FB4]  }
0x3d: {  	_ =	shalt  }
0x3e: {  	_ =	shalt  }
0x3f: {  	_ =	shalt  }
0x40: {  	_ =	shalt  }
0x41: {  	_ =	shalt  }
0x42: {  	_ =	shalt  }
0x43: {  	_ =	shalt  }
0x44: {  	_ =	shalt  }
0x45: {  	_ =	shalt  }
0x46: {  	_ =	shalt  }
0x47: {  	_ =	shalt  }
0x48: {  	_ =	shalt  }
0x49: {  	_ =	shalt  }
0x4a: {  	_ =	shalt  }
0x4b: {  	_ =	shalt  }
0x4c: {  	_ =	shalt  }
0x4d: {  	_ =	shalt  }
0x4e: {  	_ =	shalt  }
0x4f: {  	_ =	shalt  }
0x50: {  	_ =	shalt  }
0x51: {  	_ =	shalt  }
0x52: {  	_ =	shalt  }
0x53: {  	_ =	shalt  }
0x54: {  	_ =	shalt  }
0x55: {  	_ =	shalt  }
0x56: {  	_ =	shalt  }
0x57: {  	_ =	shalt  }
0x58: {  	_ =	shalt  }
0x59: {  	_ =	shalt  }
0x5a: {  	_ =	shalt  }
0x5b: {  	_ =	shalt  }
0x5c: {  	_ =	shalt  }
0x5d: {  	_ =	shalt  }
0x5e: {  	_ =	shalt  }
0x5f: {  	_ =	shalt  }
0x60: {  	_ =	shalt  }
0x61: {  	_ =	shalt  }
0x62: {  	_ =	shalt  }
0x63: {  	_ =	shalt  }
0x64: {  	_ =	shalt  }
0x65: {  	_ =	shalt  }
0x66: {  	_ =	shalt  }
0x67: {  	_ =	shalt  }
0x68: {  	_ =	shalt  }
0x69: {  	_ =	shalt  }
0x6a: {  	_ =	shalt  }
0x6b: {  	_ =	shalt  }
0x6c: {  	_ =	shalt  }
0x6d: {  	_ =	shalt  }
0x6e: {  	_ =	shalt  }
0x6f: {  	_ =	shalt  }
0x70: {  	_ =	shalt  }
0x71: {  	_ =	shalt  }
0x72: {  	_ =	shalt  }
0x73: {  	_ =	shalt  }
0x74: {  	_ =	shalt  }
0x75: {  	_ =	shalt  }
0x76: {  	_ =	shalt  }
0x77: {  	_ =	shalt  }
0x78: {  	_ =	shalt  }
0x79: {  	_ =	shalt  }
0x7a: {  	_ =	shalt  }
0x7b: {  	_ =	shalt  }
0x7c: {  	_ =	shalt  }
0x7d: {  	_ =	shalt  }
0x7e: {  	_ =	shalt  }
0x7f: {  	_ =	shalt  }
0x80: {  	_ =	shalt  }
0x81: {  	_ =	shalt  }
0x82: {  	_ =	shalt  }
0x83: {  	_ =	shalt  }
0x84: {  	_ =	shalt  }
0x85: {  	_ =	shalt  }
0x86: {  	_ =	shalt  }
0x87: {  	_ =	shalt  }
.Lfunc_end0:
.L_simem_size_0:
called_computation.1_lowered:
.L_overlay_start_0:
0x88: {  	s2 =	sld [smem:$0x3FD9]  }
0x89: {  	s3 =	sld [smem:$0x3FFE];
	_ =	sdelay $0x1  }
0x8a: {  	s1 =	srdreg.scid  }
0x8b: {  	s0 =	sand.u32 $0x1, s1  }
0x8c: {  	s17 =	sshll.u32 s0, $0xA;
	s2 =	sadd.s32 s3, s2  }
0x8d: {  	s2 =	sadd.s32 s2, s17  }
0x8e: {  	[smem:$0x3FC0] =	sst s2  }
0x8f: {  	_ = 	snop  }
0x90: {  	s2 =	sld [smem:$0x3FD0];
	(tm) =	ssettm $0x1  }
0x91: {  	s18 =	sld [smem:$0x3FFB];
	_ =	sdelay $0x3  }
0x92: {  	_ =	strace s18  }
0x93: {  	s3 =	sld [smem:$0x3FFC];
	_ =	sdelay $0x3  }
0x94: {  	_ =	strace s3  }
0x95: {  	s3 =	sld [smem:$0x3FFD];
	_ =	sdelay $0x3  }
0x96: {  	_ =	strace s3  }
0x97: {  	_ =	strace $0x8FFFFFFF  }
0x98: {  	s19 =	sld [smem:$0x3FDB];
	_ =	sdelay $0x1  }
0x99: {  	s4 =	simm.s32 $_scs_section_size  }
0x9a: {  	s5 =	simm.s32 $_size__tile_overlayer_lowered;
	s6 =	simm.s32 $_tile_overlayer_lowered  }
0x9b: {  	s22 =	simm.s32 $0x1BFF;
	s21 =	sshll.u32 s6, $0x1;
	s3 =	sadd.s32 s4, s19  }
0x9c: {  	s7 =	simm.s32 $0x0;
	s20 =	sshll.u32 s5, $0x1;
	s5 =	sadd.s32 s21, s3  }
0x9d: {  	[timem:s7], [sflag:s22] =	dma.local [hbm:s5], s20  }
0x9e: {  	_ =	swait.ge [sflag:s22], s20  }
0x9f: {  	s4 =	ssub.s32 $0x0, s20;
	[sflag:s22] =	ssyncset.done $0x0  }
0xa0: {  	[sflag:s22] =	ssyncadd.s32 s4;
	_ =	sdelay $0x1  }
0xa1: {  	s23 =	simm.s32 $0x1B8B  }
0xa2: {  	_ =	swait.ge [sflag:s23], $0x1  }
0xa3: {  	[sflag:s23] =	ssyncset.done $0x0  }
0xa4: {  	s25 =	simm.s32 $0x1B8E;
	s24 =	sld [smem:$0x3FFE];
	[sflag:s23] =	ssyncadd.s32 $0xFFFFFFFF  }
0xa5: {  	s26 =	simm.s32 $execute0_lowered;
	[smem:$0x3FD2] =	sst s25  }
0xa6: {  	s5 =	sshll.u32 s26, $0x1;
	_ =	strace $0x80000049;
	[dreg:$0x1] =	wrdreg $0xFFFFFFFF  }
0xa7: {  	s28 =	simm.s32 $_size_execute0_lowered;
	s3 =	sadd.s32 s3, s5;
	[dreg:$0x0] =	wrdreg $0x0  }
0xa8: {  	s5 =	sshll.u32 s28, $0x1;
	[dreg:$0x2] =	wrdreg s3  }
0xa9: {  	[dreg:$0x3] =	wrdreg s5  }
0xaa: {  	[dreg:$0x4] =	wrdreg $0xC0  }
0xab: {  	_ =	task [dreg:s7], $0x5FFFF  }
0xac: {  	[dreg:$0x1] =	wrdreg $0xFFFFFFFF  }
0xad: {  	[dreg:$0x0] =	wrdreg $0x60  }
0xae: {  	[dreg:$0x2] =	wrdreg s24  }
0xaf: {  	[dreg:$0x3] =	wrdreg s2  }
0xb0: {  	[dreg:$0x4] =	wrdreg $0x0  }
0xb1: {  	[dreg:$0x5] =	wrdreg $0x18800  }
0xb2: {  	[dreg:$0x6] =	wrdreg $0x31000  }
0xb3: {  	[dreg:$0x7] =	wrdreg $0x49800  }
0xb4: {  	[dreg:$0x8] =	wrdreg $0x62000  }
0xb5: {  	[dreg:$0x9] =	wrdreg $0x7A800  }
0xb6: {  	[dreg:$0xa] =	wrdreg $0x93000  }
0xb7: {  	[dreg:$0xb] =	wrdreg $0xAB800  }
0xb8: {  	[dreg:$0xc] =	wrdreg $0x9  }
0xb9: {  	_ =	task.clear_ibuf [dreg:s7], $0xDFFFF;
	_ =	strace $0x90000049  }
0xba: {  	s29 =	simm.s32 $0x9;
	_ =	strace $0x8000004B  }
0xbb: {  	_ =	swait.ge [sflag:s29], $0x1  }
0xbc: {  	[sflag:s29] =	ssyncadd.s32 $0xFFFFFFFF  }
0xbd: {  	_ =	strace $0x9000004B  }
0xbe: {  	_ =	sfence  }
0xbf: {  	s30 =	sld [smem:$0x0];
	_ =	sdelay $0x2  }
0xc0: {  	s31 =	sshll.u32 s1, $0xD;
	s1 =	sshrl.u32 s1, $0x2  }
0xc1: {  	s3 =	sand.u32 $0x4000, s31;
	s1 =	sadd.s32 s1, s30  }
0xc2: {  	s0 =	sor.u32 s3, s0;
	s1 =	sshll.u32 s1, $0x11  }
0xc3: {  	s0 =	sor.u32 s1, s0  }
0xc4: {  	s0 =	sadd.s32 $0x8F2B, s0  }
0xc5: {  	[sflag:s0] =	ssyncadd.remote.s32 $0x1  }
0xc6: {  	_ =	sfence.sel $0xFFFF  }
0xc7: {  	[dreg:$0x0] =	wrdreg $0xFFFFFFFF;
	(pc) =	sbr.abs _section_cstart, $3  }
0xc8: {  	[dreg:$0x1] =	wrdreg $0xFFFFFFFF  }
0xc9: {  	_ =	task.clear_ibuf [dreg:s7], $0x2FFFF;
	_ =	strace $0x9FFFFFFF  }
0xca: {  	(tm) =	ssettm $0x7FFFFFFF  }
0xcb: {  	_ =	shalt  }
tec
execute0_lowered:
.L_overlay_start_1:
0x0: {  	(tag) =	ssettag $0x1  }
0x1: {  	s4 =	rddreg [dreg:$0x0]  }
0x2: {  	s6 =	rddreg [dreg:$0x1]  }
0x3: {  	s0 =	rddreg [dreg:$0x2]  }
0x4: {  	s1 =	rddreg [dreg:$0x3]  }
0x5: {  	s2 =	rddreg [dreg:$0x4]  }
0x6: {  	s3 =	rddreg [dreg:$0x5]  }
0x7: {  	s5 =	rddreg [dreg:$0x6]  }
0x8: {  	s7 =	rddreg [dreg:$0x7]  }
0x9: {  	s8 =	rddreg [dreg:$0x8]  }
0xa: {  	s9 =	rddreg [dreg:$0x9]  }
0xb: {  	s23 =	stileid.u32;
	s11 =	srdreg.scid;
	s10 =	simm.s32 $0x0  }
0xc: {  	s13 =	smul.u32 $0x1880, s23;
	s17 =	sand.u32 $0x1, s11;
	[smem:$0x7FF] =	sst s10  }
0xd: {  	s11 =	sadd.s32 $0x189200, s4;
	s12 =	sadd.s32 $0xC5800, s4;
	s24 =	sadd.s32 $0x11900, s4  }
0xe: {  	s25 =	sadd.s32 $0x14A00, s4;
	s14 =	smul.u32 $0x62000, s17;
	_ =	strace $0x8000004A  }
0xf: {  	s15 =	ssub.s32 $0x2, s17;
	s16 =	sshll.u32 s17, $0x4;
	s18 =	sshrl.u32 s13, $0x3  }
0x10: {  	s21 =	sshrl.u32 s15, $0x1;
	s16 =	sor.u32 s23, s16;
	s22 =	sadd.s32 s13, s0  }
0x11: {  	s28 =	sadd.s32 s13, s1;
	s30 =	sadd.s32 s13, s2;
	[dreg:$0xb] =	wrdreg s22  }
0x12: {  	s31 =	sadd.s32 s13, s3;
	s19 =	sadd.s32 s18, s4;
	[dreg:$0x10] =	wrdreg s28  }
0x13: {  	s14 =	sadd.s32 s13, s14;
	s21 =	ssub.s32 s15, s21;
	[dreg:$0x12] =	wrdreg s30  }
0x14: {  	s22 =	smul.u32 $0x61A, s16;
	s6 =	sadd.s32 s6, s18;
	[dreg:$0x13] =	wrdreg s31  }
0x15: {  	s16 =	smin.u32 s16, $0x10;
	s26 =	sadd.s32 s18, s25;
	[dreg:$0xc] =	wrdreg s6  }
0x16: {  	s14 =	sshrl.u32 s14, $0x3;
	s6 =	sadd.s32 s18, s24;
	[dreg:$0xe] =	wrdreg s26  }
0x17: {  	s29 =	sadd.s32 $0xE800, s19;
	s19 =	sadd.s32 s13, s8;
	[dreg:$0xd] =	wrdreg s6  }
0x18: {  	s28 =	smax.u32 s21, $0x1;
	s20 =	sadd.s32 s14, s4;
	[dreg:$0x11] =	wrdreg s29  }
0x19: {  	s16 =	sadd.s32 s16, s22;
	s22 =	sxor.u32 $0x61B, s17;
	[dreg:$0x19] =	wrdreg s28  }
0x1a: {  	s4 =	sadd.s32 $0x17B00, s4;
	s30 =	sshrl.u32 s19, $0x3;
	[dreg:$0x14] =	wrdreg s22  }
0x1b: {  	s23 =	sshll.u32 s23, $0x6;
	s4 =	sadd.s32 s18, s4;
	[dreg:$0x1c] =	wrdreg s30  }
0x1c: {  	s15 =	sor.u32 $0x1C03, s23;
	s23 =	sadd.s32 $0x1AE00, s20;
	[dreg:$0xf] =	wrdreg s4  }
0x1d: {  	s6 =	sadd.s32 s13, s5;
	s24 =	sadd.s32 $0x1DF00, s20;
	[dreg:$0x15] =	wrdreg s23  }
0x1e: {  	s17 =	simm.s32 $0x3;
	s25 =	sadd.s32 $0x21000, s20;
	[dreg:$0x16] =	wrdreg s24  }
.Ltmp0:
0x1f: {  	s26 =	sadd.s32 $0x24100, s20;
	[dreg:$0x17] =	wrdreg s25;
	(pc) =	sbr.rel .LBB2_1-.Ltmp0, $4  }
0x20: {  	s18 =	sadd.s32 s13, s7;
	[dreg:$0x18] =	wrdreg s26;
	s4 =	sshrl.u32 s6, $0x3  }
0x21: {  	s13 =	sadd.s32 s13, s9;
	s29 =	sshrl.u32 s18, $0x3;
	[dreg:$0x1a] =	wrdreg s4  }
0x22: {  	s19 =	simm.s32 $0x1;
	s31 =	sshrl.u32 s13, $0x3;
	[dreg:$0x1b] =	wrdreg s29  }
0x23: {  	s20 =	simm.s32 $0x2;
	s18 =	simm.s32 $0x80;
	[dreg:$0x1d] =	wrdreg s31  }
.LBB2_9:
0x24: {  	_ =	swait.ge [sflag:s20], $0x80  }
0x25: {  	[sflag:s20] =	ssyncset.done $0x0  }
0x26: {  	[sflag:s20] =	ssyncadd.s32 $0xFFFFFF80  }
0x27: {  	_ =	swait.ge [sflag:s20], $0x80  }
0x28: {  	[sflag:s20] =	ssyncset.done $0x0  }
0x29: {  	[sflag:s20] =	ssyncadd.s32 $0xFFFFFF80  }
0x2a: {  	_ =	swait.ge [sflag:s20], $0x80  }
0x2b: {  	[sflag:s20] =	ssyncset.done $0x0  }
0x2c: {  	[sflag:s20] =	ssyncadd.s32 $0xFFFFFF80  }
0x2d: {  	_ =	swait.ge [sflag:s20], $0x80  }
0x2e: {  	[sflag:s20] =	ssyncset.done $0x0  }
0x2f: {  	[sflag:s20] =	ssyncadd.s32 $0xFFFFFF80  }
0x30: {  	_ =	swait.ge [sflag:s20], $0x80  }
0x31: {  	[sflag:s20] =	ssyncset.done $0x0  }
0x32: {  	[sflag:s20] =	ssyncadd.s32 $0xFFFFFF80  }
0x33: {  	_ =	swait.ge [sflag:s20], $0x80  }
0x34: {  	[sflag:s20] =	ssyncset.done $0x0  }
0x35: {  	[sflag:s20] =	ssyncadd.s32 $0xFFFFFF80  }
0x36: {  	_ =	swait.ge [sflag:s20], $0x80  }
0x37: {  	[sflag:s20] =	ssyncset.done $0x0  }
0x38: {  	[sflag:s20] =	ssyncadd.s32 $0xFFFFFF80  }
0x39: {  	_ =	swait.ge [sflag:s20], $0x80  }
0x3a: {  	[sflag:s20] =	ssyncset.done $0x0  }
0x3b: {  	[sflag:s20] =	ssyncadd.s32 $0xFFFFFF80  }
0x3c: {  	[bflag:$0x0] =	sbarrier.arrive $0xFFFF  }
0x3d: {  	s4 =	rddreg [dreg:$0x15]  }
0x3e: {  	s6 =	rddreg [dreg:$0x1e]  }
0x3f: {  	[hbm:s4], [sflag:s15] =	dma.local [spmem:s6], $0x310  }
0x40: {  	_ =	swait.ge [sflag:s17], $0x310  }
0x41: {  	[sflag:s17] =	ssyncset.done $0x0;
	s24 =	rddreg [dreg:$0x16]  }
0x42: {  	s25 =	rddreg [dreg:$0x1f];
	[sflag:s17] =	ssyncadd.s32 $0xFFFFFCF0  }
0x43: {  	[hbm:s24], [sflag:s15] =	dma.local [spmem:s25], $0x310  }
0x44: {  	_ =	swait.ge [sflag:s17], $0x310  }
0x45: {  	s28 =	sld [smem:$0x7FC]  }
0x46: {  	[sflag:s17] =	ssyncset.done $0x0  }
0x47: {  	s26 =	rddreg [dreg:$0x17];
	[sflag:s17] =	ssyncadd.s32 $0xFFFFFCF0  }
0x48: {  	[hbm:s26], [sflag:s15] =	dma.local [spmem:s28], $0x310  }
0x49: {  	_ =	swait.ge [sflag:s17], $0x310  }
0x4a: {  	s30 =	sld [smem:$0x7FD]  }
0x4b: {  	[sflag:s17] =	ssyncset.done $0x0  }
0x4c: {  	s29 =	rddreg [dreg:$0x18];
	[sflag:s17] =	ssyncadd.s32 $0xFFFFFCF0  }
0x4d: {  	[hbm:s29], [sflag:s15] =	dma.local [spmem:s30], $0x310  }
0x4e: {  	_ =	swait.ge [sflag:s17], $0x310  }
0x4f: {  	s10 =	sadd.s32 $0x1, s10;
	s31 =	rddreg [dreg:$0x19]  }
0x50: {  	p0 =	sne.s32 s10, s31  }
.Ltmp1:
0x51: {  	_ = 	snop;
	(pc) =	sbr.rel @!p0 .LBB2_10-.Ltmp1, $3  }
0x52: {  	_ =	sdelay $0x1  }
0x53: {  	[sflag:s17] =	ssyncset.done $0x0  }
0x54: {  	[sflag:s17] =	ssyncadd.s32 $0xFFFFFCF0  }
.LBB2_1:
0x55: {  	s4 =	rddreg [dreg:$0xb]  }
0x56: {  	s31 =	rddreg [dreg:$0xc];
	s6 =	sshrl.u32 s4, $0x3  }
0x57: {  	[dreg:$0x1e] =	wrdreg s6  }
0x58: {  	[spmem:s6], [sflag:s15] =	dma.local [hbm:s31], $0x310  }
0x59: {  	_ =	swait.ge [sflag:s17], $0x310  }
0x5a: {  	s13 =	rddreg [dreg:$0x10]  }
0x5b: {  	[sflag:s17] =	ssyncset.done $0x0;
	s6 =	sshrl.u32 s13, $0x3  }
0x5c: {  	[sflag:s17] =	ssyncadd.s32 $0xFFFFFCF0;
	[dreg:$0x1f] =	wrdreg s6  }
0x5d: {  	[spmem:s6], [sflag:s15] =	dma.local [hbm:s31], $0x310  }
0x5e: {  	_ =	swait.ge [sflag:s17], $0x310  }
0x5f: {  	s14 =	rddreg [dreg:$0x12]  }
0x60: {  	[sflag:s17] =	ssyncset.done $0x0;
	s6 =	sshrl.u32 s14, $0x3  }
0x61: {  	[sflag:s17] =	ssyncadd.s32 $0xFFFFFCF0;
	[smem:$0x7FC] =	sst s6  }
0x62: {  	[spmem:s6], [sflag:s15] =	dma.local [hbm:s31], $0x310  }
0x63: {  	_ =	swait.ge [sflag:s17], $0x310  }
0x64: {  	s21 =	rddreg [dreg:$0x13]  }
0x65: {  	[sflag:s17] =	ssyncset.done $0x0;
	s6 =	sshrl.u32 s21, $0x3  }
0x66: {  	[sflag:s17] =	ssyncadd.s32 $0xFFFFFCF0;
	[smem:$0x7FD] =	sst s6  }
0x67: {  	[spmem:s6], [sflag:s15] =	dma.local [hbm:s31], $0x310  }
0x68: {  	_ =	swait.ge [sflag:s17], $0x310  }
0x69: {  	[sflag:s17] =	ssyncset.done $0x0;
	s22 =	rddreg [dreg:$0x11]  }
0x6a: {  	s23 =	rddreg [dreg:$0x1a];
	[sflag:s17] =	ssyncadd.s32 $0xFFFFFCF0  }
0x6b: {  	[spmem:s23], [sflag:s15] =	dma.local [hbm:s22], $0x310  }
0x6c: {  	_ =	swait.ge [sflag:s17], $0x310  }
0x6d: {  	[sflag:s17] =	ssyncset.done $0x0;
	s24 =	rddreg [dreg:$0xd]  }
0x6e: {  	s25 =	rddreg [dreg:$0x1b];
	[sflag:s17] =	ssyncadd.s32 $0xFFFFFCF0  }
0x6f: {  	[spmem:s25], [sflag:s15] =	dma.local [hbm:s24], $0x310  }
0x70: {  	_ =	swait.ge [sflag:s17], $0x310  }
0x71: {  	[sflag:s17] =	ssyncset.done $0x0;
	s26 =	rddreg [dreg:$0xe]  }
0x72: {  	s29 =	rddreg [dreg:$0x1c];
	[sflag:s17] =	ssyncadd.s32 $0xFFFFFCF0  }
0x73: {  	[spmem:s29], [sflag:s15] =	dma.local [hbm:s26], $0x310  }
0x74: {  	_ =	swait.ge [sflag:s17], $0x310  }
0x75: {  	[sflag:s17] =	ssyncset.done $0x0;
	s30 =	rddreg [dreg:$0xf]  }
0x76: {  	s31 =	rddreg [dreg:$0x1d];
	[sflag:s17] =	ssyncadd.s32 $0xFFFFFCF0  }
0x77: {  	[spmem:s31], [sflag:s15] =	dma.local [hbm:s30], $0x310  }
0x78: {  	_ =	swait.ge [sflag:s17], $0x310  }
0x79: {  	[sflag:s17] =	ssyncset.done $0x0  }
0x7a: {  	[sflag:s17] =	ssyncadd.s32 $0xFFFFFCF0  }
0x7b: {  	[bflag:$0x0] =	sbarrier.arrive $0xFFFF  }
0x7c: {  	s28 =	simm.s32 $0x0;
	s26 =	simm.s32 $0x0;
	s24 =	rddreg [dreg:$0x14]  }
.LBB2_2:
0x7d: {  	s4 =	sshll.u32 s28, $0x6  }
0x7e: {  	s4 =	sadd.s32 s4, s16  }
0x7f: {  	s4 =	sshll.u32 s4, $0x4  }
0x80: {  	s30 =	simm.s32 $0xC400;
	s6 =	sand.u32 $0x1FFFFFF0, s4  }
0x81: {  	s29 =	smin.u32 s24, $0x40;
	s4 =	simm.s32 $0x0;
	s13 =	sadd.s32 s11, s6  }
0x82: {  	[tilespmem:s30], [sflag:$0x3] =	stream.linear.gather [hbm4b:s13+s4], $0x2000, $0x38;
	[tilespmem:$0x10800] =	vst v63  }
0x83: {  	s31 =	sshll.u32 s29, $0xB;
	_ =	swait.ge [sflag:s17], $0x2000  }
0x84: {  	p2 =	sne.s32 s31, $0x800;
	s6 =	sadd.s32 s12, s6;
	[sflag:s17] =	ssyncset.done $0x0  }
.Ltmp2:
0x85: {  	s13 =	simm.s32 $0xE400;
	[sflag:s17] =	ssyncadd.s32 $0xFFFFE000;
	(pc) =	sbr.rel @!p2 .LBB2_3-.Ltmp2, $4  }
0x86: {  	[tilespmem:s13], [sflag:$0x3] =	stream.linear.gather [hbm4b:s6+s4], $0x2000, $0x38;
	[tilespmem:$0x10800] =	vst v63  }
0x87: {  	p0 =	slt.u32 s26, $0x2;
	_ =	swait.ge [sflag:s17], $0x2000  }
0x88: {  	s21 =	sadd.s32 $0x1, s26;
	p1 =	por $0x0, $0x0;
	[sflag:s17] =	ssyncset.done $0x0  }
0x89: {  	p0 =	por p0, p0;
	s6 =	simm.s32 $0x800;
	[sflag:s17] =	ssyncadd.s32 $0xFFFFE000  }
0x8a: {  	s4 =	simm.s32 @!p0 $0x2  }
0x8b: {  	_ =	swait.ge @!p0 [sflag:s4], $0x80  }
0x8c: {  	[sflag:s4] =	ssyncset.done @!p0 $0x0  }
0x8d: {  	[sflag:s4] =	ssyncadd.s32 @!p0 $0xFFFFFF80  }
0x8e: {  	_ =	swait.ge @!p0 [sflag:s4], $0x80  }
0x8f: {  	[sflag:s4] =	ssyncset.done @!p0 $0x0  }
0x90: {  	[sflag:s4] =	ssyncadd.s32 @!p0 $0xFFFFFF80  }
0x91: {  	_ =	swait.ge @!p0 [sflag:s4], $0x80  }
0x92: {  	[sflag:s4] =	ssyncset.done @!p0 $0x0  }
0x93: {  	[sflag:s4] =	ssyncadd.s32 @!p0 $0xFFFFFF80  }
0x94: {  	s22 =	simm.s32 $0x0;
	_ =	swait.ge @!p0 [sflag:s4], $0x80  }
0x95: {  	s22 =	sand.u32 $0x200, s22;
	[sflag:s4] =	ssyncset.done @!p0 $0x0  }
0x96: {  	s25 =	sor.u32 $0x10400, s22;
	[sflag:s4] =	ssyncadd.s32 @!p0 $0xFFFFFF80  }
0x97: {  	[tilespmem:s25], [sflag:$0x1] =	stream.indirect.gather [spmem:s5], $0x1, s30, s18, $0xb8;
	[tilespmem:$0x10800] =	vst v63  }
0x98: {  	s29 =	sor.u32 $0x10480, s22  }
0x99: {  	[tilespmem:s29], [sflag:$0x1] =	stream.indirect.gather [spmem:s7], $0x1, s30, s18, $0xb8;
	[tilespmem:$0x10800] =	vst v63  }
0x9a: {  	s23 =	sor.u32 $0x10500, s22  }
0x9b: {  	[tilespmem:s23], [sflag:$0x1] =	stream.indirect.gather [spmem:s8], $0x1, s30, s18, $0xb8;
	[tilespmem:$0x10800] =	vst v63  }
0x9c: {  	s22 =	sor.u32 $0x10580, s22  }
0x9d: {  	[tilespmem:s22], [sflag:$0x1] =	stream.indirect.gather [spmem:s9], $0x1, s30, s18, $0xb8;
	[tilespmem:$0x10800] =	vst v63  }
0x9e: {  	_ =	swait.ge [sflag:s19], $0x80  }
0x9f: {  	[sflag:s19] =	ssyncset.done $0x0  }
0xa0: {  	[sflag:s19] =	ssyncadd.s32 $0xFFFFFF80  }
0xa1: {  	_ =	swait.ge [sflag:s19], $0x80  }
0xa2: {  	[sflag:s19] =	ssyncset.done $0x0  }
0xa3: {  	[sflag:s19] =	ssyncadd.s32 $0xFFFFFF80  }
0xa4: {  	_ =	swait.ge [sflag:s19], $0x80  }
0xa5: {  	[sflag:s19] =	ssyncset.done $0x0  }
0xa6: {  	[sflag:s19] =	ssyncadd.s32 $0xFFFFFF80  }
0xa7: {  	_ =	swait.ge [sflag:s19], $0x80  }
0xa8: {  	[sflag:s19] =	ssyncset.done $0x0  }
0xa9: {  	p2 =	sne.s32 s31, $0x1000;
	[sflag:s19] =	ssyncadd.s32 $0xFFFFFF80  }
0xaa: {  	[spmem:s0] =	stream.indirect.scatter.add.f32 [tilespmem:s25], [sflag:$0x2], $0x1, s13, s18, $0xb8;
	[tilespmem:$0x10800] =	vst v63  }
.Ltmp3:
0xab: {  	p6 =	slt.u32 s21, $0x2;
	(pc) =	sbr.rel @!p2 .LBB2_5-.Ltmp3, $4  }
0xac: {  	s21 =	sadd.s32 $0x1, s21;
	p1 =	por $0x1, $0x1;
	s4 =	simm.s32 $0x1000  }
0xad: {  	[spmem:s1] =	stream.indirect.scatter.add.f32 [tilespmem:s29], [sflag:$0x2], $0x1, s13, s18, $0xb8;
	[tilespmem:$0x10800] =	vst v63  }
0xae: {  	p0 =	por p6, p6;
	s30 =	simm.s32 $0xC480;
	s29 =	simm.s32 $0xE480  }
0xaf: {  	[spmem:s2] =	stream.indirect.scatter.add.f32 [tilespmem:s23], [sflag:$0x2], $0x1, s13, s18, $0xb8;
	[tilespmem:$0x10800] =	vst v63  }
.LBB2_6:
0xb0: {  	[spmem:s3] =	stream.indirect.scatter.add.f32 [tilespmem:s22], [sflag:$0x2], $0x1, s13, s18, $0xb8;
	[tilespmem:$0x10800] =	vst v63  }
0xb1: {  	s22 =	smov.u32 s4;
	s13 =	smov.u32 s29  }
0xb2: {  	p3 =	slt.u32 s21, $0x2;
	s4 =	sadd.s32 $0x800, s4;
	s23 =	simm.s32 @!p0 $0x2  }
0xb3: {  	p2 =	sne.s32 s31, s4;
	_ =	swait.ge @!p0 [sflag:s23], $0x80  }
0xb4: {  	[sflag:s23] =	ssyncset.done @!p0 $0x0  }
0xb5: {  	[sflag:s23] =	ssyncadd.s32 @!p0 $0xFFFFFF80  }
0xb6: {  	_ =	swait.ge @!p0 [sflag:s23], $0x80  }
0xb7: {  	[sflag:s23] =	ssyncset.done @!p0 $0x0  }
0xb8: {  	[sflag:s23] =	ssyncadd.s32 @!p0 $0xFFFFFF80  }
0xb9: {  	_ =	swait.ge @!p0 [sflag:s23], $0x80  }
0xba: {  	[sflag:s23] =	ssyncset.done @!p0 $0x0  }
0xbb: {  	[sflag:s23] =	ssyncadd.s32 @!p0 $0xFFFFFF80  }
0xbc: {  	s25 =	sshrl.u32 s6, $0x2;
	s6 =	smov.u32 s22;
	_ =	swait.ge @!p0 [sflag:s23], $0x80  }
0xbd: {  	s22 =	sand.u32 $0x200, s25;
	[sflag:s23] =	ssyncset.done @!p0 $0x0  }
0xbe: {  	[sflag:s23] =	ssyncadd.s32 @!p0 $0xFFFFFF80;
	s23 =	sor.u32 $0x10400, s22;
	p0 =	por p3, p3  }
0xbf: {  	[tilespmem:s23], [sflag:$0x1] =	stream.indirect.gather [spmem:s5], $0x1, s30, s18, $0xb8;
	[tilespmem:$0x10800] =	vst v63  }
0xc0: {  	s25 =	sor.u32 $0x10480, s22  }
0xc1: {  	[tilespmem:s25], [sflag:$0x1] =	stream.indirect.gather [spmem:s7], $0x1, s30, s18, $0xb8;
	[tilespmem:$0x10800] =	vst v63  }
0xc2: {  	s14 =	sor.u32 $0x10500, s22  }
0xc3: {  	[tilespmem:s14], [sflag:$0x1] =	stream.indirect.gather [spmem:s8], $0x1, s30, s18, $0xb8;
	[tilespmem:$0x10800] =	vst v63  }
0xc4: {  	s22 =	sor.u32 $0x10580, s22  }
0xc5: {  	[tilespmem:s22], [sflag:$0x1] =	stream.indirect.gather [spmem:s9], $0x1, s30, s18, $0xb8;
	[tilespmem:$0x10800] =	vst v63  }
0xc6: {  	_ =	swait.ge [sflag:s19], $0x80  }
0xc7: {  	[sflag:s19] =	ssyncset.done $0x0  }
0xc8: {  	[sflag:s19] =	ssyncadd.s32 $0xFFFFFF80  }
0xc9: {  	_ =	swait.ge [sflag:s19], $0x80  }
0xca: {  	[sflag:s19] =	ssyncset.done $0x0  }
0xcb: {  	[sflag:s19] =	ssyncadd.s32 $0xFFFFFF80  }
0xcc: {  	_ =	swait.ge [sflag:s19], $0x80  }
0xcd: {  	[sflag:s19] =	ssyncset.done $0x0  }
0xce: {  	[sflag:s19] =	ssyncadd.s32 $0xFFFFFF80  }
0xcf: {  	_ =	swait.ge [sflag:s19], $0x80  }
0xd0: {  	[sflag:s19] =	ssyncset.done $0x0  }
0xd1: {  	[sflag:s19] =	ssyncadd.s32 $0xFFFFFF80  }
0xd2: {  	[spmem:s0] =	stream.indirect.scatter.add.f32 [tilespmem:s23], [sflag:$0x2], $0x1, s29, s18, $0xb8;
	[tilespmem:$0x10800] =	vst v63  }
.Ltmp4:
0xd3: {  	(pc) =	sbr.rel @p2 .LBB2_6-.Ltmp4, $4  }
0xd4: {  	[spmem:s1] =	stream.indirect.scatter.add.f32 [tilespmem:s25], [sflag:$0x2], $0x1, s29, s18, $0xb8;
	[tilespmem:$0x10800] =	vst v63  }
0xd5: {  	_ = 	snop  }
0xd6: {  	[spmem:s2] =	stream.indirect.scatter.add.f32 [tilespmem:s14], [sflag:$0x2], $0x1, s29, s18, $0xb8;
	[tilespmem:$0x10800] =	vst v63  }
0xd7: {  	s21 =	sadd.s32 $0x1, s21;
	s30 =	sadd.s32 $0x80, s30;
	s29 =	sadd.s32 $0x80, s29  }
0xd8: {  	s21 =	smov.u32 s13;
	s13 =	smov.u32 s29;
	s4 =	smov.u32 s6  }
.LBB2_8:
0xd9: {  	[spmem:s3] =	stream.indirect.scatter.add.f32 @p1 [tilespmem:s22], [sflag:$0x2], $0x1, s21, s18, $0xb8;
	[tilespmem:$0x10800] =	vst v63  }
0xda: {  	s6 =	simm.s32 @!p0 $0x2  }
0xdb: {  	_ =	swait.ge @!p0 [sflag:s6], $0x80  }
0xdc: {  	[sflag:s6] =	ssyncset.done @!p0 $0x0  }
0xdd: {  	[sflag:s6] =	ssyncadd.s32 @!p0 $0xFFFFFF80  }
0xde: {  	_ =	swait.ge @!p0 [sflag:s6], $0x80  }
0xdf: {  	[sflag:s6] =	ssyncset.done @!p0 $0x0  }
0xe0: {  	[sflag:s6] =	ssyncadd.s32 @!p0 $0xFFFFFF80  }
0xe1: {  	_ =	swait.ge @!p0 [sflag:s6], $0x80  }
0xe2: {  	[sflag:s6] =	ssyncset.done @!p0 $0x0  }
0xe3: {  	[sflag:s6] =	ssyncadd.s32 @!p0 $0xFFFFFF80  }
0xe4: {  	s4 =	sshrl.u32 s4, $0x2;
	_ =	swait.ge @!p0 [sflag:s6], $0x80  }
0xe5: {  	s4 =	sand.u32 $0x200, s4;
	[sflag:s6] =	ssyncset.done @!p0 $0x0  }
0xe6: {  	s29 =	sor.u32 $0x10400, s4;
	[sflag:s6] =	ssyncadd.s32 @!p0 $0xFFFFFF80  }
0xe7: {  	[tilespmem:s29], [sflag:$0x1] =	stream.indirect.gather [spmem:s5], $0x1, s30, s18, $0xb8;
	[tilespmem:$0x10800] =	vst v63  }
0xe8: {  	s14 =	sor.u32 $0x10480, s4  }
0xe9: {  	[tilespmem:s14], [sflag:$0x1] =	stream.indirect.gather [spmem:s7], $0x1, s30, s18, $0xb8;
	[tilespmem:$0x10800] =	vst v63  }
0xea: {  	s31 =	sor.u32 $0x10500, s4  }
0xeb: {  	[tilespmem:s31], [sflag:$0x1] =	stream.indirect.gather [spmem:s8], $0x1, s30, s18, $0xb8;
	[tilespmem:$0x10800] =	vst v63  }
0xec: {  	s4 =	sor.u32 $0x10580, s4  }
0xed: {  	[tilespmem:s4], [sflag:$0x1] =	stream.indirect.gather [spmem:s9], $0x1, s30, s18, $0xb8;
	[tilespmem:$0x10800] =	vst v63  }
0xee: {  	_ =	swait.ge [sflag:s19], $0x80  }
0xef: {  	[sflag:s19] =	ssyncset.done $0x0  }
0xf0: {  	[sflag:s19] =	ssyncadd.s32 $0xFFFFFF80  }
0xf1: {  	_ =	swait.ge [sflag:s19], $0x80  }
0xf2: {  	[sflag:s19] =	ssyncset.done $0x0  }
0xf3: {  	[sflag:s19] =	ssyncadd.s32 $0xFFFFFF80  }
0xf4: {  	_ =	swait.ge [sflag:s19], $0x80  }
0xf5: {  	[sflag:s19] =	ssyncset.done $0x0  }
0xf6: {  	[sflag:s19] =	ssyncadd.s32 $0xFFFFFF80  }
0xf7: {  	_ =	swait.ge [sflag:s19], $0x80  }
0xf8: {  	[sflag:s19] =	ssyncset.done $0x0  }
0xf9: {  	s28 =	sadd.s32 $0x1, s28;
	[sflag:s19] =	ssyncadd.s32 $0xFFFFFF80  }
0xfa: {  	[spmem:s0] =	stream.indirect.scatter.add.f32 [tilespmem:s29], [sflag:$0x2], $0x1, s13, s18, $0xb8;
	[tilespmem:$0x10800] =	vst v63  }
0xfb: {  	p0 =	sne.s32 s28, $0x19  }
0xfc: {  	[spmem:s1] =	stream.indirect.scatter.add.f32 [tilespmem:s14], [sflag:$0x2], $0x1, s13, s18, $0xb8;
	[tilespmem:$0x10800] =	vst v63  }
.Ltmp5:
0xfd: {  	_ = 	snop;
	(pc) =	sbr.rel @p0 .LBB2_2-.Ltmp5, $4  }
.Ltmp6:
0xfe: {  	_ = 	snop;
	(pc) =	sbr.rel @!p0 .LBB2_9-.Ltmp6, $4  }
0xff: {  	[spmem:s2] =	stream.indirect.scatter.add.f32 [tilespmem:s31], [sflag:$0x2], $0x1, s13, s18, $0xb8;
	[tilespmem:$0x10800] =	vst v63  }
0x100: {  	s24 =	sadd.s32 $0xFFFFFFC0, s24;
	s26 =	sadd.s32 $0x40, s26  }
0x101: {  	[spmem:s3] =	stream.indirect.scatter.add.f32 [tilespmem:s4], [sflag:$0x2], $0x1, s13, s18, $0xb8;
	[tilespmem:$0x10800] =	vst v63  }
0x102: {  	_ = 	snop  }
.LBB2_3:
.Ltmp7:
0x103: {  	(pc) =	sbr.rel .LBB2_8-.Ltmp7, $2  }
0x104: {  	_ =	sdelay $0x2  }
0x105: {  	_ = 	snop  }
.LBB2_5:
.Ltmp8:
0x106: {  	(pc) =	sbr.rel .LBB2_8-.Ltmp8, $2  }
0x107: {  	_ =	sdelay $0x2  }
0x108: {  	s21 =	simm.s32 $0xE400;
	s13 =	simm.s32 $0xE480;
	s4 =	simm.s32 $0x800  }
.LBB2_10:
0x109: {  	_ =	sfence.sel $0x180000  }
0x10a: {  	[bflag:$0x0] =	sbarrier.arrive $0xFFFF  }
0x10b: {  	_ =	strace $0x9000004A  }
0x10c: {  	s0 =	stileid.u32;
	[bflag:$0x2] =	sbarrier.arrive $0xFFFF  }
0x10d: {  	p0 =	sne.s32 s0, $0x0;
	s0 =	rddreg [dreg:$0xa]  }
0x10e: {  	s0 =	sadd.s32 @!p0 $0x100000, s0  }
0x10f: {  	[sflag:s0] =	ssyncadd.tile.s32 @!p0 $0x1;
	_ =	shalt  }
.Lfunc_end2:
_tile_overlayer_lowered:
.L_overlay_start_2:
0x110: {  	(tag) =	ssettag $0x2  }
0x111: {  	s0 =	rddreg [dreg:$0x0];
	s2 =	stileid.u32  }
0x112: {  	s1 =	rddreg [dreg:$0x1];
	p0 =	sne.s32 s2, $0x0  }
0x113: {  	s3 =	rddreg [dreg:$0x2];
	[bflag:$0x3] =	sbarrier.arrive $0xFFFF;
	s2 =	simm.s32 @!p0 $0x1C03  }
0x114: {  	[timem:s3], [sflag:s2] =	dma.local @!p0 [hbm:s0], s1  }
0x115: {  	s0 =	simm.s32 @!p0 $0x3  }
0x116: {  	_ =	swait.ge @!p0 [sflag:s0], s1  }
0x117: {  	s1 =	ssub.s32 @!p0 $0x0, s1;
	[sflag:s0] =	ssyncset.done @!p0 $0x0  }
0x118: {  	[sflag:s0] =	ssyncadd.s32 @!p0 s1  }
0x119: {  	[bflag:$0x3] =	sbarrier.arrive $0xFFFF  }
0x11a: {  	_ =	shalt  }

// kernel: kernel.16.cloned.1.call-start
scs
__scs_entry_jumppad:
0x0: {  	(pc) =	sbr.rel $0x88, $3  }
0x1: {  	(tag) =	ssettag $0x0;
	lr =	simm.s32 $0x1  }
0x2: {  	[smem:$0x3F99] =	sst lr;
	_ =	strace $0xD0000000  }
0x3: {  	_ = 	snop  }
0x4: {  	_ = 	snop  }
0x5: {  	_ = 	snop  }
0x6: {  	_ = 	snop  }
0x7: {  	_ = 	snop  }
__scs_overlays_trampoline_lowered:
0x8: {  	[smem:$0x3FA8] =	sst s0  }
0x9: {  	[smem:$0x3FA9] =	sst s1  }
0xa: {  	[smem:$0x3FAA] =	sst s2  }
0xb: {  	[smem:$0x3FAB] =	sst s3  }
0xc: {  	[smem:$0x3FAC] =	sst s4  }
0xd: {  	[smem:$0x3FAD] =	sst s5  }
0xe: {  	[smem:$0x3FAE] =	sst s6  }
0xf: {  	[smem:$0x3FAF] =	sst s7  }
0x10: {  	[smem:$0x3FB0] =	sst s8  }
0x11: {  	[smem:$0x3FB1] =	sst s9;
	s0 =	simm.s32 @!p0 $0x0  }
0x12: {  	s1 =	sld [smem:$0x3F97];
	s0 =	simm.s32 @p0 $0x1  }
0x13: {  	[smem:$0x3FB2] =	sst s0;
	s0 =	simm.s32 @!p1 $0x0  }
0x14: {  	s2 =	sld [smem:$0x3F96];
	s0 =	simm.s32 @p1 $0x1  }
0x15: {  	[smem:$0x3FB3] =	sst s0;
	s0 =	simm.s32 @!p2 $0x0  }
0x16: {  	s3 =	sld [smem:$0x3FDB];
	s0 =	simm.s32 @p2 $0x1  }
0x17: {  	s4 =	simm.s32 $0x1BF5;
	[smem:$0x3FB5] =	sst s0  }
0x18: {  	s0 =	sld [smem:$0x3F98];
	_ =	swait.ge [sflag:s4], $0x0  }
0x19: {  	s7 =	sld [smem:$0x3F99]  }
0x1a: {  	s8 =	sadd.s32 $0xFFFFE003, lr  }
0x1b: {  	s9 =	sadd.s32 $0xFFFFFEF7, lr;
	s5 =	simm.s32 $0xFFFFFFFF;
	p2 =	slt.u32 s8, $0xFFFFF086  }
0x1c: {  	p1 =	slt.u32 s9, $0xF7A;
	s5 =	simm.s32 @!p2 $0x0  }
0x1d: {  	s5 =	simm.s32 @p1 $0x1;
	p0 =	seq.s32 s7, s2  }
0x1e: {  	s7 =	smul.u32 @!p0 $0xF7A, s2;
	p2 =	seq.s32 @!p0 s5, $0x0  }
0x1f: {  	s9 =	smul.u32 $0xF7A, s1;
	s8 =	simm.s32 @!p0 $0x1BF5;
	p2 =	por !p2, p0  }
0x20: {  	[sflag:s8] =	ssyncset.s32 @!p0 $0xFFFFF086;
	s6 =	sadd.s32 @!p0 s3, s7;
	s7 =	simm.s32 @!p0 $0x108  }
0x21: {  	s3 =	sadd.s32 s3, s9;
	s6 =	sadd.s32 @!p0 $0x88, s6;
	s7 =	simm.s32 @p2 $0x1082  }
0x22: {  	[simem:s7], [sflag:s8] =	dma.local @!p0 [hbm:s6], $0xF7A  }
0x23: {  	s9 =	sor.u32 $0xD0000000, s2;
	s6 =	simm.s32 $0x108;
	_ =	swait.ge @!p0 [sflag:s8], $0x0  }
0x24: {  	s3 =	sadd.s32 $0x88, s3;
	s6 =	simm.s32 @!p1 $0x1082;
	[sflag:s4] =	ssyncset.s32 $0xFFFFF086  }
0x25: {  	[simem:s6], [sflag:s4] =	dma.local [hbm:s3], $0xF7A  }
0x26: {  	[smem:$0x3F99] =	sst s1;
	(tag) =	ssettag s2;
	_ =	strace s9  }
0x27: {  	s1 =	sld [smem:$0x3FA9]  }
0x28: {  	s2 =	sld [smem:$0x3FAA]  }
0x29: {  	s4 =	sld [smem:$0x3FAC]  }
0x2a: {  	p0 =	seq.s32 s5, $0x0;
	s5 =	sld [smem:$0x3FAD]  }
0x2b: {  	s6 =	sld [smem:$0x3FAE]  }
0x2c: {  	s7 =	sld [smem:$0x3FAF]  }
0x2d: {  	s3 =	simm.s32 $0x108;
	s8 =	sld [smem:$0x3FB0]  }
0x2e: {  	s3 =	simm.s32 @!p0 $0x1082;
	s9 =	sld [smem:$0x3FB1]  }
0x2f: {  	lr =	sadd.s32 s0, s3;
	s0 =	sld [smem:$0x3FA8]  }
0x30: {  	s3 =	sld [smem:$0x3FAB]  }
0x31: {  	[smem:$0x3FB4] =	sst s10  }
0x32: {  	s10 =	sld [smem:$0x3FB2];
	_ =	sdelay $0x3  }
0x33: {  	p0 =	seq.s32 s10, $0x1;
	s10 =	sld [smem:$0x3FB4];
	_ =	sdelay $0x3  }
0x34: {  	[smem:$0x3FB4] =	sst s10  }
0x35: {  	s10 =	sld [smem:$0x3FB3];
	_ =	sdelay $0x3  }
0x36: {  	p1 =	seq.s32 s10, $0x1;
	s10 =	sld [smem:$0x3FB4];
	_ =	sdelay $0x3  }
0x37: {  	[smem:$0x3FB4] =	sst s10  }
0x38: {  	s10 =	sld [smem:$0x3FB5]  }
0x39: {  	_ = 	snop;
	(pc) =	sbr.ind lr, $3  }
0x3a: {  	_ = 	snop  }
0x3b: {  	_ = 	snop  }
0x3c: {  	p2 =	seq.s32 s10, $0x1;
	s10 =	sld [smem:$0x3FB4]  }
0x3d: {  	_ =	shalt  }
0x3e: {  	_ =	shalt  }
0x3f: {  	_ =	shalt  }
0x40: {  	_ =	shalt  }
0x41: {  	_ =	shalt  }
0x42: {  	_ =	shalt  }
0x43: {  	_ =	shalt  }
0x44: {  	_ =	shalt  }
0x45: {  	_ =	shalt  }
0x46: {  	_ =	shalt  }
0x47: {  	_ =	shalt  }
0x48: {  	_ =	shalt  }
0x49: {  	_ =	shalt  }
0x4a: {  	_ =	shalt  }
0x4b: {  	_ =	shalt  }
0x4c: {  	_ =	shalt  }
0x4d: {  	_ =	shalt  }
0x4e: {  	_ =	shalt  }
0x4f: {  	_ =	shalt  }
0x50: {  	_ =	shalt  }
0x51: {  	_ =	shalt  }
0x52: {  	_ =	shalt  }
0x53: {  	_ =	shalt  }
0x54: {  	_ =	shalt  }
0x55: {  	_ =	shalt  }
0x56: {  	_ =	shalt  }
0x57: {  	_ =	shalt  }
0x58: {  	_ =	shalt  }
0x59: {  	_ =	shalt  }
0x5a: {  	_ =	shalt  }
0x5b: {  	_ =	shalt  }
0x5c: {  	_ =	shalt  }
0x5d: {  	_ =	shalt  }
0x5e: {  	_ =	shalt  }
0x5f: {  	_ =	shalt  }
0x60: {  	_ =	shalt  }
0x61: {  	_ =	shalt  }
0x62: {  	_ =	shalt  }
0x63: {  	_ =	shalt  }
0x64: {  	_ =	shalt  }
0x65: {  	_ =	shalt  }
0x66: {  	_ =	shalt  }
0x67: {  	_ =	shalt  }
0x68: {  	_ =	shalt  }
0x69: {  	_ =	shalt  }
0x6a: {  	_ =	shalt  }
0x6b: {  	_ =	shalt  }
0x6c: {  	_ =	shalt  }
0x6d: {  	_ =	shalt  }
0x6e: {  	_ =	shalt  }
0x6f: {  	_ =	shalt  }
0x70: {  	_ =	shalt  }
0x71: {  	_ =	shalt  }
0x72: {  	_ =	shalt  }
0x73: {  	_ =	shalt  }
0x74: {  	_ =	shalt  }
0x75: {  	_ =	shalt  }
0x76: {  	_ =	shalt  }
0x77: {  	_ =	shalt  }
0x78: {  	_ =	shalt  }
0x79: {  	_ =	shalt  }
0x7a: {  	_ =	shalt  }
0x7b: {  	_ =	shalt  }
0x7c: {  	_ =	shalt  }
0x7d: {  	_ =	shalt  }
0x7e: {  	_ =	shalt  }
0x7f: {  	_ =	shalt  }
0x80: {  	_ =	shalt  }
0x81: {  	_ =	shalt  }
0x82: {  	_ =	shalt  }
0x83: {  	_ =	shalt  }
0x84: {  	_ =	shalt  }
0x85: {  	_ =	shalt  }
0x86: {  	_ =	shalt  }
0x87: {  	_ =	shalt  }
.Lfunc_end0:
.L_simem_size_0:
called_computation.2_lowered:
.L_overlay_start_0:
0x88: {  	s2 =	sld [smem:$0x3FD9]  }
0x89: {  	s3 =	sld [smem:$0x3FFE];
	_ =	sdelay $0x1  }
0x8a: {  	s1 =	srdreg.scid  }
0x8b: {  	s0 =	sand.u32 $0x1, s1  }
0x8c: {  	s17 =	sshll.u32 s0, $0xA;
	s2 =	sadd.s32 s3, s2  }
0x8d: {  	s2 =	sadd.s32 s2, s17  }
0x8e: {  	[smem:$0x3FC0] =	sst s2  }
0x8f: {  	_ = 	snop  }
0x90: {  	s2 =	sld [smem:$0x3FD0];
	(tm) =	ssettm $0x1  }
0x91: {  	s18 =	sld [smem:$0x3FFB];
	_ =	sdelay $0x3  }
0x92: {  	_ =	strace s18  }
0x93: {  	s3 =	sld [smem:$0x3FFC];
	_ =	sdelay $0x3  }
0x94: {  	_ =	strace s3  }
0x95: {  	s3 =	sld [smem:$0x3FFD];
	_ =	sdelay $0x3  }
0x96: {  	_ =	strace s3  }
0x97: {  	_ =	strace $0x8FFFFFFF  }
0x98: {  	s19 =	sld [smem:$0x3FDB];
	_ =	sdelay $0x1  }
0x99: {  	s4 =	simm.s32 $_scs_section_size  }
0x9a: {  	s5 =	simm.s32 $_size__tile_overlayer_lowered;
	s6 =	simm.s32 $_tile_overlayer_lowered  }
0x9b: {  	s22 =	simm.s32 $0x1BFF;
	s21 =	sshll.u32 s6, $0x1;
	s3 =	sadd.s32 s4, s19  }
0x9c: {  	s7 =	simm.s32 $0x0;
	s20 =	sshll.u32 s5, $0x1;
	s5 =	sadd.s32 s21, s3  }
0x9d: {  	[timem:s7], [sflag:s22] =	dma.local [hbm:s5], s20  }
0x9e: {  	_ =	swait.ge [sflag:s22], s20  }
0x9f: {  	s4 =	ssub.s32 $0x0, s20;
	[sflag:s22] =	ssyncset.done $0x0  }
0xa0: {  	[sflag:s22] =	ssyncadd.s32 s4;
	_ =	sdelay $0x1  }
0xa1: {  	s23 =	simm.s32 $0x1B8B  }
0xa2: {  	_ =	swait.ge [sflag:s23], $0x1  }
0xa3: {  	[sflag:s23] =	ssyncset.done $0x0  }
0xa4: {  	s25 =	simm.s32 $0x1B8E;
	s24 =	sld [smem:$0x3FFE];
	[sflag:s23] =	ssyncadd.s32 $0xFFFFFFFF  }
0xa5: {  	s26 =	simm.s32 $execute0_lowered;
	[smem:$0x3FD2] =	sst s25  }
0xa6: {  	s5 =	sshll.u32 s26, $0x1;
	_ =	strace $0x8000004C;
	[dreg:$0x1] =	wrdreg $0xFFFFFFFF  }
0xa7: {  	s28 =	simm.s32 $_size_execute0_lowered;
	s3 =	sadd.s32 s3, s5;
	[dreg:$0x0] =	wrdreg $0x0  }
0xa8: {  	s5 =	sshll.u32 s28, $0x1;
	[dreg:$0x2] =	wrdreg s3  }
0xa9: {  	[dreg:$0x3] =	wrdreg s5  }
0xaa: {  	[dreg:$0x4] =	wrdreg $0xC0  }
0xab: {  	_ =	task [dreg:s7], $0x5FFFF  }
0xac: {  	[dreg:$0x1] =	wrdreg $0xFFFFFFFF  }
0xad: {  	[dreg:$0x0] =	wrdreg $0x60  }
0xae: {  	[dreg:$0x2] =	wrdreg s24  }
0xaf: {  	[dreg:$0x3] =	wrdreg s2  }
0xb0: {  	[dreg:$0x4] =	wrdreg $0x0  }
0xb1: {  	[dreg:$0x5] =	wrdreg $0x18800  }
0xb2: {  	[dreg:$0x6] =	wrdreg $0x31000  }
0xb3: {  	[dreg:$0x7] =	wrdreg $0x49800  }
0xb4: {  	[dreg:$0x8] =	wrdreg $0x62000  }
0xb5: {  	[dreg:$0x9] =	wrdreg $0x7A800  }
0xb6: {  	[dreg:$0xa] =	wrdreg $0x93000  }
0xb7: {  	[dreg:$0xb] =	wrdreg $0xAB800  }
0xb8: {  	[dreg:$0xc] =	wrdreg $0x9  }
0xb9: {  	_ =	task.clear_ibuf [dreg:s7], $0xDFFFF;
	_ =	strace $0x9000004C  }
0xba: {  	s29 =	simm.s32 $0x9;
	_ =	strace $0x8000004E  }
0xbb: {  	_ =	swait.ge [sflag:s29], $0x1  }
0xbc: {  	[sflag:s29] =	ssyncadd.s32 $0xFFFFFFFF  }
0xbd: {  	_ =	strace $0x9000004E  }
0xbe: {  	_ =	sfence  }
0xbf: {  	s30 =	sld [smem:$0x0];
	_ =	sdelay $0x2  }
0xc0: {  	s31 =	sshll.u32 s1, $0xD;
	s1 =	sshrl.u32 s1, $0x2  }
0xc1: {  	s3 =	sand.u32 $0x4000, s31;
	s1 =	sadd.s32 s1, s30  }
0xc2: {  	s0 =	sor.u32 s3, s0;
	s1 =	sshll.u32 s1, $0x11  }
0xc3: {  	s0 =	sor.u32 s1, s0  }
0xc4: {  	s0 =	sadd.s32 $0x8F2B, s0  }
0xc5: {  	[sflag:s0] =	ssyncadd.remote.s32 $0x1  }
0xc6: {  	_ =	sfence.sel $0xFFFF  }
0xc7: {  	[dreg:$0x0] =	wrdreg $0xFFFFFFFF;
	(pc) =	sbr.abs _section_cstart, $3  }
0xc8: {  	[dreg:$0x1] =	wrdreg $0xFFFFFFFF  }
0xc9: {  	_ =	task.clear_ibuf [dreg:s7], $0x2FFFF;
	_ =	strace $0x9FFFFFFF  }
0xca: {  	(tm) =	ssettm $0x7FFFFFFF  }
0xcb: {  	_ =	shalt  }
tec
execute0_lowered:
.L_overlay_start_1:
0x0: {  	(tag) =	ssettag $0x1  }
0x1: {  	s4 =	rddreg [dreg:$0x0]  }
0x2: {  	s6 =	rddreg [dreg:$0x1]  }
0x3: {  	s0 =	rddreg [dreg:$0x2]  }
0x4: {  	s1 =	rddreg [dreg:$0x3]  }
0x5: {  	s2 =	rddreg [dreg:$0x4]  }
0x6: {  	s3 =	rddreg [dreg:$0x5]  }
0x7: {  	s5 =	rddreg [dreg:$0x6]  }
0x8: {  	s7 =	rddreg [dreg:$0x7]  }
0x9: {  	s8 =	rddreg [dreg:$0x8]  }
0xa: {  	s9 =	rddreg [dreg:$0x9]  }
0xb: {  	s23 =	stileid.u32;
	s11 =	srdreg.scid;
	s10 =	simm.s32 $0x0  }
0xc: {  	s13 =	smul.u32 $0x1880, s23;
	s17 =	sand.u32 $0x1, s11;
	[smem:$0x7FF] =	sst s10  }
0xd: {  	s11 =	sadd.s32 $0x189200, s4;
	s12 =	sadd.s32 $0xC5800, s4;
	s24 =	sadd.s32 $0x11900, s4  }
0xe: {  	s25 =	sadd.s32 $0x14A00, s4;
	s14 =	smul.u32 $0x62000, s17;
	_ =	strace $0x8000004D  }
0xf: {  	s15 =	ssub.s32 $0x2, s17;
	s16 =	sshll.u32 s17, $0x4;
	s18 =	sshrl.u32 s13, $0x3  }
0x10: {  	s21 =	sshrl.u32 s15, $0x1;
	s16 =	sor.u32 s23, s16;
	s22 =	sadd.s32 s13, s0  }
0x11: {  	s28 =	sadd.s32 s13, s1;
	s30 =	sadd.s32 s13, s2;
	[dreg:$0xb] =	wrdreg s22  }
0x12: {  	s31 =	sadd.s32 s13, s3;
	s19 =	sadd.s32 s18, s4;
	[dreg:$0x10] =	wrdreg s28  }
0x13: {  	s14 =	sadd.s32 s13, s14;
	s21 =	ssub.s32 s15, s21;
	[dreg:$0x12] =	wrdreg s30  }
0x14: {  	s22 =	smul.u32 $0x61A, s16;
	s6 =	sadd.s32 s6, s18;
	[dreg:$0x13] =	wrdreg s31  }
0x15: {  	s16 =	smin.u32 s16, $0x10;
	s26 =	sadd.s32 s18, s25;
	[dreg:$0xc] =	wrdreg s6  }
0x16: {  	s14 =	sshrl.u32 s14, $0x3;
	s6 =	sadd.s32 s18, s24;
	[dreg:$0xe] =	wrdreg s26  }
0x17: {  	s29 =	sadd.s32 $0xE800, s19;
	s19 =	sadd.s32 s13, s8;
	[dreg:$0xd] =	wrdreg s6  }
0x18: {  	s28 =	smax.u32 s21, $0x1;
	s20 =	sadd.s32 s14, s4;
	[dreg:$0x11] =	wrdreg s29  }
0x19: {  	s16 =	sadd.s32 s16, s22;
	s22 =	sxor.u32 $0x61B, s17;
	[dreg:$0x19] =	wrdreg s28  }
0x1a: {  	s4 =	sadd.s32 $0x17B00, s4;
	s30 =	sshrl.u32 s19, $0x3;
	[dreg:$0x14] =	wrdreg s22  }
0x1b: {  	s23 =	sshll.u32 s23, $0x6;
	s4 =	sadd.s32 s18, s4;
	[dreg:$0x1c] =	wrdreg s30  }
0x1c: {  	s15 =	sor.u32 $0x1C03, s23;
	s23 =	sadd.s32 $0x1AE00, s20;
	[dreg:$0xf] =	wrdreg s4  }
0x1d: {  	s6 =	sadd.s32 s13, s5;
	s24 =	sadd.s32 $0x1DF00, s20;
	[dreg:$0x15] =	wrdreg s23  }
0x1e: {  	s17 =	simm.s32 $0x3;
	s25 =	sadd.s32 $0x21000, s20;
	[dreg:$0x16] =	wrdreg s24  }
.Ltmp0:
0x1f: {  	s26 =	sadd.s32 $0x24100, s20;
	[dreg:$0x17] =	wrdreg s25;
	(pc) =	sbr.rel .LBB2_1-.Ltmp0, $4  }
0x20: {  	s18 =	sadd.s32 s13, s7;
	[dreg:$0x18] =	wrdreg s26;
	s4 =	sshrl.u32 s6, $0x3  }
0x21: {  	s13 =	sadd.s32 s13, s9;
	s29 =	sshrl.u32 s18, $0x3;
	[dreg:$0x1a] =	wrdreg s4  }
0x22: {  	s19 =	simm.s32 $0x1;
	s31 =	sshrl.u32 s13, $0x3;
	[dreg:$0x1b] =	wrdreg s29  }
0x23: {  	s20 =	simm.s32 $0x2;
	s18 =	simm.s32 $0x80;
	[dreg:$0x1d] =	wrdreg s31  }
.LBB2_9:
0x24: {  	_ =	swait.ge [sflag:s20], $0x80  }
0x25: {  	[sflag:s20] =	ssyncset.done $0x0  }
0x26: {  	[sflag:s20] =	ssyncadd.s32 $0xFFFFFF80  }
0x27: {  	_ =	swait.ge [sflag:s20], $0x80  }
0x28: {  	[sflag:s20] =	ssyncset.done $0x0  }
0x29: {  	[sflag:s20] =	ssyncadd.s32 $0xFFFFFF80  }
0x2a: {  	_ =	swait.ge [sflag:s20], $0x80  }
0x2b: {  	[sflag:s20] =	ssyncset.done $0x0  }
0x2c: {  	[sflag:s20] =	ssyncadd.s32 $0xFFFFFF80  }
0x2d: {  	_ =	swait.ge [sflag:s20], $0x80  }
0x2e: {  	[sflag:s20] =	ssyncset.done $0x0  }
0x2f: {  	[sflag:s20] =	ssyncadd.s32 $0xFFFFFF80  }
0x30: {  	_ =	swait.ge [sflag:s20], $0x80  }
0x31: {  	[sflag:s20] =	ssyncset.done $0x0  }
0x32: {  	[sflag:s20] =	ssyncadd.s32 $0xFFFFFF80  }
0x33: {  	_ =	swait.ge [sflag:s20], $0x80  }
0x34: {  	[sflag:s20] =	ssyncset.done $0x0  }
0x35: {  	[sflag:s20] =	ssyncadd.s32 $0xFFFFFF80  }
0x36: {  	_ =	swait.ge [sflag:s20], $0x80  }
0x37: {  	[sflag:s20] =	ssyncset.done $0x0  }
0x38: {  	[sflag:s20] =	ssyncadd.s32 $0xFFFFFF80  }
0x39: {  	_ =	swait.ge [sflag:s20], $0x80  }
0x3a: {  	[sflag:s20] =	ssyncset.done $0x0  }
0x3b: {  	[sflag:s20] =	ssyncadd.s32 $0xFFFFFF80  }
0x3c: {  	[bflag:$0x0] =	sbarrier.arrive $0xFFFF  }
0x3d: {  	s4 =	rddreg [dreg:$0x15]  }
0x3e: {  	s6 =	rddreg [dreg:$0x1e]  }
0x3f: {  	[hbm:s4], [sflag:s15] =	dma.local [spmem:s6], $0x310  }
0x40: {  	_ =	swait.ge [sflag:s17], $0x310  }
0x41: {  	[sflag:s17] =	ssyncset.done $0x0;
	s24 =	rddreg [dreg:$0x16]  }
0x42: {  	s25 =	rddreg [dreg:$0x1f];
	[sflag:s17] =	ssyncadd.s32 $0xFFFFFCF0  }
0x43: {  	[hbm:s24], [sflag:s15] =	dma.local [spmem:s25], $0x310  }
0x44: {  	_ =	swait.ge [sflag:s17], $0x310  }
0x45: {  	s28 =	sld [smem:$0x7FC]  }
0x46: {  	[sflag:s17] =	ssyncset.done $0x0  }
0x47: {  	s26 =	rddreg [dreg:$0x17];
	[sflag:s17] =	ssyncadd.s32 $0xFFFFFCF0  }
0x48: {  	[hbm:s26], [sflag:s15] =	dma.local [spmem:s28], $0x310  }
0x49: {  	_ =	swait.ge [sflag:s17], $0x310  }
0x4a: {  	s30 =	sld [smem:$0x7FD]  }
0x4b: {  	[sflag:s17] =	ssyncset.done $0x0  }
0x4c: {  	s29 =	rddreg [dreg:$0x18];
	[sflag:s17] =	ssyncadd.s32 $0xFFFFFCF0  }
0x4d: {  	[hbm:s29], [sflag:s15] =	dma.local [spmem:s30], $0x310  }
0x4e: {  	_ =	swait.ge [sflag:s17], $0x310  }
0x4f: {  	s10 =	sadd.s32 $0x1, s10;
	s31 =	rddreg [dreg:$0x19]  }
0x50: {  	p0 =	sne.s32 s10, s31  }
.Ltmp1:
0x51: {  	_ = 	snop;
	(pc) =	sbr.rel @!p0 .LBB2_10-.Ltmp1, $3  }
0x52: {  	_ =	sdelay $0x1  }
0x53: {  	[sflag:s17] =	ssyncset.done $0x0  }
0x54: {  	[sflag:s17] =	ssyncadd.s32 $0xFFFFFCF0  }
.LBB2_1:
0x55: {  	s4 =	rddreg [dreg:$0xb]  }
0x56: {  	s31 =	rddreg [dreg:$0xc];
	s6 =	sshrl.u32 s4, $0x3  }
0x57: {  	[dreg:$0x1e] =	wrdreg s6  }
0x58: {  	[spmem:s6], [sflag:s15] =	dma.local [hbm:s31], $0x310  }
0x59: {  	_ =	swait.ge [sflag:s17], $0x310  }
0x5a: {  	s13 =	rddreg [dreg:$0x10]  }
0x5b: {  	[sflag:s17] =	ssyncset.done $0x0;
	s6 =	sshrl.u32 s13, $0x3  }
0x5c: {  	[sflag:s17] =	ssyncadd.s32 $0xFFFFFCF0;
	[dreg:$0x1f] =	wrdreg s6  }
0x5d: {  	[spmem:s6], [sflag:s15] =	dma.local [hbm:s31], $0x310  }
0x5e: {  	_ =	swait.ge [sflag:s17], $0x310  }
0x5f: {  	s14 =	rddreg [dreg:$0x12]  }
0x60: {  	[sflag:s17] =	ssyncset.done $0x0;
	s6 =	sshrl.u32 s14, $0x3  }
0x61: {  	[sflag:s17] =	ssyncadd.s32 $0xFFFFFCF0;
	[smem:$0x7FC] =	sst s6  }
0x62: {  	[spmem:s6], [sflag:s15] =	dma.local [hbm:s31], $0x310  }
0x63: {  	_ =	swait.ge [sflag:s17], $0x310  }
0x64: {  	s21 =	rddreg [dreg:$0x13]  }
0x65: {  	[sflag:s17] =	ssyncset.done $0x0;
	s6 =	sshrl.u32 s21, $0x3  }
0x66: {  	[sflag:s17] =	ssyncadd.s32 $0xFFFFFCF0;
	[smem:$0x7FD] =	sst s6  }
0x67: {  	[spmem:s6], [sflag:s15] =	dma.local [hbm:s31], $0x310  }
0x68: {  	_ =	swait.ge [sflag:s17], $0x310  }
0x69: {  	[sflag:s17] =	ssyncset.done $0x0;
	s22 =	rddreg [dreg:$0x11]  }
0x6a: {  	s23 =	rddreg [dreg:$0x1a];
	[sflag:s17] =	ssyncadd.s32 $0xFFFFFCF0  }
0x6b: {  	[spmem:s23], [sflag:s15] =	dma.local [hbm:s22], $0x310  }
0x6c: {  	_ =	swait.ge [sflag:s17], $0x310  }
0x6d: {  	[sflag:s17] =	ssyncset.done $0x0;
	s24 =	rddreg [dreg:$0xd]  }
0x6e: {  	s25 =	rddreg [dreg:$0x1b];
	[sflag:s17] =	ssyncadd.s32 $0xFFFFFCF0  }
0x6f: {  	[spmem:s25], [sflag:s15] =	dma.local [hbm:s24], $0x310  }
0x70: {  	_ =	swait.ge [sflag:s17], $0x310  }
0x71: {  	[sflag:s17] =	ssyncset.done $0x0;
	s26 =	rddreg [dreg:$0xe]  }
0x72: {  	s29 =	rddreg [dreg:$0x1c];
	[sflag:s17] =	ssyncadd.s32 $0xFFFFFCF0  }
0x73: {  	[spmem:s29], [sflag:s15] =	dma.local [hbm:s26], $0x310  }
0x74: {  	_ =	swait.ge [sflag:s17], $0x310  }
0x75: {  	[sflag:s17] =	ssyncset.done $0x0;
	s30 =	rddreg [dreg:$0xf]  }
0x76: {  	s31 =	rddreg [dreg:$0x1d];
	[sflag:s17] =	ssyncadd.s32 $0xFFFFFCF0  }
0x77: {  	[spmem:s31], [sflag:s15] =	dma.local [hbm:s30], $0x310  }
0x78: {  	_ =	swait.ge [sflag:s17], $0x310  }
0x79: {  	[sflag:s17] =	ssyncset.done $0x0  }
0x7a: {  	[sflag:s17] =	ssyncadd.s32 $0xFFFFFCF0  }
0x7b: {  	[bflag:$0x0] =	sbarrier.arrive $0xFFFF  }
0x7c: {  	s28 =	simm.s32 $0x0;
	s26 =	simm.s32 $0x0;
	s24 =	rddreg [dreg:$0x14]  }
.LBB2_2:
0x7d: {  	s4 =	sshll.u32 s28, $0x6  }
0x7e: {  	s4 =	sadd.s32 s4, s16  }
0x7f: {  	s4 =	sshll.u32 s4, $0x4  }
0x80: {  	s30 =	simm.s32 $0xC400;
	s6 =	sand.u32 $0x1FFFFFF0, s4  }
0x81: {  	s29 =	smin.u32 s24, $0x40;
	s4 =	simm.s32 $0x0;
	s13 =	sadd.s32 s11, s6  }
0x82: {  	[tilespmem:s30], [sflag:$0x3] =	stream.linear.gather [hbm4b:s13+s4], $0x2000, $0x38;
	[tilespmem:$0x10800] =	vst v63  }
0x83: {  	s31 =	sshll.u32 s29, $0xB;
	_ =	swait.ge [sflag:s17], $0x2000  }
0x84: {  	p2 =	sne.s32 s31, $0x800;
	s6 =	sadd.s32 s12, s6;
	[sflag:s17] =	ssyncset.done $0x0  }
.Ltmp2:
0x85: {  	s13 =	simm.s32 $0xE400;
	[sflag:s17] =	ssyncadd.s32 $0xFFFFE000;
	(pc) =	sbr.rel @!p2 .LBB2_3-.Ltmp2, $4  }
0x86: {  	[tilespmem:s13], [sflag:$0x3] =	stream.linear.gather [hbm4b:s6+s4], $0x2000, $0x38;
	[tilespmem:$0x10800] =	vst v63  }
0x87: {  	p0 =	slt.u32 s26, $0x2;
	_ =	swait.ge [sflag:s17], $0x2000  }
0x88: {  	s21 =	sadd.s32 $0x1, s26;
	p1 =	por $0x0, $0x0;
	[sflag:s17] =	ssyncset.done $0x0  }
0x89: {  	p0 =	por p0, p0;
	s6 =	simm.s32 $0x800;
	[sflag:s17] =	ssyncadd.s32 $0xFFFFE000  }
0x8a: {  	s4 =	simm.s32 @!p0 $0x2  }
0x8b: {  	_ =	swait.ge @!p0 [sflag:s4], $0x80  }
0x8c: {  	[sflag:s4] =	ssyncset.done @!p0 $0x0  }
0x8d: {  	[sflag:s4] =	ssyncadd.s32 @!p0 $0xFFFFFF80  }
0x8e: {  	_ =	swait.ge @!p0 [sflag:s4], $0x80  }
0x8f: {  	[sflag:s4] =	ssyncset.done @!p0 $0x0  }
0x90: {  	[sflag:s4] =	ssyncadd.s32 @!p0 $0xFFFFFF80  }
0x91: {  	_ =	swait.ge @!p0 [sflag:s4], $0x80  }
0x92: {  	[sflag:s4] =	ssyncset.done @!p0 $0x0  }
0x93: {  	[sflag:s4] =	ssyncadd.s32 @!p0 $0xFFFFFF80  }
0x94: {  	s22 =	simm.s32 $0x0;
	_ =	swait.ge @!p0 [sflag:s4], $0x80  }
0x95: {  	s22 =	sand.u32 $0x200, s22;
	[sflag:s4] =	ssyncset.done @!p0 $0x0  }
0x96: {  	s25 =	sor.u32 $0x10400, s22;
	[sflag:s4] =	ssyncadd.s32 @!p0 $0xFFFFFF80  }
0x97: {  	[tilespmem:s25], [sflag:$0x1] =	stream.indirect.gather [spmem:s5], $0x1, s30, s18, $0xb8;
	[tilespmem:$0x10800] =	vst v63  }
0x98: {  	s29 =	sor.u32 $0x10480, s22  }
0x99: {  	[tilespmem:s29], [sflag:$0x1] =	stream.indirect.gather [spmem:s7], $0x1, s30, s18, $0xb8;
	[tilespmem:$0x10800] =	vst v63  }
0x9a: {  	s23 =	sor.u32 $0x10500, s22  }
0x9b: {  	[tilespmem:s23], [sflag:$0x1] =	stream.indirect.gather [spmem:s8], $0x1, s30, s18, $0xb8;
	[tilespmem:$0x10800] =	vst v63  }
0x9c: {  	s22 =	sor.u32 $0x10580, s22  }
0x9d: {  	[tilespmem:s22], [sflag:$0x1] =	stream.indirect.gather [spmem:s9], $0x1, s30, s18, $0xb8;
	[tilespmem:$0x10800] =	vst v63  }
0x9e: {  	_ =	swait.ge [sflag:s19], $0x80  }
0x9f: {  	[sflag:s19] =	ssyncset.done $0x0  }
0xa0: {  	[sflag:s19] =	ssyncadd.s32 $0xFFFFFF80  }
0xa1: {  	_ =	swait.ge [sflag:s19], $0x80  }
0xa2: {  	[sflag:s19] =	ssyncset.done $0x0  }
0xa3: {  	[sflag:s19] =	ssyncadd.s32 $0xFFFFFF80  }
0xa4: {  	_ =	swait.ge [sflag:s19], $0x80  }
0xa5: {  	[sflag:s19] =	ssyncset.done $0x0  }
0xa6: {  	[sflag:s19] =	ssyncadd.s32 $0xFFFFFF80  }
0xa7: {  	_ =	swait.ge [sflag:s19], $0x80  }
0xa8: {  	[sflag:s19] =	ssyncset.done $0x0  }
0xa9: {  	p2 =	sne.s32 s31, $0x1000;
	[sflag:s19] =	ssyncadd.s32 $0xFFFFFF80  }
0xaa: {  	[spmem:s0] =	stream.indirect.scatter.add.f32 [tilespmem:s25], [sflag:$0x2], $0x1, s13, s18, $0xb8;
	[tilespmem:$0x10800] =	vst v63  }
.Ltmp3:
0xab: {  	p6 =	slt.u32 s21, $0x2;
	(pc) =	sbr.rel @!p2 .LBB2_5-.Ltmp3, $4  }
0xac: {  	s21 =	sadd.s32 $0x1, s21;
	p1 =	por $0x1, $0x1;
	s4 =	simm.s32 $0x1000  }
0xad: {  	[spmem:s1] =	stream.indirect.scatter.add.f32 [tilespmem:s29], [sflag:$0x2], $0x1, s13, s18, $0xb8;
	[tilespmem:$0x10800] =	vst v63  }
0xae: {  	p0 =	por p6, p6;
	s30 =	simm.s32 $0xC480;
	s29 =	simm.s32 $0xE480  }
0xaf: {  	[spmem:s2] =	stream.indirect.scatter.add.f32 [tilespmem:s23], [sflag:$0x2], $0x1, s13, s18, $0xb8;
	[tilespmem:$0x10800] =	vst v63  }
.LBB2_6:
0xb0: {  	[spmem:s3] =	stream.indirect.scatter.add.f32 [tilespmem:s22], [sflag:$0x2], $0x1, s13, s18, $0xb8;
	[tilespmem:$0x10800] =	vst v63  }
0xb1: {  	s22 =	smov.u32 s4;
	s13 =	smov.u32 s29  }
0xb2: {  	p3 =	slt.u32 s21, $0x2;
	s4 =	sadd.s32 $0x800, s4;
	s23 =	simm.s32 @!p0 $0x2  }
0xb3: {  	p2 =	sne.s32 s31, s4;
	_ =	swait.ge @!p0 [sflag:s23], $0x80  }
0xb4: {  	[sflag:s23] =	ssyncset.done @!p0 $0x0  }
0xb5: {  	[sflag:s23] =	ssyncadd.s32 @!p0 $0xFFFFFF80  }
0xb6: {  	_ =	swait.ge @!p0 [sflag:s23], $0x80  }
0xb7: {  	[sflag:s23] =	ssyncset.done @!p0 $0x0  }
0xb8: {  	[sflag:s23] =	ssyncadd.s32 @!p0 $0xFFFFFF80  }
0xb9: {  	_ =	swait.ge @!p0 [sflag:s23], $0x80  }
0xba: {  	[sflag:s23] =	ssyncset.done @!p0 $0x0  }
0xbb: {  	[sflag:s23] =	ssyncadd.s32 @!p0 $0xFFFFFF80  }
0xbc: {  	s25 =	sshrl.u32 s6, $0x2;
	s6 =	smov.u32 s22;
	_ =	swait.ge @!p0 [sflag:s23], $0x80  }
0xbd: {  	s22 =	sand.u32 $0x200, s25;
	[sflag:s23] =	ssyncset.done @!p0 $0x0  }
0xbe: {  	[sflag:s23] =	ssyncadd.s32 @!p0 $0xFFFFFF80;
	s23 =	sor.u32 $0x10400, s22;
	p0 =	por p3, p3  }
0xbf: {  	[tilespmem:s23], [sflag:$0x1] =	stream.indirect.gather [spmem:s5], $0x1, s30, s18, $0xb8;
	[tilespmem:$0x10800] =	vst v63  }
0xc0: {  	s25 =	sor.u32 $0x10480, s22  }
0xc1: {  	[tilespmem:s25], [sflag:$0x1] =	stream.indirect.gather [spmem:s7], $0x1, s30, s18, $0xb8;
	[tilespmem:$0x10800] =	vst v63  }
0xc2: {  	s14 =	sor.u32 $0x10500, s22  }
0xc3: {  	[tilespmem:s14], [sflag:$0x1] =	stream.indirect.gather [spmem:s8], $0x1, s30, s18, $0xb8;
	[tilespmem:$0x10800] =	vst v63  }
0xc4: {  	s22 =	sor.u32 $0x10580, s22  }
0xc5: {  	[tilespmem:s22], [sflag:$0x1] =	stream.indirect.gather [spmem:s9], $0x1, s30, s18, $0xb8;
	[tilespmem:$0x10800] =	vst v63  }
0xc6: {  	_ =	swait.ge [sflag:s19], $0x80  }
0xc7: {  	[sflag:s19] =	ssyncset.done $0x0  }
0xc8: {  	[sflag:s19] =	ssyncadd.s32 $0xFFFFFF80  }
0xc9: {  	_ =	swait.ge [sflag:s19], $0x80  }
0xca: {  	[sflag:s19] =	ssyncset.done $0x0  }
0xcb: {  	[sflag:s19] =	ssyncadd.s32 $0xFFFFFF80  }
0xcc: {  	_ =	swait.ge [sflag:s19], $0x80  }
0xcd: {  	[sflag:s19] =	ssyncset.done $0x0  }
0xce: {  	[sflag:s19] =	ssyncadd.s32 $0xFFFFFF80  }
0xcf: {  	_ =	swait.ge [sflag:s19], $0x80  }
0xd0: {  	[sflag:s19] =	ssyncset.done $0x0  }
0xd1: {  	[sflag:s19] =	ssyncadd.s32 $0xFFFFFF80  }
0xd2: {  	[spmem:s0] =	stream.indirect.scatter.add.f32 [tilespmem:s23], [sflag:$0x2], $0x1, s29, s18, $0xb8;
	[tilespmem:$0x10800] =	vst v63  }
.Ltmp4:
0xd3: {  	(pc) =	sbr.rel @p2 .LBB2_6-.Ltmp4, $4  }
0xd4: {  	[spmem:s1] =	stream.indirect.scatter.add.f32 [tilespmem:s25], [sflag:$0x2], $0x1, s29, s18, $0xb8;
	[tilespmem:$0x10800] =	vst v63  }
0xd5: {  	_ = 	snop  }
0xd6: {  	[spmem:s2] =	stream.indirect.scatter.add.f32 [tilespmem:s14], [sflag:$0x2], $0x1, s29, s18, $0xb8;
	[tilespmem:$0x10800] =	vst v63  }
0xd7: {  	s21 =	sadd.s32 $0x1, s21;
	s30 =	sadd.s32 $0x80, s30;
	s29 =	sadd.s32 $0x80, s29  }
0xd8: {  	s21 =	smov.u32 s13;
	s13 =	smov.u32 s29;
	s4 =	smov.u32 s6  }
.LBB2_8:
0xd9: {  	[spmem:s3] =	stream.indirect.scatter.add.f32 @p1 [tilespmem:s22], [sflag:$0x2], $0x1, s21, s18, $0xb8;
	[tilespmem:$0x10800] =	vst v63  }
0xda: {  	s6 =	simm.s32 @!p0 $0x2  }
0xdb: {  	_ =	swait.ge @!p0 [sflag:s6], $0x80  }
0xdc: {  	[sflag:s6] =	ssyncset.done @!p0 $0x0  }
0xdd: {  	[sflag:s6] =	ssyncadd.s32 @!p0 $0xFFFFFF80  }
0xde: {  	_ =	swait.ge @!p0 [sflag:s6], $0x80  }
0xdf: {  	[sflag:s6] =	ssyncset.done @!p0 $0x0  }
0xe0: {  	[sflag:s6] =	ssyncadd.s32 @!p0 $0xFFFFFF80  }
0xe1: {  	_ =	swait.ge @!p0 [sflag:s6], $0x80  }
0xe2: {  	[sflag:s6] =	ssyncset.done @!p0 $0x0  }
0xe3: {  	[sflag:s6] =	ssyncadd.s32 @!p0 $0xFFFFFF80  }
0xe4: {  	s4 =	sshrl.u32 s4, $0x2;
	_ =	swait.ge @!p0 [sflag:s6], $0x80  }
0xe5: {  	s4 =	sand.u32 $0x200, s4;
	[sflag:s6] =	ssyncset.done @!p0 $0x0  }
0xe6: {  	s29 =	sor.u32 $0x10400, s4;
	[sflag:s6] =	ssyncadd.s32 @!p0 $0xFFFFFF80  }
0xe7: {  	[tilespmem:s29], [sflag:$0x1] =	stream.indirect.gather [spmem:s5], $0x1, s30, s18, $0xb8;
	[tilespmem:$0x10800] =	vst v63  }
0xe8: {  	s14 =	sor.u32 $0x10480, s4  }
0xe9: {  	[tilespmem:s14], [sflag:$0x1] =	stream.indirect.gather [spmem:s7], $0x1, s30, s18, $0xb8;
	[tilespmem:$0x10800] =	vst v63  }
0xea: {  	s31 =	sor.u32 $0x10500, s4  }
0xeb: {  	[tilespmem:s31], [sflag:$0x1] =	stream.indirect.gather [spmem:s8], $0x1, s30, s18, $0xb8;
	[tilespmem:$0x10800] =	vst v63  }
0xec: {  	s4 =	sor.u32 $0x10580, s4  }
0xed: {  	[tilespmem:s4], [sflag:$0x1] =	stream.indirect.gather [spmem:s9], $0x1, s30, s18, $0xb8;
	[tilespmem:$0x10800] =	vst v63  }
0xee: {  	_ =	swait.ge [sflag:s19], $0x80  }
0xef: {  	[sflag:s19] =	ssyncset.done $0x0  }
0xf0: {  	[sflag:s19] =	ssyncadd.s32 $0xFFFFFF80  }
0xf1: {  	_ =	swait.ge [sflag:s19], $0x80  }
0xf2: {  	[sflag:s19] =	ssyncset.done $0x0  }
0xf3: {  	[sflag:s19] =	ssyncadd.s32 $0xFFFFFF80  }
0xf4: {  	_ =	swait.ge [sflag:s19], $0x80  }
0xf5: {  	[sflag:s19] =	ssyncset.done $0x0  }
0xf6: {  	[sflag:s19] =	ssyncadd.s32 $0xFFFFFF80  }
0xf7: {  	_ =	swait.ge [sflag:s19], $0x80  }
0xf8: {  	[sflag:s19] =	ssyncset.done $0x0  }
0xf9: {  	s28 =	sadd.s32 $0x1, s28;
	[sflag:s19] =	ssyncadd.s32 $0xFFFFFF80  }
0xfa: {  	[spmem:s0] =	stream.indirect.scatter.add.f32 [tilespmem:s29], [sflag:$0x2], $0x1, s13, s18, $0xb8;
	[tilespmem:$0x10800] =	vst v63  }
0xfb: {  	p0 =	sne.s32 s28, $0x19  }
0xfc: {  	[spmem:s1] =	stream.indirect.scatter.add.f32 [tilespmem:s14], [sflag:$0x2], $0x1, s13, s18, $0xb8;
	[tilespmem:$0x10800] =	vst v63  }
.Ltmp5:
0xfd: {  	_ = 	snop;
	(pc) =	sbr.rel @p0 .LBB2_2-.Ltmp5, $4  }
.Ltmp6:
0xfe: {  	_ = 	snop;
	(pc) =	sbr.rel @!p0 .LBB2_9-.Ltmp6, $4  }
0xff: {  	[spmem:s2] =	stream.indirect.scatter.add.f32 [tilespmem:s31], [sflag:$0x2], $0x1, s13, s18, $0xb8;
	[tilespmem:$0x10800] =	vst v63  }
0x100: {  	s24 =	sadd.s32 $0xFFFFFFC0, s24;
	s26 =	sadd.s32 $0x40, s26  }
0x101: {  	[spmem:s3] =	stream.indirect.scatter.add.f32 [tilespmem:s4], [sflag:$0x2], $0x1, s13, s18, $0xb8;
	[tilespmem:$0x10800] =	vst v63  }
0x102: {  	_ = 	snop  }
.LBB2_3:
.Ltmp7:
0x103: {  	(pc) =	sbr.rel .LBB2_8-.Ltmp7, $2  }
0x104: {  	_ =	sdelay $0x2  }
0x105: {  	_ = 	snop  }
.LBB2_5:
.Ltmp8:
0x106: {  	(pc) =	sbr.rel .LBB2_8-.Ltmp8, $2  }
0x107: {  	_ =	sdelay $0x2  }
0x108: {  	s21 =	simm.s32 $0xE400;
	s13 =	simm.s32 $0xE480;
	s4 =	simm.s32 $0x800  }
.LBB2_10:
0x109: {  	_ =	sfence.sel $0x180000  }
0x10a: {  	[bflag:$0x0] =	sbarrier.arrive $0xFFFF  }
0x10b: {  	_ =	strace $0x9000004D  }
0x10c: {  	s0 =	stileid.u32;
	[bflag:$0x2] =	sbarrier.arrive $0xFFFF  }
0x10d: {  	p0 =	sne.s32 s0, $0x0;
	s0 =	rddreg [dreg:$0xa]  }
0x10e: {  	s0 =	sadd.s32 @!p0 $0x100000, s0  }
0x10f: {  	[sflag:s0] =	ssyncadd.tile.s32 @!p0 $0x1;
	_ =	shalt  }
.Lfunc_end2:
_tile_overlayer_lowered:
.L_overlay_start_2:
0x110: {  	(tag) =	ssettag $0x2  }
0x111: {  	s0 =	rddreg [dreg:$0x0];
	s2 =	stileid.u32  }
0x112: {  	s1 =	rddreg [dreg:$0x1];
	p0 =	sne.s32 s2, $0x0  }
0x113: {  	s3 =	rddreg [dreg:$0x2];
	[bflag:$0x3] =	sbarrier.arrive $0xFFFF;
	s2 =	simm.s32 @!p0 $0x1C03  }
0x114: {  	[timem:s3], [sflag:s2] =	dma.local @!p0 [hbm:s0], s1  }
0x115: {  	s0 =	simm.s32 @!p0 $0x3  }
0x116: {  	_ =	swait.ge @!p0 [sflag:s0], s1  }
0x117: {  	s1 =	ssub.s32 @!p0 $0x0, s1;
	[sflag:s0] =	ssyncset.done @!p0 $0x0  }
0x118: {  	[sflag:s0] =	ssyncadd.s32 @!p0 s1  }
0x119: {  	[bflag:$0x3] =	sbarrier.arrive $0xFFFF  }
0x11a: {  	_ =	shalt  }

</sc_bundles>
